<compile_context>
chip_gen: v7x
topology: tpu7x:2x2x1
jax: 0.10.2.dev20260603
libtpu: 0.0.44.dev20260713+nightly
codegen_flags: <defaults>
</compile_context>

<pallas_src>
import functools

import jax
import jax.numpy as jnp
from jax import lax
from jax.experimental import pallas as pl
from jax.experimental.pallas import tpu as pltpu
from jax.experimental.pallas import tpu_sc as plsc

N = 10000
E = 320000
C = 128
A = 16
R = 8
H = 8
AVG_NEIGH = 32.0

NC = 2
NS = 16
L = 16
CP = C // 2

NB = 1000
EB = 6400
K = 80
EPW = E // (NC * NS)
NBLK = EPW // K
RPT = 624
TAIL = N - NS * RPT


def _pack_bf16(v):
    return pltpu.pack_elementwise([v[:, :CP], v[:, CP:]],
                                  packed_dtype=jnp.bfloat16)


def _xl_kernel(x_ref, wl_ref, xl_ref):
    xl_ref[...] = jnp.dot(x_ref[...], wl_ref[...] * (1.0 / jnp.sqrt(float(C))),
                          preferred_element_type=jnp.float32)


def _sc_term_kernel(x_ref, na_ref, wsc_ref, sc_ref):
    xb = x_ref[...]
    acc = jnp.zeros((NB, C), dtype=jnp.float32)
    for a in range(A):
        acc = acc + jnp.dot(xb * na_ref[:, a][:, None], wsc_ref[:, a, :],
                            preferred_element_type=jnp.float32)
    sc_ref[...] = acc * (1.0 / jnp.sqrt(float(C * A)))


def _split_idx_kernel(ei_ref, src_ref, dst_ref):
    src_ref[...] = ei_ref[0]
    dst_ref[...] = ei_ref[1]


def _edge_kernel(radT_ref, sphT_ref, wf1_ref, wf2_ref, w2p_ref):
    preT = lax.dot_general(wf1_ref[...] * (1.0 / jnp.sqrt(float(R))),
                           radT_ref[...],
                           (((0,), (0,)), ((), ())),
                           preferred_element_type=jnp.float32)
    hT = (jax.nn.softplus(preT) - jnp.log(2.0)) * sphT_ref[...]
    w = lax.dot_general(hT,
                        wf2_ref[...] * (1.0 / jnp.sqrt(float(H) * AVG_NEIGH)),
                        (((0,), (0,)), ((), ())),
                        preferred_element_type=jnp.float32)
    w2p_ref[...] = _pack_bf16(w)


def _combine_kernel(acc_ref, sc_ref, out_ref):
    out_ref[...] = acc_ref[0] + acc_ref[1] + sc_ref[...]


HI_MASK = -65536


def _sc_kernel(xl_hbm, w2p_hbm, src_hbm, dst_hbm, out_hbm,
               acc, srcb0, srcb1, srcb2, dstb0, dstb1, dstb2, rows0, rows1,
               w2b0, w2b1,
               sg0, sg1, sw0, sw1, si0, si1, si2, sd0, sd1, sd2, ss0, ss1):
    cid = lax.axis_index("c")
    sid = lax.axis_index("s")
    rows = (rows0, rows1)
    w2b = (w2b0, w2b1)
    srcb = (srcb0, srcb1, srcb2)
    dstb = (dstb0, dstb1, dstb2)
    sg = (sg0, sg1)
    sw = (sw0, sw1)
    si = (si0, si1, si2)
    sd = (sd0, sd1, sd2)
    ss = (ss0, ss1)

    def zrow(i, _):
        for k in range(C // L):
            rows0[i, pl.ds(k * L, L)] = jnp.zeros((L,), jnp.float32)
        return 0
    lax.fori_loop(0, K, zrow, 0)
    r0 = sid * RPT
    for j in range(RPT // K):
        pltpu.sync_copy(rows0, acc.at[pl.ds(r0 + j * K, K)])
    rem = RPT - (RPT // K) * K
    if rem:
        pltpu.sync_copy(rows0.at[pl.ds(0, rem)],
                        acc.at[pl.ds(r0 + (RPT // K) * K, rem)])

    @pl.when(sid == NS - 1)
    def _():
        pltpu.sync_copy(rows0.at[pl.ds(0, TAIL)], acc.at[pl.ds(NS * RPT, TAIL)])
    plsc.subcore_barrier()

    base_e = (cid * NS + sid) * EPW

    def issue_idx(t, b):
        pltpu.async_copy(src_hbm.at[pl.ds(base_e + b * K, K)], srcb[t], si[t])
        pltpu.async_copy(dst_hbm.at[pl.ds(base_e + b * K, K)], dstb[t], sd[t])

    def wait_idx(t, b):
        pltpu.make_async_copy(src_hbm.at[pl.ds(base_e + b * K, K)],
                              srcb[t], si[t]).wait()
        pltpu.make_async_copy(dst_hbm.at[pl.ds(base_e + b * K, K)],
                              dstb[t], sd[t]).wait()

    def issue_gw(s, t, b):
        pltpu.async_copy(w2p_hbm.at[pl.ds(base_e + b * K, K)], w2b[s], sw[s])
        pltpu.async_copy(xl_hbm.at[srcb[t]], rows[s], sg[s])

    def step(j, b, nxt_gw, nxt_idx, wait_sc):
        s, t = j % 2, j % 3
        if nxt_idx:
            issue_idx((j + 2) % 3, b + 2)
        pltpu.make_async_copy(w2p_hbm.at[pl.ds(base_e + b * K, K)],
                              w2b[s], sw[s]).wait()
        pltpu.make_async_copy(xl_hbm.at[srcb[t]], rows[s], sg[s]).wait()
        if nxt_gw:
            s1, t1 = (j + 1) % 2, (j + 1) % 3
            if wait_sc:
                pltpu.make_async_copy(
                    rows[s1], acc.at[dstb[(j + 2) % 3]], ss[s1]).wait()
            wait_idx(t1, b + 1)
            issue_gw(s1, t1, b + 1)

        def mul(i, _):
            for g in range(C // 32):
                wv = w2b[s][i, pl.ds(g * L, L)]
                w_lo = lax.bitcast_convert_type(wv << 16, jnp.float32)
                w_hi = lax.bitcast_convert_type(wv & HI_MASK, jnp.float32)
                slo = pl.ds(g * L, L)
                shi = pl.ds(CP + g * L, L)
                rows[s][i, slo] = rows[s][i, slo] * w_lo
                rows[s][i, shi] = rows[s][i, shi] * w_hi
            return 0
        lax.fori_loop(0, K, mul, 0)
        pltpu.async_copy(rows[s], acc.at[dstb[t]], ss[s], add=True)

    issue_idx(0, 0)
    issue_idx(1, 1)
    wait_idx(0, 0)
    issue_gw(0, 0, 0)

    for b in range(6):
        step(b, b, True, True, b >= 1)

    NMAIN = 6 + (NBLK - 5 - 6) // 6 * 6

    def body(i, _):
        b0 = 6 + 6 * i
        for j in range(6):
            step(j, b0 + j, True, True, True)
        return 0
    lax.fori_loop(0, (NMAIN - 6) // 6, body, 0)
    for b in range(NMAIN, NBLK):
        step(b % 6, b, b + 1 < NBLK, b + 2 < NBLK, b + 1 < NBLK)
    jl, jl1 = (NBLK - 1) % 6, (NBLK - 2) % 6
    pltpu.make_async_copy(rows[jl % 2], acc.at[dstb[jl % 3]],
                          ss[jl % 2]).wait()
    pltpu.make_async_copy(rows[jl1 % 2], acc.at[dstb[jl1 % 3]],
                          ss[jl1 % 2]).wait()
    plsc.subcore_barrier()

    pltpu.sync_copy(acc.at[pl.ds(r0, RPT)], out_hbm.at[cid, pl.ds(r0, RPT)])

    @pl.when(sid == NS - 1)
    def _():
        pltpu.sync_copy(acc.at[pl.ds(NS * RPT, TAIL)],
                        out_hbm.at[cid, pl.ds(NS * RPT, TAIL)])


def kernel(x, node_attrs, edge_radial, edge_spherical, edge_index,
           W_lin, W_fc1, W_fc2, W_sc):
    xl = pl.pallas_call(
        _xl_kernel,
        grid=(N // NB,),
        in_specs=[
            pl.BlockSpec((NB, C), lambda i: (i, 0)),
            pl.BlockSpec((C, C), lambda i: (0, 0)),
        ],
        out_specs=pl.BlockSpec((NB, C), lambda i: (i, 0)),
        out_shape=jax.ShapeDtypeStruct((N, C), jnp.float32),
    )(x, W_lin)

    sc = pl.pallas_call(
        _sc_term_kernel,
        grid=(N // NB,),
        in_specs=[
            pl.BlockSpec((NB, C), lambda i: (i, 0)),
            pl.BlockSpec((NB, A), lambda i: (i, 0)),
            pl.BlockSpec((C, A, C), lambda i: (0, 0, 0)),
        ],
        out_specs=pl.BlockSpec((NB, C), lambda i: (i, 0)),
        out_shape=jax.ShapeDtypeStruct((N, C), jnp.float32),
    )(x, node_attrs, W_sc)

    w2p = pl.pallas_call(
        _edge_kernel,
        grid=(E // EB,),
        in_specs=[
            pl.BlockSpec((R, EB), lambda i: (0, i)),
            pl.BlockSpec((1, EB), lambda i: (0, i)),
            pl.BlockSpec((R, H), lambda i: (0, 0)),
            pl.BlockSpec((H, C), lambda i: (0, 0)),
        ],
        out_specs=pl.BlockSpec((EB, CP), lambda i: (i, 0)),
        out_shape=jax.ShapeDtypeStruct((E, CP), jnp.int32),
    )(edge_radial.T, edge_spherical.T, W_fc1, W_fc2)

    src, dst = pl.pallas_call(
        _split_idx_kernel,
        out_shape=[
            jax.ShapeDtypeStruct((E,), jnp.int32),
            jax.ShapeDtypeStruct((E,), jnp.int32),
        ],
    )(edge_index)

    acc = functools.partial(
        pl.kernel,
        out_type=jax.ShapeDtypeStruct((NC, N, C), jnp.float32),
        mesh=plsc.VectorSubcoreMesh(core_axis_name="c", subcore_axis_name="s",
                                    num_cores=NC, num_subcores=NS),
        scratch_types=(
            [pltpu.VMEM_SHARED((N, C), jnp.float32)]
            + [pltpu.VMEM((K,), jnp.int32)] * 6
            + [pltpu.VMEM((K, C), jnp.float32)] * 2
            + [pltpu.VMEM((K, CP), jnp.int32)] * 2
            + [pltpu.SemaphoreType.DMA] * 12
        ),
    )(_sc_kernel)(xl, w2p, src, dst)

    out = pl.pallas_call(
        _combine_kernel,
        grid=(N // NB,),
        in_specs=[
            pl.BlockSpec((NC, NB, C), lambda i: (0, i, 0)),
            pl.BlockSpec((NB, C), lambda i: (i, 0)),
        ],
        out_specs=pl.BlockSpec((NB, C), lambda i: (i, 0)),
        out_shape=jax.ShapeDtypeStruct((N, C), jnp.float32),
    )(acc, sc)
    return out

# --- scband reference (transcript-rebuilt; emitter-appended) ---
"""Pipeline reference for scband-factorized-convolution-16707422781943 (READ-ONLY COPY).

The authoritative reference and input builder live on the scoring server;
editing this copy changes nothing except your own understanding.
"""

import jax, jax.numpy as jnp
import numpy as np

N = 10000
E = 320000
C = 128   # input/output feature channels (128x0e)
A = 16    # node attr channels (16x0e)
R = 8     # edge radial basis size (8x0e)
H = 8     # invariant_neurons
AVG_NEIGH = 32.0


def ssp(x):
    # shifted softplus, e3nn 'ssp' nonlinearity
    return jax.nn.softplus(x) - jnp.log(2.0)


def setup_inputs(seed: int = 0) -> dict:
    key = jax.random.key(seed)
    ks = jax.random.split(key, 9)
    x = jax.random.normal(ks[0], (N, C), dtype=jnp.float32)
    node_attrs = jax.random.normal(ks[1], (N, A), dtype=jnp.float32)
    edge_radial = jax.random.normal(ks[2], (E, R), dtype=jnp.float32)
    edge_spherical = jax.random.normal(ks[3], (E, 1), dtype=jnp.float32)
    edge_index = jax.random.randint(ks[4], (2, E), 0, N, dtype=jnp.int32)
    # learned parameters
    W_lin = jax.random.normal(ks[5], (C, C), dtype=jnp.float32)   # linear_1 (scalar irreps -> dense)
    W_fc1 = jax.random.normal(ks[6], (R, H), dtype=jnp.float32)   # FullyConnectedNet layer 1
    W_fc2 = jax.random.normal(ks[7], (H, C), dtype=jnp.float32)   # FullyConnectedNet layer 2 -> tp.weight_numel (uvu on 128x0e -> 128)
    W_sc = jax.random.normal(ks[8], (C, A, C), dtype=jnp.float32)  # FullyConnectedTensorProduct self-connection
    return {
        'x': x,
        'node_attrs': node_attrs,
        'edge_radial': edge_radial,
        'edge_spherical': edge_spherical,
        'edge_index': edge_index,
        'W_lin': W_lin,
        'W_fc1': W_fc1,
        'W_fc2': W_fc2,
        'W_sc': W_sc,
    }


def reference(x, node_attrs, edge_radial, edge_spherical, edge_index, W_lin, W_fc1, W_fc2, W_sc):
    # fc: radial MLP producing per-edge tensor-product weights
    h = ssp(edge_radial @ (W_fc1 / jnp.sqrt(float(R))))
    weight = h @ (W_fc2 / jnp.sqrt(float(H)))          # [E, C]
    # self-connection: FullyConnectedTensorProduct(x, node_attrs) for scalar irreps
    sc = jnp.einsum('nu,na,uaw->nw', x, node_attrs, W_sc) / jnp.sqrt(float(C * A))
    # linear_1
    xl = x @ (W_lin / jnp.sqrt(float(C)))
    src = edge_index[0]
    dst = edge_index[1]
    # TensorProductExpansion 'uvu' on scalar irreps: elementwise gather * spherical * per-edge weight
    edge_features = xl[src] * edge_spherical * weight   # [E, C]
    # scatter-add reduce over destination nodes
    out = jax.ops.segment_sum(edge_features, dst, num_segments=N)
    out = out / jnp.sqrt(AVG_NEIGH)
    out = out + sc
    return out

if __name__ == "__main__":
    import jax
    _d = setup_inputs()
    print(jax.jit(kernel)(*tuple(_d.values())))

</pallas_src>

<mosaic_0001>
#map = affine_map<(d0, d1) -> (0, 0)>
#map1 = affine_map<(d0, d1) -> (0)>
#map2 = affine_map<(d0, d1) -> (0, 0, 0)>
module attributes {stable_mosaic.version = 14 : i64} {
  func.func @_sc_kernel(%arg0: i32, %arg1: i32, %arg2: memref<10000x128xf32, #tpu.memory_space<hbm>>, %arg3: memref<320000x64xi32, #tpu.memory_space<hbm>>, %arg4: memref<320000xi32, #tpu.memory_space<hbm>>, %arg5: memref<320000xi32, #tpu.memory_space<hbm>>, %arg6: memref<2x10000x128xf32, #tpu.memory_space<hbm>>, %arg7: memref<10000x128xf32, #tpu.memory_space<vmem_shared>>, %arg8: memref<80xi32, #tpu.memory_space<vmem>>, %arg9: memref<80xi32, #tpu.memory_space<vmem>>, %arg10: memref<80xi32, #tpu.memory_space<vmem>>, %arg11: memref<80xi32, #tpu.memory_space<vmem>>, %arg12: memref<80xi32, #tpu.memory_space<vmem>>, %arg13: memref<80xi32, #tpu.memory_space<vmem>>, %arg14: memref<80x128xf32, #tpu.memory_space<vmem>>, %arg15: memref<80x128xf32, #tpu.memory_space<vmem>>, %arg16: memref<80x64xi32, #tpu.memory_space<vmem>>, %arg17: memref<80x64xi32, #tpu.memory_space<vmem>>, %arg18: memref<!tpu.dma_semaphore, #tpu.memory_space<semaphore_mem>>, %arg19: memref<!tpu.dma_semaphore, #tpu.memory_space<semaphore_mem>>, %arg20: memref<!tpu.dma_semaphore, #tpu.memory_space<semaphore_mem>>, %arg21: memref<!tpu.dma_semaphore, #tpu.memory_space<semaphore_mem>>, %arg22: memref<!tpu.dma_semaphore, #tpu.memory_space<semaphore_mem>>, %arg23: memref<!tpu.dma_semaphore, #tpu.memory_space<semaphore_mem>>, %arg24: memref<!tpu.dma_semaphore, #tpu.memory_space<semaphore_mem>>, %arg25: memref<!tpu.dma_semaphore, #tpu.memory_space<semaphore_mem>>, %arg26: memref<!tpu.dma_semaphore, #tpu.memory_space<semaphore_mem>>, %arg27: memref<!tpu.dma_semaphore, #tpu.memory_space<semaphore_mem>>, %arg28: memref<!tpu.dma_semaphore, #tpu.memory_space<semaphore_mem>>, %arg29: memref<!tpu.dma_semaphore, #tpu.memory_space<semaphore_mem>>) attributes {dimension_semantics = [#tpu.dimension_semantics<core_parallel>, #tpu.dimension_semantics<subcore_parallel>], iteration_bounds = array<i64: 2, 16>, scalar_prefetch = 0 : i64, scratch_operands = 23 : i64, tpu.core_type = #tpu.core_type<sc_vector_subcore>, window_params = [{transform_indices = #map}, {transform_indices = #map}, {transform_indices = #map1}, {transform_indices = #map1}, {transform_indices = #map2}]} {
    %scan3A = arith.constant 0 : i32
    %scan3A_0 = arith.constant 0 : i32
    %scan3A_1 = arith.constant 80 : i32
    %scan3A_2 = arith.addi %scan3A_0, %scan3A_1 : i32
    %scan3A_3 = arith.constant 1 : i32
    %scan3A_4 = scf.for %scan3A_557 = %scan3A_0 to %scan3A_2 step %scan3A_3 iter_args(%scan3A_558 = %scan3A) -> (i32)  : i32 {
      %broadcast_in_dim3A = arith.constant 0.000000e+00 : f32
      %broadcast_in_dim3A_559 = vector.broadcast %broadcast_in_dim3A : f32 to vector<16xf32>
      %swap3A = arith.index_cast %scan3A_557 : i32 to index
      %swap3A_560 = arith.constant 0 : index
      %swap3A_561 = tpu.vector_load %arg14[%swap3A, %swap3A_560] {strides = array<i32>} : memref<80x128xf32, #tpu.memory_space<vmem>>, vector<1x16xf32>,
      %swap3A_562 = vector.shape_cast %swap3A_561 : vector<1x16xf32> to vector<16xf32>
      %swap3A_563 = vector.shape_cast %broadcast_in_dim3A_559 : vector<16xf32> to vector<1x16xf32>
      tpu.vector_store %arg14[%swap3A, %swap3A_560], %swap3A_563 {strides = array<i32>} : memref<80x128xf32, #tpu.memory_space<vmem>>, vector<1x16xf32>,
      %broadcast_in_dim3A_564 = arith.constant 0.000000e+00 : f32
      %broadcast_in_dim3A_565 = vector.broadcast %broadcast_in_dim3A_564 : f32 to vector<16xf32>
      %swap3A_566 = arith.index_cast %scan3A_557 : i32 to index
      %swap3A_567 = arith.constant 16 : index
      %swap3A_568 = tpu.vector_load %arg14[%swap3A_566, %swap3A_567] {strides = array<i32>} : memref<80x128xf32, #tpu.memory_space<vmem>>, vector<1x16xf32>,
      %swap3A_569 = vector.shape_cast %swap3A_568 : vector<1x16xf32> to vector<16xf32>
      %swap3A_570 = vector.shape_cast %broadcast_in_dim3A_565 : vector<16xf32> to vector<1x16xf32>
      tpu.vector_store %arg14[%swap3A_566, %swap3A_567], %swap3A_570 {strides = array<i32>} : memref<80x128xf32, #tpu.memory_space<vmem>>, vector<1x16xf32>,
      %broadcast_in_dim3A_571 = arith.constant 0.000000e+00 : f32
      %broadcast_in_dim3A_572 = vector.broadcast %broadcast_in_dim3A_571 : f32 to vector<16xf32>
      %swap3A_573 = arith.index_cast %scan3A_557 : i32 to index
      %swap3A_574 = arith.constant 32 : index
      %swap3A_575 = tpu.vector_load %arg14[%swap3A_573, %swap3A_574] {strides = array<i32>} : memref<80x128xf32, #tpu.memory_space<vmem>>, vector<1x16xf32>,
      %swap3A_576 = vector.shape_cast %swap3A_575 : vector<1x16xf32> to vector<16xf32>
      %swap3A_577 = vector.shape_cast %broadcast_in_dim3A_572 : vector<16xf32> to vector<1x16xf32>
      tpu.vector_store %arg14[%swap3A_573, %swap3A_574], %swap3A_577 {strides = array<i32>} : memref<80x128xf32, #tpu.memory_space<vmem>>, vector<1x16xf32>,
      %broadcast_in_dim3A_578 = arith.constant 0.000000e+00 : f32
      %broadcast_in_dim3A_579 = vector.broadcast %broadcast_in_dim3A_578 : f32 to vector<16xf32>
      %swap3A_580 = arith.index_cast %scan3A_557 : i32 to index
      %swap3A_581 = arith.constant 48 : index
      %swap3A_582 = tpu.vector_load %arg14[%swap3A_580, %swap3A_581] {strides = array<i32>} : memref<80x128xf32, #tpu.memory_space<vmem>>, vector<1x16xf32>,
      %swap3A_583 = vector.shape_cast %swap3A_582 : vector<1x16xf32> to vector<16xf32>
      %swap3A_584 = vector.shape_cast %broadcast_in_dim3A_579 : vector<16xf32> to vector<1x16xf32>
      tpu.vector_store %arg14[%swap3A_580, %swap3A_581], %swap3A_584 {strides = array<i32>} : memref<80x128xf32, #tpu.memory_space<vmem>>, vector<1x16xf32>,
      %broadcast_in_dim3A_585 = arith.constant 0.000000e+00 : f32
      %broadcast_in_dim3A_586 = vector.broadcast %broadcast_in_dim3A_585 : f32 to vector<16xf32>
      %swap3A_587 = arith.index_cast %scan3A_557 : i32 to index
      %swap3A_588 = arith.constant 64 : index
      %swap3A_589 = tpu.vector_load %arg14[%swap3A_587, %swap3A_588] {strides = array<i32>} : memref<80x128xf32, #tpu.memory_space<vmem>>, vector<1x16xf32>,
      %swap3A_590 = vector.shape_cast %swap3A_589 : vector<1x16xf32> to vector<16xf32>
      %swap3A_591 = vector.shape_cast %broadcast_in_dim3A_586 : vector<16xf32> to vector<1x16xf32>
      tpu.vector_store %arg14[%swap3A_587, %swap3A_588], %swap3A_591 {strides = array<i32>} : memref<80x128xf32, #tpu.memory_space<vmem>>, vector<1x16xf32>,
      %broadcast_in_dim3A_592 = arith.constant 0.000000e+00 : f32
      %broadcast_in_dim3A_593 = vector.broadcast %broadcast_in_dim3A_592 : f32 to vector<16xf32>
      %swap3A_594 = arith.index_cast %scan3A_557 : i32 to index
      %swap3A_595 = arith.constant 80 : index
      %swap3A_596 = tpu.vector_load %arg14[%swap3A_594, %swap3A_595] {strides = array<i32>} : memref<80x128xf32, #tpu.memory_space<vmem>>, vector<1x16xf32>,
      %swap3A_597 = vector.shape_cast %swap3A_596 : vector<1x16xf32> to vector<16xf32>
      %swap3A_598 = vector.shape_cast %broadcast_in_dim3A_593 : vector<16xf32> to vector<1x16xf32>
      tpu.vector_store %arg14[%swap3A_594, %swap3A_595], %swap3A_598 {strides = array<i32>} : memref<80x128xf32, #tpu.memory_space<vmem>>, vector<1x16xf32>,
      %broadcast_in_dim3A_599 = arith.constant 0.000000e+00 : f32
      %broadcast_in_dim3A_600 = vector.broadcast %broadcast_in_dim3A_599 : f32 to vector<16xf32>
      %swap3A_601 = arith.index_cast %scan3A_557 : i32 to index
      %swap3A_602 = arith.constant 96 : index
      %swap3A_603 = tpu.vector_load %arg14[%swap3A_601, %swap3A_602] {strides = array<i32>} : memref<80x128xf32, #tpu.memory_space<vmem>>, vector<1x16xf32>,
      %swap3A_604 = vector.shape_cast %swap3A_603 : vector<1x16xf32> to vector<16xf32>
      %swap3A_605 = vector.shape_cast %broadcast_in_dim3A_600 : vector<16xf32> to vector<1x16xf32>
      tpu.vector_store %arg14[%swap3A_601, %swap3A_602], %swap3A_605 {strides = array<i32>} : memref<80x128xf32, #tpu.memory_space<vmem>>, vector<1x16xf32>,
      %broadcast_in_dim3A_606 = arith.constant 0.000000e+00 : f32
      %broadcast_in_dim3A_607 = vector.broadcast %broadcast_in_dim3A_606 : f32 to vector<16xf32>
      %swap3A_608 = arith.index_cast %scan3A_557 : i32 to index
      %swap3A_609 = arith.constant 112 : index
      %swap3A_610 = tpu.vector_load %arg14[%swap3A_608, %swap3A_609] {strides = array<i32>} : memref<80x128xf32, #tpu.memory_space<vmem>>, vector<1x16xf32>,
      %swap3A_611 = vector.shape_cast %swap3A_610 : vector<1x16xf32> to vector<16xf32>
      %swap3A_612 = vector.shape_cast %broadcast_in_dim3A_607 : vector<16xf32> to vector<1x16xf32>
      tpu.vector_store %arg14[%swap3A_608, %swap3A_609], %swap3A_612 {strides = array<i32>} : memref<80x128xf32, #tpu.memory_space<vmem>>, vector<1x16xf32>,
      %scan3A_613 = arith.constant 0 : i32
      scf.yield %scan3A_613 : i32
    }
    %scan3A_5 = arith.constant 80 : i32
    %mul3A = arith.constant 624 : i32
    %mul3A_6 = arith.muli %arg1, %mul3A : i32
    %add3A = arith.constant 0 : i32
    %add3A_7 = arith.addi %mul3A_6, %add3A : i32
    "tpu.region"() ({
      %run_scoped3A = tpu.sem_alloc : memref<!tpu.dma_semaphore, #tpu.memory_space<semaphore_mem>>
      %dma_start3A_557 = arith.constant 0 : i32
      %dma_start3A_558 = tpu.memref_slice %arg7[%add3A_7, %dma_start3A_557] : memref<10000x128xf32, #tpu.memory_space<vmem_shared>> -> memref<80x128xf32, #tpu.memory_space<vmem_shared>>
      %dma_start3A_559 = arith.constant 0 : i32
      %dma_start3A_560 = tpu.memref_slice %arg7[%add3A_7, %dma_start3A_559] : memref<10000x128xf32, #tpu.memory_space<vmem_shared>> -> memref<80x128xf32, #tpu.memory_space<vmem_shared>>
      tpu.enqueue_dma source(%arg14 : memref<80x128xf32, #tpu.memory_space<vmem>>) target(%dma_start3A_560 : memref<80x128xf32, #tpu.memory_space<vmem_shared>>) target_semaphore(%run_scoped3A : memref<!tpu.dma_semaphore, #tpu.memory_space<semaphore_mem>>)
      %dma_wait3A_561 = arith.constant 0 : i32
      %dma_wait3A_562 = tpu.memref_slice %arg7[%add3A_7, %dma_wait3A_561] : memref<10000x128xf32, #tpu.memory_space<vmem_shared>> -> memref<80x128xf32, #tpu.memory_space<vmem_shared>>
      %dma_wait3A_563 = arith.constant 0 : i32
      %dma_wait3A_564 = tpu.memref_slice %arg7[%add3A_7, %dma_wait3A_563] : memref<10000x128xf32, #tpu.memory_space<vmem_shared>> -> memref<80x128xf32, #tpu.memory_space<vmem_shared>>
      tpu.wait_dma2 semaphore(%run_scoped3A : memref<!tpu.dma_semaphore, #tpu.memory_space<semaphore_mem>>) src(%arg14 : memref<80x128xf32, #tpu.memory_space<vmem>>) dst(%dma_wait3A_564 : memref<80x128xf32, #tpu.memory_space<vmem_shared>>)
      tpu.yield
    }) : () -> ()
    %add3A_8 = arith.constant 80 : i32
    %add3A_9 = arith.addi %mul3A_6, %add3A_8 : i32
    "tpu.region"() ({
      %run_scoped3A = tpu.sem_alloc : memref<!tpu.dma_semaphore, #tpu.memory_space<semaphore_mem>>
      %dma_start3A_557 = arith.constant 0 : i32
      %dma_start3A_558 = tpu.memref_slice %arg7[%add3A_9, %dma_start3A_557] : memref<10000x128xf32, #tpu.memory_space<vmem_shared>> -> memref<80x128xf32, #tpu.memory_space<vmem_shared>>
      %dma_start3A_559 = arith.constant 0 : i32
      %dma_start3A_560 = tpu.memref_slice %arg7[%add3A_9, %dma_start3A_559] : memref<10000x128xf32, #tpu.memory_space<vmem_shared>> -> memref<80x128xf32, #tpu.memory_space<vmem_shared>>
      tpu.enqueue_dma source(%arg14 : memref<80x128xf32, #tpu.memory_space<vmem>>) target(%dma_start3A_560 : memref<80x128xf32, #tpu.memory_space<vmem_shared>>) target_semaphore(%run_scoped3A : memref<!tpu.dma_semaphore, #tpu.memory_space<semaphore_mem>>)
      %dma_wait3A_561 = arith.constant 0 : i32
      %dma_wait3A_562 = tpu.memref_slice %arg7[%add3A_9, %dma_wait3A_561] : memref<10000x128xf32, #tpu.memory_space<vmem_shared>> -> memref<80x128xf32, #tpu.memory_space<vmem_shared>>
      %dma_wait3A_563 = arith.constant 0 : i32
      %dma_wait3A_564 = tpu.memref_slice %arg7[%add3A_9, %dma_wait3A_563] : memref<10000x128xf32, #tpu.memory_space<vmem_shared>> -> memref<80x128xf32, #tpu.memory_space<vmem_shared>>
      tpu.wait_dma2 semaphore(%run_scoped3A : memref<!tpu.dma_semaphore, #tpu.memory_space<semaphore_mem>>) src(%arg14 : memref<80x128xf32, #tpu.memory_space<vmem>>) dst(%dma_wait3A_564 : memref<80x128xf32, #tpu.memory_space<vmem_shared>>)
      tpu.yield
    }) : () -> ()
    %add3A_10 = arith.constant 160 : i32
    %add3A_11 = arith.addi %mul3A_6, %add3A_10 : i32
    "tpu.region"() ({
      %run_scoped3A = tpu.sem_alloc : memref<!tpu.dma_semaphore, #tpu.memory_space<semaphore_mem>>
      %dma_start3A_557 = arith.constant 0 : i32
      %dma_start3A_558 = tpu.memref_slice %arg7[%add3A_11, %dma_start3A_557] : memref<10000x128xf32, #tpu.memory_space<vmem_shared>> -> memref<80x128xf32, #tpu.memory_space<vmem_shared>>
      %dma_start3A_559 = arith.constant 0 : i32
      %dma_start3A_560 = tpu.memref_slice %arg7[%add3A_11, %dma_start3A_559] : memref<10000x128xf32, #tpu.memory_space<vmem_shared>> -> memref<80x128xf32, #tpu.memory_space<vmem_shared>>
      tpu.enqueue_dma source(%arg14 : memref<80x128xf32, #tpu.memory_space<vmem>>) target(%dma_start3A_560 : memref<80x128xf32, #tpu.memory_space<vmem_shared>>) target_semaphore(%run_scoped3A : memref<!tpu.dma_semaphore, #tpu.memory_space<semaphore_mem>>)
      %dma_wait3A_561 = arith.constant 0 : i32
      %dma_wait3A_562 = tpu.memref_slice %arg7[%add3A_11, %dma_wait3A_561] : memref<10000x128xf32, #tpu.memory_space<vmem_shared>> -> memref<80x128xf32, #tpu.memory_space<vmem_shared>>
      %dma_wait3A_563 = arith.constant 0 : i32
      %dma_wait3A_564 = tpu.memref_slice %arg7[%add3A_11, %dma_wait3A_563] : memref<10000x128xf32, #tpu.memory_space<vmem_shared>> -> memref<80x128xf32, #tpu.memory_space<vmem_shared>>
      tpu.wait_dma2 semaphore(%run_scoped3A : memref<!tpu.dma_semaphore, #tpu.memory_space<semaphore_mem>>) src(%arg14 : memref<80x128xf32, #tpu.memory_space<vmem>>) dst(%dma_wait3A_564 : memref<80x128xf32, #tpu.memory_space<vmem_shared>>)
      tpu.yield
    }) : () -> ()
    %add3A_12 = arith.constant 240 : i32
    %add3A_13 = arith.addi %mul3A_6, %add3A_12 : i32
    "tpu.region"() ({
      %run_scoped3A = tpu.sem_alloc : memref<!tpu.dma_semaphore, #tpu.memory_space<semaphore_mem>>
      %dma_start3A_557 = arith.constant 0 : i32
      %dma_start3A_558 = tpu.memref_slice %arg7[%add3A_13, %dma_start3A_557] : memref<10000x128xf32, #tpu.memory_space<vmem_shared>> -> memref<80x128xf32, #tpu.memory_space<vmem_shared>>
      %dma_start3A_559 = arith.constant 0 : i32
      %dma_start3A_560 = tpu.memref_slice %arg7[%add3A_13, %dma_start3A_559] : memref<10000x128xf32, #tpu.memory_space<vmem_shared>> -> memref<80x128xf32, #tpu.memory_space<vmem_shared>>
      tpu.enqueue_dma source(%arg14 : memref<80x128xf32, #tpu.memory_space<vmem>>) target(%dma_start3A_560 : memref<80x128xf32, #tpu.memory_space<vmem_shared>>) target_semaphore(%run_scoped3A : memref<!tpu.dma_semaphore, #tpu.memory_space<semaphore_mem>>)
      %dma_wait3A_561 = arith.constant 0 : i32
      %dma_wait3A_562 = tpu.memref_slice %arg7[%add3A_13, %dma_wait3A_561] : memref<10000x128xf32, #tpu.memory_space<vmem_shared>> -> memref<80x128xf32, #tpu.memory_space<vmem_shared>>
      %dma_wait3A_563 = arith.constant 0 : i32
      %dma_wait3A_564 = tpu.memref_slice %arg7[%add3A_13, %dma_wait3A_563] : memref<10000x128xf32, #tpu.memory_space<vmem_shared>> -> memref<80x128xf32, #tpu.memory_space<vmem_shared>>
      tpu.wait_dma2 semaphore(%run_scoped3A : memref<!tpu.dma_semaphore, #tpu.memory_space<semaphore_mem>>) src(%arg14 : memref<80x128xf32, #tpu.memory_space<vmem>>) dst(%dma_wait3A_564 : memref<80x128xf32, #tpu.memory_space<vmem_shared>>)
      tpu.yield
    }) : () -> ()
    %add3A_14 = arith.constant 320 : i32
    %add3A_15 = arith.addi %mul3A_6, %add3A_14 : i32
    "tpu.region"() ({
      %run_scoped3A = tpu.sem_alloc : memref<!tpu.dma_semaphore, #tpu.memory_space<semaphore_mem>>
      %dma_start3A_557 = arith.constant 0 : i32
      %dma_start3A_558 = tpu.memref_slice %arg7[%add3A_15, %dma_start3A_557] : memref<10000x128xf32, #tpu.memory_space<vmem_shared>> -> memref<80x128xf32, #tpu.memory_space<vmem_shared>>
      %dma_start3A_559 = arith.constant 0 : i32
      %dma_start3A_560 = tpu.memref_slice %arg7[%add3A_15, %dma_start3A_559] : memref<10000x128xf32, #tpu.memory_space<vmem_shared>> -> memref<80x128xf32, #tpu.memory_space<vmem_shared>>
      tpu.enqueue_dma source(%arg14 : memref<80x128xf32, #tpu.memory_space<vmem>>) target(%dma_start3A_560 : memref<80x128xf32, #tpu.memory_space<vmem_shared>>) target_semaphore(%run_scoped3A : memref<!tpu.dma_semaphore, #tpu.memory_space<semaphore_mem>>)
      %dma_wait3A_561 = arith.constant 0 : i32
      %dma_wait3A_562 = tpu.memref_slice %arg7[%add3A_15, %dma_wait3A_561] : memref<10000x128xf32, #tpu.memory_space<vmem_shared>> -> memref<80x128xf32, #tpu.memory_space<vmem_shared>>
      %dma_wait3A_563 = arith.constant 0 : i32
      %dma_wait3A_564 = tpu.memref_slice %arg7[%add3A_15, %dma_wait3A_563] : memref<10000x128xf32, #tpu.memory_space<vmem_shared>> -> memref<80x128xf32, #tpu.memory_space<vmem_shared>>
      tpu.wait_dma2 semaphore(%run_scoped3A : memref<!tpu.dma_semaphore, #tpu.memory_space<semaphore_mem>>) src(%arg14 : memref<80x128xf32, #tpu.memory_space<vmem>>) dst(%dma_wait3A_564 : memref<80x128xf32, #tpu.memory_space<vmem_shared>>)
      tpu.yield
    }) : () -> ()
    %add3A_16 = arith.constant 400 : i32
    %add3A_17 = arith.addi %mul3A_6, %add3A_16 : i32
    "tpu.region"() ({
      %run_scoped3A = tpu.sem_alloc : memref<!tpu.dma_semaphore, #tpu.memory_space<semaphore_mem>>
      %dma_start3A_557 = arith.constant 0 : i32
      %dma_start3A_558 = tpu.memref_slice %arg7[%add3A_17, %dma_start3A_557] : memref<10000x128xf32, #tpu.memory_space<vmem_shared>> -> memref<80x128xf32, #tpu.memory_space<vmem_shared>>
      %dma_start3A_559 = arith.constant 0 : i32
      %dma_start3A_560 = tpu.memref_slice %arg7[%add3A_17, %dma_start3A_559] : memref<10000x128xf32, #tpu.memory_space<vmem_shared>> -> memref<80x128xf32, #tpu.memory_space<vmem_shared>>
      tpu.enqueue_dma source(%arg14 : memref<80x128xf32, #tpu.memory_space<vmem>>) target(%dma_start3A_560 : memref<80x128xf32, #tpu.memory_space<vmem_shared>>) target_semaphore(%run_scoped3A : memref<!tpu.dma_semaphore, #tpu.memory_space<semaphore_mem>>)
      %dma_wait3A_561 = arith.constant 0 : i32
      %dma_wait3A_562 = tpu.memref_slice %arg7[%add3A_17, %dma_wait3A_561] : memref<10000x128xf32, #tpu.memory_space<vmem_shared>> -> memref<80x128xf32, #tpu.memory_space<vmem_shared>>
      %dma_wait3A_563 = arith.constant 0 : i32
      %dma_wait3A_564 = tpu.memref_slice %arg7[%add3A_17, %dma_wait3A_563] : memref<10000x128xf32, #tpu.memory_space<vmem_shared>> -> memref<80x128xf32, #tpu.memory_space<vmem_shared>>
      tpu.wait_dma2 semaphore(%run_scoped3A : memref<!tpu.dma_semaphore, #tpu.memory_space<semaphore_mem>>) src(%arg14 : memref<80x128xf32, #tpu.memory_space<vmem>>) dst(%dma_wait3A_564 : memref<80x128xf32, #tpu.memory_space<vmem_shared>>)
      tpu.yield
    }) : () -> ()
    %add3A_18 = arith.constant 480 : i32
    %add3A_19 = arith.addi %mul3A_6, %add3A_18 : i32
    "tpu.region"() ({
      %run_scoped3A = tpu.sem_alloc : memref<!tpu.dma_semaphore, #tpu.memory_space<semaphore_mem>>
      %dma_start3A_557 = arith.constant 0 : i32
      %dma_start3A_558 = tpu.memref_slice %arg7[%add3A_19, %dma_start3A_557] : memref<10000x128xf32, #tpu.memory_space<vmem_shared>> -> memref<80x128xf32, #tpu.memory_space<vmem_shared>>
      %dma_start3A_559 = arith.constant 0 : i32
      %dma_start3A_560 = tpu.memref_slice %arg7[%add3A_19, %dma_start3A_559] : memref<10000x128xf32, #tpu.memory_space<vmem_shared>> -> memref<80x128xf32, #tpu.memory_space<vmem_shared>>
      tpu.enqueue_dma source(%arg14 : memref<80x128xf32, #tpu.memory_space<vmem>>) target(%dma_start3A_560 : memref<80x128xf32, #tpu.memory_space<vmem_shared>>) target_semaphore(%run_scoped3A : memref<!tpu.dma_semaphore, #tpu.memory_space<semaphore_mem>>)
      %dma_wait3A_561 = arith.constant 0 : i32
      %dma_wait3A_562 = tpu.memref_slice %arg7[%add3A_19, %dma_wait3A_561] : memref<10000x128xf32, #tpu.memory_space<vmem_shared>> -> memref<80x128xf32, #tpu.memory_space<vmem_shared>>
      %dma_wait3A_563 = arith.constant 0 : i32
      %dma_wait3A_564 = tpu.memref_slice %arg7[%add3A_19, %dma_wait3A_563] : memref<10000x128xf32, #tpu.memory_space<vmem_shared>> -> memref<80x128xf32, #tpu.memory_space<vmem_shared>>
      tpu.wait_dma2 semaphore(%run_scoped3A : memref<!tpu.dma_semaphore, #tpu.memory_space<semaphore_mem>>) src(%arg14 : memref<80x128xf32, #tpu.memory_space<vmem>>) dst(%dma_wait3A_564 : memref<80x128xf32, #tpu.memory_space<vmem_shared>>)
      tpu.yield
    }) : () -> ()
    %add3A_20 = arith.constant 560 : i32
    %add3A_21 = arith.addi %mul3A_6, %add3A_20 : i32
    "tpu.region"() ({
      %run_scoped3A = tpu.sem_alloc : memref<!tpu.dma_semaphore, #tpu.memory_space<semaphore_mem>>
      %dma_start3A_557 = arith.constant 0 : i32
      %dma_start3A_558 = arith.constant 0 : i32
      %dma_start3A_559 = tpu.memref_slice %arg14[%dma_start3A_557, %dma_start3A_558] : memref<80x128xf32, #tpu.memory_space<vmem>> -> memref<64x128xf32, #tpu.memory_space<vmem>>
      %dma_start3A_560 = arith.constant 0 : i32
      %dma_start3A_561 = tpu.memref_slice %arg7[%add3A_21, %dma_start3A_560] : memref<10000x128xf32, #tpu.memory_space<vmem_shared>> -> memref<64x128xf32, #tpu.memory_space<vmem_shared>>
      %dma_start3A_562 = arith.constant 0 : i32
      %dma_start3A_563 = tpu.memref_slice %arg7[%add3A_21, %dma_start3A_562] : memref<10000x128xf32, #tpu.memory_space<vmem_shared>> -> memref<64x128xf32, #tpu.memory_space<vmem_shared>>
      %dma_start3A_564 = arith.constant 0 : i32
      %dma_start3A_565 = arith.constant 0 : i32
      %dma_start3A_566 = tpu.memref_slice %arg14[%dma_start3A_564, %dma_start3A_565] : memref<80x128xf32, #tpu.memory_space<vmem>> -> memref<64x128xf32, #tpu.memory_space<vmem>>
      tpu.enqueue_dma source(%dma_start3A_566 : memref<64x128xf32, #tpu.memory_space<vmem>>) target(%dma_start3A_563 : memref<64x128xf32, #tpu.memory_space<vmem_shared>>) target_semaphore(%run_scoped3A : memref<!tpu.dma_semaphore, #tpu.memory_space<semaphore_mem>>)
      %dma_wait3A_567 = arith.constant 0 : i32
      %dma_wait3A_568 = arith.constant 0 : i32
      %dma_wait3A_569 = tpu.memref_slice %arg14[%dma_wait3A_567, %dma_wait3A_568] : memref<80x128xf32, #tpu.memory_space<vmem>> -> memref<64x128xf32, #tpu.memory_space<vmem>>
      %dma_wait3A_570 = arith.constant 0 : i32
      %dma_wait3A_571 = tpu.memref_slice %arg7[%add3A_21, %dma_wait3A_570] : memref<10000x128xf32, #tpu.memory_space<vmem_shared>> -> memref<64x128xf32, #tpu.memory_space<vmem_shared>>
      %dma_wait3A_572 = arith.constant 0 : i32
      %dma_wait3A_573 = tpu.memref_slice %arg7[%add3A_21, %dma_wait3A_572] : memref<10000x128xf32, #tpu.memory_space<vmem_shared>> -> memref<64x128xf32, #tpu.memory_space<vmem_shared>>
      %dma_wait3A_574 = arith.constant 0 : i32
      %dma_wait3A_575 = arith.constant 0 : i32
      %dma_wait3A_576 = tpu.memref_slice %arg14[%dma_wait3A_574, %dma_wait3A_575] : memref<80x128xf32, #tpu.memory_space<vmem>> -> memref<64x128xf32, #tpu.memory_space<vmem>>
      tpu.wait_dma2 semaphore(%run_scoped3A : memref<!tpu.dma_semaphore, #tpu.memory_space<semaphore_mem>>) src(%dma_wait3A_576 : memref<64x128xf32, #tpu.memory_space<vmem>>) dst(%dma_wait3A_573 : memref<64x128xf32, #tpu.memory_space<vmem_shared>>)
      tpu.yield
    }) : () -> ()
    %eq3A = arith.constant 15 : i32
    %eq3A_22 = arith.cmpi eq, %arg1, %eq3A : i32
    %convert_element_type3A = arith.extui %eq3A_22 : i1 to i32
    %cond3A = arith.constant 0 : i32
    %cond3A_23 = arith.cmpi ne, %convert_element_type3A, %cond3A : i32
    scf.if %cond3A_23 {
      "tpu.region"() ({
        %run_scoped3A = tpu.sem_alloc : memref<!tpu.dma_semaphore, #tpu.memory_space<semaphore_mem>>
        %dma_start3A_557 = arith.constant 0 : i32
        %dma_start3A_558 = arith.constant 0 : i32
        %dma_start3A_559 = tpu.memref_slice %arg14[%dma_start3A_557, %dma_start3A_558] : memref<80x128xf32, #tpu.memory_space<vmem>> -> memref<16x128xf32, #tpu.memory_space<vmem>>
        %dma_start3A_560 = arith.constant 9984 : i32
        %dma_start3A_561 = arith.constant 0 : i32
        %dma_start3A_562 = tpu.memref_slice %arg7[%dma_start3A_560, %dma_start3A_561] : memref<10000x128xf32, #tpu.memory_space<vmem_shared>> -> memref<16x128xf32, #tpu.memory_space<vmem_shared>>
        %dma_start3A_563 = arith.constant 9984 : i32
        %dma_start3A_564 = arith.constant 0 : i32
        %dma_start3A_565 = tpu.memref_slice %arg7[%dma_start3A_563, %dma_start3A_564] : memref<10000x128xf32, #tpu.memory_space<vmem_shared>> -> memref<16x128xf32, #tpu.memory_space<vmem_shared>>
        %dma_start3A_566 = arith.constant 0 : i32
        %dma_start3A_567 = arith.constant 0 : i32
        %dma_start3A_568 = tpu.memref_slice %arg14[%dma_start3A_566, %dma_start3A_567] : memref<80x128xf32, #tpu.memory_space<vmem>> -> memref<16x128xf32, #tpu.memory_space<vmem>>
        tpu.enqueue_dma source(%dma_start3A_568 : memref<16x128xf32, #tpu.memory_space<vmem>>) target(%dma_start3A_565 : memref<16x128xf32, #tpu.memory_space<vmem_shared>>) target_semaphore(%run_scoped3A : memref<!tpu.dma_semaphore, #tpu.memory_space<semaphore_mem>>)
        %dma_wait3A_569 = arith.constant 0 : i32
        %dma_wait3A_570 = arith.constant 0 : i32
        %dma_wait3A_571 = tpu.memref_slice %arg14[%dma_wait3A_569, %dma_wait3A_570] : memref<80x128xf32, #tpu.memory_space<vmem>> -> memref<16x128xf32, #tpu.memory_space<vmem>>
        %dma_wait3A_572 = arith.constant 9984 : i32
        %dma_wait3A_573 = arith.constant 0 : i32
        %dma_wait3A_574 = tpu.memref_slice %arg7[%dma_wait3A_572, %dma_wait3A_573] : memref<10000x128xf32, #tpu.memory_space<vmem_shared>> -> memref<16x128xf32, #tpu.memory_space<vmem_shared>>
        %dma_wait3A_575 = arith.constant 9984 : i32
        %dma_wait3A_576 = arith.constant 0 : i32
        %dma_wait3A_577 = tpu.memref_slice %arg7[%dma_wait3A_575, %dma_wait3A_576] : memref<10000x128xf32, #tpu.memory_space<vmem_shared>> -> memref<16x128xf32, #tpu.memory_space<vmem_shared>>
        %dma_wait3A_578 = arith.constant 0 : i32
        %dma_wait3A_579 = arith.constant 0 : i32
        %dma_wait3A_580 = tpu.memref_slice %arg14[%dma_wait3A_578, %dma_wait3A_579] : memref<80x128xf32, #tpu.memory_space<vmem>> -> memref<16x128xf32, #tpu.memory_space<vmem>>
        tpu.wait_dma2 semaphore(%run_scoped3A : memref<!tpu.dma_semaphore, #tpu.memory_space<semaphore_mem>>) src(%dma_wait3A_580 : memref<16x128xf32, #tpu.memory_space<vmem>>) dst(%dma_wait3A_577 : memref<16x128xf32, #tpu.memory_space<vmem_shared>>)
        tpu.yield
      }) : () -> ()
    } else {
    }
    %barrier3A = arith.constant 0 : index
    tpu.barrier barrier_id(%barrier3A)
    %mul3A_24 = arith.constant 16 : i32
    %mul3A_25 = arith.muli %arg0, %mul3A_24 : i32
    %add3A_26 = arith.addi %mul3A_25, %arg1 : i32
    %mul3A_27 = arith.constant 10000 : i32
    %mul3A_28 = arith.muli %add3A_26, %mul3A_27 : i32
    %add3A_29 = arith.constant 0 : i32
    %add3A_30 = arith.addi %mul3A_28, %add3A_29 : i32
    %dma_start3A = tpu.memref_slice %arg4[%add3A_30] : memref<320000xi32, #tpu.memory_space<hbm>> -> memref<80xi32, #tpu.memory_space<hbm>>
    %dma_start3A_31 = tpu.memref_slice %arg4[%add3A_30] : memref<320000xi32, #tpu.memory_space<hbm>> -> memref<80xi32, #tpu.memory_space<hbm>>
    tpu.enqueue_dma source(%dma_start3A_31 : memref<80xi32, #tpu.memory_space<hbm>>) target(%arg8 : memref<80xi32, #tpu.memory_space<vmem>>) target_semaphore(%arg22 : memref<!tpu.dma_semaphore, #tpu.memory_space<semaphore_mem>>)
    %add3A_32 = arith.constant 0 : i32
    %add3A_33 = arith.addi %mul3A_28, %add3A_32 : i32
    %dma_start3A_34 = tpu.memref_slice %arg5[%add3A_33] : memref<320000xi32, #tpu.memory_space<hbm>> -> memref<80xi32, #tpu.memory_space<hbm>>
    %dma_start3A_35 = tpu.memref_slice %arg5[%add3A_33] : memref<320000xi32, #tpu.memory_space<hbm>> -> memref<80xi32, #tpu.memory_space<hbm>>
    tpu.enqueue_dma source(%dma_start3A_35 : memref<80xi32, #tpu.memory_space<hbm>>) target(%arg11 : memref<80xi32, #tpu.memory_space<vmem>>) target_semaphore(%arg25 : memref<!tpu.dma_semaphore, #tpu.memory_space<semaphore_mem>>)
    %add3A_36 = arith.constant 80 : i32
    %add3A_37 = arith.addi %mul3A_28, %add3A_36 : i32
    %dma_start3A_38 = tpu.memref_slice %arg4[%add3A_37] : memref<320000xi32, #tpu.memory_space<hbm>> -> memref<80xi32, #tpu.memory_space<hbm>>
    %dma_start3A_39 = tpu.memref_slice %arg4[%add3A_37] : memref<320000xi32, #tpu.memory_space<hbm>> -> memref<80xi32, #tpu.memory_space<hbm>>
    tpu.enqueue_dma source(%dma_start3A_39 : memref<80xi32, #tpu.memory_space<hbm>>) target(%arg9 : memref<80xi32, #tpu.memory_space<vmem>>) target_semaphore(%arg23 : memref<!tpu.dma_semaphore, #tpu.memory_space<semaphore_mem>>)
    %add3A_40 = arith.constant 80 : i32
    %add3A_41 = arith.addi %mul3A_28, %add3A_40 : i32
    %dma_start3A_42 = tpu.memref_slice %arg5[%add3A_41] : memref<320000xi32, #tpu.memory_space<hbm>> -> memref<80xi32, #tpu.memory_space<hbm>>
    %dma_start3A_43 = tpu.memref_slice %arg5[%add3A_41] : memref<320000xi32, #tpu.memory_space<hbm>> -> memref<80xi32, #tpu.memory_space<hbm>>
    tpu.enqueue_dma source(%dma_start3A_43 : memref<80xi32, #tpu.memory_space<hbm>>) target(%arg12 : memref<80xi32, #tpu.memory_space<vmem>>) target_semaphore(%arg26 : memref<!tpu.dma_semaphore, #tpu.memory_space<semaphore_mem>>)
    %add3A_44 = arith.constant 0 : i32
    %add3A_45 = arith.addi %mul3A_28, %add3A_44 : i32
    %dma_wait3A = tpu.memref_slice %arg4[%add3A_45] : memref<320000xi32, #tpu.memory_space<hbm>> -> memref<80xi32, #tpu.memory_space<hbm>>
    %dma_wait3A_46 = tpu.memref_slice %arg4[%add3A_45] : memref<320000xi32, #tpu.memory_space<hbm>> -> memref<80xi32, #tpu.memory_space<hbm>>
    tpu.wait_dma2 semaphore(%arg22 : memref<!tpu.dma_semaphore, #tpu.memory_space<semaphore_mem>>) src(%dma_wait3A_46 : memref<80xi32, #tpu.memory_space<hbm>>) dst(%arg8 : memref<80xi32, #tpu.memory_space<vmem>>)
    %add3A_47 = arith.constant 0 : i32
    %add3A_48 = arith.addi %mul3A_28, %add3A_47 : i32
    %dma_wait3A_49 = tpu.memref_slice %arg5[%add3A_48] : memref<320000xi32, #tpu.memory_space<hbm>> -> memref<80xi32, #tpu.memory_space<hbm>>
    %dma_wait3A_50 = tpu.memref_slice %arg5[%add3A_48] : memref<320000xi32, #tpu.memory_space<hbm>> -> memref<80xi32, #tpu.memory_space<hbm>>
    tpu.wait_dma2 semaphore(%arg25 : memref<!tpu.dma_semaphore, #tpu.memory_space<semaphore_mem>>) src(%dma_wait3A_50 : memref<80xi32, #tpu.memory_space<hbm>>) dst(%arg11 : memref<80xi32, #tpu.memory_space<vmem>>)
    %add3A_51 = arith.constant 0 : i32
    %add3A_52 = arith.addi %mul3A_28, %add3A_51 : i32
    %dma_start3A_53 = arith.constant 0 : i32
    %dma_start3A_54 = tpu.memref_slice %arg3[%add3A_52, %dma_start3A_53] : memref<320000x64xi32, #tpu.memory_space<hbm>> -> memref<80x64xi32, #tpu.memory_space<hbm>>
    %dma_start3A_55 = arith.constant 0 : i32
    %dma_start3A_56 = tpu.memref_slice %arg3[%add3A_52, %dma_start3A_55] : memref<320000x64xi32, #tpu.memory_space<hbm>> -> memref<80x64xi32, #tpu.memory_space<hbm>>
    tpu.enqueue_dma source(%dma_start3A_56 : memref<80x64xi32, #tpu.memory_space<hbm>>) target(%arg16 : memref<80x64xi32, #tpu.memory_space<vmem>>) target_semaphore(%arg20 : memref<!tpu.dma_semaphore, #tpu.memory_space<semaphore_mem>>)
    %dma_start3A_57 = arith.constant 0 : i32
    %dma_start3A_58 = arith.constant 0 : i32
    %dma_start3A_59 = tpu.memref_slice %arg2[%dma_start3A_57, %dma_start3A_58] : memref<10000x128xf32, #tpu.memory_space<hbm>> -> memref<10000x128xf32, #tpu.memory_space<hbm>>
    tpu.enqueue_indirect_dma source(%dma_start3A_59 : memref<10000x128xf32, #tpu.memory_space<hbm>>) target(%arg14 : memref<80x128xf32, #tpu.memory_space<vmem>>) offsets(%arg8 : memref<80xi32, #tpu.memory_space<vmem>>) semaphore(%arg18 : memref<!tpu.dma_semaphore, #tpu.memory_space<semaphore_mem>>)
    %add3A_60 = arith.constant 160 : i32
    %add3A_61 = arith.addi %mul3A_28, %add3A_60 : i32
    %dma_start3A_62 = tpu.memref_slice %arg4[%add3A_61] : memref<320000xi32, #tpu.memory_space<hbm>> -> memref<80xi32, #tpu.memory_space<hbm>>
    %dma_start3A_63 = tpu.memref_slice %arg4[%add3A_61] : memref<320000xi32, #tpu.memory_space<hbm>> -> memref<80xi32, #tpu.memory_space<hbm>>
    tpu.enqueue_dma source(%dma_start3A_63 : memref<80xi32, #tpu.memory_space<hbm>>) target(%arg10 : memref<80xi32, #tpu.memory_space<vmem>>) target_semaphore(%arg24 : memref<!tpu.dma_semaphore, #tpu.memory_space<semaphore_mem>>)
    %add3A_64 = arith.constant 160 : i32
    %add3A_65 = arith.addi %mul3A_28, %add3A_64 : i32
    %dma_start3A_66 = tpu.memref_slice %arg5[%add3A_65] : memref<320000xi32, #tpu.memory_space<hbm>> -> memref<80xi32, #tpu.memory_space<hbm>>
    %dma_start3A_67 = tpu.memref_slice %arg5[%add3A_65] : memref<320000xi32, #tpu.memory_space<hbm>> -> memref<80xi32, #tpu.memory_space<hbm>>
    tpu.enqueue_dma source(%dma_start3A_67 : memref<80xi32, #tpu.memory_space<hbm>>) target(%arg13 : memref<80xi32, #tpu.memory_space<vmem>>) target_semaphore(%arg27 : memref<!tpu.dma_semaphore, #tpu.memory_space<semaphore_mem>>)
    %add3A_68 = arith.constant 0 : i32
    %add3A_69 = arith.addi %mul3A_28, %add3A_68 : i32
    %dma_wait3A_70 = arith.constant 0 : i32
    %dma_wait3A_71 = tpu.memref_slice %arg3[%add3A_69, %dma_wait3A_70] : memref<320000x64xi32, #tpu.memory_space<hbm>> -> memref<80x64xi32, #tpu.memory_space<hbm>>
    %dma_wait3A_72 = arith.constant 0 : i32
    %dma_wait3A_73 = tpu.memref_slice %arg3[%add3A_69, %dma_wait3A_72] : memref<320000x64xi32, #tpu.memory_space<hbm>> -> memref<80x64xi32, #tpu.memory_space<hbm>>
    tpu.wait_dma2 semaphore(%arg20 : memref<!tpu.dma_semaphore, #tpu.memory_space<semaphore_mem>>) src(%dma_wait3A_73 : memref<80x64xi32, #tpu.memory_space<hbm>>) dst(%arg16 : memref<80x64xi32, #tpu.memory_space<vmem>>)
    %dma_wait3A_74 = arith.constant 0 : i32
    %dma_wait3A_75 = arith.constant 0 : i32
    %dma_wait3A_76 = tpu.memref_slice %arg2[%dma_wait3A_74, %dma_wait3A_75] : memref<10000x128xf32, #tpu.memory_space<hbm>> -> memref<10000x128xf32, #tpu.memory_space<hbm>>
    tpu.wait_indirect_dma semaphore(%arg18 : memref<!tpu.dma_semaphore, #tpu.memory_space<semaphore_mem>>) src(%dma_wait3A_76 : memref<10000x128xf32, #tpu.memory_space<hbm>>) dst(%arg14 : memref<80x128xf32, #tpu.memory_space<vmem>>)
    %add3A_77 = arith.constant 80 : i32
    %add3A_78 = arith.addi %mul3A_28, %add3A_77 : i32
    %dma_wait3A_79 = tpu.memref_slice %arg4[%add3A_78] : memref<320000xi32, #tpu.memory_space<hbm>> -> memref<80xi32, #tpu.memory_space<hbm>>
    %dma_wait3A_80 = tpu.memref_slice %arg4[%add3A_78] : memref<320000xi32, #tpu.memory_space<hbm>> -> memref<80xi32, #tpu.memory_space<hbm>>
    tpu.wait_dma2 semaphore(%arg23 : memref<!tpu.dma_semaphore, #tpu.memory_space<semaphore_mem>>) src(%dma_wait3A_80 : memref<80xi32, #tpu.memory_space<hbm>>) dst(%arg9 : memref<80xi32, #tpu.memory_space<vmem>>)
    %add3A_81 = arith.constant 80 : i32
    %add3A_82 = arith.addi %mul3A_28, %add3A_81 : i32
    %dma_wait3A_83 = tpu.memref_slice %arg5[%add3A_82] : memref<320000xi32, #tpu.memory_space<hbm>> -> memref<80xi32, #tpu.memory_space<hbm>>
    %dma_wait3A_84 = tpu.memref_slice %arg5[%add3A_82] : memref<320000xi32, #tpu.memory_space<hbm>> -> memref<80xi32, #tpu.memory_space<hbm>>
    tpu.wait_dma2 semaphore(%arg26 : memref<!tpu.dma_semaphore, #tpu.memory_space<semaphore_mem>>) src(%dma_wait3A_84 : memref<80xi32, #tpu.memory_space<hbm>>) dst(%arg12 : memref<80xi32, #tpu.memory_space<vmem>>)
    %add3A_85 = arith.constant 80 : i32
    %add3A_86 = arith.addi %mul3A_28, %add3A_85 : i32
    %dma_start3A_87 = arith.constant 0 : i32
    %dma_start3A_88 = tpu.memref_slice %arg3[%add3A_86, %dma_start3A_87] : memref<320000x64xi32, #tpu.memory_space<hbm>> -> memref<80x64xi32, #tpu.memory_space<hbm>>
    %dma_start3A_89 = arith.constant 0 : i32
    %dma_start3A_90 = tpu.memref_slice %arg3[%add3A_86, %dma_start3A_89] : memref<320000x64xi32, #tpu.memory_space<hbm>> -> memref<80x64xi32, #tpu.memory_space<hbm>>
    tpu.enqueue_dma source(%dma_start3A_90 : memref<80x64xi32, #tpu.memory_space<hbm>>) target(%arg17 : memref<80x64xi32, #tpu.memory_space<vmem>>) target_semaphore(%arg21 : memref<!tpu.dma_semaphore, #tpu.memory_space<semaphore_mem>>)
    %dma_start3A_91 = arith.constant 0 : i32
    %dma_start3A_92 = arith.constant 0 : i32
    %dma_start3A_93 = tpu.memref_slice %arg2[%dma_start3A_91, %dma_start3A_92] : memref<10000x128xf32, #tpu.memory_space<hbm>> -> memref<10000x128xf32, #tpu.memory_space<hbm>>
    tpu.enqueue_indirect_dma source(%dma_start3A_93 : memref<10000x128xf32, #tpu.memory_space<hbm>>) target(%arg15 : memref<80x128xf32, #tpu.memory_space<vmem>>) offsets(%arg9 : memref<80xi32, #tpu.memory_space<vmem>>) semaphore(%arg19 : memref<!tpu.dma_semaphore, #tpu.memory_space<semaphore_mem>>)
    %scan3A_94 = arith.constant 0 : i32
    %scan3A_95 = arith.constant 0 : i32
    %scan3A_96 = arith.constant 80 : i32
    %scan3A_97 = arith.addi %scan3A_95, %scan3A_96 : i32
    %scan3A_98 = arith.constant 1 : i32
    %scan3A_99 = scf.for %scan3A_557 = %scan3A_95 to %scan3A_97 step %scan3A_98 iter_args(%scan3A_558 = %scan3A_94) -> (i32)  : i32 {
      %get3A = arith.index_cast %scan3A_557 : i32 to index
      %get3A_559 = arith.constant 0 : index
      %get3A_560 = tpu.vector_load %arg16[%get3A, %get3A_559] {strides = array<i32>} : memref<80x64xi32, #tpu.memory_space<vmem>>, vector<1x16xi32>,
      %get3A_561 = vector.shape_cast %get3A_560 : vector<1x16xi32> to vector<16xi32>
      %shift_left3A = arith.constant 16 : i32
      %shift_left3A_562 = vector.broadcast %shift_left3A : i32 to vector<16xi32>
      %shift_left3A_563 = arith.shli %get3A_561, %shift_left3A_562 : vector<16xi32>
      %bitcast_convert_type3A = tpu.bitcast %shift_left3A_563 : vector<16xi32> -> vector<16xf32>
      %and3A = arith.constant -65536 : i32
      %and3A_564 = vector.broadcast %and3A : i32 to vector<16xi32>
      %and3A_565 = arith.andi %get3A_561, %and3A_564 : vector<16xi32>
      %bitcast_convert_type3A_566 = tpu.bitcast %and3A_565 : vector<16xi32> -> vector<16xf32>
      %get3A_567 = arith.index_cast %scan3A_557 : i32 to index
      %get3A_568 = arith.constant 0 : index
      %get3A_569 = tpu.vector_load %arg14[%get3A_567, %get3A_568] {strides = array<i32>} : memref<80x128xf32, #tpu.memory_space<vmem>>, vector<1x16xf32>,
      %get3A_570 = vector.shape_cast %get3A_569 : vector<1x16xf32> to vector<16xf32>
      %mul3A_571 = arith.mulf %get3A_570, %bitcast_convert_type3A : vector<16xf32>
      %swap3A = arith.index_cast %scan3A_557 : i32 to index
      %swap3A_572 = arith.constant 0 : index
      %swap3A_573 = tpu.vector_load %arg14[%swap3A, %swap3A_572] {strides = array<i32>} : memref<80x128xf32, #tpu.memory_space<vmem>>, vector<1x16xf32>,
      %swap3A_574 = vector.shape_cast %swap3A_573 : vector<1x16xf32> to vector<16xf32>
      %swap3A_575 = vector.shape_cast %mul3A_571 : vector<16xf32> to vector<1x16xf32>
      tpu.vector_store %arg14[%swap3A, %swap3A_572], %swap3A_575 {strides = array<i32>} : memref<80x128xf32, #tpu.memory_space<vmem>>, vector<1x16xf32>,
      %get3A_576 = arith.index_cast %scan3A_557 : i32 to index
      %get3A_577 = arith.constant 64 : index
      %get3A_578 = tpu.vector_load %arg14[%get3A_576, %get3A_577] {strides = array<i32>} : memref<80x128xf32, #tpu.memory_space<vmem>>, vector<1x16xf32>,
      %get3A_579 = vector.shape_cast %get3A_578 : vector<1x16xf32> to vector<16xf32>
      %mul3A_580 = arith.mulf %get3A_579, %bitcast_convert_type3A_566 : vector<16xf32>
      %swap3A_581 = arith.index_cast %scan3A_557 : i32 to index
      %swap3A_582 = arith.constant 64 : index
      %swap3A_583 = tpu.vector_load %arg14[%swap3A_581, %swap3A_582] {strides = array<i32>} : memref<80x128xf32, #tpu.memory_space<vmem>>, vector<1x16xf32>,
      %swap3A_584 = vector.shape_cast %swap3A_583 : vector<1x16xf32> to vector<16xf32>
      %swap3A_585 = vector.shape_cast %mul3A_580 : vector<16xf32> to vector<1x16xf32>
      tpu.vector_store %arg14[%swap3A_581, %swap3A_582], %swap3A_585 {strides = array<i32>} : memref<80x128xf32, #tpu.memory_space<vmem>>, vector<1x16xf32>,
      %get3A_586 = arith.index_cast %scan3A_557 : i32 to index
      %get3A_587 = arith.constant 16 : index
      %get3A_588 = tpu.vector_load %arg16[%get3A_586, %get3A_587] {strides = array<i32>} : memref<80x64xi32, #tpu.memory_space<vmem>>, vector<1x16xi32>,
      %get3A_589 = vector.shape_cast %get3A_588 : vector<1x16xi32> to vector<16xi32>
      %shift_left3A_590 = arith.constant 16 : i32
      %shift_left3A_591 = vector.broadcast %shift_left3A_590 : i32 to vector<16xi32>
      %shift_left3A_592 = arith.shli %get3A_589, %shift_left3A_591 : vector<16xi32>
      %bitcast_convert_type3A_593 = tpu.bitcast %shift_left3A_592 : vector<16xi32> -> vector<16xf32>
      %and3A_594 = arith.constant -65536 : i32
      %and3A_595 = vector.broadcast %and3A_594 : i32 to vector<16xi32>
      %and3A_596 = arith.andi %get3A_589, %and3A_595 : vector<16xi32>
      %bitcast_convert_type3A_597 = tpu.bitcast %and3A_596 : vector<16xi32> -> vector<16xf32>
      %get3A_598 = arith.index_cast %scan3A_557 : i32 to index
      %get3A_599 = arith.constant 16 : index
      %get3A_600 = tpu.vector_load %arg14[%get3A_598, %get3A_599] {strides = array<i32>} : memref<80x128xf32, #tpu.memory_space<vmem>>, vector<1x16xf32>,
      %get3A_601 = vector.shape_cast %get3A_600 : vector<1x16xf32> to vector<16xf32>
      %mul3A_602 = arith.mulf %get3A_601, %bitcast_convert_type3A_593 : vector<16xf32>
      %swap3A_603 = arith.index_cast %scan3A_557 : i32 to index
      %swap3A_604 = arith.constant 16 : index
      %swap3A_605 = tpu.vector_load %arg14[%swap3A_603, %swap3A_604] {strides = array<i32>} : memref<80x128xf32, #tpu.memory_space<vmem>>, vector<1x16xf32>,
      %swap3A_606 = vector.shape_cast %swap3A_605 : vector<1x16xf32> to vector<16xf32>
      %swap3A_607 = vector.shape_cast %mul3A_602 : vector<16xf32> to vector<1x16xf32>
      tpu.vector_store %arg14[%swap3A_603, %swap3A_604], %swap3A_607 {strides = array<i32>} : memref<80x128xf32, #tpu.memory_space<vmem>>, vector<1x16xf32>,
      %get3A_608 = arith.index_cast %scan3A_557 : i32 to index
      %get3A_609 = arith.constant 80 : index
      %get3A_610 = tpu.vector_load %arg14[%get3A_608, %get3A_609] {strides = array<i32>} : memref<80x128xf32, #tpu.memory_space<vmem>>, vector<1x16xf32>,
      %get3A_611 = vector.shape_cast %get3A_610 : vector<1x16xf32> to vector<16xf32>
      %mul3A_612 = arith.mulf %get3A_611, %bitcast_convert_type3A_597 : vector<16xf32>
      %swap3A_613 = arith.index_cast %scan3A_557 : i32 to index
      %swap3A_614 = arith.constant 80 : index
      %swap3A_615 = tpu.vector_load %arg14[%swap3A_613, %swap3A_614] {strides = array<i32>} : memref<80x128xf32, #tpu.memory_space<vmem>>, vector<1x16xf32>,
      %swap3A_616 = vector.shape_cast %swap3A_615 : vector<1x16xf32> to vector<16xf32>
      %swap3A_617 = vector.shape_cast %mul3A_612 : vector<16xf32> to vector<1x16xf32>
      tpu.vector_store %arg14[%swap3A_613, %swap3A_614], %swap3A_617 {strides = array<i32>} : memref<80x128xf32, #tpu.memory_space<vmem>>, vector<1x16xf32>,
      %get3A_618 = arith.index_cast %scan3A_557 : i32 to index
      %get3A_619 = arith.constant 32 : index
      %get3A_620 = tpu.vector_load %arg16[%get3A_618, %get3A_619] {strides = array<i32>} : memref<80x64xi32, #tpu.memory_space<vmem>>, vector<1x16xi32>,
      %get3A_621 = vector.shape_cast %get3A_620 : vector<1x16xi32> to vector<16xi32>
      %shift_left3A_622 = arith.constant 16 : i32
      %shift_left3A_623 = vector.broadcast %shift_left3A_622 : i32 to vector<16xi32>
      %shift_left3A_624 = arith.shli %get3A_621, %shift_left3A_623 : vector<16xi32>
      %bitcast_convert_type3A_625 = tpu.bitcast %shift_left3A_624 : vector<16xi32> -> vector<16xf32>
      %and3A_626 = arith.constant -65536 : i32
      %and3A_627 = vector.broadcast %and3A_626 : i32 to vector<16xi32>
      %and3A_628 = arith.andi %get3A_621, %and3A_627 : vector<16xi32>
      %bitcast_convert_type3A_629 = tpu.bitcast %and3A_628 : vector<16xi32> -> vector<16xf32>
      %get3A_630 = arith.index_cast %scan3A_557 : i32 to index
      %get3A_631 = arith.constant 32 : index
      %get3A_632 = tpu.vector_load %arg14[%get3A_630, %get3A_631] {strides = array<i32>} : memref<80x128xf32, #tpu.memory_space<vmem>>, vector<1x16xf32>,
      %get3A_633 = vector.shape_cast %get3A_632 : vector<1x16xf32> to vector<16xf32>
      %mul3A_634 = arith.mulf %get3A_633, %bitcast_convert_type3A_625 : vector<16xf32>
      %swap3A_635 = arith.index_cast %scan3A_557 : i32 to index
      %swap3A_636 = arith.constant 32 : index
      %swap3A_637 = tpu.vector_load %arg14[%swap3A_635, %swap3A_636] {strides = array<i32>} : memref<80x128xf32, #tpu.memory_space<vmem>>, vector<1x16xf32>,
      %swap3A_638 = vector.shape_cast %swap3A_637 : vector<1x16xf32> to vector<16xf32>
      %swap3A_639 = vector.shape_cast %mul3A_634 : vector<16xf32> to vector<1x16xf32>
      tpu.vector_store %arg14[%swap3A_635, %swap3A_636], %swap3A_639 {strides = array<i32>} : memref<80x128xf32, #tpu.memory_space<vmem>>, vector<1x16xf32>,
      %get3A_640 = arith.index_cast %scan3A_557 : i32 to index
      %get3A_641 = arith.constant 96 : index
      %get3A_642 = tpu.vector_load %arg14[%get3A_640, %get3A_641] {strides = array<i32>} : memref<80x128xf32, #tpu.memory_space<vmem>>, vector<1x16xf32>,
      %get3A_643 = vector.shape_cast %get3A_642 : vector<1x16xf32> to vector<16xf32>
      %mul3A_644 = arith.mulf %get3A_643, %bitcast_convert_type3A_629 : vector<16xf32>
      %swap3A_645 = arith.index_cast %scan3A_557 : i32 to index
      %swap3A_646 = arith.constant 96 : index
      %swap3A_647 = tpu.vector_load %arg14[%swap3A_645, %swap3A_646] {strides = array<i32>} : memref<80x128xf32, #tpu.memory_space<vmem>>, vector<1x16xf32>,
      %swap3A_648 = vector.shape_cast %swap3A_647 : vector<1x16xf32> to vector<16xf32>
      %swap3A_649 = vector.shape_cast %mul3A_644 : vector<16xf32> to vector<1x16xf32>
      tpu.vector_store %arg14[%swap3A_645, %swap3A_646], %swap3A_649 {strides = array<i32>} : memref<80x128xf32, #tpu.memory_space<vmem>>, vector<1x16xf32>,
      %get3A_650 = arith.index_cast %scan3A_557 : i32 to index
      %get3A_651 = arith.constant 48 : index
      %get3A_652 = tpu.vector_load %arg16[%get3A_650, %get3A_651] {strides = array<i32>} : memref<80x64xi32, #tpu.memory_space<vmem>>, vector<1x16xi32>,
      %get3A_653 = vector.shape_cast %get3A_652 : vector<1x16xi32> to vector<16xi32>
      %shift_left3A_654 = arith.constant 16 : i32
      %shift_left3A_655 = vector.broadcast %shift_left3A_654 : i32 to vector<16xi32>
      %shift_left3A_656 = arith.shli %get3A_653, %shift_left3A_655 : vector<16xi32>
      %bitcast_convert_type3A_657 = tpu.bitcast %shift_left3A_656 : vector<16xi32> -> vector<16xf32>
      %and3A_658 = arith.constant -65536 : i32
      %and3A_659 = vector.broadcast %and3A_658 : i32 to vector<16xi32>
      %and3A_660 = arith.andi %get3A_653, %and3A_659 : vector<16xi32>
      %bitcast_convert_type3A_661 = tpu.bitcast %and3A_660 : vector<16xi32> -> vector<16xf32>
      %get3A_662 = arith.index_cast %scan3A_557 : i32 to index
      %get3A_663 = arith.constant 48 : index
      %get3A_664 = tpu.vector_load %arg14[%get3A_662, %get3A_663] {strides = array<i32>} : memref<80x128xf32, #tpu.memory_space<vmem>>, vector<1x16xf32>,
      %get3A_665 = vector.shape_cast %get3A_664 : vector<1x16xf32> to vector<16xf32>
      %mul3A_666 = arith.mulf %get3A_665, %bitcast_convert_type3A_657 : vector<16xf32>
      %swap3A_667 = arith.index_cast %scan3A_557 : i32 to index
      %swap3A_668 = arith.constant 48 : index
      %swap3A_669 = tpu.vector_load %arg14[%swap3A_667, %swap3A_668] {strides = array<i32>} : memref<80x128xf32, #tpu.memory_space<vmem>>, vector<1x16xf32>,
      %swap3A_670 = vector.shape_cast %swap3A_669 : vector<1x16xf32> to vector<16xf32>
      %swap3A_671 = vector.shape_cast %mul3A_666 : vector<16xf32> to vector<1x16xf32>
      tpu.vector_store %arg14[%swap3A_667, %swap3A_668], %swap3A_671 {strides = array<i32>} : memref<80x128xf32, #tpu.memory_space<vmem>>, vector<1x16xf32>,
      %get3A_672 = arith.index_cast %scan3A_557 : i32 to index
      %get3A_673 = arith.constant 112 : index
      %get3A_674 = tpu.vector_load %arg14[%get3A_672, %get3A_673] {strides = array<i32>} : memref<80x128xf32, #tpu.memory_space<vmem>>, vector<1x16xf32>,
      %get3A_675 = vector.shape_cast %get3A_674 : vector<1x16xf32> to vector<16xf32>
      %mul3A_676 = arith.mulf %get3A_675, %bitcast_convert_type3A_661 : vector<16xf32>
      %swap3A_677 = arith.index_cast %scan3A_557 : i32 to index
      %swap3A_678 = arith.constant 112 : index
      %swap3A_679 = tpu.vector_load %arg14[%swap3A_677, %swap3A_678] {strides = array<i32>} : memref<80x128xf32, #tpu.memory_space<vmem>>, vector<1x16xf32>,
      %swap3A_680 = vector.shape_cast %swap3A_679 : vector<1x16xf32> to vector<16xf32>
      %swap3A_681 = vector.shape_cast %mul3A_676 : vector<16xf32> to vector<1x16xf32>
      tpu.vector_store %arg14[%swap3A_677, %swap3A_678], %swap3A_681 {strides = array<i32>} : memref<80x128xf32, #tpu.memory_space<vmem>>, vector<1x16xf32>,
      %scan3A_682 = arith.constant 0 : i32
      scf.yield %scan3A_682 : i32
    }
    %scan3A_100 = arith.constant 80 : i32
    %dma_start3A_101 = arith.constant 0 : i32
    %dma_start3A_102 = arith.constant 0 : i32
    %dma_start3A_103 = tpu.memref_slice %arg7[%dma_start3A_101, %dma_start3A_102] : memref<10000x128xf32, #tpu.memory_space<vmem_shared>> -> memref<10000x128xf32, #tpu.memory_space<vmem_shared>>
    tpu.enqueue_indirect_dma source(%arg14 : memref<80x128xf32, #tpu.memory_space<vmem>>) target(%dma_start3A_103 : memref<10000x128xf32, #tpu.memory_space<vmem_shared>>) offsets(%arg11 : memref<80xi32, #tpu.memory_space<vmem>>) semaphore(%arg28 : memref<!tpu.dma_semaphore, #tpu.memory_space<semaphore_mem>>) {add = true}
    %add3A_104 = arith.constant 240 : i32
    %add3A_105 = arith.addi %mul3A_28, %add3A_104 : i32
    %dma_start3A_106 = tpu.memref_slice %arg4[%add3A_105] : memref<320000xi32, #tpu.memory_space<hbm>> -> memref<80xi32, #tpu.memory_space<hbm>>
    %dma_start3A_107 = tpu.memref_slice %arg4[%add3A_105] : memref<320000xi32, #tpu.memory_space<hbm>> -> memref<80xi32, #tpu.memory_space<hbm>>
    tpu.enqueue_dma source(%dma_start3A_107 : memref<80xi32, #tpu.memory_space<hbm>>) target(%arg8 : memref<80xi32, #tpu.memory_space<vmem>>) target_semaphore(%arg22 : memref<!tpu.dma_semaphore, #tpu.memory_space<semaphore_mem>>)
    %add3A_108 = arith.constant 240 : i32
    %add3A_109 = arith.addi %mul3A_28, %add3A_108 : i32
    %dma_start3A_110 = tpu.memref_slice %arg5[%add3A_109] : memref<320000xi32, #tpu.memory_space<hbm>> -> memref<80xi32, #tpu.memory_space<hbm>>
    %dma_start3A_111 = tpu.memref_slice %arg5[%add3A_109] : memref<320000xi32, #tpu.memory_space<hbm>> -> memref<80xi32, #tpu.memory_space<hbm>>
    tpu.enqueue_dma source(%dma_start3A_111 : memref<80xi32, #tpu.memory_space<hbm>>) target(%arg11 : memref<80xi32, #tpu.memory_space<vmem>>) target_semaphore(%arg25 : memref<!tpu.dma_semaphore, #tpu.memory_space<semaphore_mem>>)
    %add3A_112 = arith.constant 80 : i32
    %add3A_113 = arith.addi %mul3A_28, %add3A_112 : i32
    %dma_wait3A_114 = arith.constant 0 : i32
    %dma_wait3A_115 = tpu.memref_slice %arg3[%add3A_113, %dma_wait3A_114] : memref<320000x64xi32, #tpu.memory_space<hbm>> -> memref<80x64xi32, #tpu.memory_space<hbm>>
    %dma_wait3A_116 = arith.constant 0 : i32
    %dma_wait3A_117 = tpu.memref_slice %arg3[%add3A_113, %dma_wait3A_116] : memref<320000x64xi32, #tpu.memory_space<hbm>> -> memref<80x64xi32, #tpu.memory_space<hbm>>
    tpu.wait_dma2 semaphore(%arg21 : memref<!tpu.dma_semaphore, #tpu.memory_space<semaphore_mem>>) src(%dma_wait3A_117 : memref<80x64xi32, #tpu.memory_space<hbm>>) dst(%arg17 : memref<80x64xi32, #tpu.memory_space<vmem>>)
    %dma_wait3A_118 = arith.constant 0 : i32
    %dma_wait3A_119 = arith.constant 0 : i32
    %dma_wait3A_120 = tpu.memref_slice %arg2[%dma_wait3A_118, %dma_wait3A_119] : memref<10000x128xf32, #tpu.memory_space<hbm>> -> memref<10000x128xf32, #tpu.memory_space<hbm>>
    tpu.wait_indirect_dma semaphore(%arg19 : memref<!tpu.dma_semaphore, #tpu.memory_space<semaphore_mem>>) src(%dma_wait3A_120 : memref<10000x128xf32, #tpu.memory_space<hbm>>) dst(%arg15 : memref<80x128xf32, #tpu.memory_space<vmem>>)
    %dma_wait3A_121 = arith.constant 0 : i32
    %dma_wait3A_122 = arith.constant 0 : i32
    %dma_wait3A_123 = tpu.memref_slice %arg7[%dma_wait3A_121, %dma_wait3A_122] : memref<10000x128xf32, #tpu.memory_space<vmem_shared>> -> memref<10000x128xf32, #tpu.memory_space<vmem_shared>>
    tpu.wait_indirect_dma semaphore(%arg28 : memref<!tpu.dma_semaphore, #tpu.memory_space<semaphore_mem>>) src(%arg14 : memref<80x128xf32, #tpu.memory_space<vmem>>) dst(%dma_wait3A_123 : memref<10000x128xf32, #tpu.memory_space<vmem_shared>>)
    %add3A_124 = arith.constant 160 : i32
    %add3A_125 = arith.addi %mul3A_28, %add3A_124 : i32
    %dma_wait3A_126 = tpu.memref_slice %arg4[%add3A_125] : memref<320000xi32, #tpu.memory_space<hbm>> -> memref<80xi32, #tpu.memory_space<hbm>>
    %dma_wait3A_127 = tpu.memref_slice %arg4[%add3A_125] : memref<320000xi32, #tpu.memory_space<hbm>> -> memref<80xi32, #tpu.memory_space<hbm>>
    tpu.wait_dma2 semaphore(%arg24 : memref<!tpu.dma_semaphore, #tpu.memory_space<semaphore_mem>>) src(%dma_wait3A_127 : memref<80xi32, #tpu.memory_space<hbm>>) dst(%arg10 : memref<80xi32, #tpu.memory_space<vmem>>)
    %add3A_128 = arith.constant 160 : i32
    %add3A_129 = arith.addi %mul3A_28, %add3A_128 : i32
    %dma_wait3A_130 = tpu.memref_slice %arg5[%add3A_129] : memref<320000xi32, #tpu.memory_space<hbm>> -> memref<80xi32, #tpu.memory_space<hbm>>
    %dma_wait3A_131 = tpu.memref_slice %arg5[%add3A_129] : memref<320000xi32, #tpu.memory_space<hbm>> -> memref<80xi32, #tpu.memory_space<hbm>>
    tpu.wait_dma2 semaphore(%arg27 : memref<!tpu.dma_semaphore, #tpu.memory_space<semaphore_mem>>) src(%dma_wait3A_131 : memref<80xi32, #tpu.memory_space<hbm>>) dst(%arg13 : memref<80xi32, #tpu.memory_space<vmem>>)
    %add3A_132 = arith.constant 160 : i32
    %add3A_133 = arith.addi %mul3A_28, %add3A_132 : i32
    %dma_start3A_134 = arith.constant 0 : i32
    %dma_start3A_135 = tpu.memref_slice %arg3[%add3A_133, %dma_start3A_134] : memref<320000x64xi32, #tpu.memory_space<hbm>> -> memref<80x64xi32, #tpu.memory_space<hbm>>
    %dma_start3A_136 = arith.constant 0 : i32
    %dma_start3A_137 = tpu.memref_slice %arg3[%add3A_133, %dma_start3A_136] : memref<320000x64xi32, #tpu.memory_space<hbm>> -> memref<80x64xi32, #tpu.memory_space<hbm>>
    tpu.enqueue_dma source(%dma_start3A_137 : memref<80x64xi32, #tpu.memory_space<hbm>>) target(%arg16 : memref<80x64xi32, #tpu.memory_space<vmem>>) target_semaphore(%arg20 : memref<!tpu.dma_semaphore, #tpu.memory_space<semaphore_mem>>)
    %dma_start3A_138 = arith.constant 0 : i32
    %dma_start3A_139 = arith.constant 0 : i32
    %dma_start3A_140 = tpu.memref_slice %arg2[%dma_start3A_138, %dma_start3A_139] : memref<10000x128xf32, #tpu.memory_space<hbm>> -> memref<10000x128xf32, #tpu.memory_space<hbm>>
    tpu.enqueue_indirect_dma source(%dma_start3A_140 : memref<10000x128xf32, #tpu.memory_space<hbm>>) target(%arg14 : memref<80x128xf32, #tpu.memory_space<vmem>>) offsets(%arg10 : memref<80xi32, #tpu.memory_space<vmem>>) semaphore(%arg18 : memref<!tpu.dma_semaphore, #tpu.memory_space<semaphore_mem>>)
    %scan3A_141 = arith.constant 0 : i32
    %scan3A_142 = arith.constant 0 : i32
    %scan3A_143 = arith.constant 80 : i32
    %scan3A_144 = arith.addi %scan3A_142, %scan3A_143 : i32
    %scan3A_145 = arith.constant 1 : i32
    %scan3A_146 = scf.for %scan3A_557 = %scan3A_142 to %scan3A_144 step %scan3A_145 iter_args(%scan3A_558 = %scan3A_141) -> (i32)  : i32 {
      %get3A = arith.index_cast %scan3A_557 : i32 to index
      %get3A_559 = arith.constant 0 : index
      %get3A_560 = tpu.vector_load %arg17[%get3A, %get3A_559] {strides = array<i32>} : memref<80x64xi32, #tpu.memory_space<vmem>>, vector<1x16xi32>,
      %get3A_561 = vector.shape_cast %get3A_560 : vector<1x16xi32> to vector<16xi32>
      %shift_left3A = arith.constant 16 : i32
      %shift_left3A_562 = vector.broadcast %shift_left3A : i32 to vector<16xi32>
      %shift_left3A_563 = arith.shli %get3A_561, %shift_left3A_562 : vector<16xi32>
      %bitcast_convert_type3A = tpu.bitcast %shift_left3A_563 : vector<16xi32> -> vector<16xf32>
      %and3A = arith.constant -65536 : i32
      %and3A_564 = vector.broadcast %and3A : i32 to vector<16xi32>
      %and3A_565 = arith.andi %get3A_561, %and3A_564 : vector<16xi32>
      %bitcast_convert_type3A_566 = tpu.bitcast %and3A_565 : vector<16xi32> -> vector<16xf32>
      %get3A_567 = arith.index_cast %scan3A_557 : i32 to index
      %get3A_568 = arith.constant 0 : index
      %get3A_569 = tpu.vector_load %arg15[%get3A_567, %get3A_568] {strides = array<i32>} : memref<80x128xf32, #tpu.memory_space<vmem>>, vector<1x16xf32>,
      %get3A_570 = vector.shape_cast %get3A_569 : vector<1x16xf32> to vector<16xf32>
      %mul3A_571 = arith.mulf %get3A_570, %bitcast_convert_type3A : vector<16xf32>
      %swap3A = arith.index_cast %scan3A_557 : i32 to index
      %swap3A_572 = arith.constant 0 : index
      %swap3A_573 = tpu.vector_load %arg15[%swap3A, %swap3A_572] {strides = array<i32>} : memref<80x128xf32, #tpu.memory_space<vmem>>, vector<1x16xf32>,
      %swap3A_574 = vector.shape_cast %swap3A_573 : vector<1x16xf32> to vector<16xf32>
      %swap3A_575 = vector.shape_cast %mul3A_571 : vector<16xf32> to vector<1x16xf32>
      tpu.vector_store %arg15[%swap3A, %swap3A_572], %swap3A_575 {strides = array<i32>} : memref<80x128xf32, #tpu.memory_space<vmem>>, vector<1x16xf32>,
      %get3A_576 = arith.index_cast %scan3A_557 : i32 to index
      %get3A_577 = arith.constant 64 : index
      %get3A_578 = tpu.vector_load %arg15[%get3A_576, %get3A_577] {strides = array<i32>} : memref<80x128xf32, #tpu.memory_space<vmem>>, vector<1x16xf32>,
      %get3A_579 = vector.shape_cast %get3A_578 : vector<1x16xf32> to vector<16xf32>
      %mul3A_580 = arith.mulf %get3A_579, %bitcast_convert_type3A_566 : vector<16xf32>
      %swap3A_581 = arith.index_cast %scan3A_557 : i32 to index
      %swap3A_582 = arith.constant 64 : index
      %swap3A_583 = tpu.vector_load %arg15[%swap3A_581, %swap3A_582] {strides = array<i32>} : memref<80x128xf32, #tpu.memory_space<vmem>>, vector<1x16xf32>,
      %swap3A_584 = vector.shape_cast %swap3A_583 : vector<1x16xf32> to vector<16xf32>
      %swap3A_585 = vector.shape_cast %mul3A_580 : vector<16xf32> to vector<1x16xf32>
      tpu.vector_store %arg15[%swap3A_581, %swap3A_582], %swap3A_585 {strides = array<i32>} : memref<80x128xf32, #tpu.memory_space<vmem>>, vector<1x16xf32>,
      %get3A_586 = arith.index_cast %scan3A_557 : i32 to index
      %get3A_587 = arith.constant 16 : index
      %get3A_588 = tpu.vector_load %arg17[%get3A_586, %get3A_587] {strides = array<i32>} : memref<80x64xi32, #tpu.memory_space<vmem>>, vector<1x16xi32>,
      %get3A_589 = vector.shape_cast %get3A_588 : vector<1x16xi32> to vector<16xi32>
      %shift_left3A_590 = arith.constant 16 : i32
      %shift_left3A_591 = vector.broadcast %shift_left3A_590 : i32 to vector<16xi32>
      %shift_left3A_592 = arith.shli %get3A_589, %shift_left3A_591 : vector<16xi32>
      %bitcast_convert_type3A_593 = tpu.bitcast %shift_left3A_592 : vector<16xi32> -> vector<16xf32>
      %and3A_594 = arith.constant -65536 : i32
      %and3A_595 = vector.broadcast %and3A_594 : i32 to vector<16xi32>
      %and3A_596 = arith.andi %get3A_589, %and3A_595 : vector<16xi32>
      %bitcast_convert_type3A_597 = tpu.bitcast %and3A_596 : vector<16xi32> -> vector<16xf32>
      %get3A_598 = arith.index_cast %scan3A_557 : i32 to index
      %get3A_599 = arith.constant 16 : index
      %get3A_600 = tpu.vector_load %arg15[%get3A_598, %get3A_599] {strides = array<i32>} : memref<80x128xf32, #tpu.memory_space<vmem>>, vector<1x16xf32>,
      %get3A_601 = vector.shape_cast %get3A_600 : vector<1x16xf32> to vector<16xf32>
      %mul3A_602 = arith.mulf %get3A_601, %bitcast_convert_type3A_593 : vector<16xf32>
      %swap3A_603 = arith.index_cast %scan3A_557 : i32 to index
      %swap3A_604 = arith.constant 16 : index
      %swap3A_605 = tpu.vector_load %arg15[%swap3A_603, %swap3A_604] {strides = array<i32>} : memref<80x128xf32, #tpu.memory_space<vmem>>, vector<1x16xf32>,
      %swap3A_606 = vector.shape_cast %swap3A_605 : vector<1x16xf32> to vector<16xf32>
      %swap3A_607 = vector.shape_cast %mul3A_602 : vector<16xf32> to vector<1x16xf32>
      tpu.vector_store %arg15[%swap3A_603, %swap3A_604], %swap3A_607 {strides = array<i32>} : memref<80x128xf32, #tpu.memory_space<vmem>>, vector<1x16xf32>,
      %get3A_608 = arith.index_cast %scan3A_557 : i32 to index
      %get3A_609 = arith.constant 80 : index
      %get3A_610 = tpu.vector_load %arg15[%get3A_608, %get3A_609] {strides = array<i32>} : memref<80x128xf32, #tpu.memory_space<vmem>>, vector<1x16xf32>,
      %get3A_611 = vector.shape_cast %get3A_610 : vector<1x16xf32> to vector<16xf32>
      %mul3A_612 = arith.mulf %get3A_611, %bitcast_convert_type3A_597 : vector<16xf32>
      %swap3A_613 = arith.index_cast %scan3A_557 : i32 to index
      %swap3A_614 = arith.constant 80 : index
      %swap3A_615 = tpu.vector_load %arg15[%swap3A_613, %swap3A_614] {strides = array<i32>} : memref<80x128xf32, #tpu.memory_space<vmem>>, vector<1x16xf32>,
      %swap3A_616 = vector.shape_cast %swap3A_615 : vector<1x16xf32> to vector<16xf32>
      %swap3A_617 = vector.shape_cast %mul3A_612 : vector<16xf32> to vector<1x16xf32>
      tpu.vector_store %arg15[%swap3A_613, %swap3A_614], %swap3A_617 {strides = array<i32>} : memref<80x128xf32, #tpu.memory_space<vmem>>, vector<1x16xf32>,
      %get3A_618 = arith.index_cast %scan3A_557 : i32 to index
      %get3A_619 = arith.constant 32 : index
      %get3A_620 = tpu.vector_load %arg17[%get3A_618, %get3A_619] {strides = array<i32>} : memref<80x64xi32, #tpu.memory_space<vmem>>, vector<1x16xi32>,
      %get3A_621 = vector.shape_cast %get3A_620 : vector<1x16xi32> to vector<16xi32>
      %shift_left3A_622 = arith.constant 16 : i32
      %shift_left3A_623 = vector.broadcast %shift_left3A_622 : i32 to vector<16xi32>
      %shift_left3A_624 = arith.shli %get3A_621, %shift_left3A_623 : vector<16xi32>
      %bitcast_convert_type3A_625 = tpu.bitcast %shift_left3A_624 : vector<16xi32> -> vector<16xf32>
      %and3A_626 = arith.constant -65536 : i32
      %and3A_627 = vector.broadcast %and3A_626 : i32 to vector<16xi32>
      %and3A_628 = arith.andi %get3A_621, %and3A_627 : vector<16xi32>
      %bitcast_convert_type3A_629 = tpu.bitcast %and3A_628 : vector<16xi32> -> vector<16xf32>
      %get3A_630 = arith.index_cast %scan3A_557 : i32 to index
      %get3A_631 = arith.constant 32 : index
      %get3A_632 = tpu.vector_load %arg15[%get3A_630, %get3A_631] {strides = array<i32>} : memref<80x128xf32, #tpu.memory_space<vmem>>, vector<1x16xf32>,
      %get3A_633 = vector.shape_cast %get3A_632 : vector<1x16xf32> to vector<16xf32>
      %mul3A_634 = arith.mulf %get3A_633, %bitcast_convert_type3A_625 : vector<16xf32>
      %swap3A_635 = arith.index_cast %scan3A_557 : i32 to index
      %swap3A_636 = arith.constant 32 : index
      %swap3A_637 = tpu.vector_load %arg15[%swap3A_635, %swap3A_636] {strides = array<i32>} : memref<80x128xf32, #tpu.memory_space<vmem>>, vector<1x16xf32>,
      %swap3A_638 = vector.shape_cast %swap3A_637 : vector<1x16xf32> to vector<16xf32>
      %swap3A_639 = vector.shape_cast %mul3A_634 : vector<16xf32> to vector<1x16xf32>
      tpu.vector_store %arg15[%swap3A_635, %swap3A_636], %swap3A_639 {strides = array<i32>} : memref<80x128xf32, #tpu.memory_space<vmem>>, vector<1x16xf32>,
      %get3A_640 = arith.index_cast %scan3A_557 : i32 to index
      %get3A_641 = arith.constant 96 : index
      %get3A_642 = tpu.vector_load %arg15[%get3A_640, %get3A_641] {strides = array<i32>} : memref<80x128xf32, #tpu.memory_space<vmem>>, vector<1x16xf32>,
      %get3A_643 = vector.shape_cast %get3A_642 : vector<1x16xf32> to vector<16xf32>
      %mul3A_644 = arith.mulf %get3A_643, %bitcast_convert_type3A_629 : vector<16xf32>
      %swap3A_645 = arith.index_cast %scan3A_557 : i32 to index
      %swap3A_646 = arith.constant 96 : index
      %swap3A_647 = tpu.vector_load %arg15[%swap3A_645, %swap3A_646] {strides = array<i32>} : memref<80x128xf32, #tpu.memory_space<vmem>>, vector<1x16xf32>,
      %swap3A_648 = vector.shape_cast %swap3A_647 : vector<1x16xf32> to vector<16xf32>
      %swap3A_649 = vector.shape_cast %mul3A_644 : vector<16xf32> to vector<1x16xf32>
      tpu.vector_store %arg15[%swap3A_645, %swap3A_646], %swap3A_649 {strides = array<i32>} : memref<80x128xf32, #tpu.memory_space<vmem>>, vector<1x16xf32>,
      %get3A_650 = arith.index_cast %scan3A_557 : i32 to index
      %get3A_651 = arith.constant 48 : index
      %get3A_652 = tpu.vector_load %arg17[%get3A_650, %get3A_651] {strides = array<i32>} : memref<80x64xi32, #tpu.memory_space<vmem>>, vector<1x16xi32>,
      %get3A_653 = vector.shape_cast %get3A_652 : vector<1x16xi32> to vector<16xi32>
      %shift_left3A_654 = arith.constant 16 : i32
      %shift_left3A_655 = vector.broadcast %shift_left3A_654 : i32 to vector<16xi32>
      %shift_left3A_656 = arith.shli %get3A_653, %shift_left3A_655 : vector<16xi32>
      %bitcast_convert_type3A_657 = tpu.bitcast %shift_left3A_656 : vector<16xi32> -> vector<16xf32>
      %and3A_658 = arith.constant -65536 : i32
      %and3A_659 = vector.broadcast %and3A_658 : i32 to vector<16xi32>
      %and3A_660 = arith.andi %get3A_653, %and3A_659 : vector<16xi32>
      %bitcast_convert_type3A_661 = tpu.bitcast %and3A_660 : vector<16xi32> -> vector<16xf32>
      %get3A_662 = arith.index_cast %scan3A_557 : i32 to index
      %get3A_663 = arith.constant 48 : index
      %get3A_664 = tpu.vector_load %arg15[%get3A_662, %get3A_663] {strides = array<i32>} : memref<80x128xf32, #tpu.memory_space<vmem>>, vector<1x16xf32>,
      %get3A_665 = vector.shape_cast %get3A_664 : vector<1x16xf32> to vector<16xf32>
      %mul3A_666 = arith.mulf %get3A_665, %bitcast_convert_type3A_657 : vector<16xf32>
      %swap3A_667 = arith.index_cast %scan3A_557 : i32 to index
      %swap3A_668 = arith.constant 48 : index
      %swap3A_669 = tpu.vector_load %arg15[%swap3A_667, %swap3A_668] {strides = array<i32>} : memref<80x128xf32, #tpu.memory_space<vmem>>, vector<1x16xf32>,
      %swap3A_670 = vector.shape_cast %swap3A_669 : vector<1x16xf32> to vector<16xf32>
      %swap3A_671 = vector.shape_cast %mul3A_666 : vector<16xf32> to vector<1x16xf32>
      tpu.vector_store %arg15[%swap3A_667, %swap3A_668], %swap3A_671 {strides = array<i32>} : memref<80x128xf32, #tpu.memory_space<vmem>>, vector<1x16xf32>,
      %get3A_672 = arith.index_cast %scan3A_557 : i32 to index
      %get3A_673 = arith.constant 112 : index
      %get3A_674 = tpu.vector_load %arg15[%get3A_672, %get3A_673] {strides = array<i32>} : memref<80x128xf32, #tpu.memory_space<vmem>>, vector<1x16xf32>,
      %get3A_675 = vector.shape_cast %get3A_674 : vector<1x16xf32> to vector<16xf32>
      %mul3A_676 = arith.mulf %get3A_675, %bitcast_convert_type3A_661 : vector<16xf32>
      %swap3A_677 = arith.index_cast %scan3A_557 : i32 to index
      %swap3A_678 = arith.constant 112 : index
      %swap3A_679 = tpu.vector_load %arg15[%swap3A_677, %swap3A_678] {strides = array<i32>} : memref<80x128xf32, #tpu.memory_space<vmem>>, vector<1x16xf32>,
      %swap3A_680 = vector.shape_cast %swap3A_679 : vector<1x16xf32> to vector<16xf32>
      %swap3A_681 = vector.shape_cast %mul3A_676 : vector<16xf32> to vector<1x16xf32>
      tpu.vector_store %arg15[%swap3A_677, %swap3A_678], %swap3A_681 {strides = array<i32>} : memref<80x128xf32, #tpu.memory_space<vmem>>, vector<1x16xf32>,
      %scan3A_682 = arith.constant 0 : i32
      scf.yield %scan3A_682 : i32
    }
    %scan3A_147 = arith.constant 80 : i32
    %dma_start3A_148 = arith.constant 0 : i32
    %dma_start3A_149 = arith.constant 0 : i32
    %dma_start3A_150 = tpu.memref_slice %arg7[%dma_start3A_148, %dma_start3A_149] : memref<10000x128xf32, #tpu.memory_space<vmem_shared>> -> memref<10000x128xf32, #tpu.memory_space<vmem_shared>>
    tpu.enqueue_indirect_dma source(%arg15 : memref<80x128xf32, #tpu.memory_space<vmem>>) target(%dma_start3A_150 : memref<10000x128xf32, #tpu.memory_space<vmem_shared>>) offsets(%arg12 : memref<80xi32, #tpu.memory_space<vmem>>) semaphore(%arg29 : memref<!tpu.dma_semaphore, #tpu.memory_space<semaphore_mem>>) {add = true}
    %add3A_151 = arith.constant 320 : i32
    %add3A_152 = arith.addi %mul3A_28, %add3A_151 : i32
    %dma_start3A_153 = tpu.memref_slice %arg4[%add3A_152] : memref<320000xi32, #tpu.memory_space<hbm>> -> memref<80xi32, #tpu.memory_space<hbm>>
    %dma_start3A_154 = tpu.memref_slice %arg4[%add3A_152] : memref<320000xi32, #tpu.memory_space<hbm>> -> memref<80xi32, #tpu.memory_space<hbm>>
    tpu.enqueue_dma source(%dma_start3A_154 : memref<80xi32, #tpu.memory_space<hbm>>) target(%arg9 : memref<80xi32, #tpu.memory_space<vmem>>) target_semaphore(%arg23 : memref<!tpu.dma_semaphore, #tpu.memory_space<semaphore_mem>>)
    %add3A_155 = arith.constant 320 : i32
    %add3A_156 = arith.addi %mul3A_28, %add3A_155 : i32
    %dma_start3A_157 = tpu.memref_slice %arg5[%add3A_156] : memref<320000xi32, #tpu.memory_space<hbm>> -> memref<80xi32, #tpu.memory_space<hbm>>
    %dma_start3A_158 = tpu.memref_slice %arg5[%add3A_156] : memref<320000xi32, #tpu.memory_space<hbm>> -> memref<80xi32, #tpu.memory_space<hbm>>
    tpu.enqueue_dma source(%dma_start3A_158 : memref<80xi32, #tpu.memory_space<hbm>>) target(%arg12 : memref<80xi32, #tpu.memory_space<vmem>>) target_semaphore(%arg26 : memref<!tpu.dma_semaphore, #tpu.memory_space<semaphore_mem>>)
    %add3A_159 = arith.constant 160 : i32
    %add3A_160 = arith.addi %mul3A_28, %add3A_159 : i32
    %dma_wait3A_161 = arith.constant 0 : i32
    %dma_wait3A_162 = tpu.memref_slice %arg3[%add3A_160, %dma_wait3A_161] : memref<320000x64xi32, #tpu.memory_space<hbm>> -> memref<80x64xi32, #tpu.memory_space<hbm>>
    %dma_wait3A_163 = arith.constant 0 : i32
    %dma_wait3A_164 = tpu.memref_slice %arg3[%add3A_160, %dma_wait3A_163] : memref<320000x64xi32, #tpu.memory_space<hbm>> -> memref<80x64xi32, #tpu.memory_space<hbm>>
    tpu.wait_dma2 semaphore(%arg20 : memref<!tpu.dma_semaphore, #tpu.memory_space<semaphore_mem>>) src(%dma_wait3A_164 : memref<80x64xi32, #tpu.memory_space<hbm>>) dst(%arg16 : memref<80x64xi32, #tpu.memory_space<vmem>>)
    %dma_wait3A_165 = arith.constant 0 : i32
    %dma_wait3A_166 = arith.constant 0 : i32
    %dma_wait3A_167 = tpu.memref_slice %arg2[%dma_wait3A_165, %dma_wait3A_166] : memref<10000x128xf32, #tpu.memory_space<hbm>> -> memref<10000x128xf32, #tpu.memory_space<hbm>>
    tpu.wait_indirect_dma semaphore(%arg18 : memref<!tpu.dma_semaphore, #tpu.memory_space<semaphore_mem>>) src(%dma_wait3A_167 : memref<10000x128xf32, #tpu.memory_space<hbm>>) dst(%arg14 : memref<80x128xf32, #tpu.memory_space<vmem>>)
    %dma_wait3A_168 = arith.constant 0 : i32
    %dma_wait3A_169 = arith.constant 0 : i32
    %dma_wait3A_170 = tpu.memref_slice %arg7[%dma_wait3A_168, %dma_wait3A_169] : memref<10000x128xf32, #tpu.memory_space<vmem_shared>> -> memref<10000x128xf32, #tpu.memory_space<vmem_shared>>
    tpu.wait_indirect_dma semaphore(%arg29 : memref<!tpu.dma_semaphore, #tpu.memory_space<semaphore_mem>>) src(%arg15 : memref<80x128xf32, #tpu.memory_space<vmem>>) dst(%dma_wait3A_170 : memref<10000x128xf32, #tpu.memory_space<vmem_shared>>)
    %add3A_171 = arith.constant 240 : i32
    %add3A_172 = arith.addi %mul3A_28, %add3A_171 : i32
    %dma_wait3A_173 = tpu.memref_slice %arg4[%add3A_172] : memref<320000xi32, #tpu.memory_space<hbm>> -> memref<80xi32, #tpu.memory_space<hbm>>
    %dma_wait3A_174 = tpu.memref_slice %arg4[%add3A_172] : memref<320000xi32, #tpu.memory_space<hbm>> -> memref<80xi32, #tpu.memory_space<hbm>>
    tpu.wait_dma2 semaphore(%arg22 : memref<!tpu.dma_semaphore, #tpu.memory_space<semaphore_mem>>) src(%dma_wait3A_174 : memref<80xi32, #tpu.memory_space<hbm>>) dst(%arg8 : memref<80xi32, #tpu.memory_space<vmem>>)
    %add3A_175 = arith.constant 240 : i32
    %add3A_176 = arith.addi %mul3A_28, %add3A_175 : i32
    %dma_wait3A_177 = tpu.memref_slice %arg5[%add3A_176] : memref<320000xi32, #tpu.memory_space<hbm>> -> memref<80xi32, #tpu.memory_space<hbm>>
    %dma_wait3A_178 = tpu.memref_slice %arg5[%add3A_176] : memref<320000xi32, #tpu.memory_space<hbm>> -> memref<80xi32, #tpu.memory_space<hbm>>
    tpu.wait_dma2 semaphore(%arg25 : memref<!tpu.dma_semaphore, #tpu.memory_space<semaphore_mem>>) src(%dma_wait3A_178 : memref<80xi32, #tpu.memory_space<hbm>>) dst(%arg11 : memref<80xi32, #tpu.memory_space<vmem>>)
    %add3A_179 = arith.constant 240 : i32
    %add3A_180 = arith.addi %mul3A_28, %add3A_179 : i32
    %dma_start3A_181 = arith.constant 0 : i32
    %dma_start3A_182 = tpu.memref_slice %arg3[%add3A_180, %dma_start3A_181] : memref<320000x64xi32, #tpu.memory_space<hbm>> -> memref<80x64xi32, #tpu.memory_space<hbm>>
    %dma_start3A_183 = arith.constant 0 : i32
    %dma_start3A_184 = tpu.memref_slice %arg3[%add3A_180, %dma_start3A_183] : memref<320000x64xi32, #tpu.memory_space<hbm>> -> memref<80x64xi32, #tpu.memory_space<hbm>>
    tpu.enqueue_dma source(%dma_start3A_184 : memref<80x64xi32, #tpu.memory_space<hbm>>) target(%arg17 : memref<80x64xi32, #tpu.memory_space<vmem>>) target_semaphore(%arg21 : memref<!tpu.dma_semaphore, #tpu.memory_space<semaphore_mem>>)
    %dma_start3A_185 = arith.constant 0 : i32
    %dma_start3A_186 = arith.constant 0 : i32
    %dma_start3A_187 = tpu.memref_slice %arg2[%dma_start3A_185, %dma_start3A_186] : memref<10000x128xf32, #tpu.memory_space<hbm>> -> memref<10000x128xf32, #tpu.memory_space<hbm>>
    tpu.enqueue_indirect_dma source(%dma_start3A_187 : memref<10000x128xf32, #tpu.memory_space<hbm>>) target(%arg15 : memref<80x128xf32, #tpu.memory_space<vmem>>) offsets(%arg8 : memref<80xi32, #tpu.memory_space<vmem>>) semaphore(%arg19 : memref<!tpu.dma_semaphore, #tpu.memory_space<semaphore_mem>>)
    %scan3A_188 = arith.constant 0 : i32
    %scan3A_189 = arith.constant 0 : i32
    %scan3A_190 = arith.constant 80 : i32
    %scan3A_191 = arith.addi %scan3A_189, %scan3A_190 : i32
    %scan3A_192 = arith.constant 1 : i32
    %scan3A_193 = scf.for %scan3A_557 = %scan3A_189 to %scan3A_191 step %scan3A_192 iter_args(%scan3A_558 = %scan3A_188) -> (i32)  : i32 {
      %get3A = arith.index_cast %scan3A_557 : i32 to index
      %get3A_559 = arith.constant 0 : index
      %get3A_560 = tpu.vector_load %arg16[%get3A, %get3A_559] {strides = array<i32>} : memref<80x64xi32, #tpu.memory_space<vmem>>, vector<1x16xi32>,
      %get3A_561 = vector.shape_cast %get3A_560 : vector<1x16xi32> to vector<16xi32>
      %shift_left3A = arith.constant 16 : i32
      %shift_left3A_562 = vector.broadcast %shift_left3A : i32 to vector<16xi32>
      %shift_left3A_563 = arith.shli %get3A_561, %shift_left3A_562 : vector<16xi32>
      %bitcast_convert_type3A = tpu.bitcast %shift_left3A_563 : vector<16xi32> -> vector<16xf32>
      %and3A = arith.constant -65536 : i32
      %and3A_564 = vector.broadcast %and3A : i32 to vector<16xi32>
      %and3A_565 = arith.andi %get3A_561, %and3A_564 : vector<16xi32>
      %bitcast_convert_type3A_566 = tpu.bitcast %and3A_565 : vector<16xi32> -> vector<16xf32>
      %get3A_567 = arith.index_cast %scan3A_557 : i32 to index
      %get3A_568 = arith.constant 0 : index
      %get3A_569 = tpu.vector_load %arg14[%get3A_567, %get3A_568] {strides = array<i32>} : memref<80x128xf32, #tpu.memory_space<vmem>>, vector<1x16xf32>,
      %get3A_570 = vector.shape_cast %get3A_569 : vector<1x16xf32> to vector<16xf32>
      %mul3A_571 = arith.mulf %get3A_570, %bitcast_convert_type3A : vector<16xf32>
      %swap3A = arith.index_cast %scan3A_557 : i32 to index
      %swap3A_572 = arith.constant 0 : index
      %swap3A_573 = tpu.vector_load %arg14[%swap3A, %swap3A_572] {strides = array<i32>} : memref<80x128xf32, #tpu.memory_space<vmem>>, vector<1x16xf32>,
      %swap3A_574 = vector.shape_cast %swap3A_573 : vector<1x16xf32> to vector<16xf32>
      %swap3A_575 = vector.shape_cast %mul3A_571 : vector<16xf32> to vector<1x16xf32>
      tpu.vector_store %arg14[%swap3A, %swap3A_572], %swap3A_575 {strides = array<i32>} : memref<80x128xf32, #tpu.memory_space<vmem>>, vector<1x16xf32>,
      %get3A_576 = arith.index_cast %scan3A_557 : i32 to index
      %get3A_577 = arith.constant 64 : index
      %get3A_578 = tpu.vector_load %arg14[%get3A_576, %get3A_577] {strides = array<i32>} : memref<80x128xf32, #tpu.memory_space<vmem>>, vector<1x16xf32>,
      %get3A_579 = vector.shape_cast %get3A_578 : vector<1x16xf32> to vector<16xf32>
      %mul3A_580 = arith.mulf %get3A_579, %bitcast_convert_type3A_566 : vector<16xf32>
      %swap3A_581 = arith.index_cast %scan3A_557 : i32 to index
      %swap3A_582 = arith.constant 64 : index
      %swap3A_583 = tpu.vector_load %arg14[%swap3A_581, %swap3A_582] {strides = array<i32>} : memref<80x128xf32, #tpu.memory_space<vmem>>, vector<1x16xf32>,
      %swap3A_584 = vector.shape_cast %swap3A_583 : vector<1x16xf32> to vector<16xf32>
      %swap3A_585 = vector.shape_cast %mul3A_580 : vector<16xf32> to vector<1x16xf32>
      tpu.vector_store %arg14[%swap3A_581, %swap3A_582], %swap3A_585 {strides = array<i32>} : memref<80x128xf32, #tpu.memory_space<vmem>>, vector<1x16xf32>,
      %get3A_586 = arith.index_cast %scan3A_557 : i32 to index
      %get3A_587 = arith.constant 16 : index
      %get3A_588 = tpu.vector_load %arg16[%get3A_586, %get3A_587] {strides = array<i32>} : memref<80x64xi32, #tpu.memory_space<vmem>>, vector<1x16xi32>,
      %get3A_589 = vector.shape_cast %get3A_588 : vector<1x16xi32> to vector<16xi32>
      %shift_left3A_590 = arith.constant 16 : i32
      %shift_left3A_591 = vector.broadcast %shift_left3A_590 : i32 to vector<16xi32>
      %shift_left3A_592 = arith.shli %get3A_589, %shift_left3A_591 : vector<16xi32>
      %bitcast_convert_type3A_593 = tpu.bitcast %shift_left3A_592 : vector<16xi32> -> vector<16xf32>
      %and3A_594 = arith.constant -65536 : i32
      %and3A_595 = vector.broadcast %and3A_594 : i32 to vector<16xi32>
      %and3A_596 = arith.andi %get3A_589, %and3A_595 : vector<16xi32>
      %bitcast_convert_type3A_597 = tpu.bitcast %and3A_596 : vector<16xi32> -> vector<16xf32>
      %get3A_598 = arith.index_cast %scan3A_557 : i32 to index
      %get3A_599 = arith.constant 16 : index
      %get3A_600 = tpu.vector_load %arg14[%get3A_598, %get3A_599] {strides = array<i32>} : memref<80x128xf32, #tpu.memory_space<vmem>>, vector<1x16xf32>,
      %get3A_601 = vector.shape_cast %get3A_600 : vector<1x16xf32> to vector<16xf32>
      %mul3A_602 = arith.mulf %get3A_601, %bitcast_convert_type3A_593 : vector<16xf32>
      %swap3A_603 = arith.index_cast %scan3A_557 : i32 to index
      %swap3A_604 = arith.constant 16 : index
      %swap3A_605 = tpu.vector_load %arg14[%swap3A_603, %swap3A_604] {strides = array<i32>} : memref<80x128xf32, #tpu.memory_space<vmem>>, vector<1x16xf32>,
      %swap3A_606 = vector.shape_cast %swap3A_605 : vector<1x16xf32> to vector<16xf32>
      %swap3A_607 = vector.shape_cast %mul3A_602 : vector<16xf32> to vector<1x16xf32>
      tpu.vector_store %arg14[%swap3A_603, %swap3A_604], %swap3A_607 {strides = array<i32>} : memref<80x128xf32, #tpu.memory_space<vmem>>, vector<1x16xf32>,
      %get3A_608 = arith.index_cast %scan3A_557 : i32 to index
      %get3A_609 = arith.constant 80 : index
      %get3A_610 = tpu.vector_load %arg14[%get3A_608, %get3A_609] {strides = array<i32>} : memref<80x128xf32, #tpu.memory_space<vmem>>, vector<1x16xf32>,
      %get3A_611 = vector.shape_cast %get3A_610 : vector<1x16xf32> to vector<16xf32>
      %mul3A_612 = arith.mulf %get3A_611, %bitcast_convert_type3A_597 : vector<16xf32>
      %swap3A_613 = arith.index_cast %scan3A_557 : i32 to index
      %swap3A_614 = arith.constant 80 : index
      %swap3A_615 = tpu.vector_load %arg14[%swap3A_613, %swap3A_614] {strides = array<i32>} : memref<80x128xf32, #tpu.memory_space<vmem>>, vector<1x16xf32>,
      %swap3A_616 = vector.shape_cast %swap3A_615 : vector<1x16xf32> to vector<16xf32>
      %swap3A_617 = vector.shape_cast %mul3A_612 : vector<16xf32> to vector<1x16xf32>
      tpu.vector_store %arg14[%swap3A_613, %swap3A_614], %swap3A_617 {strides = array<i32>} : memref<80x128xf32, #tpu.memory_space<vmem>>, vector<1x16xf32>,
      %get3A_618 = arith.index_cast %scan3A_557 : i32 to index
      %get3A_619 = arith.constant 32 : index
      %get3A_620 = tpu.vector_load %arg16[%get3A_618, %get3A_619] {strides = array<i32>} : memref<80x64xi32, #tpu.memory_space<vmem>>, vector<1x16xi32>,
      %get3A_621 = vector.shape_cast %get3A_620 : vector<1x16xi32> to vector<16xi32>
      %shift_left3A_622 = arith.constant 16 : i32
      %shift_left3A_623 = vector.broadcast %shift_left3A_622 : i32 to vector<16xi32>
      %shift_left3A_624 = arith.shli %get3A_621, %shift_left3A_623 : vector<16xi32>
      %bitcast_convert_type3A_625 = tpu.bitcast %shift_left3A_624 : vector<16xi32> -> vector<16xf32>
      %and3A_626 = arith.constant -65536 : i32
      %and3A_627 = vector.broadcast %and3A_626 : i32 to vector<16xi32>
      %and3A_628 = arith.andi %get3A_621, %and3A_627 : vector<16xi32>
      %bitcast_convert_type3A_629 = tpu.bitcast %and3A_628 : vector<16xi32> -> vector<16xf32>
      %get3A_630 = arith.index_cast %scan3A_557 : i32 to index
      %get3A_631 = arith.constant 32 : index
      %get3A_632 = tpu.vector_load %arg14[%get3A_630, %get3A_631] {strides = array<i32>} : memref<80x128xf32, #tpu.memory_space<vmem>>, vector<1x16xf32>,
      %get3A_633 = vector.shape_cast %get3A_632 : vector<1x16xf32> to vector<16xf32>
      %mul3A_634 = arith.mulf %get3A_633, %bitcast_convert_type3A_625 : vector<16xf32>
      %swap3A_635 = arith.index_cast %scan3A_557 : i32 to index
      %swap3A_636 = arith.constant 32 : index
      %swap3A_637 = tpu.vector_load %arg14[%swap3A_635, %swap3A_636] {strides = array<i32>} : memref<80x128xf32, #tpu.memory_space<vmem>>, vector<1x16xf32>,
      %swap3A_638 = vector.shape_cast %swap3A_637 : vector<1x16xf32> to vector<16xf32>
      %swap3A_639 = vector.shape_cast %mul3A_634 : vector<16xf32> to vector<1x16xf32>
      tpu.vector_store %arg14[%swap3A_635, %swap3A_636], %swap3A_639 {strides = array<i32>} : memref<80x128xf32, #tpu.memory_space<vmem>>, vector<1x16xf32>,
      %get3A_640 = arith.index_cast %scan3A_557 : i32 to index
      %get3A_641 = arith.constant 96 : index
      %get3A_642 = tpu.vector_load %arg14[%get3A_640, %get3A_641] {strides = array<i32>} : memref<80x128xf32, #tpu.memory_space<vmem>>, vector<1x16xf32>,
      %get3A_643 = vector.shape_cast %get3A_642 : vector<1x16xf32> to vector<16xf32>
      %mul3A_644 = arith.mulf %get3A_643, %bitcast_convert_type3A_629 : vector<16xf32>
      %swap3A_645 = arith.index_cast %scan3A_557 : i32 to index
      %swap3A_646 = arith.constant 96 : index
      %swap3A_647 = tpu.vector_load %arg14[%swap3A_645, %swap3A_646] {strides = array<i32>} : memref<80x128xf32, #tpu.memory_space<vmem>>, vector<1x16xf32>,
      %swap3A_648 = vector.shape_cast %swap3A_647 : vector<1x16xf32> to vector<16xf32>
      %swap3A_649 = vector.shape_cast %mul3A_644 : vector<16xf32> to vector<1x16xf32>
      tpu.vector_store %arg14[%swap3A_645, %swap3A_646], %swap3A_649 {strides = array<i32>} : memref<80x128xf32, #tpu.memory_space<vmem>>, vector<1x16xf32>,
      %get3A_650 = arith.index_cast %scan3A_557 : i32 to index
      %get3A_651 = arith.constant 48 : index
      %get3A_652 = tpu.vector_load %arg16[%get3A_650, %get3A_651] {strides = array<i32>} : memref<80x64xi32, #tpu.memory_space<vmem>>, vector<1x16xi32>,
      %get3A_653 = vector.shape_cast %get3A_652 : vector<1x16xi32> to vector<16xi32>
      %shift_left3A_654 = arith.constant 16 : i32
      %shift_left3A_655 = vector.broadcast %shift_left3A_654 : i32 to vector<16xi32>
      %shift_left3A_656 = arith.shli %get3A_653, %shift_left3A_655 : vector<16xi32>
      %bitcast_convert_type3A_657 = tpu.bitcast %shift_left3A_656 : vector<16xi32> -> vector<16xf32>
      %and3A_658 = arith.constant -65536 : i32
      %and3A_659 = vector.broadcast %and3A_658 : i32 to vector<16xi32>
      %and3A_660 = arith.andi %get3A_653, %and3A_659 : vector<16xi32>
      %bitcast_convert_type3A_661 = tpu.bitcast %and3A_660 : vector<16xi32> -> vector<16xf32>
      %get3A_662 = arith.index_cast %scan3A_557 : i32 to index
      %get3A_663 = arith.constant 48 : index
      %get3A_664 = tpu.vector_load %arg14[%get3A_662, %get3A_663] {strides = array<i32>} : memref<80x128xf32, #tpu.memory_space<vmem>>, vector<1x16xf32>,
      %get3A_665 = vector.shape_cast %get3A_664 : vector<1x16xf32> to vector<16xf32>
      %mul3A_666 = arith.mulf %get3A_665, %bitcast_convert_type3A_657 : vector<16xf32>
      %swap3A_667 = arith.index_cast %scan3A_557 : i32 to index
      %swap3A_668 = arith.constant 48 : index
      %swap3A_669 = tpu.vector_load %arg14[%swap3A_667, %swap3A_668] {strides = array<i32>} : memref<80x128xf32, #tpu.memory_space<vmem>>, vector<1x16xf32>,
      %swap3A_670 = vector.shape_cast %swap3A_669 : vector<1x16xf32> to vector<16xf32>
      %swap3A_671 = vector.shape_cast %mul3A_666 : vector<16xf32> to vector<1x16xf32>
      tpu.vector_store %arg14[%swap3A_667, %swap3A_668], %swap3A_671 {strides = array<i32>} : memref<80x128xf32, #tpu.memory_space<vmem>>, vector<1x16xf32>,
      %get3A_672 = arith.index_cast %scan3A_557 : i32 to index
      %get3A_673 = arith.constant 112 : index
      %get3A_674 = tpu.vector_load %arg14[%get3A_672, %get3A_673] {strides = array<i32>} : memref<80x128xf32, #tpu.memory_space<vmem>>, vector<1x16xf32>,
      %get3A_675 = vector.shape_cast %get3A_674 : vector<1x16xf32> to vector<16xf32>
      %mul3A_676 = arith.mulf %get3A_675, %bitcast_convert_type3A_661 : vector<16xf32>
      %swap3A_677 = arith.index_cast %scan3A_557 : i32 to index
      %swap3A_678 = arith.constant 112 : index
      %swap3A_679 = tpu.vector_load %arg14[%swap3A_677, %swap3A_678] {strides = array<i32>} : memref<80x128xf32, #tpu.memory_space<vmem>>, vector<1x16xf32>,
      %swap3A_680 = vector.shape_cast %swap3A_679 : vector<1x16xf32> to vector<16xf32>
      %swap3A_681 = vector.shape_cast %mul3A_676 : vector<16xf32> to vector<1x16xf32>
      tpu.vector_store %arg14[%swap3A_677, %swap3A_678], %swap3A_681 {strides = array<i32>} : memref<80x128xf32, #tpu.memory_space<vmem>>, vector<1x16xf32>,
      %scan3A_682 = arith.constant 0 : i32
      scf.yield %scan3A_682 : i32
    }
    %scan3A_194 = arith.constant 80 : i32
    %dma_start3A_195 = arith.constant 0 : i32
    %dma_start3A_196 = arith.constant 0 : i32
    %dma_start3A_197 = tpu.memref_slice %arg7[%dma_start3A_195, %dma_start3A_196] : memref<10000x128xf32, #tpu.memory_space<vmem_shared>> -> memref<10000x128xf32, #tpu.memory_space<vmem_shared>>
    tpu.enqueue_indirect_dma source(%arg14 : memref<80x128xf32, #tpu.memory_space<vmem>>) target(%dma_start3A_197 : memref<10000x128xf32, #tpu.memory_space<vmem_shared>>) offsets(%arg13 : memref<80xi32, #tpu.memory_space<vmem>>) semaphore(%arg28 : memref<!tpu.dma_semaphore, #tpu.memory_space<semaphore_mem>>) {add = true}
    %add3A_198 = arith.constant 400 : i32
    %add3A_199 = arith.addi %mul3A_28, %add3A_198 : i32
    %dma_start3A_200 = tpu.memref_slice %arg4[%add3A_199] : memref<320000xi32, #tpu.memory_space<hbm>> -> memref<80xi32, #tpu.memory_space<hbm>>
    %dma_start3A_201 = tpu.memref_slice %arg4[%add3A_199] : memref<320000xi32, #tpu.memory_space<hbm>> -> memref<80xi32, #tpu.memory_space<hbm>>
    tpu.enqueue_dma source(%dma_start3A_201 : memref<80xi32, #tpu.memory_space<hbm>>) target(%arg10 : memref<80xi32, #tpu.memory_space<vmem>>) target_semaphore(%arg24 : memref<!tpu.dma_semaphore, #tpu.memory_space<semaphore_mem>>)
    %add3A_202 = arith.constant 400 : i32
    %add3A_203 = arith.addi %mul3A_28, %add3A_202 : i32
    %dma_start3A_204 = tpu.memref_slice %arg5[%add3A_203] : memref<320000xi32, #tpu.memory_space<hbm>> -> memref<80xi32, #tpu.memory_space<hbm>>
    %dma_start3A_205 = tpu.memref_slice %arg5[%add3A_203] : memref<320000xi32, #tpu.memory_space<hbm>> -> memref<80xi32, #tpu.memory_space<hbm>>
    tpu.enqueue_dma source(%dma_start3A_205 : memref<80xi32, #tpu.memory_space<hbm>>) target(%arg13 : memref<80xi32, #tpu.memory_space<vmem>>) target_semaphore(%arg27 : memref<!tpu.dma_semaphore, #tpu.memory_space<semaphore_mem>>)
    %add3A_206 = arith.constant 240 : i32
    %add3A_207 = arith.addi %mul3A_28, %add3A_206 : i32
    %dma_wait3A_208 = arith.constant 0 : i32
    %dma_wait3A_209 = tpu.memref_slice %arg3[%add3A_207, %dma_wait3A_208] : memref<320000x64xi32, #tpu.memory_space<hbm>> -> memref<80x64xi32, #tpu.memory_space<hbm>>
    %dma_wait3A_210 = arith.constant 0 : i32
    %dma_wait3A_211 = tpu.memref_slice %arg3[%add3A_207, %dma_wait3A_210] : memref<320000x64xi32, #tpu.memory_space<hbm>> -> memref<80x64xi32, #tpu.memory_space<hbm>>
    tpu.wait_dma2 semaphore(%arg21 : memref<!tpu.dma_semaphore, #tpu.memory_space<semaphore_mem>>) src(%dma_wait3A_211 : memref<80x64xi32, #tpu.memory_space<hbm>>) dst(%arg17 : memref<80x64xi32, #tpu.memory_space<vmem>>)
    %dma_wait3A_212 = arith.constant 0 : i32
    %dma_wait3A_213 = arith.constant 0 : i32
    %dma_wait3A_214 = tpu.memref_slice %arg2[%dma_wait3A_212, %dma_wait3A_213] : memref<10000x128xf32, #tpu.memory_space<hbm>> -> memref<10000x128xf32, #tpu.memory_space<hbm>>
    tpu.wait_indirect_dma semaphore(%arg19 : memref<!tpu.dma_semaphore, #tpu.memory_space<semaphore_mem>>) src(%dma_wait3A_214 : memref<10000x128xf32, #tpu.memory_space<hbm>>) dst(%arg15 : memref<80x128xf32, #tpu.memory_space<vmem>>)
    %dma_wait3A_215 = arith.constant 0 : i32
    %dma_wait3A_216 = arith.constant 0 : i32
    %dma_wait3A_217 = tpu.memref_slice %arg7[%dma_wait3A_215, %dma_wait3A_216] : memref<10000x128xf32, #tpu.memory_space<vmem_shared>> -> memref<10000x128xf32, #tpu.memory_space<vmem_shared>>
    tpu.wait_indirect_dma semaphore(%arg28 : memref<!tpu.dma_semaphore, #tpu.memory_space<semaphore_mem>>) src(%arg14 : memref<80x128xf32, #tpu.memory_space<vmem>>) dst(%dma_wait3A_217 : memref<10000x128xf32, #tpu.memory_space<vmem_shared>>)
    %add3A_218 = arith.constant 320 : i32
    %add3A_219 = arith.addi %mul3A_28, %add3A_218 : i32
    %dma_wait3A_220 = tpu.memref_slice %arg4[%add3A_219] : memref<320000xi32, #tpu.memory_space<hbm>> -> memref<80xi32, #tpu.memory_space<hbm>>
    %dma_wait3A_221 = tpu.memref_slice %arg4[%add3A_219] : memref<320000xi32, #tpu.memory_space<hbm>> -> memref<80xi32, #tpu.memory_space<hbm>>
    tpu.wait_dma2 semaphore(%arg23 : memref<!tpu.dma_semaphore, #tpu.memory_space<semaphore_mem>>) src(%dma_wait3A_221 : memref<80xi32, #tpu.memory_space<hbm>>) dst(%arg9 : memref<80xi32, #tpu.memory_space<vmem>>)
    %add3A_222 = arith.constant 320 : i32
    %add3A_223 = arith.addi %mul3A_28, %add3A_222 : i32
    %dma_wait3A_224 = tpu.memref_slice %arg5[%add3A_223] : memref<320000xi32, #tpu.memory_space<hbm>> -> memref<80xi32, #tpu.memory_space<hbm>>
    %dma_wait3A_225 = tpu.memref_slice %arg5[%add3A_223] : memref<320000xi32, #tpu.memory_space<hbm>> -> memref<80xi32, #tpu.memory_space<hbm>>
    tpu.wait_dma2 semaphore(%arg26 : memref<!tpu.dma_semaphore, #tpu.memory_space<semaphore_mem>>) src(%dma_wait3A_225 : memref<80xi32, #tpu.memory_space<hbm>>) dst(%arg12 : memref<80xi32, #tpu.memory_space<vmem>>)
    %add3A_226 = arith.constant 320 : i32
    %add3A_227 = arith.addi %mul3A_28, %add3A_226 : i32
    %dma_start3A_228 = arith.constant 0 : i32
    %dma_start3A_229 = tpu.memref_slice %arg3[%add3A_227, %dma_start3A_228] : memref<320000x64xi32, #tpu.memory_space<hbm>> -> memref<80x64xi32, #tpu.memory_space<hbm>>
    %dma_start3A_230 = arith.constant 0 : i32
    %dma_start3A_231 = tpu.memref_slice %arg3[%add3A_227, %dma_start3A_230] : memref<320000x64xi32, #tpu.memory_space<hbm>> -> memref<80x64xi32, #tpu.memory_space<hbm>>
    tpu.enqueue_dma source(%dma_start3A_231 : memref<80x64xi32, #tpu.memory_space<hbm>>) target(%arg16 : memref<80x64xi32, #tpu.memory_space<vmem>>) target_semaphore(%arg20 : memref<!tpu.dma_semaphore, #tpu.memory_space<semaphore_mem>>)
    %dma_start3A_232 = arith.constant 0 : i32
    %dma_start3A_233 = arith.constant 0 : i32
    %dma_start3A_234 = tpu.memref_slice %arg2[%dma_start3A_232, %dma_start3A_233] : memref<10000x128xf32, #tpu.memory_space<hbm>> -> memref<10000x128xf32, #tpu.memory_space<hbm>>
    tpu.enqueue_indirect_dma source(%dma_start3A_234 : memref<10000x128xf32, #tpu.memory_space<hbm>>) target(%arg14 : memref<80x128xf32, #tpu.memory_space<vmem>>) offsets(%arg9 : memref<80xi32, #tpu.memory_space<vmem>>) semaphore(%arg18 : memref<!tpu.dma_semaphore, #tpu.memory_space<semaphore_mem>>)
    %scan3A_235 = arith.constant 0 : i32
    %scan3A_236 = arith.constant 0 : i32
    %scan3A_237 = arith.constant 80 : i32
    %scan3A_238 = arith.addi %scan3A_236, %scan3A_237 : i32
    %scan3A_239 = arith.constant 1 : i32
    %scan3A_240 = scf.for %scan3A_557 = %scan3A_236 to %scan3A_238 step %scan3A_239 iter_args(%scan3A_558 = %scan3A_235) -> (i32)  : i32 {
      %get3A = arith.index_cast %scan3A_557 : i32 to index
      %get3A_559 = arith.constant 0 : index
      %get3A_560 = tpu.vector_load %arg17[%get3A, %get3A_559] {strides = array<i32>} : memref<80x64xi32, #tpu.memory_space<vmem>>, vector<1x16xi32>,
      %get3A_561 = vector.shape_cast %get3A_560 : vector<1x16xi32> to vector<16xi32>
      %shift_left3A = arith.constant 16 : i32
      %shift_left3A_562 = vector.broadcast %shift_left3A : i32 to vector<16xi32>
      %shift_left3A_563 = arith.shli %get3A_561, %shift_left3A_562 : vector<16xi32>
      %bitcast_convert_type3A = tpu.bitcast %shift_left3A_563 : vector<16xi32> -> vector<16xf32>
      %and3A = arith.constant -65536 : i32
      %and3A_564 = vector.broadcast %and3A : i32 to vector<16xi32>
      %and3A_565 = arith.andi %get3A_561, %and3A_564 : vector<16xi32>
      %bitcast_convert_type3A_566 = tpu.bitcast %and3A_565 : vector<16xi32> -> vector<16xf32>
      %get3A_567 = arith.index_cast %scan3A_557 : i32 to index
      %get3A_568 = arith.constant 0 : index
      %get3A_569 = tpu.vector_load %arg15[%get3A_567, %get3A_568] {strides = array<i32>} : memref<80x128xf32, #tpu.memory_space<vmem>>, vector<1x16xf32>,
      %get3A_570 = vector.shape_cast %get3A_569 : vector<1x16xf32> to vector<16xf32>
      %mul3A_571 = arith.mulf %get3A_570, %bitcast_convert_type3A : vector<16xf32>
      %swap3A = arith.index_cast %scan3A_557 : i32 to index
      %swap3A_572 = arith.constant 0 : index
      %swap3A_573 = tpu.vector_load %arg15[%swap3A, %swap3A_572] {strides = array<i32>} : memref<80x128xf32, #tpu.memory_space<vmem>>, vector<1x16xf32>,
      %swap3A_574 = vector.shape_cast %swap3A_573 : vector<1x16xf32> to vector<16xf32>
      %swap3A_575 = vector.shape_cast %mul3A_571 : vector<16xf32> to vector<1x16xf32>
      tpu.vector_store %arg15[%swap3A, %swap3A_572], %swap3A_575 {strides = array<i32>} : memref<80x128xf32, #tpu.memory_space<vmem>>, vector<1x16xf32>,
      %get3A_576 = arith.index_cast %scan3A_557 : i32 to index
      %get3A_577 = arith.constant 64 : index
      %get3A_578 = tpu.vector_load %arg15[%get3A_576, %get3A_577] {strides = array<i32>} : memref<80x128xf32, #tpu.memory_space<vmem>>, vector<1x16xf32>,
      %get3A_579 = vector.shape_cast %get3A_578 : vector<1x16xf32> to vector<16xf32>
      %mul3A_580 = arith.mulf %get3A_579, %bitcast_convert_type3A_566 : vector<16xf32>
      %swap3A_581 = arith.index_cast %scan3A_557 : i32 to index
      %swap3A_582 = arith.constant 64 : index
      %swap3A_583 = tpu.vector_load %arg15[%swap3A_581, %swap3A_582] {strides = array<i32>} : memref<80x128xf32, #tpu.memory_space<vmem>>, vector<1x16xf32>,
      %swap3A_584 = vector.shape_cast %swap3A_583 : vector<1x16xf32> to vector<16xf32>
      %swap3A_585 = vector.shape_cast %mul3A_580 : vector<16xf32> to vector<1x16xf32>
      tpu.vector_store %arg15[%swap3A_581, %swap3A_582], %swap3A_585 {strides = array<i32>} : memref<80x128xf32, #tpu.memory_space<vmem>>, vector<1x16xf32>,
      %get3A_586 = arith.index_cast %scan3A_557 : i32 to index
      %get3A_587 = arith.constant 16 : index
      %get3A_588 = tpu.vector_load %arg17[%get3A_586, %get3A_587] {strides = array<i32>} : memref<80x64xi32, #tpu.memory_space<vmem>>, vector<1x16xi32>,
      %get3A_589 = vector.shape_cast %get3A_588 : vector<1x16xi32> to vector<16xi32>
      %shift_left3A_590 = arith.constant 16 : i32
      %shift_left3A_591 = vector.broadcast %shift_left3A_590 : i32 to vector<16xi32>
      %shift_left3A_592 = arith.shli %get3A_589, %shift_left3A_591 : vector<16xi32>
      %bitcast_convert_type3A_593 = tpu.bitcast %shift_left3A_592 : vector<16xi32> -> vector<16xf32>
      %and3A_594 = arith.constant -65536 : i32
      %and3A_595 = vector.broadcast %and3A_594 : i32 to vector<16xi32>
      %and3A_596 = arith.andi %get3A_589, %and3A_595 : vector<16xi32>
      %bitcast_convert_type3A_597 = tpu.bitcast %and3A_596 : vector<16xi32> -> vector<16xf32>
      %get3A_598 = arith.index_cast %scan3A_557 : i32 to index
      %get3A_599 = arith.constant 16 : index
      %get3A_600 = tpu.vector_load %arg15[%get3A_598, %get3A_599] {strides = array<i32>} : memref<80x128xf32, #tpu.memory_space<vmem>>, vector<1x16xf32>,
      %get3A_601 = vector.shape_cast %get3A_600 : vector<1x16xf32> to vector<16xf32>
      %mul3A_602 = arith.mulf %get3A_601, %bitcast_convert_type3A_593 : vector<16xf32>
      %swap3A_603 = arith.index_cast %scan3A_557 : i32 to index
      %swap3A_604 = arith.constant 16 : index
      %swap3A_605 = tpu.vector_load %arg15[%swap3A_603, %swap3A_604] {strides = array<i32>} : memref<80x128xf32, #tpu.memory_space<vmem>>, vector<1x16xf32>,
      %swap3A_606 = vector.shape_cast %swap3A_605 : vector<1x16xf32> to vector<16xf32>
      %swap3A_607 = vector.shape_cast %mul3A_602 : vector<16xf32> to vector<1x16xf32>
      tpu.vector_store %arg15[%swap3A_603, %swap3A_604], %swap3A_607 {strides = array<i32>} : memref<80x128xf32, #tpu.memory_space<vmem>>, vector<1x16xf32>,
      %get3A_608 = arith.index_cast %scan3A_557 : i32 to index
      %get3A_609 = arith.constant 80 : index
      %get3A_610 = tpu.vector_load %arg15[%get3A_608, %get3A_609] {strides = array<i32>} : memref<80x128xf32, #tpu.memory_space<vmem>>, vector<1x16xf32>,
      %get3A_611 = vector.shape_cast %get3A_610 : vector<1x16xf32> to vector<16xf32>
      %mul3A_612 = arith.mulf %get3A_611, %bitcast_convert_type3A_597 : vector<16xf32>
      %swap3A_613 = arith.index_cast %scan3A_557 : i32 to index
      %swap3A_614 = arith.constant 80 : index
      %swap3A_615 = tpu.vector_load %arg15[%swap3A_613, %swap3A_614] {strides = array<i32>} : memref<80x128xf32, #tpu.memory_space<vmem>>, vector<1x16xf32>,
      %swap3A_616 = vector.shape_cast %swap3A_615 : vector<1x16xf32> to vector<16xf32>
      %swap3A_617 = vector.shape_cast %mul3A_612 : vector<16xf32> to vector<1x16xf32>
      tpu.vector_store %arg15[%swap3A_613, %swap3A_614], %swap3A_617 {strides = array<i32>} : memref<80x128xf32, #tpu.memory_space<vmem>>, vector<1x16xf32>,
      %get3A_618 = arith.index_cast %scan3A_557 : i32 to index
      %get3A_619 = arith.constant 32 : index
      %get3A_620 = tpu.vector_load %arg17[%get3A_618, %get3A_619] {strides = array<i32>} : memref<80x64xi32, #tpu.memory_space<vmem>>, vector<1x16xi32>,
      %get3A_621 = vector.shape_cast %get3A_620 : vector<1x16xi32> to vector<16xi32>
      %shift_left3A_622 = arith.constant 16 : i32
      %shift_left3A_623 = vector.broadcast %shift_left3A_622 : i32 to vector<16xi32>
      %shift_left3A_624 = arith.shli %get3A_621, %shift_left3A_623 : vector<16xi32>
      %bitcast_convert_type3A_625 = tpu.bitcast %shift_left3A_624 : vector<16xi32> -> vector<16xf32>
      %and3A_626 = arith.constant -65536 : i32
      %and3A_627 = vector.broadcast %and3A_626 : i32 to vector<16xi32>
      %and3A_628 = arith.andi %get3A_621, %and3A_627 : vector<16xi32>
      %bitcast_convert_type3A_629 = tpu.bitcast %and3A_628 : vector<16xi32> -> vector<16xf32>
      %get3A_630 = arith.index_cast %scan3A_557 : i32 to index
      %get3A_631 = arith.constant 32 : index
      %get3A_632 = tpu.vector_load %arg15[%get3A_630, %get3A_631] {strides = array<i32>} : memref<80x128xf32, #tpu.memory_space<vmem>>, vector<1x16xf32>,
      %get3A_633 = vector.shape_cast %get3A_632 : vector<1x16xf32> to vector<16xf32>
      %mul3A_634 = arith.mulf %get3A_633, %bitcast_convert_type3A_625 : vector<16xf32>
      %swap3A_635 = arith.index_cast %scan3A_557 : i32 to index
      %swap3A_636 = arith.constant 32 : index
      %swap3A_637 = tpu.vector_load %arg15[%swap3A_635, %swap3A_636] {strides = array<i32>} : memref<80x128xf32, #tpu.memory_space<vmem>>, vector<1x16xf32>,
      %swap3A_638 = vector.shape_cast %swap3A_637 : vector<1x16xf32> to vector<16xf32>
      %swap3A_639 = vector.shape_cast %mul3A_634 : vector<16xf32> to vector<1x16xf32>
      tpu.vector_store %arg15[%swap3A_635, %swap3A_636], %swap3A_639 {strides = array<i32>} : memref<80x128xf32, #tpu.memory_space<vmem>>, vector<1x16xf32>,
      %get3A_640 = arith.index_cast %scan3A_557 : i32 to index
      %get3A_641 = arith.constant 96 : index
      %get3A_642 = tpu.vector_load %arg15[%get3A_640, %get3A_641] {strides = array<i32>} : memref<80x128xf32, #tpu.memory_space<vmem>>, vector<1x16xf32>,
      %get3A_643 = vector.shape_cast %get3A_642 : vector<1x16xf32> to vector<16xf32>
      %mul3A_644 = arith.mulf %get3A_643, %bitcast_convert_type3A_629 : vector<16xf32>
      %swap3A_645 = arith.index_cast %scan3A_557 : i32 to index
      %swap3A_646 = arith.constant 96 : index
      %swap3A_647 = tpu.vector_load %arg15[%swap3A_645, %swap3A_646] {strides = array<i32>} : memref<80x128xf32, #tpu.memory_space<vmem>>, vector<1x16xf32>,
      %swap3A_648 = vector.shape_cast %swap3A_647 : vector<1x16xf32> to vector<16xf32>
      %swap3A_649 = vector.shape_cast %mul3A_644 : vector<16xf32> to vector<1x16xf32>
      tpu.vector_store %arg15[%swap3A_645, %swap3A_646], %swap3A_649 {strides = array<i32>} : memref<80x128xf32, #tpu.memory_space<vmem>>, vector<1x16xf32>,
      %get3A_650 = arith.index_cast %scan3A_557 : i32 to index
      %get3A_651 = arith.constant 48 : index
      %get3A_652 = tpu.vector_load %arg17[%get3A_650, %get3A_651] {strides = array<i32>} : memref<80x64xi32, #tpu.memory_space<vmem>>, vector<1x16xi32>,
      %get3A_653 = vector.shape_cast %get3A_652 : vector<1x16xi32> to vector<16xi32>
      %shift_left3A_654 = arith.constant 16 : i32
      %shift_left3A_655 = vector.broadcast %shift_left3A_654 : i32 to vector<16xi32>
      %shift_left3A_656 = arith.shli %get3A_653, %shift_left3A_655 : vector<16xi32>
      %bitcast_convert_type3A_657 = tpu.bitcast %shift_left3A_656 : vector<16xi32> -> vector<16xf32>
      %and3A_658 = arith.constant -65536 : i32
      %and3A_659 = vector.broadcast %and3A_658 : i32 to vector<16xi32>
      %and3A_660 = arith.andi %get3A_653, %and3A_659 : vector<16xi32>
      %bitcast_convert_type3A_661 = tpu.bitcast %and3A_660 : vector<16xi32> -> vector<16xf32>
      %get3A_662 = arith.index_cast %scan3A_557 : i32 to index
      %get3A_663 = arith.constant 48 : index
      %get3A_664 = tpu.vector_load %arg15[%get3A_662, %get3A_663] {strides = array<i32>} : memref<80x128xf32, #tpu.memory_space<vmem>>, vector<1x16xf32>,
      %get3A_665 = vector.shape_cast %get3A_664 : vector<1x16xf32> to vector<16xf32>
      %mul3A_666 = arith.mulf %get3A_665, %bitcast_convert_type3A_657 : vector<16xf32>
      %swap3A_667 = arith.index_cast %scan3A_557 : i32 to index
      %swap3A_668 = arith.constant 48 : index
      %swap3A_669 = tpu.vector_load %arg15[%swap3A_667, %swap3A_668] {strides = array<i32>} : memref<80x128xf32, #tpu.memory_space<vmem>>, vector<1x16xf32>,
      %swap3A_670 = vector.shape_cast %swap3A_669 : vector<1x16xf32> to vector<16xf32>
      %swap3A_671 = vector.shape_cast %mul3A_666 : vector<16xf32> to vector<1x16xf32>
      tpu.vector_store %arg15[%swap3A_667, %swap3A_668], %swap3A_671 {strides = array<i32>} : memref<80x128xf32, #tpu.memory_space<vmem>>, vector<1x16xf32>,
      %get3A_672 = arith.index_cast %scan3A_557 : i32 to index
      %get3A_673 = arith.constant 112 : index
      %get3A_674 = tpu.vector_load %arg15[%get3A_672, %get3A_673] {strides = array<i32>} : memref<80x128xf32, #tpu.memory_space<vmem>>, vector<1x16xf32>,
      %get3A_675 = vector.shape_cast %get3A_674 : vector<1x16xf32> to vector<16xf32>
      %mul3A_676 = arith.mulf %get3A_675, %bitcast_convert_type3A_661 : vector<16xf32>
      %swap3A_677 = arith.index_cast %scan3A_557 : i32 to index
      %swap3A_678 = arith.constant 112 : index
      %swap3A_679 = tpu.vector_load %arg15[%swap3A_677, %swap3A_678] {strides = array<i32>} : memref<80x128xf32, #tpu.memory_space<vmem>>, vector<1x16xf32>,
      %swap3A_680 = vector.shape_cast %swap3A_679 : vector<1x16xf32> to vector<16xf32>
      %swap3A_681 = vector.shape_cast %mul3A_676 : vector<16xf32> to vector<1x16xf32>
      tpu.vector_store %arg15[%swap3A_677, %swap3A_678], %swap3A_681 {strides = array<i32>} : memref<80x128xf32, #tpu.memory_space<vmem>>, vector<1x16xf32>,
      %scan3A_682 = arith.constant 0 : i32
      scf.yield %scan3A_682 : i32
    }
    %scan3A_241 = arith.constant 80 : i32
    %dma_start3A_242 = arith.constant 0 : i32
    %dma_start3A_243 = arith.constant 0 : i32
    %dma_start3A_244 = tpu.memref_slice %arg7[%dma_start3A_242, %dma_start3A_243] : memref<10000x128xf32, #tpu.memory_space<vmem_shared>> -> memref<10000x128xf32, #tpu.memory_space<vmem_shared>>
    tpu.enqueue_indirect_dma source(%arg15 : memref<80x128xf32, #tpu.memory_space<vmem>>) target(%dma_start3A_244 : memref<10000x128xf32, #tpu.memory_space<vmem_shared>>) offsets(%arg11 : memref<80xi32, #tpu.memory_space<vmem>>) semaphore(%arg29 : memref<!tpu.dma_semaphore, #tpu.memory_space<semaphore_mem>>) {add = true}
    %add3A_245 = arith.constant 480 : i32
    %add3A_246 = arith.addi %mul3A_28, %add3A_245 : i32
    %dma_start3A_247 = tpu.memref_slice %arg4[%add3A_246] : memref<320000xi32, #tpu.memory_space<hbm>> -> memref<80xi32, #tpu.memory_space<hbm>>
    %dma_start3A_248 = tpu.memref_slice %arg4[%add3A_246] : memref<320000xi32, #tpu.memory_space<hbm>> -> memref<80xi32, #tpu.memory_space<hbm>>
    tpu.enqueue_dma source(%dma_start3A_248 : memref<80xi32, #tpu.memory_space<hbm>>) target(%arg8 : memref<80xi32, #tpu.memory_space<vmem>>) target_semaphore(%arg22 : memref<!tpu.dma_semaphore, #tpu.memory_space<semaphore_mem>>)
    %add3A_249 = arith.constant 480 : i32
    %add3A_250 = arith.addi %mul3A_28, %add3A_249 : i32
    %dma_start3A_251 = tpu.memref_slice %arg5[%add3A_250] : memref<320000xi32, #tpu.memory_space<hbm>> -> memref<80xi32, #tpu.memory_space<hbm>>
    %dma_start3A_252 = tpu.memref_slice %arg5[%add3A_250] : memref<320000xi32, #tpu.memory_space<hbm>> -> memref<80xi32, #tpu.memory_space<hbm>>
    tpu.enqueue_dma source(%dma_start3A_252 : memref<80xi32, #tpu.memory_space<hbm>>) target(%arg11 : memref<80xi32, #tpu.memory_space<vmem>>) target_semaphore(%arg25 : memref<!tpu.dma_semaphore, #tpu.memory_space<semaphore_mem>>)
    %add3A_253 = arith.constant 320 : i32
    %add3A_254 = arith.addi %mul3A_28, %add3A_253 : i32
    %dma_wait3A_255 = arith.constant 0 : i32
    %dma_wait3A_256 = tpu.memref_slice %arg3[%add3A_254, %dma_wait3A_255] : memref<320000x64xi32, #tpu.memory_space<hbm>> -> memref<80x64xi32, #tpu.memory_space<hbm>>
    %dma_wait3A_257 = arith.constant 0 : i32
    %dma_wait3A_258 = tpu.memref_slice %arg3[%add3A_254, %dma_wait3A_257] : memref<320000x64xi32, #tpu.memory_space<hbm>> -> memref<80x64xi32, #tpu.memory_space<hbm>>
    tpu.wait_dma2 semaphore(%arg20 : memref<!tpu.dma_semaphore, #tpu.memory_space<semaphore_mem>>) src(%dma_wait3A_258 : memref<80x64xi32, #tpu.memory_space<hbm>>) dst(%arg16 : memref<80x64xi32, #tpu.memory_space<vmem>>)
    %dma_wait3A_259 = arith.constant 0 : i32
    %dma_wait3A_260 = arith.constant 0 : i32
    %dma_wait3A_261 = tpu.memref_slice %arg2[%dma_wait3A_259, %dma_wait3A_260] : memref<10000x128xf32, #tpu.memory_space<hbm>> -> memref<10000x128xf32, #tpu.memory_space<hbm>>
    tpu.wait_indirect_dma semaphore(%arg18 : memref<!tpu.dma_semaphore, #tpu.memory_space<semaphore_mem>>) src(%dma_wait3A_261 : memref<10000x128xf32, #tpu.memory_space<hbm>>) dst(%arg14 : memref<80x128xf32, #tpu.memory_space<vmem>>)
    %dma_wait3A_262 = arith.constant 0 : i32
    %dma_wait3A_263 = arith.constant 0 : i32
    %dma_wait3A_264 = tpu.memref_slice %arg7[%dma_wait3A_262, %dma_wait3A_263] : memref<10000x128xf32, #tpu.memory_space<vmem_shared>> -> memref<10000x128xf32, #tpu.memory_space<vmem_shared>>
    tpu.wait_indirect_dma semaphore(%arg29 : memref<!tpu.dma_semaphore, #tpu.memory_space<semaphore_mem>>) src(%arg15 : memref<80x128xf32, #tpu.memory_space<vmem>>) dst(%dma_wait3A_264 : memref<10000x128xf32, #tpu.memory_space<vmem_shared>>)
    %add3A_265 = arith.constant 400 : i32
    %add3A_266 = arith.addi %mul3A_28, %add3A_265 : i32
    %dma_wait3A_267 = tpu.memref_slice %arg4[%add3A_266] : memref<320000xi32, #tpu.memory_space<hbm>> -> memref<80xi32, #tpu.memory_space<hbm>>
    %dma_wait3A_268 = tpu.memref_slice %arg4[%add3A_266] : memref<320000xi32, #tpu.memory_space<hbm>> -> memref<80xi32, #tpu.memory_space<hbm>>
    tpu.wait_dma2 semaphore(%arg24 : memref<!tpu.dma_semaphore, #tpu.memory_space<semaphore_mem>>) src(%dma_wait3A_268 : memref<80xi32, #tpu.memory_space<hbm>>) dst(%arg10 : memref<80xi32, #tpu.memory_space<vmem>>)
    %add3A_269 = arith.constant 400 : i32
    %add3A_270 = arith.addi %mul3A_28, %add3A_269 : i32
    %dma_wait3A_271 = tpu.memref_slice %arg5[%add3A_270] : memref<320000xi32, #tpu.memory_space<hbm>> -> memref<80xi32, #tpu.memory_space<hbm>>
    %dma_wait3A_272 = tpu.memref_slice %arg5[%add3A_270] : memref<320000xi32, #tpu.memory_space<hbm>> -> memref<80xi32, #tpu.memory_space<hbm>>
    tpu.wait_dma2 semaphore(%arg27 : memref<!tpu.dma_semaphore, #tpu.memory_space<semaphore_mem>>) src(%dma_wait3A_272 : memref<80xi32, #tpu.memory_space<hbm>>) dst(%arg13 : memref<80xi32, #tpu.memory_space<vmem>>)
    %add3A_273 = arith.constant 400 : i32
    %add3A_274 = arith.addi %mul3A_28, %add3A_273 : i32
    %dma_start3A_275 = arith.constant 0 : i32
    %dma_start3A_276 = tpu.memref_slice %arg3[%add3A_274, %dma_start3A_275] : memref<320000x64xi32, #tpu.memory_space<hbm>> -> memref<80x64xi32, #tpu.memory_space<hbm>>
    %dma_start3A_277 = arith.constant 0 : i32
    %dma_start3A_278 = tpu.memref_slice %arg3[%add3A_274, %dma_start3A_277] : memref<320000x64xi32, #tpu.memory_space<hbm>> -> memref<80x64xi32, #tpu.memory_space<hbm>>
    tpu.enqueue_dma source(%dma_start3A_278 : memref<80x64xi32, #tpu.memory_space<hbm>>) target(%arg17 : memref<80x64xi32, #tpu.memory_space<vmem>>) target_semaphore(%arg21 : memref<!tpu.dma_semaphore, #tpu.memory_space<semaphore_mem>>)
    %dma_start3A_279 = arith.constant 0 : i32
    %dma_start3A_280 = arith.constant 0 : i32
    %dma_start3A_281 = tpu.memref_slice %arg2[%dma_start3A_279, %dma_start3A_280] : memref<10000x128xf32, #tpu.memory_space<hbm>> -> memref<10000x128xf32, #tpu.memory_space<hbm>>
    tpu.enqueue_indirect_dma source(%dma_start3A_281 : memref<10000x128xf32, #tpu.memory_space<hbm>>) target(%arg15 : memref<80x128xf32, #tpu.memory_space<vmem>>) offsets(%arg10 : memref<80xi32, #tpu.memory_space<vmem>>) semaphore(%arg19 : memref<!tpu.dma_semaphore, #tpu.memory_space<semaphore_mem>>)
    %scan3A_282 = arith.constant 0 : i32
    %scan3A_283 = arith.constant 0 : i32
    %scan3A_284 = arith.constant 80 : i32
    %scan3A_285 = arith.addi %scan3A_283, %scan3A_284 : i32
    %scan3A_286 = arith.constant 1 : i32
    %scan3A_287 = scf.for %scan3A_557 = %scan3A_283 to %scan3A_285 step %scan3A_286 iter_args(%scan3A_558 = %scan3A_282) -> (i32)  : i32 {
      %get3A = arith.index_cast %scan3A_557 : i32 to index
      %get3A_559 = arith.constant 0 : index
      %get3A_560 = tpu.vector_load %arg16[%get3A, %get3A_559] {strides = array<i32>} : memref<80x64xi32, #tpu.memory_space<vmem>>, vector<1x16xi32>,
      %get3A_561 = vector.shape_cast %get3A_560 : vector<1x16xi32> to vector<16xi32>
      %shift_left3A = arith.constant 16 : i32
      %shift_left3A_562 = vector.broadcast %shift_left3A : i32 to vector<16xi32>
      %shift_left3A_563 = arith.shli %get3A_561, %shift_left3A_562 : vector<16xi32>
      %bitcast_convert_type3A = tpu.bitcast %shift_left3A_563 : vector<16xi32> -> vector<16xf32>
      %and3A = arith.constant -65536 : i32
      %and3A_564 = vector.broadcast %and3A : i32 to vector<16xi32>
      %and3A_565 = arith.andi %get3A_561, %and3A_564 : vector<16xi32>
      %bitcast_convert_type3A_566 = tpu.bitcast %and3A_565 : vector<16xi32> -> vector<16xf32>
      %get3A_567 = arith.index_cast %scan3A_557 : i32 to index
      %get3A_568 = arith.constant 0 : index
      %get3A_569 = tpu.vector_load %arg14[%get3A_567, %get3A_568] {strides = array<i32>} : memref<80x128xf32, #tpu.memory_space<vmem>>, vector<1x16xf32>,
      %get3A_570 = vector.shape_cast %get3A_569 : vector<1x16xf32> to vector<16xf32>
      %mul3A_571 = arith.mulf %get3A_570, %bitcast_convert_type3A : vector<16xf32>
      %swap3A = arith.index_cast %scan3A_557 : i32 to index
      %swap3A_572 = arith.constant 0 : index
      %swap3A_573 = tpu.vector_load %arg14[%swap3A, %swap3A_572] {strides = array<i32>} : memref<80x128xf32, #tpu.memory_space<vmem>>, vector<1x16xf32>,
      %swap3A_574 = vector.shape_cast %swap3A_573 : vector<1x16xf32> to vector<16xf32>
      %swap3A_575 = vector.shape_cast %mul3A_571 : vector<16xf32> to vector<1x16xf32>
      tpu.vector_store %arg14[%swap3A, %swap3A_572], %swap3A_575 {strides = array<i32>} : memref<80x128xf32, #tpu.memory_space<vmem>>, vector<1x16xf32>,
      %get3A_576 = arith.index_cast %scan3A_557 : i32 to index
      %get3A_577 = arith.constant 64 : index
      %get3A_578 = tpu.vector_load %arg14[%get3A_576, %get3A_577] {strides = array<i32>} : memref<80x128xf32, #tpu.memory_space<vmem>>, vector<1x16xf32>,
      %get3A_579 = vector.shape_cast %get3A_578 : vector<1x16xf32> to vector<16xf32>
      %mul3A_580 = arith.mulf %get3A_579, %bitcast_convert_type3A_566 : vector<16xf32>
      %swap3A_581 = arith.index_cast %scan3A_557 : i32 to index
      %swap3A_582 = arith.constant 64 : index
      %swap3A_583 = tpu.vector_load %arg14[%swap3A_581, %swap3A_582] {strides = array<i32>} : memref<80x128xf32, #tpu.memory_space<vmem>>, vector<1x16xf32>,
      %swap3A_584 = vector.shape_cast %swap3A_583 : vector<1x16xf32> to vector<16xf32>
      %swap3A_585 = vector.shape_cast %mul3A_580 : vector<16xf32> to vector<1x16xf32>
      tpu.vector_store %arg14[%swap3A_581, %swap3A_582], %swap3A_585 {strides = array<i32>} : memref<80x128xf32, #tpu.memory_space<vmem>>, vector<1x16xf32>,
      %get3A_586 = arith.index_cast %scan3A_557 : i32 to index
      %get3A_587 = arith.constant 16 : index
      %get3A_588 = tpu.vector_load %arg16[%get3A_586, %get3A_587] {strides = array<i32>} : memref<80x64xi32, #tpu.memory_space<vmem>>, vector<1x16xi32>,
      %get3A_589 = vector.shape_cast %get3A_588 : vector<1x16xi32> to vector<16xi32>
      %shift_left3A_590 = arith.constant 16 : i32
      %shift_left3A_591 = vector.broadcast %shift_left3A_590 : i32 to vector<16xi32>
      %shift_left3A_592 = arith.shli %get3A_589, %shift_left3A_591 : vector<16xi32>
      %bitcast_convert_type3A_593 = tpu.bitcast %shift_left3A_592 : vector<16xi32> -> vector<16xf32>
      %and3A_594 = arith.constant -65536 : i32
      %and3A_595 = vector.broadcast %and3A_594 : i32 to vector<16xi32>
      %and3A_596 = arith.andi %get3A_589, %and3A_595 : vector<16xi32>
      %bitcast_convert_type3A_597 = tpu.bitcast %and3A_596 : vector<16xi32> -> vector<16xf32>
      %get3A_598 = arith.index_cast %scan3A_557 : i32 to index
      %get3A_599 = arith.constant 16 : index
      %get3A_600 = tpu.vector_load %arg14[%get3A_598, %get3A_599] {strides = array<i32>} : memref<80x128xf32, #tpu.memory_space<vmem>>, vector<1x16xf32>,
      %get3A_601 = vector.shape_cast %get3A_600 : vector<1x16xf32> to vector<16xf32>
      %mul3A_602 = arith.mulf %get3A_601, %bitcast_convert_type3A_593 : vector<16xf32>
      %swap3A_603 = arith.index_cast %scan3A_557 : i32 to index
      %swap3A_604 = arith.constant 16 : index
      %swap3A_605 = tpu.vector_load %arg14[%swap3A_603, %swap3A_604] {strides = array<i32>} : memref<80x128xf32, #tpu.memory_space<vmem>>, vector<1x16xf32>,
      %swap3A_606 = vector.shape_cast %swap3A_605 : vector<1x16xf32> to vector<16xf32>
      %swap3A_607 = vector.shape_cast %mul3A_602 : vector<16xf32> to vector<1x16xf32>
      tpu.vector_store %arg14[%swap3A_603, %swap3A_604], %swap3A_607 {strides = array<i32>} : memref<80x128xf32, #tpu.memory_space<vmem>>, vector<1x16xf32>,
      %get3A_608 = arith.index_cast %scan3A_557 : i32 to index
      %get3A_609 = arith.constant 80 : index
      %get3A_610 = tpu.vector_load %arg14[%get3A_608, %get3A_609] {strides = array<i32>} : memref<80x128xf32, #tpu.memory_space<vmem>>, vector<1x16xf32>,
      %get3A_611 = vector.shape_cast %get3A_610 : vector<1x16xf32> to vector<16xf32>
      %mul3A_612 = arith.mulf %get3A_611, %bitcast_convert_type3A_597 : vector<16xf32>
      %swap3A_613 = arith.index_cast %scan3A_557 : i32 to index
      %swap3A_614 = arith.constant 80 : index
      %swap3A_615 = tpu.vector_load %arg14[%swap3A_613, %swap3A_614] {strides = array<i32>} : memref<80x128xf32, #tpu.memory_space<vmem>>, vector<1x16xf32>,
      %swap3A_616 = vector.shape_cast %swap3A_615 : vector<1x16xf32> to vector<16xf32>
      %swap3A_617 = vector.shape_cast %mul3A_612 : vector<16xf32> to vector<1x16xf32>
      tpu.vector_store %arg14[%swap3A_613, %swap3A_614], %swap3A_617 {strides = array<i32>} : memref<80x128xf32, #tpu.memory_space<vmem>>, vector<1x16xf32>,
      %get3A_618 = arith.index_cast %scan3A_557 : i32 to index
      %get3A_619 = arith.constant 32 : index
      %get3A_620 = tpu.vector_load %arg16[%get3A_618, %get3A_619] {strides = array<i32>} : memref<80x64xi32, #tpu.memory_space<vmem>>, vector<1x16xi32>,
      %get3A_621 = vector.shape_cast %get3A_620 : vector<1x16xi32> to vector<16xi32>
      %shift_left3A_622 = arith.constant 16 : i32
      %shift_left3A_623 = vector.broadcast %shift_left3A_622 : i32 to vector<16xi32>
      %shift_left3A_624 = arith.shli %get3A_621, %shift_left3A_623 : vector<16xi32>
      %bitcast_convert_type3A_625 = tpu.bitcast %shift_left3A_624 : vector<16xi32> -> vector<16xf32>
      %and3A_626 = arith.constant -65536 : i32
      %and3A_627 = vector.broadcast %and3A_626 : i32 to vector<16xi32>
      %and3A_628 = arith.andi %get3A_621, %and3A_627 : vector<16xi32>
      %bitcast_convert_type3A_629 = tpu.bitcast %and3A_628 : vector<16xi32> -> vector<16xf32>
      %get3A_630 = arith.index_cast %scan3A_557 : i32 to index
      %get3A_631 = arith.constant 32 : index
      %get3A_632 = tpu.vector_load %arg14[%get3A_630, %get3A_631] {strides = array<i32>} : memref<80x128xf32, #tpu.memory_space<vmem>>, vector<1x16xf32>,
      %get3A_633 = vector.shape_cast %get3A_632 : vector<1x16xf32> to vector<16xf32>
      %mul3A_634 = arith.mulf %get3A_633, %bitcast_convert_type3A_625 : vector<16xf32>
      %swap3A_635 = arith.index_cast %scan3A_557 : i32 to index
      %swap3A_636 = arith.constant 32 : index
      %swap3A_637 = tpu.vector_load %arg14[%swap3A_635, %swap3A_636] {strides = array<i32>} : memref<80x128xf32, #tpu.memory_space<vmem>>, vector<1x16xf32>,
      %swap3A_638 = vector.shape_cast %swap3A_637 : vector<1x16xf32> to vector<16xf32>
      %swap3A_639 = vector.shape_cast %mul3A_634 : vector<16xf32> to vector<1x16xf32>
      tpu.vector_store %arg14[%swap3A_635, %swap3A_636], %swap3A_639 {strides = array<i32>} : memref<80x128xf32, #tpu.memory_space<vmem>>, vector<1x16xf32>,
      %get3A_640 = arith.index_cast %scan3A_557 : i32 to index
      %get3A_641 = arith.constant 96 : index
      %get3A_642 = tpu.vector_load %arg14[%get3A_640, %get3A_641] {strides = array<i32>} : memref<80x128xf32, #tpu.memory_space<vmem>>, vector<1x16xf32>,
      %get3A_643 = vector.shape_cast %get3A_642 : vector<1x16xf32> to vector<16xf32>
      %mul3A_644 = arith.mulf %get3A_643, %bitcast_convert_type3A_629 : vector<16xf32>
      %swap3A_645 = arith.index_cast %scan3A_557 : i32 to index
      %swap3A_646 = arith.constant 96 : index
      %swap3A_647 = tpu.vector_load %arg14[%swap3A_645, %swap3A_646] {strides = array<i32>} : memref<80x128xf32, #tpu.memory_space<vmem>>, vector<1x16xf32>,
      %swap3A_648 = vector.shape_cast %swap3A_647 : vector<1x16xf32> to vector<16xf32>
      %swap3A_649 = vector.shape_cast %mul3A_644 : vector<16xf32> to vector<1x16xf32>
      tpu.vector_store %arg14[%swap3A_645, %swap3A_646], %swap3A_649 {strides = array<i32>} : memref<80x128xf32, #tpu.memory_space<vmem>>, vector<1x16xf32>,
      %get3A_650 = arith.index_cast %scan3A_557 : i32 to index
      %get3A_651 = arith.constant 48 : index
      %get3A_652 = tpu.vector_load %arg16[%get3A_650, %get3A_651] {strides = array<i32>} : memref<80x64xi32, #tpu.memory_space<vmem>>, vector<1x16xi32>,
      %get3A_653 = vector.shape_cast %get3A_652 : vector<1x16xi32> to vector<16xi32>
      %shift_left3A_654 = arith.constant 16 : i32
      %shift_left3A_655 = vector.broadcast %shift_left3A_654 : i32 to vector<16xi32>
      %shift_left3A_656 = arith.shli %get3A_653, %shift_left3A_655 : vector<16xi32>
      %bitcast_convert_type3A_657 = tpu.bitcast %shift_left3A_656 : vector<16xi32> -> vector<16xf32>
      %and3A_658 = arith.constant -65536 : i32
      %and3A_659 = vector.broadcast %and3A_658 : i32 to vector<16xi32>
      %and3A_660 = arith.andi %get3A_653, %and3A_659 : vector<16xi32>
      %bitcast_convert_type3A_661 = tpu.bitcast %and3A_660 : vector<16xi32> -> vector<16xf32>
      %get3A_662 = arith.index_cast %scan3A_557 : i32 to index
      %get3A_663 = arith.constant 48 : index
      %get3A_664 = tpu.vector_load %arg14[%get3A_662, %get3A_663] {strides = array<i32>} : memref<80x128xf32, #tpu.memory_space<vmem>>, vector<1x16xf32>,
      %get3A_665 = vector.shape_cast %get3A_664 : vector<1x16xf32> to vector<16xf32>
      %mul3A_666 = arith.mulf %get3A_665, %bitcast_convert_type3A_657 : vector<16xf32>
      %swap3A_667 = arith.index_cast %scan3A_557 : i32 to index
      %swap3A_668 = arith.constant 48 : index
      %swap3A_669 = tpu.vector_load %arg14[%swap3A_667, %swap3A_668] {strides = array<i32>} : memref<80x128xf32, #tpu.memory_space<vmem>>, vector<1x16xf32>,
      %swap3A_670 = vector.shape_cast %swap3A_669 : vector<1x16xf32> to vector<16xf32>
      %swap3A_671 = vector.shape_cast %mul3A_666 : vector<16xf32> to vector<1x16xf32>
      tpu.vector_store %arg14[%swap3A_667, %swap3A_668], %swap3A_671 {strides = array<i32>} : memref<80x128xf32, #tpu.memory_space<vmem>>, vector<1x16xf32>,
      %get3A_672 = arith.index_cast %scan3A_557 : i32 to index
      %get3A_673 = arith.constant 112 : index
      %get3A_674 = tpu.vector_load %arg14[%get3A_672, %get3A_673] {strides = array<i32>} : memref<80x128xf32, #tpu.memory_space<vmem>>, vector<1x16xf32>,
      %get3A_675 = vector.shape_cast %get3A_674 : vector<1x16xf32> to vector<16xf32>
      %mul3A_676 = arith.mulf %get3A_675, %bitcast_convert_type3A_661 : vector<16xf32>
      %swap3A_677 = arith.index_cast %scan3A_557 : i32 to index
      %swap3A_678 = arith.constant 112 : index
      %swap3A_679 = tpu.vector_load %arg14[%swap3A_677, %swap3A_678] {strides = array<i32>} : memref<80x128xf32, #tpu.memory_space<vmem>>, vector<1x16xf32>,
      %swap3A_680 = vector.shape_cast %swap3A_679 : vector<1x16xf32> to vector<16xf32>
      %swap3A_681 = vector.shape_cast %mul3A_676 : vector<16xf32> to vector<1x16xf32>
      tpu.vector_store %arg14[%swap3A_677, %swap3A_678], %swap3A_681 {strides = array<i32>} : memref<80x128xf32, #tpu.memory_space<vmem>>, vector<1x16xf32>,
      %scan3A_682 = arith.constant 0 : i32
      scf.yield %scan3A_682 : i32
    }
    %scan3A_288 = arith.constant 80 : i32
    %dma_start3A_289 = arith.constant 0 : i32
    %dma_start3A_290 = arith.constant 0 : i32
    %dma_start3A_291 = tpu.memref_slice %arg7[%dma_start3A_289, %dma_start3A_290] : memref<10000x128xf32, #tpu.memory_space<vmem_shared>> -> memref<10000x128xf32, #tpu.memory_space<vmem_shared>>
    tpu.enqueue_indirect_dma source(%arg14 : memref<80x128xf32, #tpu.memory_space<vmem>>) target(%dma_start3A_291 : memref<10000x128xf32, #tpu.memory_space<vmem_shared>>) offsets(%arg12 : memref<80xi32, #tpu.memory_space<vmem>>) semaphore(%arg28 : memref<!tpu.dma_semaphore, #tpu.memory_space<semaphore_mem>>) {add = true}
    %add3A_292 = arith.constant 560 : i32
    %add3A_293 = arith.addi %mul3A_28, %add3A_292 : i32
    %dma_start3A_294 = tpu.memref_slice %arg4[%add3A_293] : memref<320000xi32, #tpu.memory_space<hbm>> -> memref<80xi32, #tpu.memory_space<hbm>>
    %dma_start3A_295 = tpu.memref_slice %arg4[%add3A_293] : memref<320000xi32, #tpu.memory_space<hbm>> -> memref<80xi32, #tpu.memory_space<hbm>>
    tpu.enqueue_dma source(%dma_start3A_295 : memref<80xi32, #tpu.memory_space<hbm>>) target(%arg9 : memref<80xi32, #tpu.memory_space<vmem>>) target_semaphore(%arg23 : memref<!tpu.dma_semaphore, #tpu.memory_space<semaphore_mem>>)
    %add3A_296 = arith.constant 560 : i32
    %add3A_297 = arith.addi %mul3A_28, %add3A_296 : i32
    %dma_start3A_298 = tpu.memref_slice %arg5[%add3A_297] : memref<320000xi32, #tpu.memory_space<hbm>> -> memref<80xi32, #tpu.memory_space<hbm>>
    %dma_start3A_299 = tpu.memref_slice %arg5[%add3A_297] : memref<320000xi32, #tpu.memory_space<hbm>> -> memref<80xi32, #tpu.memory_space<hbm>>
    tpu.enqueue_dma source(%dma_start3A_299 : memref<80xi32, #tpu.memory_space<hbm>>) target(%arg12 : memref<80xi32, #tpu.memory_space<vmem>>) target_semaphore(%arg26 : memref<!tpu.dma_semaphore, #tpu.memory_space<semaphore_mem>>)
    %add3A_300 = arith.constant 400 : i32
    %add3A_301 = arith.addi %mul3A_28, %add3A_300 : i32
    %dma_wait3A_302 = arith.constant 0 : i32
    %dma_wait3A_303 = tpu.memref_slice %arg3[%add3A_301, %dma_wait3A_302] : memref<320000x64xi32, #tpu.memory_space<hbm>> -> memref<80x64xi32, #tpu.memory_space<hbm>>
    %dma_wait3A_304 = arith.constant 0 : i32
    %dma_wait3A_305 = tpu.memref_slice %arg3[%add3A_301, %dma_wait3A_304] : memref<320000x64xi32, #tpu.memory_space<hbm>> -> memref<80x64xi32, #tpu.memory_space<hbm>>
    tpu.wait_dma2 semaphore(%arg21 : memref<!tpu.dma_semaphore, #tpu.memory_space<semaphore_mem>>) src(%dma_wait3A_305 : memref<80x64xi32, #tpu.memory_space<hbm>>) dst(%arg17 : memref<80x64xi32, #tpu.memory_space<vmem>>)
    %dma_wait3A_306 = arith.constant 0 : i32
    %dma_wait3A_307 = arith.constant 0 : i32
    %dma_wait3A_308 = tpu.memref_slice %arg2[%dma_wait3A_306, %dma_wait3A_307] : memref<10000x128xf32, #tpu.memory_space<hbm>> -> memref<10000x128xf32, #tpu.memory_space<hbm>>
    tpu.wait_indirect_dma semaphore(%arg19 : memref<!tpu.dma_semaphore, #tpu.memory_space<semaphore_mem>>) src(%dma_wait3A_308 : memref<10000x128xf32, #tpu.memory_space<hbm>>) dst(%arg15 : memref<80x128xf32, #tpu.memory_space<vmem>>)
    %dma_wait3A_309 = arith.constant 0 : i32
    %dma_wait3A_310 = arith.constant 0 : i32
    %dma_wait3A_311 = tpu.memref_slice %arg7[%dma_wait3A_309, %dma_wait3A_310] : memref<10000x128xf32, #tpu.memory_space<vmem_shared>> -> memref<10000x128xf32, #tpu.memory_space<vmem_shared>>
    tpu.wait_indirect_dma semaphore(%arg28 : memref<!tpu.dma_semaphore, #tpu.memory_space<semaphore_mem>>) src(%arg14 : memref<80x128xf32, #tpu.memory_space<vmem>>) dst(%dma_wait3A_311 : memref<10000x128xf32, #tpu.memory_space<vmem_shared>>)
    %add3A_312 = arith.constant 480 : i32
    %add3A_313 = arith.addi %mul3A_28, %add3A_312 : i32
    %dma_wait3A_314 = tpu.memref_slice %arg4[%add3A_313] : memref<320000xi32, #tpu.memory_space<hbm>> -> memref<80xi32, #tpu.memory_space<hbm>>
    %dma_wait3A_315 = tpu.memref_slice %arg4[%add3A_313] : memref<320000xi32, #tpu.memory_space<hbm>> -> memref<80xi32, #tpu.memory_space<hbm>>
    tpu.wait_dma2 semaphore(%arg22 : memref<!tpu.dma_semaphore, #tpu.memory_space<semaphore_mem>>) src(%dma_wait3A_315 : memref<80xi32, #tpu.memory_space<hbm>>) dst(%arg8 : memref<80xi32, #tpu.memory_space<vmem>>)
    %add3A_316 = arith.constant 480 : i32
    %add3A_317 = arith.addi %mul3A_28, %add3A_316 : i32
    %dma_wait3A_318 = tpu.memref_slice %arg5[%add3A_317] : memref<320000xi32, #tpu.memory_space<hbm>> -> memref<80xi32, #tpu.memory_space<hbm>>
    %dma_wait3A_319 = tpu.memref_slice %arg5[%add3A_317] : memref<320000xi32, #tpu.memory_space<hbm>> -> memref<80xi32, #tpu.memory_space<hbm>>
    tpu.wait_dma2 semaphore(%arg25 : memref<!tpu.dma_semaphore, #tpu.memory_space<semaphore_mem>>) src(%dma_wait3A_319 : memref<80xi32, #tpu.memory_space<hbm>>) dst(%arg11 : memref<80xi32, #tpu.memory_space<vmem>>)
    %add3A_320 = arith.constant 480 : i32
    %add3A_321 = arith.addi %mul3A_28, %add3A_320 : i32
    %dma_start3A_322 = arith.constant 0 : i32
    %dma_start3A_323 = tpu.memref_slice %arg3[%add3A_321, %dma_start3A_322] : memref<320000x64xi32, #tpu.memory_space<hbm>> -> memref<80x64xi32, #tpu.memory_space<hbm>>
    %dma_start3A_324 = arith.constant 0 : i32
    %dma_start3A_325 = tpu.memref_slice %arg3[%add3A_321, %dma_start3A_324] : memref<320000x64xi32, #tpu.memory_space<hbm>> -> memref<80x64xi32, #tpu.memory_space<hbm>>
    tpu.enqueue_dma source(%dma_start3A_325 : memref<80x64xi32, #tpu.memory_space<hbm>>) target(%arg16 : memref<80x64xi32, #tpu.memory_space<vmem>>) target_semaphore(%arg20 : memref<!tpu.dma_semaphore, #tpu.memory_space<semaphore_mem>>)
    %dma_start3A_326 = arith.constant 0 : i32
    %dma_start3A_327 = arith.constant 0 : i32
    %dma_start3A_328 = tpu.memref_slice %arg2[%dma_start3A_326, %dma_start3A_327] : memref<10000x128xf32, #tpu.memory_space<hbm>> -> memref<10000x128xf32, #tpu.memory_space<hbm>>
    tpu.enqueue_indirect_dma source(%dma_start3A_328 : memref<10000x128xf32, #tpu.memory_space<hbm>>) target(%arg14 : memref<80x128xf32, #tpu.memory_space<vmem>>) offsets(%arg8 : memref<80xi32, #tpu.memory_space<vmem>>) semaphore(%arg18 : memref<!tpu.dma_semaphore, #tpu.memory_space<semaphore_mem>>)
    %scan3A_329 = arith.constant 0 : i32
    %scan3A_330 = arith.constant 0 : i32
    %scan3A_331 = arith.constant 80 : i32
    %scan3A_332 = arith.addi %scan3A_330, %scan3A_331 : i32
    %scan3A_333 = arith.constant 1 : i32
    %scan3A_334 = scf.for %scan3A_557 = %scan3A_330 to %scan3A_332 step %scan3A_333 iter_args(%scan3A_558 = %scan3A_329) -> (i32)  : i32 {
      %get3A = arith.index_cast %scan3A_557 : i32 to index
      %get3A_559 = arith.constant 0 : index
      %get3A_560 = tpu.vector_load %arg17[%get3A, %get3A_559] {strides = array<i32>} : memref<80x64xi32, #tpu.memory_space<vmem>>, vector<1x16xi32>,
      %get3A_561 = vector.shape_cast %get3A_560 : vector<1x16xi32> to vector<16xi32>
      %shift_left3A = arith.constant 16 : i32
      %shift_left3A_562 = vector.broadcast %shift_left3A : i32 to vector<16xi32>
      %shift_left3A_563 = arith.shli %get3A_561, %shift_left3A_562 : vector<16xi32>
      %bitcast_convert_type3A = tpu.bitcast %shift_left3A_563 : vector<16xi32> -> vector<16xf32>
      %and3A = arith.constant -65536 : i32
      %and3A_564 = vector.broadcast %and3A : i32 to vector<16xi32>
      %and3A_565 = arith.andi %get3A_561, %and3A_564 : vector<16xi32>
      %bitcast_convert_type3A_566 = tpu.bitcast %and3A_565 : vector<16xi32> -> vector<16xf32>
      %get3A_567 = arith.index_cast %scan3A_557 : i32 to index
      %get3A_568 = arith.constant 0 : index
      %get3A_569 = tpu.vector_load %arg15[%get3A_567, %get3A_568] {strides = array<i32>} : memref<80x128xf32, #tpu.memory_space<vmem>>, vector<1x16xf32>,
      %get3A_570 = vector.shape_cast %get3A_569 : vector<1x16xf32> to vector<16xf32>
      %mul3A_571 = arith.mulf %get3A_570, %bitcast_convert_type3A : vector<16xf32>
      %swap3A = arith.index_cast %scan3A_557 : i32 to index
      %swap3A_572 = arith.constant 0 : index
      %swap3A_573 = tpu.vector_load %arg15[%swap3A, %swap3A_572] {strides = array<i32>} : memref<80x128xf32, #tpu.memory_space<vmem>>, vector<1x16xf32>,
      %swap3A_574 = vector.shape_cast %swap3A_573 : vector<1x16xf32> to vector<16xf32>
      %swap3A_575 = vector.shape_cast %mul3A_571 : vector<16xf32> to vector<1x16xf32>
      tpu.vector_store %arg15[%swap3A, %swap3A_572], %swap3A_575 {strides = array<i32>} : memref<80x128xf32, #tpu.memory_space<vmem>>, vector<1x16xf32>,
      %get3A_576 = arith.index_cast %scan3A_557 : i32 to index
      %get3A_577 = arith.constant 64 : index
      %get3A_578 = tpu.vector_load %arg15[%get3A_576, %get3A_577] {strides = array<i32>} : memref<80x128xf32, #tpu.memory_space<vmem>>, vector<1x16xf32>,
      %get3A_579 = vector.shape_cast %get3A_578 : vector<1x16xf32> to vector<16xf32>
      %mul3A_580 = arith.mulf %get3A_579, %bitcast_convert_type3A_566 : vector<16xf32>
      %swap3A_581 = arith.index_cast %scan3A_557 : i32 to index
      %swap3A_582 = arith.constant 64 : index
      %swap3A_583 = tpu.vector_load %arg15[%swap3A_581, %swap3A_582] {strides = array<i32>} : memref<80x128xf32, #tpu.memory_space<vmem>>, vector<1x16xf32>,
      %swap3A_584 = vector.shape_cast %swap3A_583 : vector<1x16xf32> to vector<16xf32>
      %swap3A_585 = vector.shape_cast %mul3A_580 : vector<16xf32> to vector<1x16xf32>
      tpu.vector_store %arg15[%swap3A_581, %swap3A_582], %swap3A_585 {strides = array<i32>} : memref<80x128xf32, #tpu.memory_space<vmem>>, vector<1x16xf32>,
      %get3A_586 = arith.index_cast %scan3A_557 : i32 to index
      %get3A_587 = arith.constant 16 : index
      %get3A_588 = tpu.vector_load %arg17[%get3A_586, %get3A_587] {strides = array<i32>} : memref<80x64xi32, #tpu.memory_space<vmem>>, vector<1x16xi32>,
      %get3A_589 = vector.shape_cast %get3A_588 : vector<1x16xi32> to vector<16xi32>
      %shift_left3A_590 = arith.constant 16 : i32
      %shift_left3A_591 = vector.broadcast %shift_left3A_590 : i32 to vector<16xi32>
      %shift_left3A_592 = arith.shli %get3A_589, %shift_left3A_591 : vector<16xi32>
      %bitcast_convert_type3A_593 = tpu.bitcast %shift_left3A_592 : vector<16xi32> -> vector<16xf32>
      %and3A_594 = arith.constant -65536 : i32
      %and3A_595 = vector.broadcast %and3A_594 : i32 to vector<16xi32>
      %and3A_596 = arith.andi %get3A_589, %and3A_595 : vector<16xi32>
      %bitcast_convert_type3A_597 = tpu.bitcast %and3A_596 : vector<16xi32> -> vector<16xf32>
      %get3A_598 = arith.index_cast %scan3A_557 : i32 to index
      %get3A_599 = arith.constant 16 : index
      %get3A_600 = tpu.vector_load %arg15[%get3A_598, %get3A_599] {strides = array<i32>} : memref<80x128xf32, #tpu.memory_space<vmem>>, vector<1x16xf32>,
      %get3A_601 = vector.shape_cast %get3A_600 : vector<1x16xf32> to vector<16xf32>
      %mul3A_602 = arith.mulf %get3A_601, %bitcast_convert_type3A_593 : vector<16xf32>
      %swap3A_603 = arith.index_cast %scan3A_557 : i32 to index
      %swap3A_604 = arith.constant 16 : index
      %swap3A_605 = tpu.vector_load %arg15[%swap3A_603, %swap3A_604] {strides = array<i32>} : memref<80x128xf32, #tpu.memory_space<vmem>>, vector<1x16xf32>,
      %swap3A_606 = vector.shape_cast %swap3A_605 : vector<1x16xf32> to vector<16xf32>
      %swap3A_607 = vector.shape_cast %mul3A_602 : vector<16xf32> to vector<1x16xf32>
      tpu.vector_store %arg15[%swap3A_603, %swap3A_604], %swap3A_607 {strides = array<i32>} : memref<80x128xf32, #tpu.memory_space<vmem>>, vector<1x16xf32>,
      %get3A_608 = arith.index_cast %scan3A_557 : i32 to index
      %get3A_609 = arith.constant 80 : index
      %get3A_610 = tpu.vector_load %arg15[%get3A_608, %get3A_609] {strides = array<i32>} : memref<80x128xf32, #tpu.memory_space<vmem>>, vector<1x16xf32>,
      %get3A_611 = vector.shape_cast %get3A_610 : vector<1x16xf32> to vector<16xf32>
      %mul3A_612 = arith.mulf %get3A_611, %bitcast_convert_type3A_597 : vector<16xf32>
      %swap3A_613 = arith.index_cast %scan3A_557 : i32 to index
      %swap3A_614 = arith.constant 80 : index
      %swap3A_615 = tpu.vector_load %arg15[%swap3A_613, %swap3A_614] {strides = array<i32>} : memref<80x128xf32, #tpu.memory_space<vmem>>, vector<1x16xf32>,
      %swap3A_616 = vector.shape_cast %swap3A_615 : vector<1x16xf32> to vector<16xf32>
      %swap3A_617 = vector.shape_cast %mul3A_612 : vector<16xf32> to vector<1x16xf32>
      tpu.vector_store %arg15[%swap3A_613, %swap3A_614], %swap3A_617 {strides = array<i32>} : memref<80x128xf32, #tpu.memory_space<vmem>>, vector<1x16xf32>,
      %get3A_618 = arith.index_cast %scan3A_557 : i32 to index
      %get3A_619 = arith.constant 32 : index
      %get3A_620 = tpu.vector_load %arg17[%get3A_618, %get3A_619] {strides = array<i32>} : memref<80x64xi32, #tpu.memory_space<vmem>>, vector<1x16xi32>,
      %get3A_621 = vector.shape_cast %get3A_620 : vector<1x16xi32> to vector<16xi32>
      %shift_left3A_622 = arith.constant 16 : i32
      %shift_left3A_623 = vector.broadcast %shift_left3A_622 : i32 to vector<16xi32>
      %shift_left3A_624 = arith.shli %get3A_621, %shift_left3A_623 : vector<16xi32>
      %bitcast_convert_type3A_625 = tpu.bitcast %shift_left3A_624 : vector<16xi32> -> vector<16xf32>
      %and3A_626 = arith.constant -65536 : i32
      %and3A_627 = vector.broadcast %and3A_626 : i32 to vector<16xi32>
      %and3A_628 = arith.andi %get3A_621, %and3A_627 : vector<16xi32>
      %bitcast_convert_type3A_629 = tpu.bitcast %and3A_628 : vector<16xi32> -> vector<16xf32>
      %get3A_630 = arith.index_cast %scan3A_557 : i32 to index
      %get3A_631 = arith.constant 32 : index
      %get3A_632 = tpu.vector_load %arg15[%get3A_630, %get3A_631] {strides = array<i32>} : memref<80x128xf32, #tpu.memory_space<vmem>>, vector<1x16xf32>,
      %get3A_633 = vector.shape_cast %get3A_632 : vector<1x16xf32> to vector<16xf32>
      %mul3A_634 = arith.mulf %get3A_633, %bitcast_convert_type3A_625 : vector<16xf32>
      %swap3A_635 = arith.index_cast %scan3A_557 : i32 to index
      %swap3A_636 = arith.constant 32 : index
      %swap3A_637 = tpu.vector_load %arg15[%swap3A_635, %swap3A_636] {strides = array<i32>} : memref<80x128xf32, #tpu.memory_space<vmem>>, vector<1x16xf32>,
      %swap3A_638 = vector.shape_cast %swap3A_637 : vector<1x16xf32> to vector<16xf32>
      %swap3A_639 = vector.shape_cast %mul3A_634 : vector<16xf32> to vector<1x16xf32>
      tpu.vector_store %arg15[%swap3A_635, %swap3A_636], %swap3A_639 {strides = array<i32>} : memref<80x128xf32, #tpu.memory_space<vmem>>, vector<1x16xf32>,
      %get3A_640 = arith.index_cast %scan3A_557 : i32 to index
      %get3A_641 = arith.constant 96 : index
      %get3A_642 = tpu.vector_load %arg15[%get3A_640, %get3A_641] {strides = array<i32>} : memref<80x128xf32, #tpu.memory_space<vmem>>, vector<1x16xf32>,
      %get3A_643 = vector.shape_cast %get3A_642 : vector<1x16xf32> to vector<16xf32>
      %mul3A_644 = arith.mulf %get3A_643, %bitcast_convert_type3A_629 : vector<16xf32>
      %swap3A_645 = arith.index_cast %scan3A_557 : i32 to index
      %swap3A_646 = arith.constant 96 : index
      %swap3A_647 = tpu.vector_load %arg15[%swap3A_645, %swap3A_646] {strides = array<i32>} : memref<80x128xf32, #tpu.memory_space<vmem>>, vector<1x16xf32>,
      %swap3A_648 = vector.shape_cast %swap3A_647 : vector<1x16xf32> to vector<16xf32>
      %swap3A_649 = vector.shape_cast %mul3A_644 : vector<16xf32> to vector<1x16xf32>
      tpu.vector_store %arg15[%swap3A_645, %swap3A_646], %swap3A_649 {strides = array<i32>} : memref<80x128xf32, #tpu.memory_space<vmem>>, vector<1x16xf32>,
      %get3A_650 = arith.index_cast %scan3A_557 : i32 to index
      %get3A_651 = arith.constant 48 : index
      %get3A_652 = tpu.vector_load %arg17[%get3A_650, %get3A_651] {strides = array<i32>} : memref<80x64xi32, #tpu.memory_space<vmem>>, vector<1x16xi32>,
      %get3A_653 = vector.shape_cast %get3A_652 : vector<1x16xi32> to vector<16xi32>
      %shift_left3A_654 = arith.constant 16 : i32
      %shift_left3A_655 = vector.broadcast %shift_left3A_654 : i32 to vector<16xi32>
      %shift_left3A_656 = arith.shli %get3A_653, %shift_left3A_655 : vector<16xi32>
      %bitcast_convert_type3A_657 = tpu.bitcast %shift_left3A_656 : vector<16xi32> -> vector<16xf32>
      %and3A_658 = arith.constant -65536 : i32
      %and3A_659 = vector.broadcast %and3A_658 : i32 to vector<16xi32>
      %and3A_660 = arith.andi %get3A_653, %and3A_659 : vector<16xi32>
      %bitcast_convert_type3A_661 = tpu.bitcast %and3A_660 : vector<16xi32> -> vector<16xf32>
      %get3A_662 = arith.index_cast %scan3A_557 : i32 to index
      %get3A_663 = arith.constant 48 : index
      %get3A_664 = tpu.vector_load %arg15[%get3A_662, %get3A_663] {strides = array<i32>} : memref<80x128xf32, #tpu.memory_space<vmem>>, vector<1x16xf32>,
      %get3A_665 = vector.shape_cast %get3A_664 : vector<1x16xf32> to vector<16xf32>
      %mul3A_666 = arith.mulf %get3A_665, %bitcast_convert_type3A_657 : vector<16xf32>
      %swap3A_667 = arith.index_cast %scan3A_557 : i32 to index
      %swap3A_668 = arith.constant 48 : index
      %swap3A_669 = tpu.vector_load %arg15[%swap3A_667, %swap3A_668] {strides = array<i32>} : memref<80x128xf32, #tpu.memory_space<vmem>>, vector<1x16xf32>,
      %swap3A_670 = vector.shape_cast %swap3A_669 : vector<1x16xf32> to vector<16xf32>
      %swap3A_671 = vector.shape_cast %mul3A_666 : vector<16xf32> to vector<1x16xf32>
      tpu.vector_store %arg15[%swap3A_667, %swap3A_668], %swap3A_671 {strides = array<i32>} : memref<80x128xf32, #tpu.memory_space<vmem>>, vector<1x16xf32>,
      %get3A_672 = arith.index_cast %scan3A_557 : i32 to index
      %get3A_673 = arith.constant 112 : index
      %get3A_674 = tpu.vector_load %arg15[%get3A_672, %get3A_673] {strides = array<i32>} : memref<80x128xf32, #tpu.memory_space<vmem>>, vector<1x16xf32>,
      %get3A_675 = vector.shape_cast %get3A_674 : vector<1x16xf32> to vector<16xf32>
      %mul3A_676 = arith.mulf %get3A_675, %bitcast_convert_type3A_661 : vector<16xf32>
      %swap3A_677 = arith.index_cast %scan3A_557 : i32 to index
      %swap3A_678 = arith.constant 112 : index
      %swap3A_679 = tpu.vector_load %arg15[%swap3A_677, %swap3A_678] {strides = array<i32>} : memref<80x128xf32, #tpu.memory_space<vmem>>, vector<1x16xf32>,
      %swap3A_680 = vector.shape_cast %swap3A_679 : vector<1x16xf32> to vector<16xf32>
      %swap3A_681 = vector.shape_cast %mul3A_676 : vector<16xf32> to vector<1x16xf32>
      tpu.vector_store %arg15[%swap3A_677, %swap3A_678], %swap3A_681 {strides = array<i32>} : memref<80x128xf32, #tpu.memory_space<vmem>>, vector<1x16xf32>,
      %scan3A_682 = arith.constant 0 : i32
      scf.yield %scan3A_682 : i32
    }
    %scan3A_335 = arith.constant 80 : i32
    %dma_start3A_336 = arith.constant 0 : i32
    %dma_start3A_337 = arith.constant 0 : i32
    %dma_start3A_338 = tpu.memref_slice %arg7[%dma_start3A_336, %dma_start3A_337] : memref<10000x128xf32, #tpu.memory_space<vmem_shared>> -> memref<10000x128xf32, #tpu.memory_space<vmem_shared>>
    tpu.enqueue_indirect_dma source(%arg15 : memref<80x128xf32, #tpu.memory_space<vmem>>) target(%dma_start3A_338 : memref<10000x128xf32, #tpu.memory_space<vmem_shared>>) offsets(%arg13 : memref<80xi32, #tpu.memory_space<vmem>>) semaphore(%arg29 : memref<!tpu.dma_semaphore, #tpu.memory_space<semaphore_mem>>) {add = true}
    %scan3A_339 = arith.constant 0 : i32
    %scan3A_340 = arith.constant 0 : i32
    %scan3A_341 = arith.constant 19 : i32
    %scan3A_342 = arith.addi %scan3A_340, %scan3A_341 : i32
    %scan3A_343 = arith.constant 1 : i32
    %scan3A_344 = scf.for %scan3A_557 = %scan3A_340 to %scan3A_342 step %scan3A_343 iter_args(%scan3A_558 = %scan3A_339) -> (i32)  : i32 {
      %mul3A_559 = arith.constant 6 : i32
      %mul3A_560 = arith.muli %mul3A_559, %scan3A_557 : i32
      %add3A_561 = arith.constant 6 : i32
      %add3A_562 = arith.addi %add3A_561, %mul3A_560 : i32
      %add3A_563 = arith.constant 0 : i32
      %add3A_564 = arith.addi %add3A_562, %add3A_563 : i32
      %add3A_565 = arith.constant 2 : i32
      %add3A_566 = arith.addi %add3A_564, %add3A_565 : i32
      %mul3A_567 = arith.constant 80 : i32
      %mul3A_568 = arith.muli %add3A_566, %mul3A_567 : i32
      %add3A_569 = arith.addi %mul3A_28, %mul3A_568 : i32
      %dma_start3A_570 = tpu.memref_slice %arg4[%add3A_569] : memref<320000xi32, #tpu.memory_space<hbm>> -> memref<80xi32, #tpu.memory_space<hbm>>
      %dma_start3A_571 = tpu.memref_slice %arg4[%add3A_569] : memref<320000xi32, #tpu.memory_space<hbm>> -> memref<80xi32, #tpu.memory_space<hbm>>
      tpu.enqueue_dma source(%dma_start3A_571 : memref<80xi32, #tpu.memory_space<hbm>>) target(%arg10 : memref<80xi32, #tpu.memory_space<vmem>>) target_semaphore(%arg24 : memref<!tpu.dma_semaphore, #tpu.memory_space<semaphore_mem>>)
      %mul3A_572 = arith.constant 80 : i32
      %mul3A_573 = arith.muli %add3A_566, %mul3A_572 : i32
      %add3A_574 = arith.addi %mul3A_28, %mul3A_573 : i32
      %dma_start3A_575 = tpu.memref_slice %arg5[%add3A_574] : memref<320000xi32, #tpu.memory_space<hbm>> -> memref<80xi32, #tpu.memory_space<hbm>>
      %dma_start3A_576 = tpu.memref_slice %arg5[%add3A_574] : memref<320000xi32, #tpu.memory_space<hbm>> -> memref<80xi32, #tpu.memory_space<hbm>>
      tpu.enqueue_dma source(%dma_start3A_576 : memref<80xi32, #tpu.memory_space<hbm>>) target(%arg13 : memref<80xi32, #tpu.memory_space<vmem>>) target_semaphore(%arg27 : memref<!tpu.dma_semaphore, #tpu.memory_space<semaphore_mem>>)
      %mul3A_577 = arith.constant 80 : i32
      %mul3A_578 = arith.muli %add3A_564, %mul3A_577 : i32
      %add3A_579 = arith.addi %mul3A_28, %mul3A_578 : i32
      %dma_wait3A_580 = arith.constant 0 : i32
      %dma_wait3A_581 = tpu.memref_slice %arg3[%add3A_579, %dma_wait3A_580] : memref<320000x64xi32, #tpu.memory_space<hbm>> -> memref<80x64xi32, #tpu.memory_space<hbm>>
      %dma_wait3A_582 = arith.constant 0 : i32
      %dma_wait3A_583 = tpu.memref_slice %arg3[%add3A_579, %dma_wait3A_582] : memref<320000x64xi32, #tpu.memory_space<hbm>> -> memref<80x64xi32, #tpu.memory_space<hbm>>
      tpu.wait_dma2 semaphore(%arg20 : memref<!tpu.dma_semaphore, #tpu.memory_space<semaphore_mem>>) src(%dma_wait3A_583 : memref<80x64xi32, #tpu.memory_space<hbm>>) dst(%arg16 : memref<80x64xi32, #tpu.memory_space<vmem>>)
      %dma_wait3A_584 = arith.constant 0 : i32
      %dma_wait3A_585 = arith.constant 0 : i32
      %dma_wait3A_586 = tpu.memref_slice %arg2[%dma_wait3A_584, %dma_wait3A_585] : memref<10000x128xf32, #tpu.memory_space<hbm>> -> memref<10000x128xf32, #tpu.memory_space<hbm>>
      tpu.wait_indirect_dma semaphore(%arg18 : memref<!tpu.dma_semaphore, #tpu.memory_space<semaphore_mem>>) src(%dma_wait3A_586 : memref<10000x128xf32, #tpu.memory_space<hbm>>) dst(%arg14 : memref<80x128xf32, #tpu.memory_space<vmem>>)
      %dma_wait3A_587 = arith.constant 0 : i32
      %dma_wait3A_588 = arith.constant 0 : i32
      %dma_wait3A_589 = tpu.memref_slice %arg7[%dma_wait3A_587, %dma_wait3A_588] : memref<10000x128xf32, #tpu.memory_space<vmem_shared>> -> memref<10000x128xf32, #tpu.memory_space<vmem_shared>>
      tpu.wait_indirect_dma semaphore(%arg29 : memref<!tpu.dma_semaphore, #tpu.memory_space<semaphore_mem>>) src(%arg15 : memref<80x128xf32, #tpu.memory_space<vmem>>) dst(%dma_wait3A_589 : memref<10000x128xf32, #tpu.memory_space<vmem_shared>>)
      %add3A_590 = arith.constant 1 : i32
      %add3A_591 = arith.addi %add3A_564, %add3A_590 : i32
      %mul3A_592 = arith.constant 80 : i32
      %mul3A_593 = arith.muli %add3A_591, %mul3A_592 : i32
      %add3A_594 = arith.addi %mul3A_28, %mul3A_593 : i32
      %dma_wait3A_595 = tpu.memref_slice %arg4[%add3A_594] : memref<320000xi32, #tpu.memory_space<hbm>> -> memref<80xi32, #tpu.memory_space<hbm>>
      %dma_wait3A_596 = tpu.memref_slice %arg4[%add3A_594] : memref<320000xi32, #tpu.memory_space<hbm>> -> memref<80xi32, #tpu.memory_space<hbm>>
      tpu.wait_dma2 semaphore(%arg23 : memref<!tpu.dma_semaphore, #tpu.memory_space<semaphore_mem>>) src(%dma_wait3A_596 : memref<80xi32, #tpu.memory_space<hbm>>) dst(%arg9 : memref<80xi32, #tpu.memory_space<vmem>>)
      %mul3A_597 = arith.constant 80 : i32
      %mul3A_598 = arith.muli %add3A_591, %mul3A_597 : i32
      %add3A_599 = arith.addi %mul3A_28, %mul3A_598 : i32
      %dma_wait3A_600 = tpu.memref_slice %arg5[%add3A_599] : memref<320000xi32, #tpu.memory_space<hbm>> -> memref<80xi32, #tpu.memory_space<hbm>>
      %dma_wait3A_601 = tpu.memref_slice %arg5[%add3A_599] : memref<320000xi32, #tpu.memory_space<hbm>> -> memref<80xi32, #tpu.memory_space<hbm>>
      tpu.wait_dma2 semaphore(%arg26 : memref<!tpu.dma_semaphore, #tpu.memory_space<semaphore_mem>>) src(%dma_wait3A_601 : memref<80xi32, #tpu.memory_space<hbm>>) dst(%arg12 : memref<80xi32, #tpu.memory_space<vmem>>)
      %add3A_602 = arith.constant 1 : i32
      %add3A_603 = arith.addi %add3A_564, %add3A_602 : i32
      %mul3A_604 = arith.constant 80 : i32
      %mul3A_605 = arith.muli %add3A_603, %mul3A_604 : i32
      %add3A_606 = arith.addi %mul3A_28, %mul3A_605 : i32
      %dma_start3A_607 = arith.constant 0 : i32
      %dma_start3A_608 = tpu.memref_slice %arg3[%add3A_606, %dma_start3A_607] : memref<320000x64xi32, #tpu.memory_space<hbm>> -> memref<80x64xi32, #tpu.memory_space<hbm>>
      %dma_start3A_609 = arith.constant 0 : i32
      %dma_start3A_610 = tpu.memref_slice %arg3[%add3A_606, %dma_start3A_609] : memref<320000x64xi32, #tpu.memory_space<hbm>> -> memref<80x64xi32, #tpu.memory_space<hbm>>
      tpu.enqueue_dma source(%dma_start3A_610 : memref<80x64xi32, #tpu.memory_space<hbm>>) target(%arg17 : memref<80x64xi32, #tpu.memory_space<vmem>>) target_semaphore(%arg21 : memref<!tpu.dma_semaphore, #tpu.memory_space<semaphore_mem>>)
      %dma_start3A_611 = arith.constant 0 : i32
      %dma_start3A_612 = arith.constant 0 : i32
      %dma_start3A_613 = tpu.memref_slice %arg2[%dma_start3A_611, %dma_start3A_612] : memref<10000x128xf32, #tpu.memory_space<hbm>> -> memref<10000x128xf32, #tpu.memory_space<hbm>>
      tpu.enqueue_indirect_dma source(%dma_start3A_613 : memref<10000x128xf32, #tpu.memory_space<hbm>>) target(%arg15 : memref<80x128xf32, #tpu.memory_space<vmem>>) offsets(%arg9 : memref<80xi32, #tpu.memory_space<vmem>>) semaphore(%arg19 : memref<!tpu.dma_semaphore, #tpu.memory_space<semaphore_mem>>)
      %scan3A_614 = arith.constant 0 : i32
      %scan3A_615 = arith.constant 0 : i32
      %scan3A_616 = arith.constant 80 : i32
      %scan3A_617 = arith.addi %scan3A_615, %scan3A_616 : i32
      %scan3A_618 = arith.constant 1 : i32
      %scan3A_619 = scf.for %scan3A_930 = %scan3A_615 to %scan3A_617 step %scan3A_618 iter_args(%scan3A_931 = %scan3A_614) -> (i32)  : i32 {
        %get3A = arith.index_cast %scan3A_930 : i32 to index
        %get3A_932 = arith.constant 0 : index
        %get3A_933 = tpu.vector_load %arg16[%get3A, %get3A_932] {strides = array<i32>} : memref<80x64xi32, #tpu.memory_space<vmem>>, vector<1x16xi32>,
        %get3A_934 = vector.shape_cast %get3A_933 : vector<1x16xi32> to vector<16xi32>
        %shift_left3A = arith.constant 16 : i32
        %shift_left3A_935 = vector.broadcast %shift_left3A : i32 to vector<16xi32>
        %shift_left3A_936 = arith.shli %get3A_934, %shift_left3A_935 : vector<16xi32>
        %bitcast_convert_type3A = tpu.bitcast %shift_left3A_936 : vector<16xi32> -> vector<16xf32>
        %and3A = arith.constant -65536 : i32
        %and3A_937 = vector.broadcast %and3A : i32 to vector<16xi32>
        %and3A_938 = arith.andi %get3A_934, %and3A_937 : vector<16xi32>
        %bitcast_convert_type3A_939 = tpu.bitcast %and3A_938 : vector<16xi32> -> vector<16xf32>
        %get3A_940 = arith.index_cast %scan3A_930 : i32 to index
        %get3A_941 = arith.constant 0 : index
        %get3A_942 = tpu.vector_load %arg14[%get3A_940, %get3A_941] {strides = array<i32>} : memref<80x128xf32, #tpu.memory_space<vmem>>, vector<1x16xf32>,
        %get3A_943 = vector.shape_cast %get3A_942 : vector<1x16xf32> to vector<16xf32>
        %mul3A_944 = arith.mulf %get3A_943, %bitcast_convert_type3A : vector<16xf32>
        %swap3A = arith.index_cast %scan3A_930 : i32 to index
        %swap3A_945 = arith.constant 0 : index
        %swap3A_946 = tpu.vector_load %arg14[%swap3A, %swap3A_945] {strides = array<i32>} : memref<80x128xf32, #tpu.memory_space<vmem>>, vector<1x16xf32>,
        %swap3A_947 = vector.shape_cast %swap3A_946 : vector<1x16xf32> to vector<16xf32>
        %swap3A_948 = vector.shape_cast %mul3A_944 : vector<16xf32> to vector<1x16xf32>
        tpu.vector_store %arg14[%swap3A, %swap3A_945], %swap3A_948 {strides = array<i32>} : memref<80x128xf32, #tpu.memory_space<vmem>>, vector<1x16xf32>,
        %get3A_949 = arith.index_cast %scan3A_930 : i32 to index
        %get3A_950 = arith.constant 64 : index
        %get3A_951 = tpu.vector_load %arg14[%get3A_949, %get3A_950] {strides = array<i32>} : memref<80x128xf32, #tpu.memory_space<vmem>>, vector<1x16xf32>,
        %get3A_952 = vector.shape_cast %get3A_951 : vector<1x16xf32> to vector<16xf32>
        %mul3A_953 = arith.mulf %get3A_952, %bitcast_convert_type3A_939 : vector<16xf32>
        %swap3A_954 = arith.index_cast %scan3A_930 : i32 to index
        %swap3A_955 = arith.constant 64 : index
        %swap3A_956 = tpu.vector_load %arg14[%swap3A_954, %swap3A_955] {strides = array<i32>} : memref<80x128xf32, #tpu.memory_space<vmem>>, vector<1x16xf32>,
        %swap3A_957 = vector.shape_cast %swap3A_956 : vector<1x16xf32> to vector<16xf32>
        %swap3A_958 = vector.shape_cast %mul3A_953 : vector<16xf32> to vector<1x16xf32>
        tpu.vector_store %arg14[%swap3A_954, %swap3A_955], %swap3A_958 {strides = array<i32>} : memref<80x128xf32, #tpu.memory_space<vmem>>, vector<1x16xf32>,
        %get3A_959 = arith.index_cast %scan3A_930 : i32 to index
        %get3A_960 = arith.constant 16 : index
        %get3A_961 = tpu.vector_load %arg16[%get3A_959, %get3A_960] {strides = array<i32>} : memref<80x64xi32, #tpu.memory_space<vmem>>, vector<1x16xi32>,
        %get3A_962 = vector.shape_cast %get3A_961 : vector<1x16xi32> to vector<16xi32>
        %shift_left3A_963 = arith.constant 16 : i32
        %shift_left3A_964 = vector.broadcast %shift_left3A_963 : i32 to vector<16xi32>
        %shift_left3A_965 = arith.shli %get3A_962, %shift_left3A_964 : vector<16xi32>
        %bitcast_convert_type3A_966 = tpu.bitcast %shift_left3A_965 : vector<16xi32> -> vector<16xf32>
        %and3A_967 = arith.constant -65536 : i32
        %and3A_968 = vector.broadcast %and3A_967 : i32 to vector<16xi32>
        %and3A_969 = arith.andi %get3A_962, %and3A_968 : vector<16xi32>
        %bitcast_convert_type3A_970 = tpu.bitcast %and3A_969 : vector<16xi32> -> vector<16xf32>
        %get3A_971 = arith.index_cast %scan3A_930 : i32 to index
        %get3A_972 = arith.constant 16 : index
        %get3A_973 = tpu.vector_load %arg14[%get3A_971, %get3A_972] {strides = array<i32>} : memref<80x128xf32, #tpu.memory_space<vmem>>, vector<1x16xf32>,
        %get3A_974 = vector.shape_cast %get3A_973 : vector<1x16xf32> to vector<16xf32>
        %mul3A_975 = arith.mulf %get3A_974, %bitcast_convert_type3A_966 : vector<16xf32>
        %swap3A_976 = arith.index_cast %scan3A_930 : i32 to index
        %swap3A_977 = arith.constant 16 : index
        %swap3A_978 = tpu.vector_load %arg14[%swap3A_976, %swap3A_977] {strides = array<i32>} : memref<80x128xf32, #tpu.memory_space<vmem>>, vector<1x16xf32>,
        %swap3A_979 = vector.shape_cast %swap3A_978 : vector<1x16xf32> to vector<16xf32>
        %swap3A_980 = vector.shape_cast %mul3A_975 : vector<16xf32> to vector<1x16xf32>
        tpu.vector_store %arg14[%swap3A_976, %swap3A_977], %swap3A_980 {strides = array<i32>} : memref<80x128xf32, #tpu.memory_space<vmem>>, vector<1x16xf32>,
        %get3A_981 = arith.index_cast %scan3A_930 : i32 to index
        %get3A_982 = arith.constant 80 : index
        %get3A_983 = tpu.vector_load %arg14[%get3A_981, %get3A_982] {strides = array<i32>} : memref<80x128xf32, #tpu.memory_space<vmem>>, vector<1x16xf32>,
        %get3A_984 = vector.shape_cast %get3A_983 : vector<1x16xf32> to vector<16xf32>
        %mul3A_985 = arith.mulf %get3A_984, %bitcast_convert_type3A_970 : vector<16xf32>
        %swap3A_986 = arith.index_cast %scan3A_930 : i32 to index
        %swap3A_987 = arith.constant 80 : index
        %swap3A_988 = tpu.vector_load %arg14[%swap3A_986, %swap3A_987] {strides = array<i32>} : memref<80x128xf32, #tpu.memory_space<vmem>>, vector<1x16xf32>,
        %swap3A_989 = vector.shape_cast %swap3A_988 : vector<1x16xf32> to vector<16xf32>
        %swap3A_990 = vector.shape_cast %mul3A_985 : vector<16xf32> to vector<1x16xf32>
        tpu.vector_store %arg14[%swap3A_986, %swap3A_987], %swap3A_990 {strides = array<i32>} : memref<80x128xf32, #tpu.memory_space<vmem>>, vector<1x16xf32>,
        %get3A_991 = arith.index_cast %scan3A_930 : i32 to index
        %get3A_992 = arith.constant 32 : index
        %get3A_993 = tpu.vector_load %arg16[%get3A_991, %get3A_992] {strides = array<i32>} : memref<80x64xi32, #tpu.memory_space<vmem>>, vector<1x16xi32>,
        %get3A_994 = vector.shape_cast %get3A_993 : vector<1x16xi32> to vector<16xi32>
        %shift_left3A_995 = arith.constant 16 : i32
        %shift_left3A_996 = vector.broadcast %shift_left3A_995 : i32 to vector<16xi32>
        %shift_left3A_997 = arith.shli %get3A_994, %shift_left3A_996 : vector<16xi32>
        %bitcast_convert_type3A_998 = tpu.bitcast %shift_left3A_997 : vector<16xi32> -> vector<16xf32>
        %and3A_999 = arith.constant -65536 : i32
        %and3A_1000 = vector.broadcast %and3A_999 : i32 to vector<16xi32>
        %and3A_1001 = arith.andi %get3A_994, %and3A_1000 : vector<16xi32>
        %bitcast_convert_type3A_1002 = tpu.bitcast %and3A_1001 : vector<16xi32> -> vector<16xf32>
        %get3A_1003 = arith.index_cast %scan3A_930 : i32 to index
        %get3A_1004 = arith.constant 32 : index
        %get3A_1005 = tpu.vector_load %arg14[%get3A_1003, %get3A_1004] {strides = array<i32>} : memref<80x128xf32, #tpu.memory_space<vmem>>, vector<1x16xf32>,
        %get3A_1006 = vector.shape_cast %get3A_1005 : vector<1x16xf32> to vector<16xf32>
        %mul3A_1007 = arith.mulf %get3A_1006, %bitcast_convert_type3A_998 : vector<16xf32>
        %swap3A_1008 = arith.index_cast %scan3A_930 : i32 to index
        %swap3A_1009 = arith.constant 32 : index
        %swap3A_1010 = tpu.vector_load %arg14[%swap3A_1008, %swap3A_1009] {strides = array<i32>} : memref<80x128xf32, #tpu.memory_space<vmem>>, vector<1x16xf32>,
        %swap3A_1011 = vector.shape_cast %swap3A_1010 : vector<1x16xf32> to vector<16xf32>
        %swap3A_1012 = vector.shape_cast %mul3A_1007 : vector<16xf32> to vector<1x16xf32>
        tpu.vector_store %arg14[%swap3A_1008, %swap3A_1009], %swap3A_1012 {strides = array<i32>} : memref<80x128xf32, #tpu.memory_space<vmem>>, vector<1x16xf32>,
        %get3A_1013 = arith.index_cast %scan3A_930 : i32 to index
        %get3A_1014 = arith.constant 96 : index
        %get3A_1015 = tpu.vector_load %arg14[%get3A_1013, %get3A_1014] {strides = array<i32>} : memref<80x128xf32, #tpu.memory_space<vmem>>, vector<1x16xf32>,
        %get3A_1016 = vector.shape_cast %get3A_1015 : vector<1x16xf32> to vector<16xf32>
        %mul3A_1017 = arith.mulf %get3A_1016, %bitcast_convert_type3A_1002 : vector<16xf32>
        %swap3A_1018 = arith.index_cast %scan3A_930 : i32 to index
        %swap3A_1019 = arith.constant 96 : index
        %swap3A_1020 = tpu.vector_load %arg14[%swap3A_1018, %swap3A_1019] {strides = array<i32>} : memref<80x128xf32, #tpu.memory_space<vmem>>, vector<1x16xf32>,
        %swap3A_1021 = vector.shape_cast %swap3A_1020 : vector<1x16xf32> to vector<16xf32>
        %swap3A_1022 = vector.shape_cast %mul3A_1017 : vector<16xf32> to vector<1x16xf32>
        tpu.vector_store %arg14[%swap3A_1018, %swap3A_1019], %swap3A_1022 {strides = array<i32>} : memref<80x128xf32, #tpu.memory_space<vmem>>, vector<1x16xf32>,
        %get3A_1023 = arith.index_cast %scan3A_930 : i32 to index
        %get3A_1024 = arith.constant 48 : index
        %get3A_1025 = tpu.vector_load %arg16[%get3A_1023, %get3A_1024] {strides = array<i32>} : memref<80x64xi32, #tpu.memory_space<vmem>>, vector<1x16xi32>,
        %get3A_1026 = vector.shape_cast %get3A_1025 : vector<1x16xi32> to vector<16xi32>
        %shift_left3A_1027 = arith.constant 16 : i32
        %shift_left3A_1028 = vector.broadcast %shift_left3A_1027 : i32 to vector<16xi32>
        %shift_left3A_1029 = arith.shli %get3A_1026, %shift_left3A_1028 : vector<16xi32>
        %bitcast_convert_type3A_1030 = tpu.bitcast %shift_left3A_1029 : vector<16xi32> -> vector<16xf32>
        %and3A_1031 = arith.constant -65536 : i32
        %and3A_1032 = vector.broadcast %and3A_1031 : i32 to vector<16xi32>
        %and3A_1033 = arith.andi %get3A_1026, %and3A_1032 : vector<16xi32>
        %bitcast_convert_type3A_1034 = tpu.bitcast %and3A_1033 : vector<16xi32> -> vector<16xf32>
        %get3A_1035 = arith.index_cast %scan3A_930 : i32 to index
        %get3A_1036 = arith.constant 48 : index
        %get3A_1037 = tpu.vector_load %arg14[%get3A_1035, %get3A_1036] {strides = array<i32>} : memref<80x128xf32, #tpu.memory_space<vmem>>, vector<1x16xf32>,
        %get3A_1038 = vector.shape_cast %get3A_1037 : vector<1x16xf32> to vector<16xf32>
        %mul3A_1039 = arith.mulf %get3A_1038, %bitcast_convert_type3A_1030 : vector<16xf32>
        %swap3A_1040 = arith.index_cast %scan3A_930 : i32 to index
        %swap3A_1041 = arith.constant 48 : index
        %swap3A_1042 = tpu.vector_load %arg14[%swap3A_1040, %swap3A_1041] {strides = array<i32>} : memref<80x128xf32, #tpu.memory_space<vmem>>, vector<1x16xf32>,
        %swap3A_1043 = vector.shape_cast %swap3A_1042 : vector<1x16xf32> to vector<16xf32>
        %swap3A_1044 = vector.shape_cast %mul3A_1039 : vector<16xf32> to vector<1x16xf32>
        tpu.vector_store %arg14[%swap3A_1040, %swap3A_1041], %swap3A_1044 {strides = array<i32>} : memref<80x128xf32, #tpu.memory_space<vmem>>, vector<1x16xf32>,
        %get3A_1045 = arith.index_cast %scan3A_930 : i32 to index
        %get3A_1046 = arith.constant 112 : index
        %get3A_1047 = tpu.vector_load %arg14[%get3A_1045, %get3A_1046] {strides = array<i32>} : memref<80x128xf32, #tpu.memory_space<vmem>>, vector<1x16xf32>,
        %get3A_1048 = vector.shape_cast %get3A_1047 : vector<1x16xf32> to vector<16xf32>
        %mul3A_1049 = arith.mulf %get3A_1048, %bitcast_convert_type3A_1034 : vector<16xf32>
        %swap3A_1050 = arith.index_cast %scan3A_930 : i32 to index
        %swap3A_1051 = arith.constant 112 : index
        %swap3A_1052 = tpu.vector_load %arg14[%swap3A_1050, %swap3A_1051] {strides = array<i32>} : memref<80x128xf32, #tpu.memory_space<vmem>>, vector<1x16xf32>,
        %swap3A_1053 = vector.shape_cast %swap3A_1052 : vector<1x16xf32> to vector<16xf32>
        %swap3A_1054 = vector.shape_cast %mul3A_1049 : vector<16xf32> to vector<1x16xf32>
        tpu.vector_store %arg14[%swap3A_1050, %swap3A_1051], %swap3A_1054 {strides = array<i32>} : memref<80x128xf32, #tpu.memory_space<vmem>>, vector<1x16xf32>,
        %scan3A_1055 = arith.constant 0 : i32
        scf.yield %scan3A_1055 : i32
      }
      %scan3A_620 = arith.constant 80 : i32
      %dma_start3A_621 = arith.constant 0 : i32
      %dma_start3A_622 = arith.constant 0 : i32
      %dma_start3A_623 = tpu.memref_slice %arg7[%dma_start3A_621, %dma_start3A_622] : memref<10000x128xf32, #tpu.memory_space<vmem_shared>> -> memref<10000x128xf32, #tpu.memory_space<vmem_shared>>
      tpu.enqueue_indirect_dma source(%arg14 : memref<80x128xf32, #tpu.memory_space<vmem>>) target(%dma_start3A_623 : memref<10000x128xf32, #tpu.memory_space<vmem_shared>>) offsets(%arg11 : memref<80xi32, #tpu.memory_space<vmem>>) semaphore(%arg28 : memref<!tpu.dma_semaphore, #tpu.memory_space<semaphore_mem>>) {add = true}
      %add3A_624 = arith.constant 1 : i32
      %add3A_625 = arith.addi %add3A_562, %add3A_624 : i32
      %add3A_626 = arith.constant 2 : i32
      %add3A_627 = arith.addi %add3A_625, %add3A_626 : i32
      %mul3A_628 = arith.constant 80 : i32
      %mul3A_629 = arith.muli %add3A_627, %mul3A_628 : i32
      %add3A_630 = arith.addi %mul3A_28, %mul3A_629 : i32
      %dma_start3A_631 = tpu.memref_slice %arg4[%add3A_630] : memref<320000xi32, #tpu.memory_space<hbm>> -> memref<80xi32, #tpu.memory_space<hbm>>
      %dma_start3A_632 = tpu.memref_slice %arg4[%add3A_630] : memref<320000xi32, #tpu.memory_space<hbm>> -> memref<80xi32, #tpu.memory_space<hbm>>
      tpu.enqueue_dma source(%dma_start3A_632 : memref<80xi32, #tpu.memory_space<hbm>>) target(%arg8 : memref<80xi32, #tpu.memory_space<vmem>>) target_semaphore(%arg22 : memref<!tpu.dma_semaphore, #tpu.memory_space<semaphore_mem>>)
      %mul3A_633 = arith.constant 80 : i32
      %mul3A_634 = arith.muli %add3A_627, %mul3A_633 : i32
      %add3A_635 = arith.addi %mul3A_28, %mul3A_634 : i32
      %dma_start3A_636 = tpu.memref_slice %arg5[%add3A_635] : memref<320000xi32, #tpu.memory_space<hbm>> -> memref<80xi32, #tpu.memory_space<hbm>>
      %dma_start3A_637 = tpu.memref_slice %arg5[%add3A_635] : memref<320000xi32, #tpu.memory_space<hbm>> -> memref<80xi32, #tpu.memory_space<hbm>>
      tpu.enqueue_dma source(%dma_start3A_637 : memref<80xi32, #tpu.memory_space<hbm>>) target(%arg11 : memref<80xi32, #tpu.memory_space<vmem>>) target_semaphore(%arg25 : memref<!tpu.dma_semaphore, #tpu.memory_space<semaphore_mem>>)
      %mul3A_638 = arith.constant 80 : i32
      %mul3A_639 = arith.muli %add3A_625, %mul3A_638 : i32
      %add3A_640 = arith.addi %mul3A_28, %mul3A_639 : i32
      %dma_wait3A_641 = arith.constant 0 : i32
      %dma_wait3A_642 = tpu.memref_slice %arg3[%add3A_640, %dma_wait3A_641] : memref<320000x64xi32, #tpu.memory_space<hbm>> -> memref<80x64xi32, #tpu.memory_space<hbm>>
      %dma_wait3A_643 = arith.constant 0 : i32
      %dma_wait3A_644 = tpu.memref_slice %arg3[%add3A_640, %dma_wait3A_643] : memref<320000x64xi32, #tpu.memory_space<hbm>> -> memref<80x64xi32, #tpu.memory_space<hbm>>
      tpu.wait_dma2 semaphore(%arg21 : memref<!tpu.dma_semaphore, #tpu.memory_space<semaphore_mem>>) src(%dma_wait3A_644 : memref<80x64xi32, #tpu.memory_space<hbm>>) dst(%arg17 : memref<80x64xi32, #tpu.memory_space<vmem>>)
      %dma_wait3A_645 = arith.constant 0 : i32
      %dma_wait3A_646 = arith.constant 0 : i32
      %dma_wait3A_647 = tpu.memref_slice %arg2[%dma_wait3A_645, %dma_wait3A_646] : memref<10000x128xf32, #tpu.memory_space<hbm>> -> memref<10000x128xf32, #tpu.memory_space<hbm>>
      tpu.wait_indirect_dma semaphore(%arg19 : memref<!tpu.dma_semaphore, #tpu.memory_space<semaphore_mem>>) src(%dma_wait3A_647 : memref<10000x128xf32, #tpu.memory_space<hbm>>) dst(%arg15 : memref<80x128xf32, #tpu.memory_space<vmem>>)
      %dma_wait3A_648 = arith.constant 0 : i32
      %dma_wait3A_649 = arith.constant 0 : i32
      %dma_wait3A_650 = tpu.memref_slice %arg7[%dma_wait3A_648, %dma_wait3A_649] : memref<10000x128xf32, #tpu.memory_space<vmem_shared>> -> memref<10000x128xf32, #tpu.memory_space<vmem_shared>>
      tpu.wait_indirect_dma semaphore(%arg28 : memref<!tpu.dma_semaphore, #tpu.memory_space<semaphore_mem>>) src(%arg14 : memref<80x128xf32, #tpu.memory_space<vmem>>) dst(%dma_wait3A_650 : memref<10000x128xf32, #tpu.memory_space<vmem_shared>>)
      %add3A_651 = arith.constant 1 : i32
      %add3A_652 = arith.addi %add3A_625, %add3A_651 : i32
      %mul3A_653 = arith.constant 80 : i32
      %mul3A_654 = arith.muli %add3A_652, %mul3A_653 : i32
      %add3A_655 = arith.addi %mul3A_28, %mul3A_654 : i32
      %dma_wait3A_656 = tpu.memref_slice %arg4[%add3A_655] : memref<320000xi32, #tpu.memory_space<hbm>> -> memref<80xi32, #tpu.memory_space<hbm>>
      %dma_wait3A_657 = tpu.memref_slice %arg4[%add3A_655] : memref<320000xi32, #tpu.memory_space<hbm>> -> memref<80xi32, #tpu.memory_space<hbm>>
      tpu.wait_dma2 semaphore(%arg24 : memref<!tpu.dma_semaphore, #tpu.memory_space<semaphore_mem>>) src(%dma_wait3A_657 : memref<80xi32, #tpu.memory_space<hbm>>) dst(%arg10 : memref<80xi32, #tpu.memory_space<vmem>>)
      %mul3A_658 = arith.constant 80 : i32
      %mul3A_659 = arith.muli %add3A_652, %mul3A_658 : i32
      %add3A_660 = arith.addi %mul3A_28, %mul3A_659 : i32
      %dma_wait3A_661 = tpu.memref_slice %arg5[%add3A_660] : memref<320000xi32, #tpu.memory_space<hbm>> -> memref<80xi32, #tpu.memory_space<hbm>>
      %dma_wait3A_662 = tpu.memref_slice %arg5[%add3A_660] : memref<320000xi32, #tpu.memory_space<hbm>> -> memref<80xi32, #tpu.memory_space<hbm>>
      tpu.wait_dma2 semaphore(%arg27 : memref<!tpu.dma_semaphore, #tpu.memory_space<semaphore_mem>>) src(%dma_wait3A_662 : memref<80xi32, #tpu.memory_space<hbm>>) dst(%arg13 : memref<80xi32, #tpu.memory_space<vmem>>)
      %add3A_663 = arith.constant 1 : i32
      %add3A_664 = arith.addi %add3A_625, %add3A_663 : i32
      %mul3A_665 = arith.constant 80 : i32
      %mul3A_666 = arith.muli %add3A_664, %mul3A_665 : i32
      %add3A_667 = arith.addi %mul3A_28, %mul3A_666 : i32
      %dma_start3A_668 = arith.constant 0 : i32
      %dma_start3A_669 = tpu.memref_slice %arg3[%add3A_667, %dma_start3A_668] : memref<320000x64xi32, #tpu.memory_space<hbm>> -> memref<80x64xi32, #tpu.memory_space<hbm>>
      %dma_start3A_670 = arith.constant 0 : i32
      %dma_start3A_671 = tpu.memref_slice %arg3[%add3A_667, %dma_start3A_670] : memref<320000x64xi32, #tpu.memory_space<hbm>> -> memref<80x64xi32, #tpu.memory_space<hbm>>
      tpu.enqueue_dma source(%dma_start3A_671 : memref<80x64xi32, #tpu.memory_space<hbm>>) target(%arg16 : memref<80x64xi32, #tpu.memory_space<vmem>>) target_semaphore(%arg20 : memref<!tpu.dma_semaphore, #tpu.memory_space<semaphore_mem>>)
      %dma_start3A_672 = arith.constant 0 : i32
      %dma_start3A_673 = arith.constant 0 : i32
      %dma_start3A_674 = tpu.memref_slice %arg2[%dma_start3A_672, %dma_start3A_673] : memref<10000x128xf32, #tpu.memory_space<hbm>> -> memref<10000x128xf32, #tpu.memory_space<hbm>>
      tpu.enqueue_indirect_dma source(%dma_start3A_674 : memref<10000x128xf32, #tpu.memory_space<hbm>>) target(%arg14 : memref<80x128xf32, #tpu.memory_space<vmem>>) offsets(%arg10 : memref<80xi32, #tpu.memory_space<vmem>>) semaphore(%arg18 : memref<!tpu.dma_semaphore, #tpu.memory_space<semaphore_mem>>)
      %scan3A_675 = arith.constant 0 : i32
      %scan3A_676 = arith.constant 0 : i32
      %scan3A_677 = arith.constant 80 : i32
      %scan3A_678 = arith.addi %scan3A_676, %scan3A_677 : i32
      %scan3A_679 = arith.constant 1 : i32
      %scan3A_680 = scf.for %scan3A_930 = %scan3A_676 to %scan3A_678 step %scan3A_679 iter_args(%scan3A_931 = %scan3A_675) -> (i32)  : i32 {
        %get3A = arith.index_cast %scan3A_930 : i32 to index
        %get3A_932 = arith.constant 0 : index
        %get3A_933 = tpu.vector_load %arg17[%get3A, %get3A_932] {strides = array<i32>} : memref<80x64xi32, #tpu.memory_space<vmem>>, vector<1x16xi32>,
        %get3A_934 = vector.shape_cast %get3A_933 : vector<1x16xi32> to vector<16xi32>
        %shift_left3A = arith.constant 16 : i32
        %shift_left3A_935 = vector.broadcast %shift_left3A : i32 to vector<16xi32>
        %shift_left3A_936 = arith.shli %get3A_934, %shift_left3A_935 : vector<16xi32>
        %bitcast_convert_type3A = tpu.bitcast %shift_left3A_936 : vector<16xi32> -> vector<16xf32>
        %and3A = arith.constant -65536 : i32
        %and3A_937 = vector.broadcast %and3A : i32 to vector<16xi32>
        %and3A_938 = arith.andi %get3A_934, %and3A_937 : vector<16xi32>
        %bitcast_convert_type3A_939 = tpu.bitcast %and3A_938 : vector<16xi32> -> vector<16xf32>
        %get3A_940 = arith.index_cast %scan3A_930 : i32 to index
        %get3A_941 = arith.constant 0 : index
        %get3A_942 = tpu.vector_load %arg15[%get3A_940, %get3A_941] {strides = array<i32>} : memref<80x128xf32, #tpu.memory_space<vmem>>, vector<1x16xf32>,
        %get3A_943 = vector.shape_cast %get3A_942 : vector<1x16xf32> to vector<16xf32>
        %mul3A_944 = arith.mulf %get3A_943, %bitcast_convert_type3A : vector<16xf32>
        %swap3A = arith.index_cast %scan3A_930 : i32 to index
        %swap3A_945 = arith.constant 0 : index
        %swap3A_946 = tpu.vector_load %arg15[%swap3A, %swap3A_945] {strides = array<i32>} : memref<80x128xf32, #tpu.memory_space<vmem>>, vector<1x16xf32>,
        %swap3A_947 = vector.shape_cast %swap3A_946 : vector<1x16xf32> to vector<16xf32>
        %swap3A_948 = vector.shape_cast %mul3A_944 : vector<16xf32> to vector<1x16xf32>
        tpu.vector_store %arg15[%swap3A, %swap3A_945], %swap3A_948 {strides = array<i32>} : memref<80x128xf32, #tpu.memory_space<vmem>>, vector<1x16xf32>,
        %get3A_949 = arith.index_cast %scan3A_930 : i32 to index
        %get3A_950 = arith.constant 64 : index
        %get3A_951 = tpu.vector_load %arg15[%get3A_949, %get3A_950] {strides = array<i32>} : memref<80x128xf32, #tpu.memory_space<vmem>>, vector<1x16xf32>,
        %get3A_952 = vector.shape_cast %get3A_951 : vector<1x16xf32> to vector<16xf32>
        %mul3A_953 = arith.mulf %get3A_952, %bitcast_convert_type3A_939 : vector<16xf32>
        %swap3A_954 = arith.index_cast %scan3A_930 : i32 to index
        %swap3A_955 = arith.constant 64 : index
        %swap3A_956 = tpu.vector_load %arg15[%swap3A_954, %swap3A_955] {strides = array<i32>} : memref<80x128xf32, #tpu.memory_space<vmem>>, vector<1x16xf32>,
        %swap3A_957 = vector.shape_cast %swap3A_956 : vector<1x16xf32> to vector<16xf32>
        %swap3A_958 = vector.shape_cast %mul3A_953 : vector<16xf32> to vector<1x16xf32>
        tpu.vector_store %arg15[%swap3A_954, %swap3A_955], %swap3A_958 {strides = array<i32>} : memref<80x128xf32, #tpu.memory_space<vmem>>, vector<1x16xf32>,
        %get3A_959 = arith.index_cast %scan3A_930 : i32 to index
        %get3A_960 = arith.constant 16 : index
        %get3A_961 = tpu.vector_load %arg17[%get3A_959, %get3A_960] {strides = array<i32>} : memref<80x64xi32, #tpu.memory_space<vmem>>, vector<1x16xi32>,
        %get3A_962 = vector.shape_cast %get3A_961 : vector<1x16xi32> to vector<16xi32>
        %shift_left3A_963 = arith.constant 16 : i32
        %shift_left3A_964 = vector.broadcast %shift_left3A_963 : i32 to vector<16xi32>
        %shift_left3A_965 = arith.shli %get3A_962, %shift_left3A_964 : vector<16xi32>
        %bitcast_convert_type3A_966 = tpu.bitcast %shift_left3A_965 : vector<16xi32> -> vector<16xf32>
        %and3A_967 = arith.constant -65536 : i32
        %and3A_968 = vector.broadcast %and3A_967 : i32 to vector<16xi32>
        %and3A_969 = arith.andi %get3A_962, %and3A_968 : vector<16xi32>
        %bitcast_convert_type3A_970 = tpu.bitcast %and3A_969 : vector<16xi32> -> vector<16xf32>
        %get3A_971 = arith.index_cast %scan3A_930 : i32 to index
        %get3A_972 = arith.constant 16 : index
        %get3A_973 = tpu.vector_load %arg15[%get3A_971, %get3A_972] {strides = array<i32>} : memref<80x128xf32, #tpu.memory_space<vmem>>, vector<1x16xf32>,
        %get3A_974 = vector.shape_cast %get3A_973 : vector<1x16xf32> to vector<16xf32>
        %mul3A_975 = arith.mulf %get3A_974, %bitcast_convert_type3A_966 : vector<16xf32>
        %swap3A_976 = arith.index_cast %scan3A_930 : i32 to index
        %swap3A_977 = arith.constant 16 : index
        %swap3A_978 = tpu.vector_load %arg15[%swap3A_976, %swap3A_977] {strides = array<i32>} : memref<80x128xf32, #tpu.memory_space<vmem>>, vector<1x16xf32>,
        %swap3A_979 = vector.shape_cast %swap3A_978 : vector<1x16xf32> to vector<16xf32>
        %swap3A_980 = vector.shape_cast %mul3A_975 : vector<16xf32> to vector<1x16xf32>
        tpu.vector_store %arg15[%swap3A_976, %swap3A_977], %swap3A_980 {strides = array<i32>} : memref<80x128xf32, #tpu.memory_space<vmem>>, vector<1x16xf32>,
        %get3A_981 = arith.index_cast %scan3A_930 : i32 to index
        %get3A_982 = arith.constant 80 : index
        %get3A_983 = tpu.vector_load %arg15[%get3A_981, %get3A_982] {strides = array<i32>} : memref<80x128xf32, #tpu.memory_space<vmem>>, vector<1x16xf32>,
        %get3A_984 = vector.shape_cast %get3A_983 : vector<1x16xf32> to vector<16xf32>
        %mul3A_985 = arith.mulf %get3A_984, %bitcast_convert_type3A_970 : vector<16xf32>
        %swap3A_986 = arith.index_cast %scan3A_930 : i32 to index
        %swap3A_987 = arith.constant 80 : index
        %swap3A_988 = tpu.vector_load %arg15[%swap3A_986, %swap3A_987] {strides = array<i32>} : memref<80x128xf32, #tpu.memory_space<vmem>>, vector<1x16xf32>,
        %swap3A_989 = vector.shape_cast %swap3A_988 : vector<1x16xf32> to vector<16xf32>
        %swap3A_990 = vector.shape_cast %mul3A_985 : vector<16xf32> to vector<1x16xf32>
        tpu.vector_store %arg15[%swap3A_986, %swap3A_987], %swap3A_990 {strides = array<i32>} : memref<80x128xf32, #tpu.memory_space<vmem>>, vector<1x16xf32>,
        %get3A_991 = arith.index_cast %scan3A_930 : i32 to index
        %get3A_992 = arith.constant 32 : index
        %get3A_993 = tpu.vector_load %arg17[%get3A_991, %get3A_992] {strides = array<i32>} : memref<80x64xi32, #tpu.memory_space<vmem>>, vector<1x16xi32>,
        %get3A_994 = vector.shape_cast %get3A_993 : vector<1x16xi32> to vector<16xi32>
        %shift_left3A_995 = arith.constant 16 : i32
        %shift_left3A_996 = vector.broadcast %shift_left3A_995 : i32 to vector<16xi32>
        %shift_left3A_997 = arith.shli %get3A_994, %shift_left3A_996 : vector<16xi32>
        %bitcast_convert_type3A_998 = tpu.bitcast %shift_left3A_997 : vector<16xi32> -> vector<16xf32>
        %and3A_999 = arith.constant -65536 : i32
        %and3A_1000 = vector.broadcast %and3A_999 : i32 to vector<16xi32>
        %and3A_1001 = arith.andi %get3A_994, %and3A_1000 : vector<16xi32>
        %bitcast_convert_type3A_1002 = tpu.bitcast %and3A_1001 : vector<16xi32> -> vector<16xf32>
        %get3A_1003 = arith.index_cast %scan3A_930 : i32 to index
        %get3A_1004 = arith.constant 32 : index
        %get3A_1005 = tpu.vector_load %arg15[%get3A_1003, %get3A_1004] {strides = array<i32>} : memref<80x128xf32, #tpu.memory_space<vmem>>, vector<1x16xf32>,
        %get3A_1006 = vector.shape_cast %get3A_1005 : vector<1x16xf32> to vector<16xf32>
        %mul3A_1007 = arith.mulf %get3A_1006, %bitcast_convert_type3A_998 : vector<16xf32>
        %swap3A_1008 = arith.index_cast %scan3A_930 : i32 to index
        %swap3A_1009 = arith.constant 32 : index
        %swap3A_1010 = tpu.vector_load %arg15[%swap3A_1008, %swap3A_1009] {strides = array<i32>} : memref<80x128xf32, #tpu.memory_space<vmem>>, vector<1x16xf32>,
        %swap3A_1011 = vector.shape_cast %swap3A_1010 : vector<1x16xf32> to vector<16xf32>
        %swap3A_1012 = vector.shape_cast %mul3A_1007 : vector<16xf32> to vector<1x16xf32>
        tpu.vector_store %arg15[%swap3A_1008, %swap3A_1009], %swap3A_1012 {strides = array<i32>} : memref<80x128xf32, #tpu.memory_space<vmem>>, vector<1x16xf32>,
        %get3A_1013 = arith.index_cast %scan3A_930 : i32 to index
        %get3A_1014 = arith.constant 96 : index
        %get3A_1015 = tpu.vector_load %arg15[%get3A_1013, %get3A_1014] {strides = array<i32>} : memref<80x128xf32, #tpu.memory_space<vmem>>, vector<1x16xf32>,
        %get3A_1016 = vector.shape_cast %get3A_1015 : vector<1x16xf32> to vector<16xf32>
        %mul3A_1017 = arith.mulf %get3A_1016, %bitcast_convert_type3A_1002 : vector<16xf32>
        %swap3A_1018 = arith.index_cast %scan3A_930 : i32 to index
        %swap3A_1019 = arith.constant 96 : index
        %swap3A_1020 = tpu.vector_load %arg15[%swap3A_1018, %swap3A_1019] {strides = array<i32>} : memref<80x128xf32, #tpu.memory_space<vmem>>, vector<1x16xf32>,
        %swap3A_1021 = vector.shape_cast %swap3A_1020 : vector<1x16xf32> to vector<16xf32>
        %swap3A_1022 = vector.shape_cast %mul3A_1017 : vector<16xf32> to vector<1x16xf32>
        tpu.vector_store %arg15[%swap3A_1018, %swap3A_1019], %swap3A_1022 {strides = array<i32>} : memref<80x128xf32, #tpu.memory_space<vmem>>, vector<1x16xf32>,
        %get3A_1023 = arith.index_cast %scan3A_930 : i32 to index
        %get3A_1024 = arith.constant 48 : index
        %get3A_1025 = tpu.vector_load %arg17[%get3A_1023, %get3A_1024] {strides = array<i32>} : memref<80x64xi32, #tpu.memory_space<vmem>>, vector<1x16xi32>,
        %get3A_1026 = vector.shape_cast %get3A_1025 : vector<1x16xi32> to vector<16xi32>
        %shift_left3A_1027 = arith.constant 16 : i32
        %shift_left3A_1028 = vector.broadcast %shift_left3A_1027 : i32 to vector<16xi32>
        %shift_left3A_1029 = arith.shli %get3A_1026, %shift_left3A_1028 : vector<16xi32>
        %bitcast_convert_type3A_1030 = tpu.bitcast %shift_left3A_1029 : vector<16xi32> -> vector<16xf32>
        %and3A_1031 = arith.constant -65536 : i32
        %and3A_1032 = vector.broadcast %and3A_1031 : i32 to vector<16xi32>
        %and3A_1033 = arith.andi %get3A_1026, %and3A_1032 : vector<16xi32>
        %bitcast_convert_type3A_1034 = tpu.bitcast %and3A_1033 : vector<16xi32> -> vector<16xf32>
        %get3A_1035 = arith.index_cast %scan3A_930 : i32 to index
        %get3A_1036 = arith.constant 48 : index
        %get3A_1037 = tpu.vector_load %arg15[%get3A_1035, %get3A_1036] {strides = array<i32>} : memref<80x128xf32, #tpu.memory_space<vmem>>, vector<1x16xf32>,
        %get3A_1038 = vector.shape_cast %get3A_1037 : vector<1x16xf32> to vector<16xf32>
        %mul3A_1039 = arith.mulf %get3A_1038, %bitcast_convert_type3A_1030 : vector<16xf32>
        %swap3A_1040 = arith.index_cast %scan3A_930 : i32 to index
        %swap3A_1041 = arith.constant 48 : index
        %swap3A_1042 = tpu.vector_load %arg15[%swap3A_1040, %swap3A_1041] {strides = array<i32>} : memref<80x128xf32, #tpu.memory_space<vmem>>, vector<1x16xf32>,
        %swap3A_1043 = vector.shape_cast %swap3A_1042 : vector<1x16xf32> to vector<16xf32>
        %swap3A_1044 = vector.shape_cast %mul3A_1039 : vector<16xf32> to vector<1x16xf32>
        tpu.vector_store %arg15[%swap3A_1040, %swap3A_1041], %swap3A_1044 {strides = array<i32>} : memref<80x128xf32, #tpu.memory_space<vmem>>, vector<1x16xf32>,
        %get3A_1045 = arith.index_cast %scan3A_930 : i32 to index
        %get3A_1046 = arith.constant 112 : index
        %get3A_1047 = tpu.vector_load %arg15[%get3A_1045, %get3A_1046] {strides = array<i32>} : memref<80x128xf32, #tpu.memory_space<vmem>>, vector<1x16xf32>,
        %get3A_1048 = vector.shape_cast %get3A_1047 : vector<1x16xf32> to vector<16xf32>
        %mul3A_1049 = arith.mulf %get3A_1048, %bitcast_convert_type3A_1034 : vector<16xf32>
        %swap3A_1050 = arith.index_cast %scan3A_930 : i32 to index
        %swap3A_1051 = arith.constant 112 : index
        %swap3A_1052 = tpu.vector_load %arg15[%swap3A_1050, %swap3A_1051] {strides = array<i32>} : memref<80x128xf32, #tpu.memory_space<vmem>>, vector<1x16xf32>,
        %swap3A_1053 = vector.shape_cast %swap3A_1052 : vector<1x16xf32> to vector<16xf32>
        %swap3A_1054 = vector.shape_cast %mul3A_1049 : vector<16xf32> to vector<1x16xf32>
        tpu.vector_store %arg15[%swap3A_1050, %swap3A_1051], %swap3A_1054 {strides = array<i32>} : memref<80x128xf32, #tpu.memory_space<vmem>>, vector<1x16xf32>,
        %scan3A_1055 = arith.constant 0 : i32
        scf.yield %scan3A_1055 : i32
      }
      %scan3A_681 = arith.constant 80 : i32
      %dma_start3A_682 = arith.constant 0 : i32
      %dma_start3A_683 = arith.constant 0 : i32
      %dma_start3A_684 = tpu.memref_slice %arg7[%dma_start3A_682, %dma_start3A_683] : memref<10000x128xf32, #tpu.memory_space<vmem_shared>> -> memref<10000x128xf32, #tpu.memory_space<vmem_shared>>
      tpu.enqueue_indirect_dma source(%arg15 : memref<80x128xf32, #tpu.memory_space<vmem>>) target(%dma_start3A_684 : memref<10000x128xf32, #tpu.memory_space<vmem_shared>>) offsets(%arg12 : memref<80xi32, #tpu.memory_space<vmem>>) semaphore(%arg29 : memref<!tpu.dma_semaphore, #tpu.memory_space<semaphore_mem>>) {add = true}
      %add3A_685 = arith.constant 2 : i32
      %add3A_686 = arith.addi %add3A_562, %add3A_685 : i32
      %add3A_687 = arith.constant 2 : i32
      %add3A_688 = arith.addi %add3A_686, %add3A_687 : i32
      %mul3A_689 = arith.constant 80 : i32
      %mul3A_690 = arith.muli %add3A_688, %mul3A_689 : i32
      %add3A_691 = arith.addi %mul3A_28, %mul3A_690 : i32
      %dma_start3A_692 = tpu.memref_slice %arg4[%add3A_691] : memref<320000xi32, #tpu.memory_space<hbm>> -> memref<80xi32, #tpu.memory_space<hbm>>
      %dma_start3A_693 = tpu.memref_slice %arg4[%add3A_691] : memref<320000xi32, #tpu.memory_space<hbm>> -> memref<80xi32, #tpu.memory_space<hbm>>
      tpu.enqueue_dma source(%dma_start3A_693 : memref<80xi32, #tpu.memory_space<hbm>>) target(%arg9 : memref<80xi32, #tpu.memory_space<vmem>>) target_semaphore(%arg23 : memref<!tpu.dma_semaphore, #tpu.memory_space<semaphore_mem>>)
      %mul3A_694 = arith.constant 80 : i32
      %mul3A_695 = arith.muli %add3A_688, %mul3A_694 : i32
      %add3A_696 = arith.addi %mul3A_28, %mul3A_695 : i32
      %dma_start3A_697 = tpu.memref_slice %arg5[%add3A_696] : memref<320000xi32, #tpu.memory_space<hbm>> -> memref<80xi32, #tpu.memory_space<hbm>>
      %dma_start3A_698 = tpu.memref_slice %arg5[%add3A_696] : memref<320000xi32, #tpu.memory_space<hbm>> -> memref<80xi32, #tpu.memory_space<hbm>>
      tpu.enqueue_dma source(%dma_start3A_698 : memref<80xi32, #tpu.memory_space<hbm>>) target(%arg12 : memref<80xi32, #tpu.memory_space<vmem>>) target_semaphore(%arg26 : memref<!tpu.dma_semaphore, #tpu.memory_space<semaphore_mem>>)
      %mul3A_699 = arith.constant 80 : i32
      %mul3A_700 = arith.muli %add3A_686, %mul3A_699 : i32
      %add3A_701 = arith.addi %mul3A_28, %mul3A_700 : i32
      %dma_wait3A_702 = arith.constant 0 : i32
      %dma_wait3A_703 = tpu.memref_slice %arg3[%add3A_701, %dma_wait3A_702] : memref<320000x64xi32, #tpu.memory_space<hbm>> -> memref<80x64xi32, #tpu.memory_space<hbm>>
      %dma_wait3A_704 = arith.constant 0 : i32
      %dma_wait3A_705 = tpu.memref_slice %arg3[%add3A_701, %dma_wait3A_704] : memref<320000x64xi32, #tpu.memory_space<hbm>> -> memref<80x64xi32, #tpu.memory_space<hbm>>
      tpu.wait_dma2 semaphore(%arg20 : memref<!tpu.dma_semaphore, #tpu.memory_space<semaphore_mem>>) src(%dma_wait3A_705 : memref<80x64xi32, #tpu.memory_space<hbm>>) dst(%arg16 : memref<80x64xi32, #tpu.memory_space<vmem>>)
      %dma_wait3A_706 = arith.constant 0 : i32
      %dma_wait3A_707 = arith.constant 0 : i32
      %dma_wait3A_708 = tpu.memref_slice %arg2[%dma_wait3A_706, %dma_wait3A_707] : memref<10000x128xf32, #tpu.memory_space<hbm>> -> memref<10000x128xf32, #tpu.memory_space<hbm>>
      tpu.wait_indirect_dma semaphore(%arg18 : memref<!tpu.dma_semaphore, #tpu.memory_space<semaphore_mem>>) src(%dma_wait3A_708 : memref<10000x128xf32, #tpu.memory_space<hbm>>) dst(%arg14 : memref<80x128xf32, #tpu.memory_space<vmem>>)
      %dma_wait3A_709 = arith.constant 0 : i32
      %dma_wait3A_710 = arith.constant 0 : i32
      %dma_wait3A_711 = tpu.memref_slice %arg7[%dma_wait3A_709, %dma_wait3A_710] : memref<10000x128xf32, #tpu.memory_space<vmem_shared>> -> memref<10000x128xf32, #tpu.memory_space<vmem_shared>>
      tpu.wait_indirect_dma semaphore(%arg29 : memref<!tpu.dma_semaphore, #tpu.memory_space<semaphore_mem>>) src(%arg15 : memref<80x128xf32, #tpu.memory_space<vmem>>) dst(%dma_wait3A_711 : memref<10000x128xf32, #tpu.memory_space<vmem_shared>>)
      %add3A_712 = arith.constant 1 : i32
      %add3A_713 = arith.addi %add3A_686, %add3A_712 : i32
      %mul3A_714 = arith.constant 80 : i32
      %mul3A_715 = arith.muli %add3A_713, %mul3A_714 : i32
      %add3A_716 = arith.addi %mul3A_28, %mul3A_715 : i32
      %dma_wait3A_717 = tpu.memref_slice %arg4[%add3A_716] : memref<320000xi32, #tpu.memory_space<hbm>> -> memref<80xi32, #tpu.memory_space<hbm>>
      %dma_wait3A_718 = tpu.memref_slice %arg4[%add3A_716] : memref<320000xi32, #tpu.memory_space<hbm>> -> memref<80xi32, #tpu.memory_space<hbm>>
      tpu.wait_dma2 semaphore(%arg22 : memref<!tpu.dma_semaphore, #tpu.memory_space<semaphore_mem>>) src(%dma_wait3A_718 : memref<80xi32, #tpu.memory_space<hbm>>) dst(%arg8 : memref<80xi32, #tpu.memory_space<vmem>>)
      %mul3A_719 = arith.constant 80 : i32
      %mul3A_720 = arith.muli %add3A_713, %mul3A_719 : i32
      %add3A_721 = arith.addi %mul3A_28, %mul3A_720 : i32
      %dma_wait3A_722 = tpu.memref_slice %arg5[%add3A_721] : memref<320000xi32, #tpu.memory_space<hbm>> -> memref<80xi32, #tpu.memory_space<hbm>>
      %dma_wait3A_723 = tpu.memref_slice %arg5[%add3A_721] : memref<320000xi32, #tpu.memory_space<hbm>> -> memref<80xi32, #tpu.memory_space<hbm>>
      tpu.wait_dma2 semaphore(%arg25 : memref<!tpu.dma_semaphore, #tpu.memory_space<semaphore_mem>>) src(%dma_wait3A_723 : memref<80xi32, #tpu.memory_space<hbm>>) dst(%arg11 : memref<80xi32, #tpu.memory_space<vmem>>)
      %add3A_724 = arith.constant 1 : i32
      %add3A_725 = arith.addi %add3A_686, %add3A_724 : i32
      %mul3A_726 = arith.constant 80 : i32
      %mul3A_727 = arith.muli %add3A_725, %mul3A_726 : i32
      %add3A_728 = arith.addi %mul3A_28, %mul3A_727 : i32
      %dma_start3A_729 = arith.constant 0 : i32
      %dma_start3A_730 = tpu.memref_slice %arg3[%add3A_728, %dma_start3A_729] : memref<320000x64xi32, #tpu.memory_space<hbm>> -> memref<80x64xi32, #tpu.memory_space<hbm>>
      %dma_start3A_731 = arith.constant 0 : i32
      %dma_start3A_732 = tpu.memref_slice %arg3[%add3A_728, %dma_start3A_731] : memref<320000x64xi32, #tpu.memory_space<hbm>> -> memref<80x64xi32, #tpu.memory_space<hbm>>
      tpu.enqueue_dma source(%dma_start3A_732 : memref<80x64xi32, #tpu.memory_space<hbm>>) target(%arg17 : memref<80x64xi32, #tpu.memory_space<vmem>>) target_semaphore(%arg21 : memref<!tpu.dma_semaphore, #tpu.memory_space<semaphore_mem>>)
      %dma_start3A_733 = arith.constant 0 : i32
      %dma_start3A_734 = arith.constant 0 : i32
      %dma_start3A_735 = tpu.memref_slice %arg2[%dma_start3A_733, %dma_start3A_734] : memref<10000x128xf32, #tpu.memory_space<hbm>> -> memref<10000x128xf32, #tpu.memory_space<hbm>>
      tpu.enqueue_indirect_dma source(%dma_start3A_735 : memref<10000x128xf32, #tpu.memory_space<hbm>>) target(%arg15 : memref<80x128xf32, #tpu.memory_space<vmem>>) offsets(%arg8 : memref<80xi32, #tpu.memory_space<vmem>>) semaphore(%arg19 : memref<!tpu.dma_semaphore, #tpu.memory_space<semaphore_mem>>)
      %scan3A_736 = arith.constant 0 : i32
      %scan3A_737 = arith.constant 0 : i32
      %scan3A_738 = arith.constant 80 : i32
      %scan3A_739 = arith.addi %scan3A_737, %scan3A_738 : i32
      %scan3A_740 = arith.constant 1 : i32
      %scan3A_741 = scf.for %scan3A_930 = %scan3A_737 to %scan3A_739 step %scan3A_740 iter_args(%scan3A_931 = %scan3A_736) -> (i32)  : i32 {
        %get3A = arith.index_cast %scan3A_930 : i32 to index
        %get3A_932 = arith.constant 0 : index
        %get3A_933 = tpu.vector_load %arg16[%get3A, %get3A_932] {strides = array<i32>} : memref<80x64xi32, #tpu.memory_space<vmem>>, vector<1x16xi32>,
        %get3A_934 = vector.shape_cast %get3A_933 : vector<1x16xi32> to vector<16xi32>
        %shift_left3A = arith.constant 16 : i32
        %shift_left3A_935 = vector.broadcast %shift_left3A : i32 to vector<16xi32>
        %shift_left3A_936 = arith.shli %get3A_934, %shift_left3A_935 : vector<16xi32>
        %bitcast_convert_type3A = tpu.bitcast %shift_left3A_936 : vector<16xi32> -> vector<16xf32>
        %and3A = arith.constant -65536 : i32
        %and3A_937 = vector.broadcast %and3A : i32 to vector<16xi32>
        %and3A_938 = arith.andi %get3A_934, %and3A_937 : vector<16xi32>
        %bitcast_convert_type3A_939 = tpu.bitcast %and3A_938 : vector<16xi32> -> vector<16xf32>
        %get3A_940 = arith.index_cast %scan3A_930 : i32 to index
        %get3A_941 = arith.constant 0 : index
        %get3A_942 = tpu.vector_load %arg14[%get3A_940, %get3A_941] {strides = array<i32>} : memref<80x128xf32, #tpu.memory_space<vmem>>, vector<1x16xf32>,
        %get3A_943 = vector.shape_cast %get3A_942 : vector<1x16xf32> to vector<16xf32>
        %mul3A_944 = arith.mulf %get3A_943, %bitcast_convert_type3A : vector<16xf32>
        %swap3A = arith.index_cast %scan3A_930 : i32 to index
        %swap3A_945 = arith.constant 0 : index
        %swap3A_946 = tpu.vector_load %arg14[%swap3A, %swap3A_945] {strides = array<i32>} : memref<80x128xf32, #tpu.memory_space<vmem>>, vector<1x16xf32>,
        %swap3A_947 = vector.shape_cast %swap3A_946 : vector<1x16xf32> to vector<16xf32>
        %swap3A_948 = vector.shape_cast %mul3A_944 : vector<16xf32> to vector<1x16xf32>
        tpu.vector_store %arg14[%swap3A, %swap3A_945], %swap3A_948 {strides = array<i32>} : memref<80x128xf32, #tpu.memory_space<vmem>>, vector<1x16xf32>,
        %get3A_949 = arith.index_cast %scan3A_930 : i32 to index
        %get3A_950 = arith.constant 64 : index
        %get3A_951 = tpu.vector_load %arg14[%get3A_949, %get3A_950] {strides = array<i32>} : memref<80x128xf32, #tpu.memory_space<vmem>>, vector<1x16xf32>,
        %get3A_952 = vector.shape_cast %get3A_951 : vector<1x16xf32> to vector<16xf32>
        %mul3A_953 = arith.mulf %get3A_952, %bitcast_convert_type3A_939 : vector<16xf32>
        %swap3A_954 = arith.index_cast %scan3A_930 : i32 to index
        %swap3A_955 = arith.constant 64 : index
        %swap3A_956 = tpu.vector_load %arg14[%swap3A_954, %swap3A_955] {strides = array<i32>} : memref<80x128xf32, #tpu.memory_space<vmem>>, vector<1x16xf32>,
        %swap3A_957 = vector.shape_cast %swap3A_956 : vector<1x16xf32> to vector<16xf32>
        %swap3A_958 = vector.shape_cast %mul3A_953 : vector<16xf32> to vector<1x16xf32>
        tpu.vector_store %arg14[%swap3A_954, %swap3A_955], %swap3A_958 {strides = array<i32>} : memref<80x128xf32, #tpu.memory_space<vmem>>, vector<1x16xf32>,
        %get3A_959 = arith.index_cast %scan3A_930 : i32 to index
        %get3A_960 = arith.constant 16 : index
        %get3A_961 = tpu.vector_load %arg16[%get3A_959, %get3A_960] {strides = array<i32>} : memref<80x64xi32, #tpu.memory_space<vmem>>, vector<1x16xi32>,
        %get3A_962 = vector.shape_cast %get3A_961 : vector<1x16xi32> to vector<16xi32>
        %shift_left3A_963 = arith.constant 16 : i32
        %shift_left3A_964 = vector.broadcast %shift_left3A_963 : i32 to vector<16xi32>
        %shift_left3A_965 = arith.shli %get3A_962, %shift_left3A_964 : vector<16xi32>
        %bitcast_convert_type3A_966 = tpu.bitcast %shift_left3A_965 : vector<16xi32> -> vector<16xf32>
        %and3A_967 = arith.constant -65536 : i32
        %and3A_968 = vector.broadcast %and3A_967 : i32 to vector<16xi32>
        %and3A_969 = arith.andi %get3A_962, %and3A_968 : vector<16xi32>
        %bitcast_convert_type3A_970 = tpu.bitcast %and3A_969 : vector<16xi32> -> vector<16xf32>
        %get3A_971 = arith.index_cast %scan3A_930 : i32 to index
        %get3A_972 = arith.constant 16 : index
        %get3A_973 = tpu.vector_load %arg14[%get3A_971, %get3A_972] {strides = array<i32>} : memref<80x128xf32, #tpu.memory_space<vmem>>, vector<1x16xf32>,
        %get3A_974 = vector.shape_cast %get3A_973 : vector<1x16xf32> to vector<16xf32>
        %mul3A_975 = arith.mulf %get3A_974, %bitcast_convert_type3A_966 : vector<16xf32>
        %swap3A_976 = arith.index_cast %scan3A_930 : i32 to index
        %swap3A_977 = arith.constant 16 : index
        %swap3A_978 = tpu.vector_load %arg14[%swap3A_976, %swap3A_977] {strides = array<i32>} : memref<80x128xf32, #tpu.memory_space<vmem>>, vector<1x16xf32>,
        %swap3A_979 = vector.shape_cast %swap3A_978 : vector<1x16xf32> to vector<16xf32>
        %swap3A_980 = vector.shape_cast %mul3A_975 : vector<16xf32> to vector<1x16xf32>
        tpu.vector_store %arg14[%swap3A_976, %swap3A_977], %swap3A_980 {strides = array<i32>} : memref<80x128xf32, #tpu.memory_space<vmem>>, vector<1x16xf32>,
        %get3A_981 = arith.index_cast %scan3A_930 : i32 to index
        %get3A_982 = arith.constant 80 : index
        %get3A_983 = tpu.vector_load %arg14[%get3A_981, %get3A_982] {strides = array<i32>} : memref<80x128xf32, #tpu.memory_space<vmem>>, vector<1x16xf32>,
        %get3A_984 = vector.shape_cast %get3A_983 : vector<1x16xf32> to vector<16xf32>
        %mul3A_985 = arith.mulf %get3A_984, %bitcast_convert_type3A_970 : vector<16xf32>
        %swap3A_986 = arith.index_cast %scan3A_930 : i32 to index
        %swap3A_987 = arith.constant 80 : index
        %swap3A_988 = tpu.vector_load %arg14[%swap3A_986, %swap3A_987] {strides = array<i32>} : memref<80x128xf32, #tpu.memory_space<vmem>>, vector<1x16xf32>,
        %swap3A_989 = vector.shape_cast %swap3A_988 : vector<1x16xf32> to vector<16xf32>
        %swap3A_990 = vector.shape_cast %mul3A_985 : vector<16xf32> to vector<1x16xf32>
        tpu.vector_store %arg14[%swap3A_986, %swap3A_987], %swap3A_990 {strides = array<i32>} : memref<80x128xf32, #tpu.memory_space<vmem>>, vector<1x16xf32>,
        %get3A_991 = arith.index_cast %scan3A_930 : i32 to index
        %get3A_992 = arith.constant 32 : index
        %get3A_993 = tpu.vector_load %arg16[%get3A_991, %get3A_992] {strides = array<i32>} : memref<80x64xi32, #tpu.memory_space<vmem>>, vector<1x16xi32>,
        %get3A_994 = vector.shape_cast %get3A_993 : vector<1x16xi32> to vector<16xi32>
        %shift_left3A_995 = arith.constant 16 : i32
        %shift_left3A_996 = vector.broadcast %shift_left3A_995 : i32 to vector<16xi32>
        %shift_left3A_997 = arith.shli %get3A_994, %shift_left3A_996 : vector<16xi32>
        %bitcast_convert_type3A_998 = tpu.bitcast %shift_left3A_997 : vector<16xi32> -> vector<16xf32>
        %and3A_999 = arith.constant -65536 : i32
        %and3A_1000 = vector.broadcast %and3A_999 : i32 to vector<16xi32>
        %and3A_1001 = arith.andi %get3A_994, %and3A_1000 : vector<16xi32>
        %bitcast_convert_type3A_1002 = tpu.bitcast %and3A_1001 : vector<16xi32> -> vector<16xf32>
        %get3A_1003 = arith.index_cast %scan3A_930 : i32 to index
        %get3A_1004 = arith.constant 32 : index
        %get3A_1005 = tpu.vector_load %arg14[%get3A_1003, %get3A_1004] {strides = array<i32>} : memref<80x128xf32, #tpu.memory_space<vmem>>, vector<1x16xf32>,
        %get3A_1006 = vector.shape_cast %get3A_1005 : vector<1x16xf32> to vector<16xf32>
        %mul3A_1007 = arith.mulf %get3A_1006, %bitcast_convert_type3A_998 : vector<16xf32>
        %swap3A_1008 = arith.index_cast %scan3A_930 : i32 to index
        %swap3A_1009 = arith.constant 32 : index
        %swap3A_1010 = tpu.vector_load %arg14[%swap3A_1008, %swap3A_1009] {strides = array<i32>} : memref<80x128xf32, #tpu.memory_space<vmem>>, vector<1x16xf32>,
        %swap3A_1011 = vector.shape_cast %swap3A_1010 : vector<1x16xf32> to vector<16xf32>
        %swap3A_1012 = vector.shape_cast %mul3A_1007 : vector<16xf32> to vector<1x16xf32>
        tpu.vector_store %arg14[%swap3A_1008, %swap3A_1009], %swap3A_1012 {strides = array<i32>} : memref<80x128xf32, #tpu.memory_space<vmem>>, vector<1x16xf32>,
        %get3A_1013 = arith.index_cast %scan3A_930 : i32 to index
        %get3A_1014 = arith.constant 96 : index
        %get3A_1015 = tpu.vector_load %arg14[%get3A_1013, %get3A_1014] {strides = array<i32>} : memref<80x128xf32, #tpu.memory_space<vmem>>, vector<1x16xf32>,
        %get3A_1016 = vector.shape_cast %get3A_1015 : vector<1x16xf32> to vector<16xf32>
        %mul3A_1017 = arith.mulf %get3A_1016, %bitcast_convert_type3A_1002 : vector<16xf32>
        %swap3A_1018 = arith.index_cast %scan3A_930 : i32 to index
        %swap3A_1019 = arith.constant 96 : index
        %swap3A_1020 = tpu.vector_load %arg14[%swap3A_1018, %swap3A_1019] {strides = array<i32>} : memref<80x128xf32, #tpu.memory_space<vmem>>, vector<1x16xf32>,
        %swap3A_1021 = vector.shape_cast %swap3A_1020 : vector<1x16xf32> to vector<16xf32>
        %swap3A_1022 = vector.shape_cast %mul3A_1017 : vector<16xf32> to vector<1x16xf32>
        tpu.vector_store %arg14[%swap3A_1018, %swap3A_1019], %swap3A_1022 {strides = array<i32>} : memref<80x128xf32, #tpu.memory_space<vmem>>, vector<1x16xf32>,
        %get3A_1023 = arith.index_cast %scan3A_930 : i32 to index
        %get3A_1024 = arith.constant 48 : index
        %get3A_1025 = tpu.vector_load %arg16[%get3A_1023, %get3A_1024] {strides = array<i32>} : memref<80x64xi32, #tpu.memory_space<vmem>>, vector<1x16xi32>,
        %get3A_1026 = vector.shape_cast %get3A_1025 : vector<1x16xi32> to vector<16xi32>
        %shift_left3A_1027 = arith.constant 16 : i32
        %shift_left3A_1028 = vector.broadcast %shift_left3A_1027 : i32 to vector<16xi32>
        %shift_left3A_1029 = arith.shli %get3A_1026, %shift_left3A_1028 : vector<16xi32>
        %bitcast_convert_type3A_1030 = tpu.bitcast %shift_left3A_1029 : vector<16xi32> -> vector<16xf32>
        %and3A_1031 = arith.constant -65536 : i32
        %and3A_1032 = vector.broadcast %and3A_1031 : i32 to vector<16xi32>
        %and3A_1033 = arith.andi %get3A_1026, %and3A_1032 : vector<16xi32>
        %bitcast_convert_type3A_1034 = tpu.bitcast %and3A_1033 : vector<16xi32> -> vector<16xf32>
        %get3A_1035 = arith.index_cast %scan3A_930 : i32 to index
        %get3A_1036 = arith.constant 48 : index
        %get3A_1037 = tpu.vector_load %arg14[%get3A_1035, %get3A_1036] {strides = array<i32>} : memref<80x128xf32, #tpu.memory_space<vmem>>, vector<1x16xf32>,
        %get3A_1038 = vector.shape_cast %get3A_1037 : vector<1x16xf32> to vector<16xf32>
        %mul3A_1039 = arith.mulf %get3A_1038, %bitcast_convert_type3A_1030 : vector<16xf32>
        %swap3A_1040 = arith.index_cast %scan3A_930 : i32 to index
        %swap3A_1041 = arith.constant 48 : index
        %swap3A_1042 = tpu.vector_load %arg14[%swap3A_1040, %swap3A_1041] {strides = array<i32>} : memref<80x128xf32, #tpu.memory_space<vmem>>, vector<1x16xf32>,
        %swap3A_1043 = vector.shape_cast %swap3A_1042 : vector<1x16xf32> to vector<16xf32>
        %swap3A_1044 = vector.shape_cast %mul3A_1039 : vector<16xf32> to vector<1x16xf32>
        tpu.vector_store %arg14[%swap3A_1040, %swap3A_1041], %swap3A_1044 {strides = array<i32>} : memref<80x128xf32, #tpu.memory_space<vmem>>, vector<1x16xf32>,
        %get3A_1045 = arith.index_cast %scan3A_930 : i32 to index
        %get3A_1046 = arith.constant 112 : index
        %get3A_1047 = tpu.vector_load %arg14[%get3A_1045, %get3A_1046] {strides = array<i32>} : memref<80x128xf32, #tpu.memory_space<vmem>>, vector<1x16xf32>,
        %get3A_1048 = vector.shape_cast %get3A_1047 : vector<1x16xf32> to vector<16xf32>
        %mul3A_1049 = arith.mulf %get3A_1048, %bitcast_convert_type3A_1034 : vector<16xf32>
        %swap3A_1050 = arith.index_cast %scan3A_930 : i32 to index
        %swap3A_1051 = arith.constant 112 : index
        %swap3A_1052 = tpu.vector_load %arg14[%swap3A_1050, %swap3A_1051] {strides = array<i32>} : memref<80x128xf32, #tpu.memory_space<vmem>>, vector<1x16xf32>,
        %swap3A_1053 = vector.shape_cast %swap3A_1052 : vector<1x16xf32> to vector<16xf32>
        %swap3A_1054 = vector.shape_cast %mul3A_1049 : vector<16xf32> to vector<1x16xf32>
        tpu.vector_store %arg14[%swap3A_1050, %swap3A_1051], %swap3A_1054 {strides = array<i32>} : memref<80x128xf32, #tpu.memory_space<vmem>>, vector<1x16xf32>,
        %scan3A_1055 = arith.constant 0 : i32
        scf.yield %scan3A_1055 : i32
      }
      %scan3A_742 = arith.constant 80 : i32
      %dma_start3A_743 = arith.constant 0 : i32
      %dma_start3A_744 = arith.constant 0 : i32
      %dma_start3A_745 = tpu.memref_slice %arg7[%dma_start3A_743, %dma_start3A_744] : memref<10000x128xf32, #tpu.memory_space<vmem_shared>> -> memref<10000x128xf32, #tpu.memory_space<vmem_shared>>
      tpu.enqueue_indirect_dma source(%arg14 : memref<80x128xf32, #tpu.memory_space<vmem>>) target(%dma_start3A_745 : memref<10000x128xf32, #tpu.memory_space<vmem_shared>>) offsets(%arg13 : memref<80xi32, #tpu.memory_space<vmem>>) semaphore(%arg28 : memref<!tpu.dma_semaphore, #tpu.memory_space<semaphore_mem>>) {add = true}
      %add3A_746 = arith.constant 3 : i32
      %add3A_747 = arith.addi %add3A_562, %add3A_746 : i32
      %add3A_748 = arith.constant 2 : i32
      %add3A_749 = arith.addi %add3A_747, %add3A_748 : i32
      %mul3A_750 = arith.constant 80 : i32
      %mul3A_751 = arith.muli %add3A_749, %mul3A_750 : i32
      %add3A_752 = arith.addi %mul3A_28, %mul3A_751 : i32
      %dma_start3A_753 = tpu.memref_slice %arg4[%add3A_752] : memref<320000xi32, #tpu.memory_space<hbm>> -> memref<80xi32, #tpu.memory_space<hbm>>
      %dma_start3A_754 = tpu.memref_slice %arg4[%add3A_752] : memref<320000xi32, #tpu.memory_space<hbm>> -> memref<80xi32, #tpu.memory_space<hbm>>
      tpu.enqueue_dma source(%dma_start3A_754 : memref<80xi32, #tpu.memory_space<hbm>>) target(%arg10 : memref<80xi32, #tpu.memory_space<vmem>>) target_semaphore(%arg24 : memref<!tpu.dma_semaphore, #tpu.memory_space<semaphore_mem>>)
      %mul3A_755 = arith.constant 80 : i32
      %mul3A_756 = arith.muli %add3A_749, %mul3A_755 : i32
      %add3A_757 = arith.addi %mul3A_28, %mul3A_756 : i32
      %dma_start3A_758 = tpu.memref_slice %arg5[%add3A_757] : memref<320000xi32, #tpu.memory_space<hbm>> -> memref<80xi32, #tpu.memory_space<hbm>>
      %dma_start3A_759 = tpu.memref_slice %arg5[%add3A_757] : memref<320000xi32, #tpu.memory_space<hbm>> -> memref<80xi32, #tpu.memory_space<hbm>>
      tpu.enqueue_dma source(%dma_start3A_759 : memref<80xi32, #tpu.memory_space<hbm>>) target(%arg13 : memref<80xi32, #tpu.memory_space<vmem>>) target_semaphore(%arg27 : memref<!tpu.dma_semaphore, #tpu.memory_space<semaphore_mem>>)
      %mul3A_760 = arith.constant 80 : i32
      %mul3A_761 = arith.muli %add3A_747, %mul3A_760 : i32
      %add3A_762 = arith.addi %mul3A_28, %mul3A_761 : i32
      %dma_wait3A_763 = arith.constant 0 : i32
      %dma_wait3A_764 = tpu.memref_slice %arg3[%add3A_762, %dma_wait3A_763] : memref<320000x64xi32, #tpu.memory_space<hbm>> -> memref<80x64xi32, #tpu.memory_space<hbm>>
      %dma_wait3A_765 = arith.constant 0 : i32
      %dma_wait3A_766 = tpu.memref_slice %arg3[%add3A_762, %dma_wait3A_765] : memref<320000x64xi32, #tpu.memory_space<hbm>> -> memref<80x64xi32, #tpu.memory_space<hbm>>
      tpu.wait_dma2 semaphore(%arg21 : memref<!tpu.dma_semaphore, #tpu.memory_space<semaphore_mem>>) src(%dma_wait3A_766 : memref<80x64xi32, #tpu.memory_space<hbm>>) dst(%arg17 : memref<80x64xi32, #tpu.memory_space<vmem>>)
      %dma_wait3A_767 = arith.constant 0 : i32
      %dma_wait3A_768 = arith.constant 0 : i32
      %dma_wait3A_769 = tpu.memref_slice %arg2[%dma_wait3A_767, %dma_wait3A_768] : memref<10000x128xf32, #tpu.memory_space<hbm>> -> memref<10000x128xf32, #tpu.memory_space<hbm>>
      tpu.wait_indirect_dma semaphore(%arg19 : memref<!tpu.dma_semaphore, #tpu.memory_space<semaphore_mem>>) src(%dma_wait3A_769 : memref<10000x128xf32, #tpu.memory_space<hbm>>) dst(%arg15 : memref<80x128xf32, #tpu.memory_space<vmem>>)
      %dma_wait3A_770 = arith.constant 0 : i32
      %dma_wait3A_771 = arith.constant 0 : i32
      %dma_wait3A_772 = tpu.memref_slice %arg7[%dma_wait3A_770, %dma_wait3A_771] : memref<10000x128xf32, #tpu.memory_space<vmem_shared>> -> memref<10000x128xf32, #tpu.memory_space<vmem_shared>>
      tpu.wait_indirect_dma semaphore(%arg28 : memref<!tpu.dma_semaphore, #tpu.memory_space<semaphore_mem>>) src(%arg14 : memref<80x128xf32, #tpu.memory_space<vmem>>) dst(%dma_wait3A_772 : memref<10000x128xf32, #tpu.memory_space<vmem_shared>>)
      %add3A_773 = arith.constant 1 : i32
      %add3A_774 = arith.addi %add3A_747, %add3A_773 : i32
      %mul3A_775 = arith.constant 80 : i32
      %mul3A_776 = arith.muli %add3A_774, %mul3A_775 : i32
      %add3A_777 = arith.addi %mul3A_28, %mul3A_776 : i32
      %dma_wait3A_778 = tpu.memref_slice %arg4[%add3A_777] : memref<320000xi32, #tpu.memory_space<hbm>> -> memref<80xi32, #tpu.memory_space<hbm>>
      %dma_wait3A_779 = tpu.memref_slice %arg4[%add3A_777] : memref<320000xi32, #tpu.memory_space<hbm>> -> memref<80xi32, #tpu.memory_space<hbm>>
      tpu.wait_dma2 semaphore(%arg23 : memref<!tpu.dma_semaphore, #tpu.memory_space<semaphore_mem>>) src(%dma_wait3A_779 : memref<80xi32, #tpu.memory_space<hbm>>) dst(%arg9 : memref<80xi32, #tpu.memory_space<vmem>>)
      %mul3A_780 = arith.constant 80 : i32
      %mul3A_781 = arith.muli %add3A_774, %mul3A_780 : i32
      %add3A_782 = arith.addi %mul3A_28, %mul3A_781 : i32
      %dma_wait3A_783 = tpu.memref_slice %arg5[%add3A_782] : memref<320000xi32, #tpu.memory_space<hbm>> -> memref<80xi32, #tpu.memory_space<hbm>>
      %dma_wait3A_784 = tpu.memref_slice %arg5[%add3A_782] : memref<320000xi32, #tpu.memory_space<hbm>> -> memref<80xi32, #tpu.memory_space<hbm>>
      tpu.wait_dma2 semaphore(%arg26 : memref<!tpu.dma_semaphore, #tpu.memory_space<semaphore_mem>>) src(%dma_wait3A_784 : memref<80xi32, #tpu.memory_space<hbm>>) dst(%arg12 : memref<80xi32, #tpu.memory_space<vmem>>)
      %add3A_785 = arith.constant 1 : i32
      %add3A_786 = arith.addi %add3A_747, %add3A_785 : i32
      %mul3A_787 = arith.constant 80 : i32
      %mul3A_788 = arith.muli %add3A_786, %mul3A_787 : i32
      %add3A_789 = arith.addi %mul3A_28, %mul3A_788 : i32
      %dma_start3A_790 = arith.constant 0 : i32
      %dma_start3A_791 = tpu.memref_slice %arg3[%add3A_789, %dma_start3A_790] : memref<320000x64xi32, #tpu.memory_space<hbm>> -> memref<80x64xi32, #tpu.memory_space<hbm>>
      %dma_start3A_792 = arith.constant 0 : i32
      %dma_start3A_793 = tpu.memref_slice %arg3[%add3A_789, %dma_start3A_792] : memref<320000x64xi32, #tpu.memory_space<hbm>> -> memref<80x64xi32, #tpu.memory_space<hbm>>
      tpu.enqueue_dma source(%dma_start3A_793 : memref<80x64xi32, #tpu.memory_space<hbm>>) target(%arg16 : memref<80x64xi32, #tpu.memory_space<vmem>>) target_semaphore(%arg20 : memref<!tpu.dma_semaphore, #tpu.memory_space<semaphore_mem>>)
      %dma_start3A_794 = arith.constant 0 : i32
      %dma_start3A_795 = arith.constant 0 : i32
      %dma_start3A_796 = tpu.memref_slice %arg2[%dma_start3A_794, %dma_start3A_795] : memref<10000x128xf32, #tpu.memory_space<hbm>> -> memref<10000x128xf32, #tpu.memory_space<hbm>>
      tpu.enqueue_indirect_dma source(%dma_start3A_796 : memref<10000x128xf32, #tpu.memory_space<hbm>>) target(%arg14 : memref<80x128xf32, #tpu.memory_space<vmem>>) offsets(%arg9 : memref<80xi32, #tpu.memory_space<vmem>>) semaphore(%arg18 : memref<!tpu.dma_semaphore, #tpu.memory_space<semaphore_mem>>)
      %scan3A_797 = arith.constant 0 : i32
      %scan3A_798 = arith.constant 0 : i32
      %scan3A_799 = arith.constant 80 : i32
      %scan3A_800 = arith.addi %scan3A_798, %scan3A_799 : i32
      %scan3A_801 = arith.constant 1 : i32
      %scan3A_802 = scf.for %scan3A_930 = %scan3A_798 to %scan3A_800 step %scan3A_801 iter_args(%scan3A_931 = %scan3A_797) -> (i32)  : i32 {
        %get3A = arith.index_cast %scan3A_930 : i32 to index
        %get3A_932 = arith.constant 0 : index
        %get3A_933 = tpu.vector_load %arg17[%get3A, %get3A_932] {strides = array<i32>} : memref<80x64xi32, #tpu.memory_space<vmem>>, vector<1x16xi32>,
        %get3A_934 = vector.shape_cast %get3A_933 : vector<1x16xi32> to vector<16xi32>
        %shift_left3A = arith.constant 16 : i32
        %shift_left3A_935 = vector.broadcast %shift_left3A : i32 to vector<16xi32>
        %shift_left3A_936 = arith.shli %get3A_934, %shift_left3A_935 : vector<16xi32>
        %bitcast_convert_type3A = tpu.bitcast %shift_left3A_936 : vector<16xi32> -> vector<16xf32>
        %and3A = arith.constant -65536 : i32
        %and3A_937 = vector.broadcast %and3A : i32 to vector<16xi32>
        %and3A_938 = arith.andi %get3A_934, %and3A_937 : vector<16xi32>
        %bitcast_convert_type3A_939 = tpu.bitcast %and3A_938 : vector<16xi32> -> vector<16xf32>
        %get3A_940 = arith.index_cast %scan3A_930 : i32 to index
        %get3A_941 = arith.constant 0 : index
        %get3A_942 = tpu.vector_load %arg15[%get3A_940, %get3A_941] {strides = array<i32>} : memref<80x128xf32, #tpu.memory_space<vmem>>, vector<1x16xf32>,
        %get3A_943 = vector.shape_cast %get3A_942 : vector<1x16xf32> to vector<16xf32>
        %mul3A_944 = arith.mulf %get3A_943, %bitcast_convert_type3A : vector<16xf32>
        %swap3A = arith.index_cast %scan3A_930 : i32 to index
        %swap3A_945 = arith.constant 0 : index
        %swap3A_946 = tpu.vector_load %arg15[%swap3A, %swap3A_945] {strides = array<i32>} : memref<80x128xf32, #tpu.memory_space<vmem>>, vector<1x16xf32>,
        %swap3A_947 = vector.shape_cast %swap3A_946 : vector<1x16xf32> to vector<16xf32>
        %swap3A_948 = vector.shape_cast %mul3A_944 : vector<16xf32> to vector<1x16xf32>
        tpu.vector_store %arg15[%swap3A, %swap3A_945], %swap3A_948 {strides = array<i32>} : memref<80x128xf32, #tpu.memory_space<vmem>>, vector<1x16xf32>,
        %get3A_949 = arith.index_cast %scan3A_930 : i32 to index
        %get3A_950 = arith.constant 64 : index
        %get3A_951 = tpu.vector_load %arg15[%get3A_949, %get3A_950] {strides = array<i32>} : memref<80x128xf32, #tpu.memory_space<vmem>>, vector<1x16xf32>,
        %get3A_952 = vector.shape_cast %get3A_951 : vector<1x16xf32> to vector<16xf32>
        %mul3A_953 = arith.mulf %get3A_952, %bitcast_convert_type3A_939 : vector<16xf32>
        %swap3A_954 = arith.index_cast %scan3A_930 : i32 to index
        %swap3A_955 = arith.constant 64 : index
        %swap3A_956 = tpu.vector_load %arg15[%swap3A_954, %swap3A_955] {strides = array<i32>} : memref<80x128xf32, #tpu.memory_space<vmem>>, vector<1x16xf32>,
        %swap3A_957 = vector.shape_cast %swap3A_956 : vector<1x16xf32> to vector<16xf32>
        %swap3A_958 = vector.shape_cast %mul3A_953 : vector<16xf32> to vector<1x16xf32>
        tpu.vector_store %arg15[%swap3A_954, %swap3A_955], %swap3A_958 {strides = array<i32>} : memref<80x128xf32, #tpu.memory_space<vmem>>, vector<1x16xf32>,
        %get3A_959 = arith.index_cast %scan3A_930 : i32 to index
        %get3A_960 = arith.constant 16 : index
        %get3A_961 = tpu.vector_load %arg17[%get3A_959, %get3A_960] {strides = array<i32>} : memref<80x64xi32, #tpu.memory_space<vmem>>, vector<1x16xi32>,
        %get3A_962 = vector.shape_cast %get3A_961 : vector<1x16xi32> to vector<16xi32>
        %shift_left3A_963 = arith.constant 16 : i32
        %shift_left3A_964 = vector.broadcast %shift_left3A_963 : i32 to vector<16xi32>
        %shift_left3A_965 = arith.shli %get3A_962, %shift_left3A_964 : vector<16xi32>
        %bitcast_convert_type3A_966 = tpu.bitcast %shift_left3A_965 : vector<16xi32> -> vector<16xf32>
        %and3A_967 = arith.constant -65536 : i32
        %and3A_968 = vector.broadcast %and3A_967 : i32 to vector<16xi32>
        %and3A_969 = arith.andi %get3A_962, %and3A_968 : vector<16xi32>
        %bitcast_convert_type3A_970 = tpu.bitcast %and3A_969 : vector<16xi32> -> vector<16xf32>
        %get3A_971 = arith.index_cast %scan3A_930 : i32 to index
        %get3A_972 = arith.constant 16 : index
        %get3A_973 = tpu.vector_load %arg15[%get3A_971, %get3A_972] {strides = array<i32>} : memref<80x128xf32, #tpu.memory_space<vmem>>, vector<1x16xf32>,
        %get3A_974 = vector.shape_cast %get3A_973 : vector<1x16xf32> to vector<16xf32>
        %mul3A_975 = arith.mulf %get3A_974, %bitcast_convert_type3A_966 : vector<16xf32>
        %swap3A_976 = arith.index_cast %scan3A_930 : i32 to index
        %swap3A_977 = arith.constant 16 : index
        %swap3A_978 = tpu.vector_load %arg15[%swap3A_976, %swap3A_977] {strides = array<i32>} : memref<80x128xf32, #tpu.memory_space<vmem>>, vector<1x16xf32>,
        %swap3A_979 = vector.shape_cast %swap3A_978 : vector<1x16xf32> to vector<16xf32>
        %swap3A_980 = vector.shape_cast %mul3A_975 : vector<16xf32> to vector<1x16xf32>
        tpu.vector_store %arg15[%swap3A_976, %swap3A_977], %swap3A_980 {strides = array<i32>} : memref<80x128xf32, #tpu.memory_space<vmem>>, vector<1x16xf32>,
        %get3A_981 = arith.index_cast %scan3A_930 : i32 to index
        %get3A_982 = arith.constant 80 : index
        %get3A_983 = tpu.vector_load %arg15[%get3A_981, %get3A_982] {strides = array<i32>} : memref<80x128xf32, #tpu.memory_space<vmem>>, vector<1x16xf32>,
        %get3A_984 = vector.shape_cast %get3A_983 : vector<1x16xf32> to vector<16xf32>
        %mul3A_985 = arith.mulf %get3A_984, %bitcast_convert_type3A_970 : vector<16xf32>
        %swap3A_986 = arith.index_cast %scan3A_930 : i32 to index
        %swap3A_987 = arith.constant 80 : index
        %swap3A_988 = tpu.vector_load %arg15[%swap3A_986, %swap3A_987] {strides = array<i32>} : memref<80x128xf32, #tpu.memory_space<vmem>>, vector<1x16xf32>,
        %swap3A_989 = vector.shape_cast %swap3A_988 : vector<1x16xf32> to vector<16xf32>
        %swap3A_990 = vector.shape_cast %mul3A_985 : vector<16xf32> to vector<1x16xf32>
        tpu.vector_store %arg15[%swap3A_986, %swap3A_987], %swap3A_990 {strides = array<i32>} : memref<80x128xf32, #tpu.memory_space<vmem>>, vector<1x16xf32>,
        %get3A_991 = arith.index_cast %scan3A_930 : i32 to index
        %get3A_992 = arith.constant 32 : index
        %get3A_993 = tpu.vector_load %arg17[%get3A_991, %get3A_992] {strides = array<i32>} : memref<80x64xi32, #tpu.memory_space<vmem>>, vector<1x16xi32>,
        %get3A_994 = vector.shape_cast %get3A_993 : vector<1x16xi32> to vector<16xi32>
        %shift_left3A_995 = arith.constant 16 : i32
        %shift_left3A_996 = vector.broadcast %shift_left3A_995 : i32 to vector<16xi32>
        %shift_left3A_997 = arith.shli %get3A_994, %shift_left3A_996 : vector<16xi32>
        %bitcast_convert_type3A_998 = tpu.bitcast %shift_left3A_997 : vector<16xi32> -> vector<16xf32>
        %and3A_999 = arith.constant -65536 : i32
        %and3A_1000 = vector.broadcast %and3A_999 : i32 to vector<16xi32>
        %and3A_1001 = arith.andi %get3A_994, %and3A_1000 : vector<16xi32>
        %bitcast_convert_type3A_1002 = tpu.bitcast %and3A_1001 : vector<16xi32> -> vector<16xf32>
        %get3A_1003 = arith.index_cast %scan3A_930 : i32 to index
        %get3A_1004 = arith.constant 32 : index
        %get3A_1005 = tpu.vector_load %arg15[%get3A_1003, %get3A_1004] {strides = array<i32>} : memref<80x128xf32, #tpu.memory_space<vmem>>, vector<1x16xf32>,
        %get3A_1006 = vector.shape_cast %get3A_1005 : vector<1x16xf32> to vector<16xf32>
        %mul3A_1007 = arith.mulf %get3A_1006, %bitcast_convert_type3A_998 : vector<16xf32>
        %swap3A_1008 = arith.index_cast %scan3A_930 : i32 to index
        %swap3A_1009 = arith.constant 32 : index
        %swap3A_1010 = tpu.vector_load %arg15[%swap3A_1008, %swap3A_1009] {strides = array<i32>} : memref<80x128xf32, #tpu.memory_space<vmem>>, vector<1x16xf32>,
        %swap3A_1011 = vector.shape_cast %swap3A_1010 : vector<1x16xf32> to vector<16xf32>
        %swap3A_1012 = vector.shape_cast %mul3A_1007 : vector<16xf32> to vector<1x16xf32>
        tpu.vector_store %arg15[%swap3A_1008, %swap3A_1009], %swap3A_1012 {strides = array<i32>} : memref<80x128xf32, #tpu.memory_space<vmem>>, vector<1x16xf32>,
        %get3A_1013 = arith.index_cast %scan3A_930 : i32 to index
        %get3A_1014 = arith.constant 96 : index
        %get3A_1015 = tpu.vector_load %arg15[%get3A_1013, %get3A_1014] {strides = array<i32>} : memref<80x128xf32, #tpu.memory_space<vmem>>, vector<1x16xf32>,
        %get3A_1016 = vector.shape_cast %get3A_1015 : vector<1x16xf32> to vector<16xf32>
        %mul3A_1017 = arith.mulf %get3A_1016, %bitcast_convert_type3A_1002 : vector<16xf32>
        %swap3A_1018 = arith.index_cast %scan3A_930 : i32 to index
        %swap3A_1019 = arith.constant 96 : index
        %swap3A_1020 = tpu.vector_load %arg15[%swap3A_1018, %swap3A_1019] {strides = array<i32>} : memref<80x128xf32, #tpu.memory_space<vmem>>, vector<1x16xf32>,
        %swap3A_1021 = vector.shape_cast %swap3A_1020 : vector<1x16xf32> to vector<16xf32>
        %swap3A_1022 = vector.shape_cast %mul3A_1017 : vector<16xf32> to vector<1x16xf32>
        tpu.vector_store %arg15[%swap3A_1018, %swap3A_1019], %swap3A_1022 {strides = array<i32>} : memref<80x128xf32, #tpu.memory_space<vmem>>, vector<1x16xf32>,
        %get3A_1023 = arith.index_cast %scan3A_930 : i32 to index
        %get3A_1024 = arith.constant 48 : index
        %get3A_1025 = tpu.vector_load %arg17[%get3A_1023, %get3A_1024] {strides = array<i32>} : memref<80x64xi32, #tpu.memory_space<vmem>>, vector<1x16xi32>,
        %get3A_1026 = vector.shape_cast %get3A_1025 : vector<1x16xi32> to vector<16xi32>
        %shift_left3A_1027 = arith.constant 16 : i32
        %shift_left3A_1028 = vector.broadcast %shift_left3A_1027 : i32 to vector<16xi32>
        %shift_left3A_1029 = arith.shli %get3A_1026, %shift_left3A_1028 : vector<16xi32>
        %bitcast_convert_type3A_1030 = tpu.bitcast %shift_left3A_1029 : vector<16xi32> -> vector<16xf32>
        %and3A_1031 = arith.constant -65536 : i32
        %and3A_1032 = vector.broadcast %and3A_1031 : i32 to vector<16xi32>
        %and3A_1033 = arith.andi %get3A_1026, %and3A_1032 : vector<16xi32>
        %bitcast_convert_type3A_1034 = tpu.bitcast %and3A_1033 : vector<16xi32> -> vector<16xf32>
        %get3A_1035 = arith.index_cast %scan3A_930 : i32 to index
        %get3A_1036 = arith.constant 48 : index
        %get3A_1037 = tpu.vector_load %arg15[%get3A_1035, %get3A_1036] {strides = array<i32>} : memref<80x128xf32, #tpu.memory_space<vmem>>, vector<1x16xf32>,
        %get3A_1038 = vector.shape_cast %get3A_1037 : vector<1x16xf32> to vector<16xf32>
        %mul3A_1039 = arith.mulf %get3A_1038, %bitcast_convert_type3A_1030 : vector<16xf32>
        %swap3A_1040 = arith.index_cast %scan3A_930 : i32 to index
        %swap3A_1041 = arith.constant 48 : index
        %swap3A_1042 = tpu.vector_load %arg15[%swap3A_1040, %swap3A_1041] {strides = array<i32>} : memref<80x128xf32, #tpu.memory_space<vmem>>, vector<1x16xf32>,
        %swap3A_1043 = vector.shape_cast %swap3A_1042 : vector<1x16xf32> to vector<16xf32>
        %swap3A_1044 = vector.shape_cast %mul3A_1039 : vector<16xf32> to vector<1x16xf32>
        tpu.vector_store %arg15[%swap3A_1040, %swap3A_1041], %swap3A_1044 {strides = array<i32>} : memref<80x128xf32, #tpu.memory_space<vmem>>, vector<1x16xf32>,
        %get3A_1045 = arith.index_cast %scan3A_930 : i32 to index
        %get3A_1046 = arith.constant 112 : index
        %get3A_1047 = tpu.vector_load %arg15[%get3A_1045, %get3A_1046] {strides = array<i32>} : memref<80x128xf32, #tpu.memory_space<vmem>>, vector<1x16xf32>,
        %get3A_1048 = vector.shape_cast %get3A_1047 : vector<1x16xf32> to vector<16xf32>
        %mul3A_1049 = arith.mulf %get3A_1048, %bitcast_convert_type3A_1034 : vector<16xf32>
        %swap3A_1050 = arith.index_cast %scan3A_930 : i32 to index
        %swap3A_1051 = arith.constant 112 : index
        %swap3A_1052 = tpu.vector_load %arg15[%swap3A_1050, %swap3A_1051] {strides = array<i32>} : memref<80x128xf32, #tpu.memory_space<vmem>>, vector<1x16xf32>,
        %swap3A_1053 = vector.shape_cast %swap3A_1052 : vector<1x16xf32> to vector<16xf32>
        %swap3A_1054 = vector.shape_cast %mul3A_1049 : vector<16xf32> to vector<1x16xf32>
        tpu.vector_store %arg15[%swap3A_1050, %swap3A_1051], %swap3A_1054 {strides = array<i32>} : memref<80x128xf32, #tpu.memory_space<vmem>>, vector<1x16xf32>,
        %scan3A_1055 = arith.constant 0 : i32
        scf.yield %scan3A_1055 : i32
      }
      %scan3A_803 = arith.constant 80 : i32
      %dma_start3A_804 = arith.constant 0 : i32
      %dma_start3A_805 = arith.constant 0 : i32
      %dma_start3A_806 = tpu.memref_slice %arg7[%dma_start3A_804, %dma_start3A_805] : memref<10000x128xf32, #tpu.memory_space<vmem_shared>> -> memref<10000x128xf32, #tpu.memory_space<vmem_shared>>
      tpu.enqueue_indirect_dma source(%arg15 : memref<80x128xf32, #tpu.memory_space<vmem>>) target(%dma_start3A_806 : memref<10000x128xf32, #tpu.memory_space<vmem_shared>>) offsets(%arg11 : memref<80xi32, #tpu.memory_space<vmem>>) semaphore(%arg29 : memref<!tpu.dma_semaphore, #tpu.memory_space<semaphore_mem>>) {add = true}
      %add3A_807 = arith.constant 4 : i32
      %add3A_808 = arith.addi %add3A_562, %add3A_807 : i32
      %add3A_809 = arith.constant 2 : i32
      %add3A_810 = arith.addi %add3A_808, %add3A_809 : i32
      %mul3A_811 = arith.constant 80 : i32
      %mul3A_812 = arith.muli %add3A_810, %mul3A_811 : i32
      %add3A_813 = arith.addi %mul3A_28, %mul3A_812 : i32
      %dma_start3A_814 = tpu.memref_slice %arg4[%add3A_813] : memref<320000xi32, #tpu.memory_space<hbm>> -> memref<80xi32, #tpu.memory_space<hbm>>
      %dma_start3A_815 = tpu.memref_slice %arg4[%add3A_813] : memref<320000xi32, #tpu.memory_space<hbm>> -> memref<80xi32, #tpu.memory_space<hbm>>
      tpu.enqueue_dma source(%dma_start3A_815 : memref<80xi32, #tpu.memory_space<hbm>>) target(%arg8 : memref<80xi32, #tpu.memory_space<vmem>>) target_semaphore(%arg22 : memref<!tpu.dma_semaphore, #tpu.memory_space<semaphore_mem>>)
      %mul3A_816 = arith.constant 80 : i32
      %mul3A_817 = arith.muli %add3A_810, %mul3A_816 : i32
      %add3A_818 = arith.addi %mul3A_28, %mul3A_817 : i32
      %dma_start3A_819 = tpu.memref_slice %arg5[%add3A_818] : memref<320000xi32, #tpu.memory_space<hbm>> -> memref<80xi32, #tpu.memory_space<hbm>>
      %dma_start3A_820 = tpu.memref_slice %arg5[%add3A_818] : memref<320000xi32, #tpu.memory_space<hbm>> -> memref<80xi32, #tpu.memory_space<hbm>>
      tpu.enqueue_dma source(%dma_start3A_820 : memref<80xi32, #tpu.memory_space<hbm>>) target(%arg11 : memref<80xi32, #tpu.memory_space<vmem>>) target_semaphore(%arg25 : memref<!tpu.dma_semaphore, #tpu.memory_space<semaphore_mem>>)
      %mul3A_821 = arith.constant 80 : i32
      %mul3A_822 = arith.muli %add3A_808, %mul3A_821 : i32
      %add3A_823 = arith.addi %mul3A_28, %mul3A_822 : i32
      %dma_wait3A_824 = arith.constant 0 : i32
      %dma_wait3A_825 = tpu.memref_slice %arg3[%add3A_823, %dma_wait3A_824] : memref<320000x64xi32, #tpu.memory_space<hbm>> -> memref<80x64xi32, #tpu.memory_space<hbm>>
      %dma_wait3A_826 = arith.constant 0 : i32
      %dma_wait3A_827 = tpu.memref_slice %arg3[%add3A_823, %dma_wait3A_826] : memref<320000x64xi32, #tpu.memory_space<hbm>> -> memref<80x64xi32, #tpu.memory_space<hbm>>
      tpu.wait_dma2 semaphore(%arg20 : memref<!tpu.dma_semaphore, #tpu.memory_space<semaphore_mem>>) src(%dma_wait3A_827 : memref<80x64xi32, #tpu.memory_space<hbm>>) dst(%arg16 : memref<80x64xi32, #tpu.memory_space<vmem>>)
      %dma_wait3A_828 = arith.constant 0 : i32
      %dma_wait3A_829 = arith.constant 0 : i32
      %dma_wait3A_830 = tpu.memref_slice %arg2[%dma_wait3A_828, %dma_wait3A_829] : memref<10000x128xf32, #tpu.memory_space<hbm>> -> memref<10000x128xf32, #tpu.memory_space<hbm>>
      tpu.wait_indirect_dma semaphore(%arg18 : memref<!tpu.dma_semaphore, #tpu.memory_space<semaphore_mem>>) src(%dma_wait3A_830 : memref<10000x128xf32, #tpu.memory_space<hbm>>) dst(%arg14 : memref<80x128xf32, #tpu.memory_space<vmem>>)
      %dma_wait3A_831 = arith.constant 0 : i32
      %dma_wait3A_832 = arith.constant 0 : i32
      %dma_wait3A_833 = tpu.memref_slice %arg7[%dma_wait3A_831, %dma_wait3A_832] : memref<10000x128xf32, #tpu.memory_space<vmem_shared>> -> memref<10000x128xf32, #tpu.memory_space<vmem_shared>>
      tpu.wait_indirect_dma semaphore(%arg29 : memref<!tpu.dma_semaphore, #tpu.memory_space<semaphore_mem>>) src(%arg15 : memref<80x128xf32, #tpu.memory_space<vmem>>) dst(%dma_wait3A_833 : memref<10000x128xf32, #tpu.memory_space<vmem_shared>>)
      %add3A_834 = arith.constant 1 : i32
      %add3A_835 = arith.addi %add3A_808, %add3A_834 : i32
      %mul3A_836 = arith.constant 80 : i32
      %mul3A_837 = arith.muli %add3A_835, %mul3A_836 : i32
      %add3A_838 = arith.addi %mul3A_28, %mul3A_837 : i32
      %dma_wait3A_839 = tpu.memref_slice %arg4[%add3A_838] : memref<320000xi32, #tpu.memory_space<hbm>> -> memref<80xi32, #tpu.memory_space<hbm>>
      %dma_wait3A_840 = tpu.memref_slice %arg4[%add3A_838] : memref<320000xi32, #tpu.memory_space<hbm>> -> memref<80xi32, #tpu.memory_space<hbm>>
      tpu.wait_dma2 semaphore(%arg24 : memref<!tpu.dma_semaphore, #tpu.memory_space<semaphore_mem>>) src(%dma_wait3A_840 : memref<80xi32, #tpu.memory_space<hbm>>) dst(%arg10 : memref<80xi32, #tpu.memory_space<vmem>>)
      %mul3A_841 = arith.constant 80 : i32
      %mul3A_842 = arith.muli %add3A_835, %mul3A_841 : i32
      %add3A_843 = arith.addi %mul3A_28, %mul3A_842 : i32
      %dma_wait3A_844 = tpu.memref_slice %arg5[%add3A_843] : memref<320000xi32, #tpu.memory_space<hbm>> -> memref<80xi32, #tpu.memory_space<hbm>>
      %dma_wait3A_845 = tpu.memref_slice %arg5[%add3A_843] : memref<320000xi32, #tpu.memory_space<hbm>> -> memref<80xi32, #tpu.memory_space<hbm>>
      tpu.wait_dma2 semaphore(%arg27 : memref<!tpu.dma_semaphore, #tpu.memory_space<semaphore_mem>>) src(%dma_wait3A_845 : memref<80xi32, #tpu.memory_space<hbm>>) dst(%arg13 : memref<80xi32, #tpu.memory_space<vmem>>)
      %add3A_846 = arith.constant 1 : i32
      %add3A_847 = arith.addi %add3A_808, %add3A_846 : i32
      %mul3A_848 = arith.constant 80 : i32
      %mul3A_849 = arith.muli %add3A_847, %mul3A_848 : i32
      %add3A_850 = arith.addi %mul3A_28, %mul3A_849 : i32
      %dma_start3A_851 = arith.constant 0 : i32
      %dma_start3A_852 = tpu.memref_slice %arg3[%add3A_850, %dma_start3A_851] : memref<320000x64xi32, #tpu.memory_space<hbm>> -> memref<80x64xi32, #tpu.memory_space<hbm>>
      %dma_start3A_853 = arith.constant 0 : i32
      %dma_start3A_854 = tpu.memref_slice %arg3[%add3A_850, %dma_start3A_853] : memref<320000x64xi32, #tpu.memory_space<hbm>> -> memref<80x64xi32, #tpu.memory_space<hbm>>
      tpu.enqueue_dma source(%dma_start3A_854 : memref<80x64xi32, #tpu.memory_space<hbm>>) target(%arg17 : memref<80x64xi32, #tpu.memory_space<vmem>>) target_semaphore(%arg21 : memref<!tpu.dma_semaphore, #tpu.memory_space<semaphore_mem>>)
      %dma_start3A_855 = arith.constant 0 : i32
      %dma_start3A_856 = arith.constant 0 : i32
      %dma_start3A_857 = tpu.memref_slice %arg2[%dma_start3A_855, %dma_start3A_856] : memref<10000x128xf32, #tpu.memory_space<hbm>> -> memref<10000x128xf32, #tpu.memory_space<hbm>>
      tpu.enqueue_indirect_dma source(%dma_start3A_857 : memref<10000x128xf32, #tpu.memory_space<hbm>>) target(%arg15 : memref<80x128xf32, #tpu.memory_space<vmem>>) offsets(%arg10 : memref<80xi32, #tpu.memory_space<vmem>>) semaphore(%arg19 : memref<!tpu.dma_semaphore, #tpu.memory_space<semaphore_mem>>)
      %scan3A_858 = arith.constant 0 : i32
      %scan3A_859 = arith.constant 0 : i32
      %scan3A_860 = arith.constant 80 : i32
      %scan3A_861 = arith.addi %scan3A_859, %scan3A_860 : i32
      %scan3A_862 = arith.constant 1 : i32
      %scan3A_863 = scf.for %scan3A_930 = %scan3A_859 to %scan3A_861 step %scan3A_862 iter_args(%scan3A_931 = %scan3A_858) -> (i32)  : i32 {
        %get3A = arith.index_cast %scan3A_930 : i32 to index
        %get3A_932 = arith.constant 0 : index
        %get3A_933 = tpu.vector_load %arg16[%get3A, %get3A_932] {strides = array<i32>} : memref<80x64xi32, #tpu.memory_space<vmem>>, vector<1x16xi32>,
        %get3A_934 = vector.shape_cast %get3A_933 : vector<1x16xi32> to vector<16xi32>
        %shift_left3A = arith.constant 16 : i32
        %shift_left3A_935 = vector.broadcast %shift_left3A : i32 to vector<16xi32>
        %shift_left3A_936 = arith.shli %get3A_934, %shift_left3A_935 : vector<16xi32>
        %bitcast_convert_type3A = tpu.bitcast %shift_left3A_936 : vector<16xi32> -> vector<16xf32>
        %and3A = arith.constant -65536 : i32
        %and3A_937 = vector.broadcast %and3A : i32 to vector<16xi32>
        %and3A_938 = arith.andi %get3A_934, %and3A_937 : vector<16xi32>
        %bitcast_convert_type3A_939 = tpu.bitcast %and3A_938 : vector<16xi32> -> vector<16xf32>
        %get3A_940 = arith.index_cast %scan3A_930 : i32 to index
        %get3A_941 = arith.constant 0 : index
        %get3A_942 = tpu.vector_load %arg14[%get3A_940, %get3A_941] {strides = array<i32>} : memref<80x128xf32, #tpu.memory_space<vmem>>, vector<1x16xf32>,
        %get3A_943 = vector.shape_cast %get3A_942 : vector<1x16xf32> to vector<16xf32>
        %mul3A_944 = arith.mulf %get3A_943, %bitcast_convert_type3A : vector<16xf32>
        %swap3A = arith.index_cast %scan3A_930 : i32 to index
        %swap3A_945 = arith.constant 0 : index
        %swap3A_946 = tpu.vector_load %arg14[%swap3A, %swap3A_945] {strides = array<i32>} : memref<80x128xf32, #tpu.memory_space<vmem>>, vector<1x16xf32>,
        %swap3A_947 = vector.shape_cast %swap3A_946 : vector<1x16xf32> to vector<16xf32>
        %swap3A_948 = vector.shape_cast %mul3A_944 : vector<16xf32> to vector<1x16xf32>
        tpu.vector_store %arg14[%swap3A, %swap3A_945], %swap3A_948 {strides = array<i32>} : memref<80x128xf32, #tpu.memory_space<vmem>>, vector<1x16xf32>,
        %get3A_949 = arith.index_cast %scan3A_930 : i32 to index
        %get3A_950 = arith.constant 64 : index
        %get3A_951 = tpu.vector_load %arg14[%get3A_949, %get3A_950] {strides = array<i32>} : memref<80x128xf32, #tpu.memory_space<vmem>>, vector<1x16xf32>,
        %get3A_952 = vector.shape_cast %get3A_951 : vector<1x16xf32> to vector<16xf32>
        %mul3A_953 = arith.mulf %get3A_952, %bitcast_convert_type3A_939 : vector<16xf32>
        %swap3A_954 = arith.index_cast %scan3A_930 : i32 to index
        %swap3A_955 = arith.constant 64 : index
        %swap3A_956 = tpu.vector_load %arg14[%swap3A_954, %swap3A_955] {strides = array<i32>} : memref<80x128xf32, #tpu.memory_space<vmem>>, vector<1x16xf32>,
        %swap3A_957 = vector.shape_cast %swap3A_956 : vector<1x16xf32> to vector<16xf32>
        %swap3A_958 = vector.shape_cast %mul3A_953 : vector<16xf32> to vector<1x16xf32>
        tpu.vector_store %arg14[%swap3A_954, %swap3A_955], %swap3A_958 {strides = array<i32>} : memref<80x128xf32, #tpu.memory_space<vmem>>, vector<1x16xf32>,
        %get3A_959 = arith.index_cast %scan3A_930 : i32 to index
        %get3A_960 = arith.constant 16 : index
        %get3A_961 = tpu.vector_load %arg16[%get3A_959, %get3A_960] {strides = array<i32>} : memref<80x64xi32, #tpu.memory_space<vmem>>, vector<1x16xi32>,
        %get3A_962 = vector.shape_cast %get3A_961 : vector<1x16xi32> to vector<16xi32>
        %shift_left3A_963 = arith.constant 16 : i32
        %shift_left3A_964 = vector.broadcast %shift_left3A_963 : i32 to vector<16xi32>
        %shift_left3A_965 = arith.shli %get3A_962, %shift_left3A_964 : vector<16xi32>
        %bitcast_convert_type3A_966 = tpu.bitcast %shift_left3A_965 : vector<16xi32> -> vector<16xf32>
        %and3A_967 = arith.constant -65536 : i32
        %and3A_968 = vector.broadcast %and3A_967 : i32 to vector<16xi32>
        %and3A_969 = arith.andi %get3A_962, %and3A_968 : vector<16xi32>
        %bitcast_convert_type3A_970 = tpu.bitcast %and3A_969 : vector<16xi32> -> vector<16xf32>
        %get3A_971 = arith.index_cast %scan3A_930 : i32 to index
        %get3A_972 = arith.constant 16 : index
        %get3A_973 = tpu.vector_load %arg14[%get3A_971, %get3A_972] {strides = array<i32>} : memref<80x128xf32, #tpu.memory_space<vmem>>, vector<1x16xf32>,
        %get3A_974 = vector.shape_cast %get3A_973 : vector<1x16xf32> to vector<16xf32>
        %mul3A_975 = arith.mulf %get3A_974, %bitcast_convert_type3A_966 : vector<16xf32>
        %swap3A_976 = arith.index_cast %scan3A_930 : i32 to index
        %swap3A_977 = arith.constant 16 : index
        %swap3A_978 = tpu.vector_load %arg14[%swap3A_976, %swap3A_977] {strides = array<i32>} : memref<80x128xf32, #tpu.memory_space<vmem>>, vector<1x16xf32>,
        %swap3A_979 = vector.shape_cast %swap3A_978 : vector<1x16xf32> to vector<16xf32>
        %swap3A_980 = vector.shape_cast %mul3A_975 : vector<16xf32> to vector<1x16xf32>
        tpu.vector_store %arg14[%swap3A_976, %swap3A_977], %swap3A_980 {strides = array<i32>} : memref<80x128xf32, #tpu.memory_space<vmem>>, vector<1x16xf32>,
        %get3A_981 = arith.index_cast %scan3A_930 : i32 to index
        %get3A_982 = arith.constant 80 : index
        %get3A_983 = tpu.vector_load %arg14[%get3A_981, %get3A_982] {strides = array<i32>} : memref<80x128xf32, #tpu.memory_space<vmem>>, vector<1x16xf32>,
        %get3A_984 = vector.shape_cast %get3A_983 : vector<1x16xf32> to vector<16xf32>
        %mul3A_985 = arith.mulf %get3A_984, %bitcast_convert_type3A_970 : vector<16xf32>
        %swap3A_986 = arith.index_cast %scan3A_930 : i32 to index
        %swap3A_987 = arith.constant 80 : index
        %swap3A_988 = tpu.vector_load %arg14[%swap3A_986, %swap3A_987] {strides = array<i32>} : memref<80x128xf32, #tpu.memory_space<vmem>>, vector<1x16xf32>,
        %swap3A_989 = vector.shape_cast %swap3A_988 : vector<1x16xf32> to vector<16xf32>
        %swap3A_990 = vector.shape_cast %mul3A_985 : vector<16xf32> to vector<1x16xf32>
        tpu.vector_store %arg14[%swap3A_986, %swap3A_987], %swap3A_990 {strides = array<i32>} : memref<80x128xf32, #tpu.memory_space<vmem>>, vector<1x16xf32>,
        %get3A_991 = arith.index_cast %scan3A_930 : i32 to index
        %get3A_992 = arith.constant 32 : index
        %get3A_993 = tpu.vector_load %arg16[%get3A_991, %get3A_992] {strides = array<i32>} : memref<80x64xi32, #tpu.memory_space<vmem>>, vector<1x16xi32>,
        %get3A_994 = vector.shape_cast %get3A_993 : vector<1x16xi32> to vector<16xi32>
        %shift_left3A_995 = arith.constant 16 : i32
        %shift_left3A_996 = vector.broadcast %shift_left3A_995 : i32 to vector<16xi32>
        %shift_left3A_997 = arith.shli %get3A_994, %shift_left3A_996 : vector<16xi32>
        %bitcast_convert_type3A_998 = tpu.bitcast %shift_left3A_997 : vector<16xi32> -> vector<16xf32>
        %and3A_999 = arith.constant -65536 : i32
        %and3A_1000 = vector.broadcast %and3A_999 : i32 to vector<16xi32>
        %and3A_1001 = arith.andi %get3A_994, %and3A_1000 : vector<16xi32>
        %bitcast_convert_type3A_1002 = tpu.bitcast %and3A_1001 : vector<16xi32> -> vector<16xf32>
        %get3A_1003 = arith.index_cast %scan3A_930 : i32 to index
        %get3A_1004 = arith.constant 32 : index
        %get3A_1005 = tpu.vector_load %arg14[%get3A_1003, %get3A_1004] {strides = array<i32>} : memref<80x128xf32, #tpu.memory_space<vmem>>, vector<1x16xf32>,
        %get3A_1006 = vector.shape_cast %get3A_1005 : vector<1x16xf32> to vector<16xf32>
        %mul3A_1007 = arith.mulf %get3A_1006, %bitcast_convert_type3A_998 : vector<16xf32>
        %swap3A_1008 = arith.index_cast %scan3A_930 : i32 to index
        %swap3A_1009 = arith.constant 32 : index
        %swap3A_1010 = tpu.vector_load %arg14[%swap3A_1008, %swap3A_1009] {strides = array<i32>} : memref<80x128xf32, #tpu.memory_space<vmem>>, vector<1x16xf32>,
        %swap3A_1011 = vector.shape_cast %swap3A_1010 : vector<1x16xf32> to vector<16xf32>
        %swap3A_1012 = vector.shape_cast %mul3A_1007 : vector<16xf32> to vector<1x16xf32>
        tpu.vector_store %arg14[%swap3A_1008, %swap3A_1009], %swap3A_1012 {strides = array<i32>} : memref<80x128xf32, #tpu.memory_space<vmem>>, vector<1x16xf32>,
        %get3A_1013 = arith.index_cast %scan3A_930 : i32 to index
        %get3A_1014 = arith.constant 96 : index
        %get3A_1015 = tpu.vector_load %arg14[%get3A_1013, %get3A_1014] {strides = array<i32>} : memref<80x128xf32, #tpu.memory_space<vmem>>, vector<1x16xf32>,
        %get3A_1016 = vector.shape_cast %get3A_1015 : vector<1x16xf32> to vector<16xf32>
        %mul3A_1017 = arith.mulf %get3A_1016, %bitcast_convert_type3A_1002 : vector<16xf32>
        %swap3A_1018 = arith.index_cast %scan3A_930 : i32 to index
        %swap3A_1019 = arith.constant 96 : index
        %swap3A_1020 = tpu.vector_load %arg14[%swap3A_1018, %swap3A_1019] {strides = array<i32>} : memref<80x128xf32, #tpu.memory_space<vmem>>, vector<1x16xf32>,
        %swap3A_1021 = vector.shape_cast %swap3A_1020 : vector<1x16xf32> to vector<16xf32>
        %swap3A_1022 = vector.shape_cast %mul3A_1017 : vector<16xf32> to vector<1x16xf32>
        tpu.vector_store %arg14[%swap3A_1018, %swap3A_1019], %swap3A_1022 {strides = array<i32>} : memref<80x128xf32, #tpu.memory_space<vmem>>, vector<1x16xf32>,
        %get3A_1023 = arith.index_cast %scan3A_930 : i32 to index
        %get3A_1024 = arith.constant 48 : index
        %get3A_1025 = tpu.vector_load %arg16[%get3A_1023, %get3A_1024] {strides = array<i32>} : memref<80x64xi32, #tpu.memory_space<vmem>>, vector<1x16xi32>,
        %get3A_1026 = vector.shape_cast %get3A_1025 : vector<1x16xi32> to vector<16xi32>
        %shift_left3A_1027 = arith.constant 16 : i32
        %shift_left3A_1028 = vector.broadcast %shift_left3A_1027 : i32 to vector<16xi32>
        %shift_left3A_1029 = arith.shli %get3A_1026, %shift_left3A_1028 : vector<16xi32>
        %bitcast_convert_type3A_1030 = tpu.bitcast %shift_left3A_1029 : vector<16xi32> -> vector<16xf32>
        %and3A_1031 = arith.constant -65536 : i32
        %and3A_1032 = vector.broadcast %and3A_1031 : i32 to vector<16xi32>
        %and3A_1033 = arith.andi %get3A_1026, %and3A_1032 : vector<16xi32>
        %bitcast_convert_type3A_1034 = tpu.bitcast %and3A_1033 : vector<16xi32> -> vector<16xf32>
        %get3A_1035 = arith.index_cast %scan3A_930 : i32 to index
        %get3A_1036 = arith.constant 48 : index
        %get3A_1037 = tpu.vector_load %arg14[%get3A_1035, %get3A_1036] {strides = array<i32>} : memref<80x128xf32, #tpu.memory_space<vmem>>, vector<1x16xf32>,
        %get3A_1038 = vector.shape_cast %get3A_1037 : vector<1x16xf32> to vector<16xf32>
        %mul3A_1039 = arith.mulf %get3A_1038, %bitcast_convert_type3A_1030 : vector<16xf32>
        %swap3A_1040 = arith.index_cast %scan3A_930 : i32 to index
        %swap3A_1041 = arith.constant 48 : index
        %swap3A_1042 = tpu.vector_load %arg14[%swap3A_1040, %swap3A_1041] {strides = array<i32>} : memref<80x128xf32, #tpu.memory_space<vmem>>, vector<1x16xf32>,
        %swap3A_1043 = vector.shape_cast %swap3A_1042 : vector<1x16xf32> to vector<16xf32>
        %swap3A_1044 = vector.shape_cast %mul3A_1039 : vector<16xf32> to vector<1x16xf32>
        tpu.vector_store %arg14[%swap3A_1040, %swap3A_1041], %swap3A_1044 {strides = array<i32>} : memref<80x128xf32, #tpu.memory_space<vmem>>, vector<1x16xf32>,
        %get3A_1045 = arith.index_cast %scan3A_930 : i32 to index
        %get3A_1046 = arith.constant 112 : index
        %get3A_1047 = tpu.vector_load %arg14[%get3A_1045, %get3A_1046] {strides = array<i32>} : memref<80x128xf32, #tpu.memory_space<vmem>>, vector<1x16xf32>,
        %get3A_1048 = vector.shape_cast %get3A_1047 : vector<1x16xf32> to vector<16xf32>
        %mul3A_1049 = arith.mulf %get3A_1048, %bitcast_convert_type3A_1034 : vector<16xf32>
        %swap3A_1050 = arith.index_cast %scan3A_930 : i32 to index
        %swap3A_1051 = arith.constant 112 : index
        %swap3A_1052 = tpu.vector_load %arg14[%swap3A_1050, %swap3A_1051] {strides = array<i32>} : memref<80x128xf32, #tpu.memory_space<vmem>>, vector<1x16xf32>,
        %swap3A_1053 = vector.shape_cast %swap3A_1052 : vector<1x16xf32> to vector<16xf32>
        %swap3A_1054 = vector.shape_cast %mul3A_1049 : vector<16xf32> to vector<1x16xf32>
        tpu.vector_store %arg14[%swap3A_1050, %swap3A_1051], %swap3A_1054 {strides = array<i32>} : memref<80x128xf32, #tpu.memory_space<vmem>>, vector<1x16xf32>,
        %scan3A_1055 = arith.constant 0 : i32
        scf.yield %scan3A_1055 : i32
      }
      %scan3A_864 = arith.constant 80 : i32
      %dma_start3A_865 = arith.constant 0 : i32
      %dma_start3A_866 = arith.constant 0 : i32
      %dma_start3A_867 = tpu.memref_slice %arg7[%dma_start3A_865, %dma_start3A_866] : memref<10000x128xf32, #tpu.memory_space<vmem_shared>> -> memref<10000x128xf32, #tpu.memory_space<vmem_shared>>
      tpu.enqueue_indirect_dma source(%arg14 : memref<80x128xf32, #tpu.memory_space<vmem>>) target(%dma_start3A_867 : memref<10000x128xf32, #tpu.memory_space<vmem_shared>>) offsets(%arg12 : memref<80xi32, #tpu.memory_space<vmem>>) semaphore(%arg28 : memref<!tpu.dma_semaphore, #tpu.memory_space<semaphore_mem>>) {add = true}
      %add3A_868 = arith.constant 5 : i32
      %add3A_869 = arith.addi %add3A_562, %add3A_868 : i32
      %add3A_870 = arith.constant 2 : i32
      %add3A_871 = arith.addi %add3A_869, %add3A_870 : i32
      %mul3A_872 = arith.constant 80 : i32
      %mul3A_873 = arith.muli %add3A_871, %mul3A_872 : i32
      %add3A_874 = arith.addi %mul3A_28, %mul3A_873 : i32
      %dma_start3A_875 = tpu.memref_slice %arg4[%add3A_874] : memref<320000xi32, #tpu.memory_space<hbm>> -> memref<80xi32, #tpu.memory_space<hbm>>
      %dma_start3A_876 = tpu.memref_slice %arg4[%add3A_874] : memref<320000xi32, #tpu.memory_space<hbm>> -> memref<80xi32, #tpu.memory_space<hbm>>
      tpu.enqueue_dma source(%dma_start3A_876 : memref<80xi32, #tpu.memory_space<hbm>>) target(%arg9 : memref<80xi32, #tpu.memory_space<vmem>>) target_semaphore(%arg23 : memref<!tpu.dma_semaphore, #tpu.memory_space<semaphore_mem>>)
      %mul3A_877 = arith.constant 80 : i32
      %mul3A_878 = arith.muli %add3A_871, %mul3A_877 : i32
      %add3A_879 = arith.addi %mul3A_28, %mul3A_878 : i32
      %dma_start3A_880 = tpu.memref_slice %arg5[%add3A_879] : memref<320000xi32, #tpu.memory_space<hbm>> -> memref<80xi32, #tpu.memory_space<hbm>>
      %dma_start3A_881 = tpu.memref_slice %arg5[%add3A_879] : memref<320000xi32, #tpu.memory_space<hbm>> -> memref<80xi32, #tpu.memory_space<hbm>>
      tpu.enqueue_dma source(%dma_start3A_881 : memref<80xi32, #tpu.memory_space<hbm>>) target(%arg12 : memref<80xi32, #tpu.memory_space<vmem>>) target_semaphore(%arg26 : memref<!tpu.dma_semaphore, #tpu.memory_space<semaphore_mem>>)
      %mul3A_882 = arith.constant 80 : i32
      %mul3A_883 = arith.muli %add3A_869, %mul3A_882 : i32
      %add3A_884 = arith.addi %mul3A_28, %mul3A_883 : i32
      %dma_wait3A_885 = arith.constant 0 : i32
      %dma_wait3A_886 = tpu.memref_slice %arg3[%add3A_884, %dma_wait3A_885] : memref<320000x64xi32, #tpu.memory_space<hbm>> -> memref<80x64xi32, #tpu.memory_space<hbm>>
      %dma_wait3A_887 = arith.constant 0 : i32
      %dma_wait3A_888 = tpu.memref_slice %arg3[%add3A_884, %dma_wait3A_887] : memref<320000x64xi32, #tpu.memory_space<hbm>> -> memref<80x64xi32, #tpu.memory_space<hbm>>
      tpu.wait_dma2 semaphore(%arg21 : memref<!tpu.dma_semaphore, #tpu.memory_space<semaphore_mem>>) src(%dma_wait3A_888 : memref<80x64xi32, #tpu.memory_space<hbm>>) dst(%arg17 : memref<80x64xi32, #tpu.memory_space<vmem>>)
      %dma_wait3A_889 = arith.constant 0 : i32
      %dma_wait3A_890 = arith.constant 0 : i32
      %dma_wait3A_891 = tpu.memref_slice %arg2[%dma_wait3A_889, %dma_wait3A_890] : memref<10000x128xf32, #tpu.memory_space<hbm>> -> memref<10000x128xf32, #tpu.memory_space<hbm>>
      tpu.wait_indirect_dma semaphore(%arg19 : memref<!tpu.dma_semaphore, #tpu.memory_space<semaphore_mem>>) src(%dma_wait3A_891 : memref<10000x128xf32, #tpu.memory_space<hbm>>) dst(%arg15 : memref<80x128xf32, #tpu.memory_space<vmem>>)
      %dma_wait3A_892 = arith.constant 0 : i32
      %dma_wait3A_893 = arith.constant 0 : i32
      %dma_wait3A_894 = tpu.memref_slice %arg7[%dma_wait3A_892, %dma_wait3A_893] : memref<10000x128xf32, #tpu.memory_space<vmem_shared>> -> memref<10000x128xf32, #tpu.memory_space<vmem_shared>>
      tpu.wait_indirect_dma semaphore(%arg28 : memref<!tpu.dma_semaphore, #tpu.memory_space<semaphore_mem>>) src(%arg14 : memref<80x128xf32, #tpu.memory_space<vmem>>) dst(%dma_wait3A_894 : memref<10000x128xf32, #tpu.memory_space<vmem_shared>>)
      %add3A_895 = arith.constant 1 : i32
      %add3A_896 = arith.addi %add3A_869, %add3A_895 : i32
      %mul3A_897 = arith.constant 80 : i32
      %mul3A_898 = arith.muli %add3A_896, %mul3A_897 : i32
      %add3A_899 = arith.addi %mul3A_28, %mul3A_898 : i32
      %dma_wait3A_900 = tpu.memref_slice %arg4[%add3A_899] : memref<320000xi32, #tpu.memory_space<hbm>> -> memref<80xi32, #tpu.memory_space<hbm>>
      %dma_wait3A_901 = tpu.memref_slice %arg4[%add3A_899] : memref<320000xi32, #tpu.memory_space<hbm>> -> memref<80xi32, #tpu.memory_space<hbm>>
      tpu.wait_dma2 semaphore(%arg22 : memref<!tpu.dma_semaphore, #tpu.memory_space<semaphore_mem>>) src(%dma_wait3A_901 : memref<80xi32, #tpu.memory_space<hbm>>) dst(%arg8 : memref<80xi32, #tpu.memory_space<vmem>>)
      %mul3A_902 = arith.constant 80 : i32
      %mul3A_903 = arith.muli %add3A_896, %mul3A_902 : i32
      %add3A_904 = arith.addi %mul3A_28, %mul3A_903 : i32
      %dma_wait3A_905 = tpu.memref_slice %arg5[%add3A_904] : memref<320000xi32, #tpu.memory_space<hbm>> -> memref<80xi32, #tpu.memory_space<hbm>>
      %dma_wait3A_906 = tpu.memref_slice %arg5[%add3A_904] : memref<320000xi32, #tpu.memory_space<hbm>> -> memref<80xi32, #tpu.memory_space<hbm>>
      tpu.wait_dma2 semaphore(%arg25 : memref<!tpu.dma_semaphore, #tpu.memory_space<semaphore_mem>>) src(%dma_wait3A_906 : memref<80xi32, #tpu.memory_space<hbm>>) dst(%arg11 : memref<80xi32, #tpu.memory_space<vmem>>)
      %add3A_907 = arith.constant 1 : i32
      %add3A_908 = arith.addi %add3A_869, %add3A_907 : i32
      %mul3A_909 = arith.constant 80 : i32
      %mul3A_910 = arith.muli %add3A_908, %mul3A_909 : i32
      %add3A_911 = arith.addi %mul3A_28, %mul3A_910 : i32
      %dma_start3A_912 = arith.constant 0 : i32
      %dma_start3A_913 = tpu.memref_slice %arg3[%add3A_911, %dma_start3A_912] : memref<320000x64xi32, #tpu.memory_space<hbm>> -> memref<80x64xi32, #tpu.memory_space<hbm>>
      %dma_start3A_914 = arith.constant 0 : i32
      %dma_start3A_915 = tpu.memref_slice %arg3[%add3A_911, %dma_start3A_914] : memref<320000x64xi32, #tpu.memory_space<hbm>> -> memref<80x64xi32, #tpu.memory_space<hbm>>
      tpu.enqueue_dma source(%dma_start3A_915 : memref<80x64xi32, #tpu.memory_space<hbm>>) target(%arg16 : memref<80x64xi32, #tpu.memory_space<vmem>>) target_semaphore(%arg20 : memref<!tpu.dma_semaphore, #tpu.memory_space<semaphore_mem>>)
      %dma_start3A_916 = arith.constant 0 : i32
      %dma_start3A_917 = arith.constant 0 : i32
      %dma_start3A_918 = tpu.memref_slice %arg2[%dma_start3A_916, %dma_start3A_917] : memref<10000x128xf32, #tpu.memory_space<hbm>> -> memref<10000x128xf32, #tpu.memory_space<hbm>>
      tpu.enqueue_indirect_dma source(%dma_start3A_918 : memref<10000x128xf32, #tpu.memory_space<hbm>>) target(%arg14 : memref<80x128xf32, #tpu.memory_space<vmem>>) offsets(%arg8 : memref<80xi32, #tpu.memory_space<vmem>>) semaphore(%arg18 : memref<!tpu.dma_semaphore, #tpu.memory_space<semaphore_mem>>)
      %scan3A_919 = arith.constant 0 : i32
      %scan3A_920 = arith.constant 0 : i32
      %scan3A_921 = arith.constant 80 : i32
      %scan3A_922 = arith.addi %scan3A_920, %scan3A_921 : i32
      %scan3A_923 = arith.constant 1 : i32
      %scan3A_924 = scf.for %scan3A_930 = %scan3A_920 to %scan3A_922 step %scan3A_923 iter_args(%scan3A_931 = %scan3A_919) -> (i32)  : i32 {
        %get3A = arith.index_cast %scan3A_930 : i32 to index
        %get3A_932 = arith.constant 0 : index
        %get3A_933 = tpu.vector_load %arg17[%get3A, %get3A_932] {strides = array<i32>} : memref<80x64xi32, #tpu.memory_space<vmem>>, vector<1x16xi32>,
        %get3A_934 = vector.shape_cast %get3A_933 : vector<1x16xi32> to vector<16xi32>
        %shift_left3A = arith.constant 16 : i32
        %shift_left3A_935 = vector.broadcast %shift_left3A : i32 to vector<16xi32>
        %shift_left3A_936 = arith.shli %get3A_934, %shift_left3A_935 : vector<16xi32>
        %bitcast_convert_type3A = tpu.bitcast %shift_left3A_936 : vector<16xi32> -> vector<16xf32>
        %and3A = arith.constant -65536 : i32
        %and3A_937 = vector.broadcast %and3A : i32 to vector<16xi32>
        %and3A_938 = arith.andi %get3A_934, %and3A_937 : vector<16xi32>
        %bitcast_convert_type3A_939 = tpu.bitcast %and3A_938 : vector<16xi32> -> vector<16xf32>
        %get3A_940 = arith.index_cast %scan3A_930 : i32 to index
        %get3A_941 = arith.constant 0 : index
        %get3A_942 = tpu.vector_load %arg15[%get3A_940, %get3A_941] {strides = array<i32>} : memref<80x128xf32, #tpu.memory_space<vmem>>, vector<1x16xf32>,
        %get3A_943 = vector.shape_cast %get3A_942 : vector<1x16xf32> to vector<16xf32>
        %mul3A_944 = arith.mulf %get3A_943, %bitcast_convert_type3A : vector<16xf32>
        %swap3A = arith.index_cast %scan3A_930 : i32 to index
        %swap3A_945 = arith.constant 0 : index
        %swap3A_946 = tpu.vector_load %arg15[%swap3A, %swap3A_945] {strides = array<i32>} : memref<80x128xf32, #tpu.memory_space<vmem>>, vector<1x16xf32>,
        %swap3A_947 = vector.shape_cast %swap3A_946 : vector<1x16xf32> to vector<16xf32>
        %swap3A_948 = vector.shape_cast %mul3A_944 : vector<16xf32> to vector<1x16xf32>
        tpu.vector_store %arg15[%swap3A, %swap3A_945], %swap3A_948 {strides = array<i32>} : memref<80x128xf32, #tpu.memory_space<vmem>>, vector<1x16xf32>,
        %get3A_949 = arith.index_cast %scan3A_930 : i32 to index
        %get3A_950 = arith.constant 64 : index
        %get3A_951 = tpu.vector_load %arg15[%get3A_949, %get3A_950] {strides = array<i32>} : memref<80x128xf32, #tpu.memory_space<vmem>>, vector<1x16xf32>,
        %get3A_952 = vector.shape_cast %get3A_951 : vector<1x16xf32> to vector<16xf32>
        %mul3A_953 = arith.mulf %get3A_952, %bitcast_convert_type3A_939 : vector<16xf32>
        %swap3A_954 = arith.index_cast %scan3A_930 : i32 to index
        %swap3A_955 = arith.constant 64 : index
        %swap3A_956 = tpu.vector_load %arg15[%swap3A_954, %swap3A_955] {strides = array<i32>} : memref<80x128xf32, #tpu.memory_space<vmem>>, vector<1x16xf32>,
        %swap3A_957 = vector.shape_cast %swap3A_956 : vector<1x16xf32> to vector<16xf32>
        %swap3A_958 = vector.shape_cast %mul3A_953 : vector<16xf32> to vector<1x16xf32>
        tpu.vector_store %arg15[%swap3A_954, %swap3A_955], %swap3A_958 {strides = array<i32>} : memref<80x128xf32, #tpu.memory_space<vmem>>, vector<1x16xf32>,
        %get3A_959 = arith.index_cast %scan3A_930 : i32 to index
        %get3A_960 = arith.constant 16 : index
        %get3A_961 = tpu.vector_load %arg17[%get3A_959, %get3A_960] {strides = array<i32>} : memref<80x64xi32, #tpu.memory_space<vmem>>, vector<1x16xi32>,
        %get3A_962 = vector.shape_cast %get3A_961 : vector<1x16xi32> to vector<16xi32>
        %shift_left3A_963 = arith.constant 16 : i32
        %shift_left3A_964 = vector.broadcast %shift_left3A_963 : i32 to vector<16xi32>
        %shift_left3A_965 = arith.shli %get3A_962, %shift_left3A_964 : vector<16xi32>
        %bitcast_convert_type3A_966 = tpu.bitcast %shift_left3A_965 : vector<16xi32> -> vector<16xf32>
        %and3A_967 = arith.constant -65536 : i32
        %and3A_968 = vector.broadcast %and3A_967 : i32 to vector<16xi32>
        %and3A_969 = arith.andi %get3A_962, %and3A_968 : vector<16xi32>
        %bitcast_convert_type3A_970 = tpu.bitcast %and3A_969 : vector<16xi32> -> vector<16xf32>
        %get3A_971 = arith.index_cast %scan3A_930 : i32 to index
        %get3A_972 = arith.constant 16 : index
        %get3A_973 = tpu.vector_load %arg15[%get3A_971, %get3A_972] {strides = array<i32>} : memref<80x128xf32, #tpu.memory_space<vmem>>, vector<1x16xf32>,
        %get3A_974 = vector.shape_cast %get3A_973 : vector<1x16xf32> to vector<16xf32>
        %mul3A_975 = arith.mulf %get3A_974, %bitcast_convert_type3A_966 : vector<16xf32>
        %swap3A_976 = arith.index_cast %scan3A_930 : i32 to index
        %swap3A_977 = arith.constant 16 : index
        %swap3A_978 = tpu.vector_load %arg15[%swap3A_976, %swap3A_977] {strides = array<i32>} : memref<80x128xf32, #tpu.memory_space<vmem>>, vector<1x16xf32>,
        %swap3A_979 = vector.shape_cast %swap3A_978 : vector<1x16xf32> to vector<16xf32>
        %swap3A_980 = vector.shape_cast %mul3A_975 : vector<16xf32> to vector<1x16xf32>
        tpu.vector_store %arg15[%swap3A_976, %swap3A_977], %swap3A_980 {strides = array<i32>} : memref<80x128xf32, #tpu.memory_space<vmem>>, vector<1x16xf32>,
        %get3A_981 = arith.index_cast %scan3A_930 : i32 to index
        %get3A_982 = arith.constant 80 : index
        %get3A_983 = tpu.vector_load %arg15[%get3A_981, %get3A_982] {strides = array<i32>} : memref<80x128xf32, #tpu.memory_space<vmem>>, vector<1x16xf32>,
        %get3A_984 = vector.shape_cast %get3A_983 : vector<1x16xf32> to vector<16xf32>
        %mul3A_985 = arith.mulf %get3A_984, %bitcast_convert_type3A_970 : vector<16xf32>
        %swap3A_986 = arith.index_cast %scan3A_930 : i32 to index
        %swap3A_987 = arith.constant 80 : index
        %swap3A_988 = tpu.vector_load %arg15[%swap3A_986, %swap3A_987] {strides = array<i32>} : memref<80x128xf32, #tpu.memory_space<vmem>>, vector<1x16xf32>,
        %swap3A_989 = vector.shape_cast %swap3A_988 : vector<1x16xf32> to vector<16xf32>
        %swap3A_990 = vector.shape_cast %mul3A_985 : vector<16xf32> to vector<1x16xf32>
        tpu.vector_store %arg15[%swap3A_986, %swap3A_987], %swap3A_990 {strides = array<i32>} : memref<80x128xf32, #tpu.memory_space<vmem>>, vector<1x16xf32>,
        %get3A_991 = arith.index_cast %scan3A_930 : i32 to index
        %get3A_992 = arith.constant 32 : index
        %get3A_993 = tpu.vector_load %arg17[%get3A_991, %get3A_992] {strides = array<i32>} : memref<80x64xi32, #tpu.memory_space<vmem>>, vector<1x16xi32>,
        %get3A_994 = vector.shape_cast %get3A_993 : vector<1x16xi32> to vector<16xi32>
        %shift_left3A_995 = arith.constant 16 : i32
        %shift_left3A_996 = vector.broadcast %shift_left3A_995 : i32 to vector<16xi32>
        %shift_left3A_997 = arith.shli %get3A_994, %shift_left3A_996 : vector<16xi32>
        %bitcast_convert_type3A_998 = tpu.bitcast %shift_left3A_997 : vector<16xi32> -> vector<16xf32>
        %and3A_999 = arith.constant -65536 : i32
        %and3A_1000 = vector.broadcast %and3A_999 : i32 to vector<16xi32>
        %and3A_1001 = arith.andi %get3A_994, %and3A_1000 : vector<16xi32>
        %bitcast_convert_type3A_1002 = tpu.bitcast %and3A_1001 : vector<16xi32> -> vector<16xf32>
        %get3A_1003 = arith.index_cast %scan3A_930 : i32 to index
        %get3A_1004 = arith.constant 32 : index
        %get3A_1005 = tpu.vector_load %arg15[%get3A_1003, %get3A_1004] {strides = array<i32>} : memref<80x128xf32, #tpu.memory_space<vmem>>, vector<1x16xf32>,
        %get3A_1006 = vector.shape_cast %get3A_1005 : vector<1x16xf32> to vector<16xf32>
        %mul3A_1007 = arith.mulf %get3A_1006, %bitcast_convert_type3A_998 : vector<16xf32>
        %swap3A_1008 = arith.index_cast %scan3A_930 : i32 to index
        %swap3A_1009 = arith.constant 32 : index
        %swap3A_1010 = tpu.vector_load %arg15[%swap3A_1008, %swap3A_1009] {strides = array<i32>} : memref<80x128xf32, #tpu.memory_space<vmem>>, vector<1x16xf32>,
        %swap3A_1011 = vector.shape_cast %swap3A_1010 : vector<1x16xf32> to vector<16xf32>
        %swap3A_1012 = vector.shape_cast %mul3A_1007 : vector<16xf32> to vector<1x16xf32>
        tpu.vector_store %arg15[%swap3A_1008, %swap3A_1009], %swap3A_1012 {strides = array<i32>} : memref<80x128xf32, #tpu.memory_space<vmem>>, vector<1x16xf32>,
        %get3A_1013 = arith.index_cast %scan3A_930 : i32 to index
        %get3A_1014 = arith.constant 96 : index
        %get3A_1015 = tpu.vector_load %arg15[%get3A_1013, %get3A_1014] {strides = array<i32>} : memref<80x128xf32, #tpu.memory_space<vmem>>, vector<1x16xf32>,
        %get3A_1016 = vector.shape_cast %get3A_1015 : vector<1x16xf32> to vector<16xf32>
        %mul3A_1017 = arith.mulf %get3A_1016, %bitcast_convert_type3A_1002 : vector<16xf32>
        %swap3A_1018 = arith.index_cast %scan3A_930 : i32 to index
        %swap3A_1019 = arith.constant 96 : index
        %swap3A_1020 = tpu.vector_load %arg15[%swap3A_1018, %swap3A_1019] {strides = array<i32>} : memref<80x128xf32, #tpu.memory_space<vmem>>, vector<1x16xf32>,
        %swap3A_1021 = vector.shape_cast %swap3A_1020 : vector<1x16xf32> to vector<16xf32>
        %swap3A_1022 = vector.shape_cast %mul3A_1017 : vector<16xf32> to vector<1x16xf32>
        tpu.vector_store %arg15[%swap3A_1018, %swap3A_1019], %swap3A_1022 {strides = array<i32>} : memref<80x128xf32, #tpu.memory_space<vmem>>, vector<1x16xf32>,
        %get3A_1023 = arith.index_cast %scan3A_930 : i32 to index
        %get3A_1024 = arith.constant 48 : index
        %get3A_1025 = tpu.vector_load %arg17[%get3A_1023, %get3A_1024] {strides = array<i32>} : memref<80x64xi32, #tpu.memory_space<vmem>>, vector<1x16xi32>,
        %get3A_1026 = vector.shape_cast %get3A_1025 : vector<1x16xi32> to vector<16xi32>
        %shift_left3A_1027 = arith.constant 16 : i32
        %shift_left3A_1028 = vector.broadcast %shift_left3A_1027 : i32 to vector<16xi32>
        %shift_left3A_1029 = arith.shli %get3A_1026, %shift_left3A_1028 : vector<16xi32>
        %bitcast_convert_type3A_1030 = tpu.bitcast %shift_left3A_1029 : vector<16xi32> -> vector<16xf32>
        %and3A_1031 = arith.constant -65536 : i32
        %and3A_1032 = vector.broadcast %and3A_1031 : i32 to vector<16xi32>
        %and3A_1033 = arith.andi %get3A_1026, %and3A_1032 : vector<16xi32>
        %bitcast_convert_type3A_1034 = tpu.bitcast %and3A_1033 : vector<16xi32> -> vector<16xf32>
        %get3A_1035 = arith.index_cast %scan3A_930 : i32 to index
        %get3A_1036 = arith.constant 48 : index
        %get3A_1037 = tpu.vector_load %arg15[%get3A_1035, %get3A_1036] {strides = array<i32>} : memref<80x128xf32, #tpu.memory_space<vmem>>, vector<1x16xf32>,
        %get3A_1038 = vector.shape_cast %get3A_1037 : vector<1x16xf32> to vector<16xf32>
        %mul3A_1039 = arith.mulf %get3A_1038, %bitcast_convert_type3A_1030 : vector<16xf32>
        %swap3A_1040 = arith.index_cast %scan3A_930 : i32 to index
        %swap3A_1041 = arith.constant 48 : index
        %swap3A_1042 = tpu.vector_load %arg15[%swap3A_1040, %swap3A_1041] {strides = array<i32>} : memref<80x128xf32, #tpu.memory_space<vmem>>, vector<1x16xf32>,
        %swap3A_1043 = vector.shape_cast %swap3A_1042 : vector<1x16xf32> to vector<16xf32>
        %swap3A_1044 = vector.shape_cast %mul3A_1039 : vector<16xf32> to vector<1x16xf32>
        tpu.vector_store %arg15[%swap3A_1040, %swap3A_1041], %swap3A_1044 {strides = array<i32>} : memref<80x128xf32, #tpu.memory_space<vmem>>, vector<1x16xf32>,
        %get3A_1045 = arith.index_cast %scan3A_930 : i32 to index
        %get3A_1046 = arith.constant 112 : index
        %get3A_1047 = tpu.vector_load %arg15[%get3A_1045, %get3A_1046] {strides = array<i32>} : memref<80x128xf32, #tpu.memory_space<vmem>>, vector<1x16xf32>,
        %get3A_1048 = vector.shape_cast %get3A_1047 : vector<1x16xf32> to vector<16xf32>
        %mul3A_1049 = arith.mulf %get3A_1048, %bitcast_convert_type3A_1034 : vector<16xf32>
        %swap3A_1050 = arith.index_cast %scan3A_930 : i32 to index
        %swap3A_1051 = arith.constant 112 : index
        %swap3A_1052 = tpu.vector_load %arg15[%swap3A_1050, %swap3A_1051] {strides = array<i32>} : memref<80x128xf32, #tpu.memory_space<vmem>>, vector<1x16xf32>,
        %swap3A_1053 = vector.shape_cast %swap3A_1052 : vector<1x16xf32> to vector<16xf32>
        %swap3A_1054 = vector.shape_cast %mul3A_1049 : vector<16xf32> to vector<1x16xf32>
        tpu.vector_store %arg15[%swap3A_1050, %swap3A_1051], %swap3A_1054 {strides = array<i32>} : memref<80x128xf32, #tpu.memory_space<vmem>>, vector<1x16xf32>,
        %scan3A_1055 = arith.constant 0 : i32
        scf.yield %scan3A_1055 : i32
      }
      %scan3A_925 = arith.constant 80 : i32
      %dma_start3A_926 = arith.constant 0 : i32
      %dma_start3A_927 = arith.constant 0 : i32
      %dma_start3A_928 = tpu.memref_slice %arg7[%dma_start3A_926, %dma_start3A_927] : memref<10000x128xf32, #tpu.memory_space<vmem_shared>> -> memref<10000x128xf32, #tpu.memory_space<vmem_shared>>
      tpu.enqueue_indirect_dma source(%arg15 : memref<80x128xf32, #tpu.memory_space<vmem>>) target(%dma_start3A_928 : memref<10000x128xf32, #tpu.memory_space<vmem_shared>>) offsets(%arg13 : memref<80xi32, #tpu.memory_space<vmem>>) semaphore(%arg29 : memref<!tpu.dma_semaphore, #tpu.memory_space<semaphore_mem>>) {add = true}
      %scan3A_929 = arith.constant 0 : i32
      scf.yield %scan3A_929 : i32
    }
    %scan3A_345 = arith.constant 19 : i32
    %add3A_346 = arith.constant 9760 : i32
    %add3A_347 = arith.addi %mul3A_28, %add3A_346 : i32
    %dma_start3A_348 = tpu.memref_slice %arg4[%add3A_347] : memref<320000xi32, #tpu.memory_space<hbm>> -> memref<80xi32, #tpu.memory_space<hbm>>
    %dma_start3A_349 = tpu.memref_slice %arg4[%add3A_347] : memref<320000xi32, #tpu.memory_space<hbm>> -> memref<80xi32, #tpu.memory_space<hbm>>
    tpu.enqueue_dma source(%dma_start3A_349 : memref<80xi32, #tpu.memory_space<hbm>>) target(%arg10 : memref<80xi32, #tpu.memory_space<vmem>>) target_semaphore(%arg24 : memref<!tpu.dma_semaphore, #tpu.memory_space<semaphore_mem>>)
    %add3A_350 = arith.constant 9760 : i32
    %add3A_351 = arith.addi %mul3A_28, %add3A_350 : i32
    %dma_start3A_352 = tpu.memref_slice %arg5[%add3A_351] : memref<320000xi32, #tpu.memory_space<hbm>> -> memref<80xi32, #tpu.memory_space<hbm>>
    %dma_start3A_353 = tpu.memref_slice %arg5[%add3A_351] : memref<320000xi32, #tpu.memory_space<hbm>> -> memref<80xi32, #tpu.memory_space<hbm>>
    tpu.enqueue_dma source(%dma_start3A_353 : memref<80xi32, #tpu.memory_space<hbm>>) target(%arg13 : memref<80xi32, #tpu.memory_space<vmem>>) target_semaphore(%arg27 : memref<!tpu.dma_semaphore, #tpu.memory_space<semaphore_mem>>)
    %add3A_354 = arith.constant 9600 : i32
    %add3A_355 = arith.addi %mul3A_28, %add3A_354 : i32
    %dma_wait3A_356 = arith.constant 0 : i32
    %dma_wait3A_357 = tpu.memref_slice %arg3[%add3A_355, %dma_wait3A_356] : memref<320000x64xi32, #tpu.memory_space<hbm>> -> memref<80x64xi32, #tpu.memory_space<hbm>>
    %dma_wait3A_358 = arith.constant 0 : i32
    %dma_wait3A_359 = tpu.memref_slice %arg3[%add3A_355, %dma_wait3A_358] : memref<320000x64xi32, #tpu.memory_space<hbm>> -> memref<80x64xi32, #tpu.memory_space<hbm>>
    tpu.wait_dma2 semaphore(%arg20 : memref<!tpu.dma_semaphore, #tpu.memory_space<semaphore_mem>>) src(%dma_wait3A_359 : memref<80x64xi32, #tpu.memory_space<hbm>>) dst(%arg16 : memref<80x64xi32, #tpu.memory_space<vmem>>)
    %dma_wait3A_360 = arith.constant 0 : i32
    %dma_wait3A_361 = arith.constant 0 : i32
    %dma_wait3A_362 = tpu.memref_slice %arg2[%dma_wait3A_360, %dma_wait3A_361] : memref<10000x128xf32, #tpu.memory_space<hbm>> -> memref<10000x128xf32, #tpu.memory_space<hbm>>
    tpu.wait_indirect_dma semaphore(%arg18 : memref<!tpu.dma_semaphore, #tpu.memory_space<semaphore_mem>>) src(%dma_wait3A_362 : memref<10000x128xf32, #tpu.memory_space<hbm>>) dst(%arg14 : memref<80x128xf32, #tpu.memory_space<vmem>>)
    %dma_wait3A_363 = arith.constant 0 : i32
    %dma_wait3A_364 = arith.constant 0 : i32
    %dma_wait3A_365 = tpu.memref_slice %arg7[%dma_wait3A_363, %dma_wait3A_364] : memref<10000x128xf32, #tpu.memory_space<vmem_shared>> -> memref<10000x128xf32, #tpu.memory_space<vmem_shared>>
    tpu.wait_indirect_dma semaphore(%arg29 : memref<!tpu.dma_semaphore, #tpu.memory_space<semaphore_mem>>) src(%arg15 : memref<80x128xf32, #tpu.memory_space<vmem>>) dst(%dma_wait3A_365 : memref<10000x128xf32, #tpu.memory_space<vmem_shared>>)
    %add3A_366 = arith.constant 9680 : i32
    %add3A_367 = arith.addi %mul3A_28, %add3A_366 : i32
    %dma_wait3A_368 = tpu.memref_slice %arg4[%add3A_367] : memref<320000xi32, #tpu.memory_space<hbm>> -> memref<80xi32, #tpu.memory_space<hbm>>
    %dma_wait3A_369 = tpu.memref_slice %arg4[%add3A_367] : memref<320000xi32, #tpu.memory_space<hbm>> -> memref<80xi32, #tpu.memory_space<hbm>>
    tpu.wait_dma2 semaphore(%arg23 : memref<!tpu.dma_semaphore, #tpu.memory_space<semaphore_mem>>) src(%dma_wait3A_369 : memref<80xi32, #tpu.memory_space<hbm>>) dst(%arg9 : memref<80xi32, #tpu.memory_space<vmem>>)
    %add3A_370 = arith.constant 9680 : i32
    %add3A_371 = arith.addi %mul3A_28, %add3A_370 : i32
    %dma_wait3A_372 = tpu.memref_slice %arg5[%add3A_371] : memref<320000xi32, #tpu.memory_space<hbm>> -> memref<80xi32, #tpu.memory_space<hbm>>
    %dma_wait3A_373 = tpu.memref_slice %arg5[%add3A_371] : memref<320000xi32, #tpu.memory_space<hbm>> -> memref<80xi32, #tpu.memory_space<hbm>>
    tpu.wait_dma2 semaphore(%arg26 : memref<!tpu.dma_semaphore, #tpu.memory_space<semaphore_mem>>) src(%dma_wait3A_373 : memref<80xi32, #tpu.memory_space<hbm>>) dst(%arg12 : memref<80xi32, #tpu.memory_space<vmem>>)
    %add3A_374 = arith.constant 9680 : i32
    %add3A_375 = arith.addi %mul3A_28, %add3A_374 : i32
    %dma_start3A_376 = arith.constant 0 : i32
    %dma_start3A_377 = tpu.memref_slice %arg3[%add3A_375, %dma_start3A_376] : memref<320000x64xi32, #tpu.memory_space<hbm>> -> memref<80x64xi32, #tpu.memory_space<hbm>>
    %dma_start3A_378 = arith.constant 0 : i32
    %dma_start3A_379 = tpu.memref_slice %arg3[%add3A_375, %dma_start3A_378] : memref<320000x64xi32, #tpu.memory_space<hbm>> -> memref<80x64xi32, #tpu.memory_space<hbm>>
    tpu.enqueue_dma source(%dma_start3A_379 : memref<80x64xi32, #tpu.memory_space<hbm>>) target(%arg17 : memref<80x64xi32, #tpu.memory_space<vmem>>) target_semaphore(%arg21 : memref<!tpu.dma_semaphore, #tpu.memory_space<semaphore_mem>>)
    %dma_start3A_380 = arith.constant 0 : i32
    %dma_start3A_381 = arith.constant 0 : i32
    %dma_start3A_382 = tpu.memref_slice %arg2[%dma_start3A_380, %dma_start3A_381] : memref<10000x128xf32, #tpu.memory_space<hbm>> -> memref<10000x128xf32, #tpu.memory_space<hbm>>
    tpu.enqueue_indirect_dma source(%dma_start3A_382 : memref<10000x128xf32, #tpu.memory_space<hbm>>) target(%arg15 : memref<80x128xf32, #tpu.memory_space<vmem>>) offsets(%arg9 : memref<80xi32, #tpu.memory_space<vmem>>) semaphore(%arg19 : memref<!tpu.dma_semaphore, #tpu.memory_space<semaphore_mem>>)
    %scan3A_383 = arith.constant 0 : i32
    %scan3A_384 = arith.constant 0 : i32
    %scan3A_385 = arith.constant 80 : i32
    %scan3A_386 = arith.addi %scan3A_384, %scan3A_385 : i32
    %scan3A_387 = arith.constant 1 : i32
    %scan3A_388 = scf.for %scan3A_557 = %scan3A_384 to %scan3A_386 step %scan3A_387 iter_args(%scan3A_558 = %scan3A_383) -> (i32)  : i32 {
      %get3A = arith.index_cast %scan3A_557 : i32 to index
      %get3A_559 = arith.constant 0 : index
      %get3A_560 = tpu.vector_load %arg16[%get3A, %get3A_559] {strides = array<i32>} : memref<80x64xi32, #tpu.memory_space<vmem>>, vector<1x16xi32>,
      %get3A_561 = vector.shape_cast %get3A_560 : vector<1x16xi32> to vector<16xi32>
      %shift_left3A = arith.constant 16 : i32
      %shift_left3A_562 = vector.broadcast %shift_left3A : i32 to vector<16xi32>
      %shift_left3A_563 = arith.shli %get3A_561, %shift_left3A_562 : vector<16xi32>
      %bitcast_convert_type3A = tpu.bitcast %shift_left3A_563 : vector<16xi32> -> vector<16xf32>
      %and3A = arith.constant -65536 : i32
      %and3A_564 = vector.broadcast %and3A : i32 to vector<16xi32>
      %and3A_565 = arith.andi %get3A_561, %and3A_564 : vector<16xi32>
      %bitcast_convert_type3A_566 = tpu.bitcast %and3A_565 : vector<16xi32> -> vector<16xf32>
      %get3A_567 = arith.index_cast %scan3A_557 : i32 to index
      %get3A_568 = arith.constant 0 : index
      %get3A_569 = tpu.vector_load %arg14[%get3A_567, %get3A_568] {strides = array<i32>} : memref<80x128xf32, #tpu.memory_space<vmem>>, vector<1x16xf32>,
      %get3A_570 = vector.shape_cast %get3A_569 : vector<1x16xf32> to vector<16xf32>
      %mul3A_571 = arith.mulf %get3A_570, %bitcast_convert_type3A : vector<16xf32>
      %swap3A = arith.index_cast %scan3A_557 : i32 to index
      %swap3A_572 = arith.constant 0 : index
      %swap3A_573 = tpu.vector_load %arg14[%swap3A, %swap3A_572] {strides = array<i32>} : memref<80x128xf32, #tpu.memory_space<vmem>>, vector<1x16xf32>,
      %swap3A_574 = vector.shape_cast %swap3A_573 : vector<1x16xf32> to vector<16xf32>
      %swap3A_575 = vector.shape_cast %mul3A_571 : vector<16xf32> to vector<1x16xf32>
      tpu.vector_store %arg14[%swap3A, %swap3A_572], %swap3A_575 {strides = array<i32>} : memref<80x128xf32, #tpu.memory_space<vmem>>, vector<1x16xf32>,
      %get3A_576 = arith.index_cast %scan3A_557 : i32 to index
      %get3A_577 = arith.constant 64 : index
      %get3A_578 = tpu.vector_load %arg14[%get3A_576, %get3A_577] {strides = array<i32>} : memref<80x128xf32, #tpu.memory_space<vmem>>, vector<1x16xf32>,
      %get3A_579 = vector.shape_cast %get3A_578 : vector<1x16xf32> to vector<16xf32>
      %mul3A_580 = arith.mulf %get3A_579, %bitcast_convert_type3A_566 : vector<16xf32>
      %swap3A_581 = arith.index_cast %scan3A_557 : i32 to index
      %swap3A_582 = arith.constant 64 : index
      %swap3A_583 = tpu.vector_load %arg14[%swap3A_581, %swap3A_582] {strides = array<i32>} : memref<80x128xf32, #tpu.memory_space<vmem>>, vector<1x16xf32>,
      %swap3A_584 = vector.shape_cast %swap3A_583 : vector<1x16xf32> to vector<16xf32>
      %swap3A_585 = vector.shape_cast %mul3A_580 : vector<16xf32> to vector<1x16xf32>
      tpu.vector_store %arg14[%swap3A_581, %swap3A_582], %swap3A_585 {strides = array<i32>} : memref<80x128xf32, #tpu.memory_space<vmem>>, vector<1x16xf32>,
      %get3A_586 = arith.index_cast %scan3A_557 : i32 to index
      %get3A_587 = arith.constant 16 : index
      %get3A_588 = tpu.vector_load %arg16[%get3A_586, %get3A_587] {strides = array<i32>} : memref<80x64xi32, #tpu.memory_space<vmem>>, vector<1x16xi32>,
      %get3A_589 = vector.shape_cast %get3A_588 : vector<1x16xi32> to vector<16xi32>
      %shift_left3A_590 = arith.constant 16 : i32
      %shift_left3A_591 = vector.broadcast %shift_left3A_590 : i32 to vector<16xi32>
      %shift_left3A_592 = arith.shli %get3A_589, %shift_left3A_591 : vector<16xi32>
      %bitcast_convert_type3A_593 = tpu.bitcast %shift_left3A_592 : vector<16xi32> -> vector<16xf32>
      %and3A_594 = arith.constant -65536 : i32
      %and3A_595 = vector.broadcast %and3A_594 : i32 to vector<16xi32>
      %and3A_596 = arith.andi %get3A_589, %and3A_595 : vector<16xi32>
      %bitcast_convert_type3A_597 = tpu.bitcast %and3A_596 : vector<16xi32> -> vector<16xf32>
      %get3A_598 = arith.index_cast %scan3A_557 : i32 to index
      %get3A_599 = arith.constant 16 : index
      %get3A_600 = tpu.vector_load %arg14[%get3A_598, %get3A_599] {strides = array<i32>} : memref<80x128xf32, #tpu.memory_space<vmem>>, vector<1x16xf32>,
      %get3A_601 = vector.shape_cast %get3A_600 : vector<1x16xf32> to vector<16xf32>
      %mul3A_602 = arith.mulf %get3A_601, %bitcast_convert_type3A_593 : vector<16xf32>
      %swap3A_603 = arith.index_cast %scan3A_557 : i32 to index
      %swap3A_604 = arith.constant 16 : index
      %swap3A_605 = tpu.vector_load %arg14[%swap3A_603, %swap3A_604] {strides = array<i32>} : memref<80x128xf32, #tpu.memory_space<vmem>>, vector<1x16xf32>,
      %swap3A_606 = vector.shape_cast %swap3A_605 : vector<1x16xf32> to vector<16xf32>
      %swap3A_607 = vector.shape_cast %mul3A_602 : vector<16xf32> to vector<1x16xf32>
      tpu.vector_store %arg14[%swap3A_603, %swap3A_604], %swap3A_607 {strides = array<i32>} : memref<80x128xf32, #tpu.memory_space<vmem>>, vector<1x16xf32>,
      %get3A_608 = arith.index_cast %scan3A_557 : i32 to index
      %get3A_609 = arith.constant 80 : index
      %get3A_610 = tpu.vector_load %arg14[%get3A_608, %get3A_609] {strides = array<i32>} : memref<80x128xf32, #tpu.memory_space<vmem>>, vector<1x16xf32>,
      %get3A_611 = vector.shape_cast %get3A_610 : vector<1x16xf32> to vector<16xf32>
      %mul3A_612 = arith.mulf %get3A_611, %bitcast_convert_type3A_597 : vector<16xf32>
      %swap3A_613 = arith.index_cast %scan3A_557 : i32 to index
      %swap3A_614 = arith.constant 80 : index
      %swap3A_615 = tpu.vector_load %arg14[%swap3A_613, %swap3A_614] {strides = array<i32>} : memref<80x128xf32, #tpu.memory_space<vmem>>, vector<1x16xf32>,
      %swap3A_616 = vector.shape_cast %swap3A_615 : vector<1x16xf32> to vector<16xf32>
      %swap3A_617 = vector.shape_cast %mul3A_612 : vector<16xf32> to vector<1x16xf32>
      tpu.vector_store %arg14[%swap3A_613, %swap3A_614], %swap3A_617 {strides = array<i32>} : memref<80x128xf32, #tpu.memory_space<vmem>>, vector<1x16xf32>,
      %get3A_618 = arith.index_cast %scan3A_557 : i32 to index
      %get3A_619 = arith.constant 32 : index
      %get3A_620 = tpu.vector_load %arg16[%get3A_618, %get3A_619] {strides = array<i32>} : memref<80x64xi32, #tpu.memory_space<vmem>>, vector<1x16xi32>,
      %get3A_621 = vector.shape_cast %get3A_620 : vector<1x16xi32> to vector<16xi32>
      %shift_left3A_622 = arith.constant 16 : i32
      %shift_left3A_623 = vector.broadcast %shift_left3A_622 : i32 to vector<16xi32>
      %shift_left3A_624 = arith.shli %get3A_621, %shift_left3A_623 : vector<16xi32>
      %bitcast_convert_type3A_625 = tpu.bitcast %shift_left3A_624 : vector<16xi32> -> vector<16xf32>
      %and3A_626 = arith.constant -65536 : i32
      %and3A_627 = vector.broadcast %and3A_626 : i32 to vector<16xi32>
      %and3A_628 = arith.andi %get3A_621, %and3A_627 : vector<16xi32>
      %bitcast_convert_type3A_629 = tpu.bitcast %and3A_628 : vector<16xi32> -> vector<16xf32>
      %get3A_630 = arith.index_cast %scan3A_557 : i32 to index
      %get3A_631 = arith.constant 32 : index
      %get3A_632 = tpu.vector_load %arg14[%get3A_630, %get3A_631] {strides = array<i32>} : memref<80x128xf32, #tpu.memory_space<vmem>>, vector<1x16xf32>,
      %get3A_633 = vector.shape_cast %get3A_632 : vector<1x16xf32> to vector<16xf32>
      %mul3A_634 = arith.mulf %get3A_633, %bitcast_convert_type3A_625 : vector<16xf32>
      %swap3A_635 = arith.index_cast %scan3A_557 : i32 to index
      %swap3A_636 = arith.constant 32 : index
      %swap3A_637 = tpu.vector_load %arg14[%swap3A_635, %swap3A_636] {strides = array<i32>} : memref<80x128xf32, #tpu.memory_space<vmem>>, vector<1x16xf32>,
      %swap3A_638 = vector.shape_cast %swap3A_637 : vector<1x16xf32> to vector<16xf32>
      %swap3A_639 = vector.shape_cast %mul3A_634 : vector<16xf32> to vector<1x16xf32>
      tpu.vector_store %arg14[%swap3A_635, %swap3A_636], %swap3A_639 {strides = array<i32>} : memref<80x128xf32, #tpu.memory_space<vmem>>, vector<1x16xf32>,
      %get3A_640 = arith.index_cast %scan3A_557 : i32 to index
      %get3A_641 = arith.constant 96 : index
      %get3A_642 = tpu.vector_load %arg14[%get3A_640, %get3A_641] {strides = array<i32>} : memref<80x128xf32, #tpu.memory_space<vmem>>, vector<1x16xf32>,
      %get3A_643 = vector.shape_cast %get3A_642 : vector<1x16xf32> to vector<16xf32>
      %mul3A_644 = arith.mulf %get3A_643, %bitcast_convert_type3A_629 : vector<16xf32>
      %swap3A_645 = arith.index_cast %scan3A_557 : i32 to index
      %swap3A_646 = arith.constant 96 : index
      %swap3A_647 = tpu.vector_load %arg14[%swap3A_645, %swap3A_646] {strides = array<i32>} : memref<80x128xf32, #tpu.memory_space<vmem>>, vector<1x16xf32>,
      %swap3A_648 = vector.shape_cast %swap3A_647 : vector<1x16xf32> to vector<16xf32>
      %swap3A_649 = vector.shape_cast %mul3A_644 : vector<16xf32> to vector<1x16xf32>
      tpu.vector_store %arg14[%swap3A_645, %swap3A_646], %swap3A_649 {strides = array<i32>} : memref<80x128xf32, #tpu.memory_space<vmem>>, vector<1x16xf32>,
      %get3A_650 = arith.index_cast %scan3A_557 : i32 to index
      %get3A_651 = arith.constant 48 : index
      %get3A_652 = tpu.vector_load %arg16[%get3A_650, %get3A_651] {strides = array<i32>} : memref<80x64xi32, #tpu.memory_space<vmem>>, vector<1x16xi32>,
      %get3A_653 = vector.shape_cast %get3A_652 : vector<1x16xi32> to vector<16xi32>
      %shift_left3A_654 = arith.constant 16 : i32
      %shift_left3A_655 = vector.broadcast %shift_left3A_654 : i32 to vector<16xi32>
      %shift_left3A_656 = arith.shli %get3A_653, %shift_left3A_655 : vector<16xi32>
      %bitcast_convert_type3A_657 = tpu.bitcast %shift_left3A_656 : vector<16xi32> -> vector<16xf32>
      %and3A_658 = arith.constant -65536 : i32
      %and3A_659 = vector.broadcast %and3A_658 : i32 to vector<16xi32>
      %and3A_660 = arith.andi %get3A_653, %and3A_659 : vector<16xi32>
      %bitcast_convert_type3A_661 = tpu.bitcast %and3A_660 : vector<16xi32> -> vector<16xf32>
      %get3A_662 = arith.index_cast %scan3A_557 : i32 to index
      %get3A_663 = arith.constant 48 : index
      %get3A_664 = tpu.vector_load %arg14[%get3A_662, %get3A_663] {strides = array<i32>} : memref<80x128xf32, #tpu.memory_space<vmem>>, vector<1x16xf32>,
      %get3A_665 = vector.shape_cast %get3A_664 : vector<1x16xf32> to vector<16xf32>
      %mul3A_666 = arith.mulf %get3A_665, %bitcast_convert_type3A_657 : vector<16xf32>
      %swap3A_667 = arith.index_cast %scan3A_557 : i32 to index
      %swap3A_668 = arith.constant 48 : index
      %swap3A_669 = tpu.vector_load %arg14[%swap3A_667, %swap3A_668] {strides = array<i32>} : memref<80x128xf32, #tpu.memory_space<vmem>>, vector<1x16xf32>,
      %swap3A_670 = vector.shape_cast %swap3A_669 : vector<1x16xf32> to vector<16xf32>
      %swap3A_671 = vector.shape_cast %mul3A_666 : vector<16xf32> to vector<1x16xf32>
      tpu.vector_store %arg14[%swap3A_667, %swap3A_668], %swap3A_671 {strides = array<i32>} : memref<80x128xf32, #tpu.memory_space<vmem>>, vector<1x16xf32>,
      %get3A_672 = arith.index_cast %scan3A_557 : i32 to index
      %get3A_673 = arith.constant 112 : index
      %get3A_674 = tpu.vector_load %arg14[%get3A_672, %get3A_673] {strides = array<i32>} : memref<80x128xf32, #tpu.memory_space<vmem>>, vector<1x16xf32>,
      %get3A_675 = vector.shape_cast %get3A_674 : vector<1x16xf32> to vector<16xf32>
      %mul3A_676 = arith.mulf %get3A_675, %bitcast_convert_type3A_661 : vector<16xf32>
      %swap3A_677 = arith.index_cast %scan3A_557 : i32 to index
      %swap3A_678 = arith.constant 112 : index
      %swap3A_679 = tpu.vector_load %arg14[%swap3A_677, %swap3A_678] {strides = array<i32>} : memref<80x128xf32, #tpu.memory_space<vmem>>, vector<1x16xf32>,
      %swap3A_680 = vector.shape_cast %swap3A_679 : vector<1x16xf32> to vector<16xf32>
      %swap3A_681 = vector.shape_cast %mul3A_676 : vector<16xf32> to vector<1x16xf32>
      tpu.vector_store %arg14[%swap3A_677, %swap3A_678], %swap3A_681 {strides = array<i32>} : memref<80x128xf32, #tpu.memory_space<vmem>>, vector<1x16xf32>,
      %scan3A_682 = arith.constant 0 : i32
      scf.yield %scan3A_682 : i32
    }
    %scan3A_389 = arith.constant 80 : i32
    %dma_start3A_390 = arith.constant 0 : i32
    %dma_start3A_391 = arith.constant 0 : i32
    %dma_start3A_392 = tpu.memref_slice %arg7[%dma_start3A_390, %dma_start3A_391] : memref<10000x128xf32, #tpu.memory_space<vmem_shared>> -> memref<10000x128xf32, #tpu.memory_space<vmem_shared>>
    tpu.enqueue_indirect_dma source(%arg14 : memref<80x128xf32, #tpu.memory_space<vmem>>) target(%dma_start3A_392 : memref<10000x128xf32, #tpu.memory_space<vmem_shared>>) offsets(%arg11 : memref<80xi32, #tpu.memory_space<vmem>>) semaphore(%arg28 : memref<!tpu.dma_semaphore, #tpu.memory_space<semaphore_mem>>) {add = true}
    %add3A_393 = arith.constant 9840 : i32
    %add3A_394 = arith.addi %mul3A_28, %add3A_393 : i32
    %dma_start3A_395 = tpu.memref_slice %arg4[%add3A_394] : memref<320000xi32, #tpu.memory_space<hbm>> -> memref<80xi32, #tpu.memory_space<hbm>>
    %dma_start3A_396 = tpu.memref_slice %arg4[%add3A_394] : memref<320000xi32, #tpu.memory_space<hbm>> -> memref<80xi32, #tpu.memory_space<hbm>>
    tpu.enqueue_dma source(%dma_start3A_396 : memref<80xi32, #tpu.memory_space<hbm>>) target(%arg8 : memref<80xi32, #tpu.memory_space<vmem>>) target_semaphore(%arg22 : memref<!tpu.dma_semaphore, #tpu.memory_space<semaphore_mem>>)
    %add3A_397 = arith.constant 9840 : i32
    %add3A_398 = arith.addi %mul3A_28, %add3A_397 : i32
    %dma_start3A_399 = tpu.memref_slice %arg5[%add3A_398] : memref<320000xi32, #tpu.memory_space<hbm>> -> memref<80xi32, #tpu.memory_space<hbm>>
    %dma_start3A_400 = tpu.memref_slice %arg5[%add3A_398] : memref<320000xi32, #tpu.memory_space<hbm>> -> memref<80xi32, #tpu.memory_space<hbm>>
    tpu.enqueue_dma source(%dma_start3A_400 : memref<80xi32, #tpu.memory_space<hbm>>) target(%arg11 : memref<80xi32, #tpu.memory_space<vmem>>) target_semaphore(%arg25 : memref<!tpu.dma_semaphore, #tpu.memory_space<semaphore_mem>>)
    %add3A_401 = arith.constant 9680 : i32
    %add3A_402 = arith.addi %mul3A_28, %add3A_401 : i32
    %dma_wait3A_403 = arith.constant 0 : i32
    %dma_wait3A_404 = tpu.memref_slice %arg3[%add3A_402, %dma_wait3A_403] : memref<320000x64xi32, #tpu.memory_space<hbm>> -> memref<80x64xi32, #tpu.memory_space<hbm>>
    %dma_wait3A_405 = arith.constant 0 : i32
    %dma_wait3A_406 = tpu.memref_slice %arg3[%add3A_402, %dma_wait3A_405] : memref<320000x64xi32, #tpu.memory_space<hbm>> -> memref<80x64xi32, #tpu.memory_space<hbm>>
    tpu.wait_dma2 semaphore(%arg21 : memref<!tpu.dma_semaphore, #tpu.memory_space<semaphore_mem>>) src(%dma_wait3A_406 : memref<80x64xi32, #tpu.memory_space<hbm>>) dst(%arg17 : memref<80x64xi32, #tpu.memory_space<vmem>>)
    %dma_wait3A_407 = arith.constant 0 : i32
    %dma_wait3A_408 = arith.constant 0 : i32
    %dma_wait3A_409 = tpu.memref_slice %arg2[%dma_wait3A_407, %dma_wait3A_408] : memref<10000x128xf32, #tpu.memory_space<hbm>> -> memref<10000x128xf32, #tpu.memory_space<hbm>>
    tpu.wait_indirect_dma semaphore(%arg19 : memref<!tpu.dma_semaphore, #tpu.memory_space<semaphore_mem>>) src(%dma_wait3A_409 : memref<10000x128xf32, #tpu.memory_space<hbm>>) dst(%arg15 : memref<80x128xf32, #tpu.memory_space<vmem>>)
    %dma_wait3A_410 = arith.constant 0 : i32
    %dma_wait3A_411 = arith.constant 0 : i32
    %dma_wait3A_412 = tpu.memref_slice %arg7[%dma_wait3A_410, %dma_wait3A_411] : memref<10000x128xf32, #tpu.memory_space<vmem_shared>> -> memref<10000x128xf32, #tpu.memory_space<vmem_shared>>
    tpu.wait_indirect_dma semaphore(%arg28 : memref<!tpu.dma_semaphore, #tpu.memory_space<semaphore_mem>>) src(%arg14 : memref<80x128xf32, #tpu.memory_space<vmem>>) dst(%dma_wait3A_412 : memref<10000x128xf32, #tpu.memory_space<vmem_shared>>)
    %add3A_413 = arith.constant 9760 : i32
    %add3A_414 = arith.addi %mul3A_28, %add3A_413 : i32
    %dma_wait3A_415 = tpu.memref_slice %arg4[%add3A_414] : memref<320000xi32, #tpu.memory_space<hbm>> -> memref<80xi32, #tpu.memory_space<hbm>>
    %dma_wait3A_416 = tpu.memref_slice %arg4[%add3A_414] : memref<320000xi32, #tpu.memory_space<hbm>> -> memref<80xi32, #tpu.memory_space<hbm>>
    tpu.wait_dma2 semaphore(%arg24 : memref<!tpu.dma_semaphore, #tpu.memory_space<semaphore_mem>>) src(%dma_wait3A_416 : memref<80xi32, #tpu.memory_space<hbm>>) dst(%arg10 : memref<80xi32, #tpu.memory_space<vmem>>)
    %add3A_417 = arith.constant 9760 : i32
    %add3A_418 = arith.addi %mul3A_28, %add3A_417 : i32
    %dma_wait3A_419 = tpu.memref_slice %arg5[%add3A_418] : memref<320000xi32, #tpu.memory_space<hbm>> -> memref<80xi32, #tpu.memory_space<hbm>>
    %dma_wait3A_420 = tpu.memref_slice %arg5[%add3A_418] : memref<320000xi32, #tpu.memory_space<hbm>> -> memref<80xi32, #tpu.memory_space<hbm>>
    tpu.wait_dma2 semaphore(%arg27 : memref<!tpu.dma_semaphore, #tpu.memory_space<semaphore_mem>>) src(%dma_wait3A_420 : memref<80xi32, #tpu.memory_space<hbm>>) dst(%arg13 : memref<80xi32, #tpu.memory_space<vmem>>)
    %add3A_421 = arith.constant 9760 : i32
    %add3A_422 = arith.addi %mul3A_28, %add3A_421 : i32
    %dma_start3A_423 = arith.constant 0 : i32
    %dma_start3A_424 = tpu.memref_slice %arg3[%add3A_422, %dma_start3A_423] : memref<320000x64xi32, #tpu.memory_space<hbm>> -> memref<80x64xi32, #tpu.memory_space<hbm>>
    %dma_start3A_425 = arith.constant 0 : i32
    %dma_start3A_426 = tpu.memref_slice %arg3[%add3A_422, %dma_start3A_425] : memref<320000x64xi32, #tpu.memory_space<hbm>> -> memref<80x64xi32, #tpu.memory_space<hbm>>
    tpu.enqueue_dma source(%dma_start3A_426 : memref<80x64xi32, #tpu.memory_space<hbm>>) target(%arg16 : memref<80x64xi32, #tpu.memory_space<vmem>>) target_semaphore(%arg20 : memref<!tpu.dma_semaphore, #tpu.memory_space<semaphore_mem>>)
    %dma_start3A_427 = arith.constant 0 : i32
    %dma_start3A_428 = arith.constant 0 : i32
    %dma_start3A_429 = tpu.memref_slice %arg2[%dma_start3A_427, %dma_start3A_428] : memref<10000x128xf32, #tpu.memory_space<hbm>> -> memref<10000x128xf32, #tpu.memory_space<hbm>>
    tpu.enqueue_indirect_dma source(%dma_start3A_429 : memref<10000x128xf32, #tpu.memory_space<hbm>>) target(%arg14 : memref<80x128xf32, #tpu.memory_space<vmem>>) offsets(%arg10 : memref<80xi32, #tpu.memory_space<vmem>>) semaphore(%arg18 : memref<!tpu.dma_semaphore, #tpu.memory_space<semaphore_mem>>)
    %scan3A_430 = arith.constant 0 : i32
    %scan3A_431 = arith.constant 0 : i32
    %scan3A_432 = arith.constant 80 : i32
    %scan3A_433 = arith.addi %scan3A_431, %scan3A_432 : i32
    %scan3A_434 = arith.constant 1 : i32
    %scan3A_435 = scf.for %scan3A_557 = %scan3A_431 to %scan3A_433 step %scan3A_434 iter_args(%scan3A_558 = %scan3A_430) -> (i32)  : i32 {
      %get3A = arith.index_cast %scan3A_557 : i32 to index
      %get3A_559 = arith.constant 0 : index
      %get3A_560 = tpu.vector_load %arg17[%get3A, %get3A_559] {strides = array<i32>} : memref<80x64xi32, #tpu.memory_space<vmem>>, vector<1x16xi32>,
      %get3A_561 = vector.shape_cast %get3A_560 : vector<1x16xi32> to vector<16xi32>
      %shift_left3A = arith.constant 16 : i32
      %shift_left3A_562 = vector.broadcast %shift_left3A : i32 to vector<16xi32>
      %shift_left3A_563 = arith.shli %get3A_561, %shift_left3A_562 : vector<16xi32>
      %bitcast_convert_type3A = tpu.bitcast %shift_left3A_563 : vector<16xi32> -> vector<16xf32>
      %and3A = arith.constant -65536 : i32
      %and3A_564 = vector.broadcast %and3A : i32 to vector<16xi32>
      %and3A_565 = arith.andi %get3A_561, %and3A_564 : vector<16xi32>
      %bitcast_convert_type3A_566 = tpu.bitcast %and3A_565 : vector<16xi32> -> vector<16xf32>
      %get3A_567 = arith.index_cast %scan3A_557 : i32 to index
      %get3A_568 = arith.constant 0 : index
      %get3A_569 = tpu.vector_load %arg15[%get3A_567, %get3A_568] {strides = array<i32>} : memref<80x128xf32, #tpu.memory_space<vmem>>, vector<1x16xf32>,
      %get3A_570 = vector.shape_cast %get3A_569 : vector<1x16xf32> to vector<16xf32>
      %mul3A_571 = arith.mulf %get3A_570, %bitcast_convert_type3A : vector<16xf32>
      %swap3A = arith.index_cast %scan3A_557 : i32 to index
      %swap3A_572 = arith.constant 0 : index
      %swap3A_573 = tpu.vector_load %arg15[%swap3A, %swap3A_572] {strides = array<i32>} : memref<80x128xf32, #tpu.memory_space<vmem>>, vector<1x16xf32>,
      %swap3A_574 = vector.shape_cast %swap3A_573 : vector<1x16xf32> to vector<16xf32>
      %swap3A_575 = vector.shape_cast %mul3A_571 : vector<16xf32> to vector<1x16xf32>
      tpu.vector_store %arg15[%swap3A, %swap3A_572], %swap3A_575 {strides = array<i32>} : memref<80x128xf32, #tpu.memory_space<vmem>>, vector<1x16xf32>,
      %get3A_576 = arith.index_cast %scan3A_557 : i32 to index
      %get3A_577 = arith.constant 64 : index
      %get3A_578 = tpu.vector_load %arg15[%get3A_576, %get3A_577] {strides = array<i32>} : memref<80x128xf32, #tpu.memory_space<vmem>>, vector<1x16xf32>,
      %get3A_579 = vector.shape_cast %get3A_578 : vector<1x16xf32> to vector<16xf32>
      %mul3A_580 = arith.mulf %get3A_579, %bitcast_convert_type3A_566 : vector<16xf32>
      %swap3A_581 = arith.index_cast %scan3A_557 : i32 to index
      %swap3A_582 = arith.constant 64 : index
      %swap3A_583 = tpu.vector_load %arg15[%swap3A_581, %swap3A_582] {strides = array<i32>} : memref<80x128xf32, #tpu.memory_space<vmem>>, vector<1x16xf32>,
      %swap3A_584 = vector.shape_cast %swap3A_583 : vector<1x16xf32> to vector<16xf32>
      %swap3A_585 = vector.shape_cast %mul3A_580 : vector<16xf32> to vector<1x16xf32>
      tpu.vector_store %arg15[%swap3A_581, %swap3A_582], %swap3A_585 {strides = array<i32>} : memref<80x128xf32, #tpu.memory_space<vmem>>, vector<1x16xf32>,
      %get3A_586 = arith.index_cast %scan3A_557 : i32 to index
      %get3A_587 = arith.constant 16 : index
      %get3A_588 = tpu.vector_load %arg17[%get3A_586, %get3A_587] {strides = array<i32>} : memref<80x64xi32, #tpu.memory_space<vmem>>, vector<1x16xi32>,
      %get3A_589 = vector.shape_cast %get3A_588 : vector<1x16xi32> to vector<16xi32>
      %shift_left3A_590 = arith.constant 16 : i32
      %shift_left3A_591 = vector.broadcast %shift_left3A_590 : i32 to vector<16xi32>
      %shift_left3A_592 = arith.shli %get3A_589, %shift_left3A_591 : vector<16xi32>
      %bitcast_convert_type3A_593 = tpu.bitcast %shift_left3A_592 : vector<16xi32> -> vector<16xf32>
      %and3A_594 = arith.constant -65536 : i32
      %and3A_595 = vector.broadcast %and3A_594 : i32 to vector<16xi32>
      %and3A_596 = arith.andi %get3A_589, %and3A_595 : vector<16xi32>
      %bitcast_convert_type3A_597 = tpu.bitcast %and3A_596 : vector<16xi32> -> vector<16xf32>
      %get3A_598 = arith.index_cast %scan3A_557 : i32 to index
      %get3A_599 = arith.constant 16 : index
      %get3A_600 = tpu.vector_load %arg15[%get3A_598, %get3A_599] {strides = array<i32>} : memref<80x128xf32, #tpu.memory_space<vmem>>, vector<1x16xf32>,
      %get3A_601 = vector.shape_cast %get3A_600 : vector<1x16xf32> to vector<16xf32>
      %mul3A_602 = arith.mulf %get3A_601, %bitcast_convert_type3A_593 : vector<16xf32>
      %swap3A_603 = arith.index_cast %scan3A_557 : i32 to index
      %swap3A_604 = arith.constant 16 : index
      %swap3A_605 = tpu.vector_load %arg15[%swap3A_603, %swap3A_604] {strides = array<i32>} : memref<80x128xf32, #tpu.memory_space<vmem>>, vector<1x16xf32>,
      %swap3A_606 = vector.shape_cast %swap3A_605 : vector<1x16xf32> to vector<16xf32>
      %swap3A_607 = vector.shape_cast %mul3A_602 : vector<16xf32> to vector<1x16xf32>
      tpu.vector_store %arg15[%swap3A_603, %swap3A_604], %swap3A_607 {strides = array<i32>} : memref<80x128xf32, #tpu.memory_space<vmem>>, vector<1x16xf32>,
      %get3A_608 = arith.index_cast %scan3A_557 : i32 to index
      %get3A_609 = arith.constant 80 : index
      %get3A_610 = tpu.vector_load %arg15[%get3A_608, %get3A_609] {strides = array<i32>} : memref<80x128xf32, #tpu.memory_space<vmem>>, vector<1x16xf32>,
      %get3A_611 = vector.shape_cast %get3A_610 : vector<1x16xf32> to vector<16xf32>
      %mul3A_612 = arith.mulf %get3A_611, %bitcast_convert_type3A_597 : vector<16xf32>
      %swap3A_613 = arith.index_cast %scan3A_557 : i32 to index
      %swap3A_614 = arith.constant 80 : index
      %swap3A_615 = tpu.vector_load %arg15[%swap3A_613, %swap3A_614] {strides = array<i32>} : memref<80x128xf32, #tpu.memory_space<vmem>>, vector<1x16xf32>,
      %swap3A_616 = vector.shape_cast %swap3A_615 : vector<1x16xf32> to vector<16xf32>
      %swap3A_617 = vector.shape_cast %mul3A_612 : vector<16xf32> to vector<1x16xf32>
      tpu.vector_store %arg15[%swap3A_613, %swap3A_614], %swap3A_617 {strides = array<i32>} : memref<80x128xf32, #tpu.memory_space<vmem>>, vector<1x16xf32>,
      %get3A_618 = arith.index_cast %scan3A_557 : i32 to index
      %get3A_619 = arith.constant 32 : index
      %get3A_620 = tpu.vector_load %arg17[%get3A_618, %get3A_619] {strides = array<i32>} : memref<80x64xi32, #tpu.memory_space<vmem>>, vector<1x16xi32>,
      %get3A_621 = vector.shape_cast %get3A_620 : vector<1x16xi32> to vector<16xi32>
      %shift_left3A_622 = arith.constant 16 : i32
      %shift_left3A_623 = vector.broadcast %shift_left3A_622 : i32 to vector<16xi32>
      %shift_left3A_624 = arith.shli %get3A_621, %shift_left3A_623 : vector<16xi32>
      %bitcast_convert_type3A_625 = tpu.bitcast %shift_left3A_624 : vector<16xi32> -> vector<16xf32>
      %and3A_626 = arith.constant -65536 : i32
      %and3A_627 = vector.broadcast %and3A_626 : i32 to vector<16xi32>
      %and3A_628 = arith.andi %get3A_621, %and3A_627 : vector<16xi32>
      %bitcast_convert_type3A_629 = tpu.bitcast %and3A_628 : vector<16xi32> -> vector<16xf32>
      %get3A_630 = arith.index_cast %scan3A_557 : i32 to index
      %get3A_631 = arith.constant 32 : index
      %get3A_632 = tpu.vector_load %arg15[%get3A_630, %get3A_631] {strides = array<i32>} : memref<80x128xf32, #tpu.memory_space<vmem>>, vector<1x16xf32>,
      %get3A_633 = vector.shape_cast %get3A_632 : vector<1x16xf32> to vector<16xf32>
      %mul3A_634 = arith.mulf %get3A_633, %bitcast_convert_type3A_625 : vector<16xf32>
      %swap3A_635 = arith.index_cast %scan3A_557 : i32 to index
      %swap3A_636 = arith.constant 32 : index
      %swap3A_637 = tpu.vector_load %arg15[%swap3A_635, %swap3A_636] {strides = array<i32>} : memref<80x128xf32, #tpu.memory_space<vmem>>, vector<1x16xf32>,
      %swap3A_638 = vector.shape_cast %swap3A_637 : vector<1x16xf32> to vector<16xf32>
      %swap3A_639 = vector.shape_cast %mul3A_634 : vector<16xf32> to vector<1x16xf32>
      tpu.vector_store %arg15[%swap3A_635, %swap3A_636], %swap3A_639 {strides = array<i32>} : memref<80x128xf32, #tpu.memory_space<vmem>>, vector<1x16xf32>,
      %get3A_640 = arith.index_cast %scan3A_557 : i32 to index
      %get3A_641 = arith.constant 96 : index
      %get3A_642 = tpu.vector_load %arg15[%get3A_640, %get3A_641] {strides = array<i32>} : memref<80x128xf32, #tpu.memory_space<vmem>>, vector<1x16xf32>,
      %get3A_643 = vector.shape_cast %get3A_642 : vector<1x16xf32> to vector<16xf32>
      %mul3A_644 = arith.mulf %get3A_643, %bitcast_convert_type3A_629 : vector<16xf32>
      %swap3A_645 = arith.index_cast %scan3A_557 : i32 to index
      %swap3A_646 = arith.constant 96 : index
      %swap3A_647 = tpu.vector_load %arg15[%swap3A_645, %swap3A_646] {strides = array<i32>} : memref<80x128xf32, #tpu.memory_space<vmem>>, vector<1x16xf32>,
      %swap3A_648 = vector.shape_cast %swap3A_647 : vector<1x16xf32> to vector<16xf32>
      %swap3A_649 = vector.shape_cast %mul3A_644 : vector<16xf32> to vector<1x16xf32>
      tpu.vector_store %arg15[%swap3A_645, %swap3A_646], %swap3A_649 {strides = array<i32>} : memref<80x128xf32, #tpu.memory_space<vmem>>, vector<1x16xf32>,
      %get3A_650 = arith.index_cast %scan3A_557 : i32 to index
      %get3A_651 = arith.constant 48 : index
      %get3A_652 = tpu.vector_load %arg17[%get3A_650, %get3A_651] {strides = array<i32>} : memref<80x64xi32, #tpu.memory_space<vmem>>, vector<1x16xi32>,
      %get3A_653 = vector.shape_cast %get3A_652 : vector<1x16xi32> to vector<16xi32>
      %shift_left3A_654 = arith.constant 16 : i32
      %shift_left3A_655 = vector.broadcast %shift_left3A_654 : i32 to vector<16xi32>
      %shift_left3A_656 = arith.shli %get3A_653, %shift_left3A_655 : vector<16xi32>
      %bitcast_convert_type3A_657 = tpu.bitcast %shift_left3A_656 : vector<16xi32> -> vector<16xf32>
      %and3A_658 = arith.constant -65536 : i32
      %and3A_659 = vector.broadcast %and3A_658 : i32 to vector<16xi32>
      %and3A_660 = arith.andi %get3A_653, %and3A_659 : vector<16xi32>
      %bitcast_convert_type3A_661 = tpu.bitcast %and3A_660 : vector<16xi32> -> vector<16xf32>
      %get3A_662 = arith.index_cast %scan3A_557 : i32 to index
      %get3A_663 = arith.constant 48 : index
      %get3A_664 = tpu.vector_load %arg15[%get3A_662, %get3A_663] {strides = array<i32>} : memref<80x128xf32, #tpu.memory_space<vmem>>, vector<1x16xf32>,
      %get3A_665 = vector.shape_cast %get3A_664 : vector<1x16xf32> to vector<16xf32>
      %mul3A_666 = arith.mulf %get3A_665, %bitcast_convert_type3A_657 : vector<16xf32>
      %swap3A_667 = arith.index_cast %scan3A_557 : i32 to index
      %swap3A_668 = arith.constant 48 : index
      %swap3A_669 = tpu.vector_load %arg15[%swap3A_667, %swap3A_668] {strides = array<i32>} : memref<80x128xf32, #tpu.memory_space<vmem>>, vector<1x16xf32>,
      %swap3A_670 = vector.shape_cast %swap3A_669 : vector<1x16xf32> to vector<16xf32>
      %swap3A_671 = vector.shape_cast %mul3A_666 : vector<16xf32> to vector<1x16xf32>
      tpu.vector_store %arg15[%swap3A_667, %swap3A_668], %swap3A_671 {strides = array<i32>} : memref<80x128xf32, #tpu.memory_space<vmem>>, vector<1x16xf32>,
      %get3A_672 = arith.index_cast %scan3A_557 : i32 to index
      %get3A_673 = arith.constant 112 : index
      %get3A_674 = tpu.vector_load %arg15[%get3A_672, %get3A_673] {strides = array<i32>} : memref<80x128xf32, #tpu.memory_space<vmem>>, vector<1x16xf32>,
      %get3A_675 = vector.shape_cast %get3A_674 : vector<1x16xf32> to vector<16xf32>
      %mul3A_676 = arith.mulf %get3A_675, %bitcast_convert_type3A_661 : vector<16xf32>
      %swap3A_677 = arith.index_cast %scan3A_557 : i32 to index
      %swap3A_678 = arith.constant 112 : index
      %swap3A_679 = tpu.vector_load %arg15[%swap3A_677, %swap3A_678] {strides = array<i32>} : memref<80x128xf32, #tpu.memory_space<vmem>>, vector<1x16xf32>,
      %swap3A_680 = vector.shape_cast %swap3A_679 : vector<1x16xf32> to vector<16xf32>
      %swap3A_681 = vector.shape_cast %mul3A_676 : vector<16xf32> to vector<1x16xf32>
      tpu.vector_store %arg15[%swap3A_677, %swap3A_678], %swap3A_681 {strides = array<i32>} : memref<80x128xf32, #tpu.memory_space<vmem>>, vector<1x16xf32>,
      %scan3A_682 = arith.constant 0 : i32
      scf.yield %scan3A_682 : i32
    }
    %scan3A_436 = arith.constant 80 : i32
    %dma_start3A_437 = arith.constant 0 : i32
    %dma_start3A_438 = arith.constant 0 : i32
    %dma_start3A_439 = tpu.memref_slice %arg7[%dma_start3A_437, %dma_start3A_438] : memref<10000x128xf32, #tpu.memory_space<vmem_shared>> -> memref<10000x128xf32, #tpu.memory_space<vmem_shared>>
    tpu.enqueue_indirect_dma source(%arg15 : memref<80x128xf32, #tpu.memory_space<vmem>>) target(%dma_start3A_439 : memref<10000x128xf32, #tpu.memory_space<vmem_shared>>) offsets(%arg12 : memref<80xi32, #tpu.memory_space<vmem>>) semaphore(%arg29 : memref<!tpu.dma_semaphore, #tpu.memory_space<semaphore_mem>>) {add = true}
    %add3A_440 = arith.constant 9920 : i32
    %add3A_441 = arith.addi %mul3A_28, %add3A_440 : i32
    %dma_start3A_442 = tpu.memref_slice %arg4[%add3A_441] : memref<320000xi32, #tpu.memory_space<hbm>> -> memref<80xi32, #tpu.memory_space<hbm>>
    %dma_start3A_443 = tpu.memref_slice %arg4[%add3A_441] : memref<320000xi32, #tpu.memory_space<hbm>> -> memref<80xi32, #tpu.memory_space<hbm>>
    tpu.enqueue_dma source(%dma_start3A_443 : memref<80xi32, #tpu.memory_space<hbm>>) target(%arg9 : memref<80xi32, #tpu.memory_space<vmem>>) target_semaphore(%arg23 : memref<!tpu.dma_semaphore, #tpu.memory_space<semaphore_mem>>)
    %add3A_444 = arith.constant 9920 : i32
    %add3A_445 = arith.addi %mul3A_28, %add3A_444 : i32
    %dma_start3A_446 = tpu.memref_slice %arg5[%add3A_445] : memref<320000xi32, #tpu.memory_space<hbm>> -> memref<80xi32, #tpu.memory_space<hbm>>
    %dma_start3A_447 = tpu.memref_slice %arg5[%add3A_445] : memref<320000xi32, #tpu.memory_space<hbm>> -> memref<80xi32, #tpu.memory_space<hbm>>
    tpu.enqueue_dma source(%dma_start3A_447 : memref<80xi32, #tpu.memory_space<hbm>>) target(%arg12 : memref<80xi32, #tpu.memory_space<vmem>>) target_semaphore(%arg26 : memref<!tpu.dma_semaphore, #tpu.memory_space<semaphore_mem>>)
    %add3A_448 = arith.constant 9760 : i32
    %add3A_449 = arith.addi %mul3A_28, %add3A_448 : i32
    %dma_wait3A_450 = arith.constant 0 : i32
    %dma_wait3A_451 = tpu.memref_slice %arg3[%add3A_449, %dma_wait3A_450] : memref<320000x64xi32, #tpu.memory_space<hbm>> -> memref<80x64xi32, #tpu.memory_space<hbm>>
    %dma_wait3A_452 = arith.constant 0 : i32
    %dma_wait3A_453 = tpu.memref_slice %arg3[%add3A_449, %dma_wait3A_452] : memref<320000x64xi32, #tpu.memory_space<hbm>> -> memref<80x64xi32, #tpu.memory_space<hbm>>
    tpu.wait_dma2 semaphore(%arg20 : memref<!tpu.dma_semaphore, #tpu.memory_space<semaphore_mem>>) src(%dma_wait3A_453 : memref<80x64xi32, #tpu.memory_space<hbm>>) dst(%arg16 : memref<80x64xi32, #tpu.memory_space<vmem>>)
    %dma_wait3A_454 = arith.constant 0 : i32
    %dma_wait3A_455 = arith.constant 0 : i32
    %dma_wait3A_456 = tpu.memref_slice %arg2[%dma_wait3A_454, %dma_wait3A_455] : memref<10000x128xf32, #tpu.memory_space<hbm>> -> memref<10000x128xf32, #tpu.memory_space<hbm>>
    tpu.wait_indirect_dma semaphore(%arg18 : memref<!tpu.dma_semaphore, #tpu.memory_space<semaphore_mem>>) src(%dma_wait3A_456 : memref<10000x128xf32, #tpu.memory_space<hbm>>) dst(%arg14 : memref<80x128xf32, #tpu.memory_space<vmem>>)
    %dma_wait3A_457 = arith.constant 0 : i32
    %dma_wait3A_458 = arith.constant 0 : i32
    %dma_wait3A_459 = tpu.memref_slice %arg7[%dma_wait3A_457, %dma_wait3A_458] : memref<10000x128xf32, #tpu.memory_space<vmem_shared>> -> memref<10000x128xf32, #tpu.memory_space<vmem_shared>>
    tpu.wait_indirect_dma semaphore(%arg29 : memref<!tpu.dma_semaphore, #tpu.memory_space<semaphore_mem>>) src(%arg15 : memref<80x128xf32, #tpu.memory_space<vmem>>) dst(%dma_wait3A_459 : memref<10000x128xf32, #tpu.memory_space<vmem_shared>>)
    %add3A_460 = arith.constant 9840 : i32
    %add3A_461 = arith.addi %mul3A_28, %add3A_460 : i32
    %dma_wait3A_462 = tpu.memref_slice %arg4[%add3A_461] : memref<320000xi32, #tpu.memory_space<hbm>> -> memref<80xi32, #tpu.memory_space<hbm>>
    %dma_wait3A_463 = tpu.memref_slice %arg4[%add3A_461] : memref<320000xi32, #tpu.memory_space<hbm>> -> memref<80xi32, #tpu.memory_space<hbm>>
    tpu.wait_dma2 semaphore(%arg22 : memref<!tpu.dma_semaphore, #tpu.memory_space<semaphore_mem>>) src(%dma_wait3A_463 : memref<80xi32, #tpu.memory_space<hbm>>) dst(%arg8 : memref<80xi32, #tpu.memory_space<vmem>>)
    %add3A_464 = arith.constant 9840 : i32
    %add3A_465 = arith.addi %mul3A_28, %add3A_464 : i32
    %dma_wait3A_466 = tpu.memref_slice %arg5[%add3A_465] : memref<320000xi32, #tpu.memory_space<hbm>> -> memref<80xi32, #tpu.memory_space<hbm>>
    %dma_wait3A_467 = tpu.memref_slice %arg5[%add3A_465] : memref<320000xi32, #tpu.memory_space<hbm>> -> memref<80xi32, #tpu.memory_space<hbm>>
    tpu.wait_dma2 semaphore(%arg25 : memref<!tpu.dma_semaphore, #tpu.memory_space<semaphore_mem>>) src(%dma_wait3A_467 : memref<80xi32, #tpu.memory_space<hbm>>) dst(%arg11 : memref<80xi32, #tpu.memory_space<vmem>>)
    %add3A_468 = arith.constant 9840 : i32
    %add3A_469 = arith.addi %mul3A_28, %add3A_468 : i32
    %dma_start3A_470 = arith.constant 0 : i32
    %dma_start3A_471 = tpu.memref_slice %arg3[%add3A_469, %dma_start3A_470] : memref<320000x64xi32, #tpu.memory_space<hbm>> -> memref<80x64xi32, #tpu.memory_space<hbm>>
    %dma_start3A_472 = arith.constant 0 : i32
    %dma_start3A_473 = tpu.memref_slice %arg3[%add3A_469, %dma_start3A_472] : memref<320000x64xi32, #tpu.memory_space<hbm>> -> memref<80x64xi32, #tpu.memory_space<hbm>>
    tpu.enqueue_dma source(%dma_start3A_473 : memref<80x64xi32, #tpu.memory_space<hbm>>) target(%arg17 : memref<80x64xi32, #tpu.memory_space<vmem>>) target_semaphore(%arg21 : memref<!tpu.dma_semaphore, #tpu.memory_space<semaphore_mem>>)
    %dma_start3A_474 = arith.constant 0 : i32
    %dma_start3A_475 = arith.constant 0 : i32
    %dma_start3A_476 = tpu.memref_slice %arg2[%dma_start3A_474, %dma_start3A_475] : memref<10000x128xf32, #tpu.memory_space<hbm>> -> memref<10000x128xf32, #tpu.memory_space<hbm>>
    tpu.enqueue_indirect_dma source(%dma_start3A_476 : memref<10000x128xf32, #tpu.memory_space<hbm>>) target(%arg15 : memref<80x128xf32, #tpu.memory_space<vmem>>) offsets(%arg8 : memref<80xi32, #tpu.memory_space<vmem>>) semaphore(%arg19 : memref<!tpu.dma_semaphore, #tpu.memory_space<semaphore_mem>>)
    %scan3A_477 = arith.constant 0 : i32
    %scan3A_478 = arith.constant 0 : i32
    %scan3A_479 = arith.constant 80 : i32
    %scan3A_480 = arith.addi %scan3A_478, %scan3A_479 : i32
    %scan3A_481 = arith.constant 1 : i32
    %scan3A_482 = scf.for %scan3A_557 = %scan3A_478 to %scan3A_480 step %scan3A_481 iter_args(%scan3A_558 = %scan3A_477) -> (i32)  : i32 {
      %get3A = arith.index_cast %scan3A_557 : i32 to index
      %get3A_559 = arith.constant 0 : index
      %get3A_560 = tpu.vector_load %arg16[%get3A, %get3A_559] {strides = array<i32>} : memref<80x64xi32, #tpu.memory_space<vmem>>, vector<1x16xi32>,
      %get3A_561 = vector.shape_cast %get3A_560 : vector<1x16xi32> to vector<16xi32>
      %shift_left3A = arith.constant 16 : i32
      %shift_left3A_562 = vector.broadcast %shift_left3A : i32 to vector<16xi32>
      %shift_left3A_563 = arith.shli %get3A_561, %shift_left3A_562 : vector<16xi32>
      %bitcast_convert_type3A = tpu.bitcast %shift_left3A_563 : vector<16xi32> -> vector<16xf32>
      %and3A = arith.constant -65536 : i32
      %and3A_564 = vector.broadcast %and3A : i32 to vector<16xi32>
      %and3A_565 = arith.andi %get3A_561, %and3A_564 : vector<16xi32>
      %bitcast_convert_type3A_566 = tpu.bitcast %and3A_565 : vector<16xi32> -> vector<16xf32>
      %get3A_567 = arith.index_cast %scan3A_557 : i32 to index
      %get3A_568 = arith.constant 0 : index
      %get3A_569 = tpu.vector_load %arg14[%get3A_567, %get3A_568] {strides = array<i32>} : memref<80x128xf32, #tpu.memory_space<vmem>>, vector<1x16xf32>,
      %get3A_570 = vector.shape_cast %get3A_569 : vector<1x16xf32> to vector<16xf32>
      %mul3A_571 = arith.mulf %get3A_570, %bitcast_convert_type3A : vector<16xf32>
      %swap3A = arith.index_cast %scan3A_557 : i32 to index
      %swap3A_572 = arith.constant 0 : index
      %swap3A_573 = tpu.vector_load %arg14[%swap3A, %swap3A_572] {strides = array<i32>} : memref<80x128xf32, #tpu.memory_space<vmem>>, vector<1x16xf32>,
      %swap3A_574 = vector.shape_cast %swap3A_573 : vector<1x16xf32> to vector<16xf32>
      %swap3A_575 = vector.shape_cast %mul3A_571 : vector<16xf32> to vector<1x16xf32>
      tpu.vector_store %arg14[%swap3A, %swap3A_572], %swap3A_575 {strides = array<i32>} : memref<80x128xf32, #tpu.memory_space<vmem>>, vector<1x16xf32>,
      %get3A_576 = arith.index_cast %scan3A_557 : i32 to index
      %get3A_577 = arith.constant 64 : index
      %get3A_578 = tpu.vector_load %arg14[%get3A_576, %get3A_577] {strides = array<i32>} : memref<80x128xf32, #tpu.memory_space<vmem>>, vector<1x16xf32>,
      %get3A_579 = vector.shape_cast %get3A_578 : vector<1x16xf32> to vector<16xf32>
      %mul3A_580 = arith.mulf %get3A_579, %bitcast_convert_type3A_566 : vector<16xf32>
      %swap3A_581 = arith.index_cast %scan3A_557 : i32 to index
      %swap3A_582 = arith.constant 64 : index
      %swap3A_583 = tpu.vector_load %arg14[%swap3A_581, %swap3A_582] {strides = array<i32>} : memref<80x128xf32, #tpu.memory_space<vmem>>, vector<1x16xf32>,
      %swap3A_584 = vector.shape_cast %swap3A_583 : vector<1x16xf32> to vector<16xf32>
      %swap3A_585 = vector.shape_cast %mul3A_580 : vector<16xf32> to vector<1x16xf32>
      tpu.vector_store %arg14[%swap3A_581, %swap3A_582], %swap3A_585 {strides = array<i32>} : memref<80x128xf32, #tpu.memory_space<vmem>>, vector<1x16xf32>,
      %get3A_586 = arith.index_cast %scan3A_557 : i32 to index
      %get3A_587 = arith.constant 16 : index
      %get3A_588 = tpu.vector_load %arg16[%get3A_586, %get3A_587] {strides = array<i32>} : memref<80x64xi32, #tpu.memory_space<vmem>>, vector<1x16xi32>,
      %get3A_589 = vector.shape_cast %get3A_588 : vector<1x16xi32> to vector<16xi32>
      %shift_left3A_590 = arith.constant 16 : i32
      %shift_left3A_591 = vector.broadcast %shift_left3A_590 : i32 to vector<16xi32>
      %shift_left3A_592 = arith.shli %get3A_589, %shift_left3A_591 : vector<16xi32>
      %bitcast_convert_type3A_593 = tpu.bitcast %shift_left3A_592 : vector<16xi32> -> vector<16xf32>
      %and3A_594 = arith.constant -65536 : i32
      %and3A_595 = vector.broadcast %and3A_594 : i32 to vector<16xi32>
      %and3A_596 = arith.andi %get3A_589, %and3A_595 : vector<16xi32>
      %bitcast_convert_type3A_597 = tpu.bitcast %and3A_596 : vector<16xi32> -> vector<16xf32>
      %get3A_598 = arith.index_cast %scan3A_557 : i32 to index
      %get3A_599 = arith.constant 16 : index
      %get3A_600 = tpu.vector_load %arg14[%get3A_598, %get3A_599] {strides = array<i32>} : memref<80x128xf32, #tpu.memory_space<vmem>>, vector<1x16xf32>,
      %get3A_601 = vector.shape_cast %get3A_600 : vector<1x16xf32> to vector<16xf32>
      %mul3A_602 = arith.mulf %get3A_601, %bitcast_convert_type3A_593 : vector<16xf32>
      %swap3A_603 = arith.index_cast %scan3A_557 : i32 to index
      %swap3A_604 = arith.constant 16 : index
      %swap3A_605 = tpu.vector_load %arg14[%swap3A_603, %swap3A_604] {strides = array<i32>} : memref<80x128xf32, #tpu.memory_space<vmem>>, vector<1x16xf32>,
      %swap3A_606 = vector.shape_cast %swap3A_605 : vector<1x16xf32> to vector<16xf32>
      %swap3A_607 = vector.shape_cast %mul3A_602 : vector<16xf32> to vector<1x16xf32>
      tpu.vector_store %arg14[%swap3A_603, %swap3A_604], %swap3A_607 {strides = array<i32>} : memref<80x128xf32, #tpu.memory_space<vmem>>, vector<1x16xf32>,
      %get3A_608 = arith.index_cast %scan3A_557 : i32 to index
      %get3A_609 = arith.constant 80 : index
      %get3A_610 = tpu.vector_load %arg14[%get3A_608, %get3A_609] {strides = array<i32>} : memref<80x128xf32, #tpu.memory_space<vmem>>, vector<1x16xf32>,
      %get3A_611 = vector.shape_cast %get3A_610 : vector<1x16xf32> to vector<16xf32>
      %mul3A_612 = arith.mulf %get3A_611, %bitcast_convert_type3A_597 : vector<16xf32>
      %swap3A_613 = arith.index_cast %scan3A_557 : i32 to index
      %swap3A_614 = arith.constant 80 : index
      %swap3A_615 = tpu.vector_load %arg14[%swap3A_613, %swap3A_614] {strides = array<i32>} : memref<80x128xf32, #tpu.memory_space<vmem>>, vector<1x16xf32>,
      %swap3A_616 = vector.shape_cast %swap3A_615 : vector<1x16xf32> to vector<16xf32>
      %swap3A_617 = vector.shape_cast %mul3A_612 : vector<16xf32> to vector<1x16xf32>
      tpu.vector_store %arg14[%swap3A_613, %swap3A_614], %swap3A_617 {strides = array<i32>} : memref<80x128xf32, #tpu.memory_space<vmem>>, vector<1x16xf32>,
      %get3A_618 = arith.index_cast %scan3A_557 : i32 to index
      %get3A_619 = arith.constant 32 : index
      %get3A_620 = tpu.vector_load %arg16[%get3A_618, %get3A_619] {strides = array<i32>} : memref<80x64xi32, #tpu.memory_space<vmem>>, vector<1x16xi32>,
      %get3A_621 = vector.shape_cast %get3A_620 : vector<1x16xi32> to vector<16xi32>
      %shift_left3A_622 = arith.constant 16 : i32
      %shift_left3A_623 = vector.broadcast %shift_left3A_622 : i32 to vector<16xi32>
      %shift_left3A_624 = arith.shli %get3A_621, %shift_left3A_623 : vector<16xi32>
      %bitcast_convert_type3A_625 = tpu.bitcast %shift_left3A_624 : vector<16xi32> -> vector<16xf32>
      %and3A_626 = arith.constant -65536 : i32
      %and3A_627 = vector.broadcast %and3A_626 : i32 to vector<16xi32>
      %and3A_628 = arith.andi %get3A_621, %and3A_627 : vector<16xi32>
      %bitcast_convert_type3A_629 = tpu.bitcast %and3A_628 : vector<16xi32> -> vector<16xf32>
      %get3A_630 = arith.index_cast %scan3A_557 : i32 to index
      %get3A_631 = arith.constant 32 : index
      %get3A_632 = tpu.vector_load %arg14[%get3A_630, %get3A_631] {strides = array<i32>} : memref<80x128xf32, #tpu.memory_space<vmem>>, vector<1x16xf32>,
      %get3A_633 = vector.shape_cast %get3A_632 : vector<1x16xf32> to vector<16xf32>
      %mul3A_634 = arith.mulf %get3A_633, %bitcast_convert_type3A_625 : vector<16xf32>
      %swap3A_635 = arith.index_cast %scan3A_557 : i32 to index
      %swap3A_636 = arith.constant 32 : index
      %swap3A_637 = tpu.vector_load %arg14[%swap3A_635, %swap3A_636] {strides = array<i32>} : memref<80x128xf32, #tpu.memory_space<vmem>>, vector<1x16xf32>,
      %swap3A_638 = vector.shape_cast %swap3A_637 : vector<1x16xf32> to vector<16xf32>
      %swap3A_639 = vector.shape_cast %mul3A_634 : vector<16xf32> to vector<1x16xf32>
      tpu.vector_store %arg14[%swap3A_635, %swap3A_636], %swap3A_639 {strides = array<i32>} : memref<80x128xf32, #tpu.memory_space<vmem>>, vector<1x16xf32>,
      %get3A_640 = arith.index_cast %scan3A_557 : i32 to index
      %get3A_641 = arith.constant 96 : index
      %get3A_642 = tpu.vector_load %arg14[%get3A_640, %get3A_641] {strides = array<i32>} : memref<80x128xf32, #tpu.memory_space<vmem>>, vector<1x16xf32>,
      %get3A_643 = vector.shape_cast %get3A_642 : vector<1x16xf32> to vector<16xf32>
      %mul3A_644 = arith.mulf %get3A_643, %bitcast_convert_type3A_629 : vector<16xf32>
      %swap3A_645 = arith.index_cast %scan3A_557 : i32 to index
      %swap3A_646 = arith.constant 96 : index
      %swap3A_647 = tpu.vector_load %arg14[%swap3A_645, %swap3A_646] {strides = array<i32>} : memref<80x128xf32, #tpu.memory_space<vmem>>, vector<1x16xf32>,
      %swap3A_648 = vector.shape_cast %swap3A_647 : vector<1x16xf32> to vector<16xf32>
      %swap3A_649 = vector.shape_cast %mul3A_644 : vector<16xf32> to vector<1x16xf32>
      tpu.vector_store %arg14[%swap3A_645, %swap3A_646], %swap3A_649 {strides = array<i32>} : memref<80x128xf32, #tpu.memory_space<vmem>>, vector<1x16xf32>,
      %get3A_650 = arith.index_cast %scan3A_557 : i32 to index
      %get3A_651 = arith.constant 48 : index
      %get3A_652 = tpu.vector_load %arg16[%get3A_650, %get3A_651] {strides = array<i32>} : memref<80x64xi32, #tpu.memory_space<vmem>>, vector<1x16xi32>,
      %get3A_653 = vector.shape_cast %get3A_652 : vector<1x16xi32> to vector<16xi32>
      %shift_left3A_654 = arith.constant 16 : i32
      %shift_left3A_655 = vector.broadcast %shift_left3A_654 : i32 to vector<16xi32>
      %shift_left3A_656 = arith.shli %get3A_653, %shift_left3A_655 : vector<16xi32>
      %bitcast_convert_type3A_657 = tpu.bitcast %shift_left3A_656 : vector<16xi32> -> vector<16xf32>
      %and3A_658 = arith.constant -65536 : i32
      %and3A_659 = vector.broadcast %and3A_658 : i32 to vector<16xi32>
      %and3A_660 = arith.andi %get3A_653, %and3A_659 : vector<16xi32>
      %bitcast_convert_type3A_661 = tpu.bitcast %and3A_660 : vector<16xi32> -> vector<16xf32>
      %get3A_662 = arith.index_cast %scan3A_557 : i32 to index
      %get3A_663 = arith.constant 48 : index
      %get3A_664 = tpu.vector_load %arg14[%get3A_662, %get3A_663] {strides = array<i32>} : memref<80x128xf32, #tpu.memory_space<vmem>>, vector<1x16xf32>,
      %get3A_665 = vector.shape_cast %get3A_664 : vector<1x16xf32> to vector<16xf32>
      %mul3A_666 = arith.mulf %get3A_665, %bitcast_convert_type3A_657 : vector<16xf32>
      %swap3A_667 = arith.index_cast %scan3A_557 : i32 to index
      %swap3A_668 = arith.constant 48 : index
      %swap3A_669 = tpu.vector_load %arg14[%swap3A_667, %swap3A_668] {strides = array<i32>} : memref<80x128xf32, #tpu.memory_space<vmem>>, vector<1x16xf32>,
      %swap3A_670 = vector.shape_cast %swap3A_669 : vector<1x16xf32> to vector<16xf32>
      %swap3A_671 = vector.shape_cast %mul3A_666 : vector<16xf32> to vector<1x16xf32>
      tpu.vector_store %arg14[%swap3A_667, %swap3A_668], %swap3A_671 {strides = array<i32>} : memref<80x128xf32, #tpu.memory_space<vmem>>, vector<1x16xf32>,
      %get3A_672 = arith.index_cast %scan3A_557 : i32 to index
      %get3A_673 = arith.constant 112 : index
      %get3A_674 = tpu.vector_load %arg14[%get3A_672, %get3A_673] {strides = array<i32>} : memref<80x128xf32, #tpu.memory_space<vmem>>, vector<1x16xf32>,
      %get3A_675 = vector.shape_cast %get3A_674 : vector<1x16xf32> to vector<16xf32>
      %mul3A_676 = arith.mulf %get3A_675, %bitcast_convert_type3A_661 : vector<16xf32>
      %swap3A_677 = arith.index_cast %scan3A_557 : i32 to index
      %swap3A_678 = arith.constant 112 : index
      %swap3A_679 = tpu.vector_load %arg14[%swap3A_677, %swap3A_678] {strides = array<i32>} : memref<80x128xf32, #tpu.memory_space<vmem>>, vector<1x16xf32>,
      %swap3A_680 = vector.shape_cast %swap3A_679 : vector<1x16xf32> to vector<16xf32>
      %swap3A_681 = vector.shape_cast %mul3A_676 : vector<16xf32> to vector<1x16xf32>
      tpu.vector_store %arg14[%swap3A_677, %swap3A_678], %swap3A_681 {strides = array<i32>} : memref<80x128xf32, #tpu.memory_space<vmem>>, vector<1x16xf32>,
      %scan3A_682 = arith.constant 0 : i32
      scf.yield %scan3A_682 : i32
    }
    %scan3A_483 = arith.constant 80 : i32
    %dma_start3A_484 = arith.constant 0 : i32
    %dma_start3A_485 = arith.constant 0 : i32
    %dma_start3A_486 = tpu.memref_slice %arg7[%dma_start3A_484, %dma_start3A_485] : memref<10000x128xf32, #tpu.memory_space<vmem_shared>> -> memref<10000x128xf32, #tpu.memory_space<vmem_shared>>
    tpu.enqueue_indirect_dma source(%arg14 : memref<80x128xf32, #tpu.memory_space<vmem>>) target(%dma_start3A_486 : memref<10000x128xf32, #tpu.memory_space<vmem_shared>>) offsets(%arg13 : memref<80xi32, #tpu.memory_space<vmem>>) semaphore(%arg28 : memref<!tpu.dma_semaphore, #tpu.memory_space<semaphore_mem>>) {add = true}
    %add3A_487 = arith.constant 9840 : i32
    %add3A_488 = arith.addi %mul3A_28, %add3A_487 : i32
    %dma_wait3A_489 = arith.constant 0 : i32
    %dma_wait3A_490 = tpu.memref_slice %arg3[%add3A_488, %dma_wait3A_489] : memref<320000x64xi32, #tpu.memory_space<hbm>> -> memref<80x64xi32, #tpu.memory_space<hbm>>
    %dma_wait3A_491 = arith.constant 0 : i32
    %dma_wait3A_492 = tpu.memref_slice %arg3[%add3A_488, %dma_wait3A_491] : memref<320000x64xi32, #tpu.memory_space<hbm>> -> memref<80x64xi32, #tpu.memory_space<hbm>>
    tpu.wait_dma2 semaphore(%arg21 : memref<!tpu.dma_semaphore, #tpu.memory_space<semaphore_mem>>) src(%dma_wait3A_492 : memref<80x64xi32, #tpu.memory_space<hbm>>) dst(%arg17 : memref<80x64xi32, #tpu.memory_space<vmem>>)
    %dma_wait3A_493 = arith.constant 0 : i32
    %dma_wait3A_494 = arith.constant 0 : i32
    %dma_wait3A_495 = tpu.memref_slice %arg2[%dma_wait3A_493, %dma_wait3A_494] : memref<10000x128xf32, #tpu.memory_space<hbm>> -> memref<10000x128xf32, #tpu.memory_space<hbm>>
    tpu.wait_indirect_dma semaphore(%arg19 : memref<!tpu.dma_semaphore, #tpu.memory_space<semaphore_mem>>) src(%dma_wait3A_495 : memref<10000x128xf32, #tpu.memory_space<hbm>>) dst(%arg15 : memref<80x128xf32, #tpu.memory_space<vmem>>)
    %dma_wait3A_496 = arith.constant 0 : i32
    %dma_wait3A_497 = arith.constant 0 : i32
    %dma_wait3A_498 = tpu.memref_slice %arg7[%dma_wait3A_496, %dma_wait3A_497] : memref<10000x128xf32, #tpu.memory_space<vmem_shared>> -> memref<10000x128xf32, #tpu.memory_space<vmem_shared>>
    tpu.wait_indirect_dma semaphore(%arg28 : memref<!tpu.dma_semaphore, #tpu.memory_space<semaphore_mem>>) src(%arg14 : memref<80x128xf32, #tpu.memory_space<vmem>>) dst(%dma_wait3A_498 : memref<10000x128xf32, #tpu.memory_space<vmem_shared>>)
    %add3A_499 = arith.constant 9920 : i32
    %add3A_500 = arith.addi %mul3A_28, %add3A_499 : i32
    %dma_wait3A_501 = tpu.memref_slice %arg4[%add3A_500] : memref<320000xi32, #tpu.memory_space<hbm>> -> memref<80xi32, #tpu.memory_space<hbm>>
    %dma_wait3A_502 = tpu.memref_slice %arg4[%add3A_500] : memref<320000xi32, #tpu.memory_space<hbm>> -> memref<80xi32, #tpu.memory_space<hbm>>
    tpu.wait_dma2 semaphore(%arg23 : memref<!tpu.dma_semaphore, #tpu.memory_space<semaphore_mem>>) src(%dma_wait3A_502 : memref<80xi32, #tpu.memory_space<hbm>>) dst(%arg9 : memref<80xi32, #tpu.memory_space<vmem>>)
    %add3A_503 = arith.constant 9920 : i32
    %add3A_504 = arith.addi %mul3A_28, %add3A_503 : i32
    %dma_wait3A_505 = tpu.memref_slice %arg5[%add3A_504] : memref<320000xi32, #tpu.memory_space<hbm>> -> memref<80xi32, #tpu.memory_space<hbm>>
    %dma_wait3A_506 = tpu.memref_slice %arg5[%add3A_504] : memref<320000xi32, #tpu.memory_space<hbm>> -> memref<80xi32, #tpu.memory_space<hbm>>
    tpu.wait_dma2 semaphore(%arg26 : memref<!tpu.dma_semaphore, #tpu.memory_space<semaphore_mem>>) src(%dma_wait3A_506 : memref<80xi32, #tpu.memory_space<hbm>>) dst(%arg12 : memref<80xi32, #tpu.memory_space<vmem>>)
    %add3A_507 = arith.constant 9920 : i32
    %add3A_508 = arith.addi %mul3A_28, %add3A_507 : i32
    %dma_start3A_509 = arith.constant 0 : i32
    %dma_start3A_510 = tpu.memref_slice %arg3[%add3A_508, %dma_start3A_509] : memref<320000x64xi32, #tpu.memory_space<hbm>> -> memref<80x64xi32, #tpu.memory_space<hbm>>
    %dma_start3A_511 = arith.constant 0 : i32
    %dma_start3A_512 = tpu.memref_slice %arg3[%add3A_508, %dma_start3A_511] : memref<320000x64xi32, #tpu.memory_space<hbm>> -> memref<80x64xi32, #tpu.memory_space<hbm>>
    tpu.enqueue_dma source(%dma_start3A_512 : memref<80x64xi32, #tpu.memory_space<hbm>>) target(%arg16 : memref<80x64xi32, #tpu.memory_space<vmem>>) target_semaphore(%arg20 : memref<!tpu.dma_semaphore, #tpu.memory_space<semaphore_mem>>)
    %dma_start3A_513 = arith.constant 0 : i32
    %dma_start3A_514 = arith.constant 0 : i32
    %dma_start3A_515 = tpu.memref_slice %arg2[%dma_start3A_513, %dma_start3A_514] : memref<10000x128xf32, #tpu.memory_space<hbm>> -> memref<10000x128xf32, #tpu.memory_space<hbm>>
    tpu.enqueue_indirect_dma source(%dma_start3A_515 : memref<10000x128xf32, #tpu.memory_space<hbm>>) target(%arg14 : memref<80x128xf32, #tpu.memory_space<vmem>>) offsets(%arg9 : memref<80xi32, #tpu.memory_space<vmem>>) semaphore(%arg18 : memref<!tpu.dma_semaphore, #tpu.memory_space<semaphore_mem>>)
    %scan3A_516 = arith.constant 0 : i32
    %scan3A_517 = arith.constant 0 : i32
    %scan3A_518 = arith.constant 80 : i32
    %scan3A_519 = arith.addi %scan3A_517, %scan3A_518 : i32
    %scan3A_520 = arith.constant 1 : i32
    %scan3A_521 = scf.for %scan3A_557 = %scan3A_517 to %scan3A_519 step %scan3A_520 iter_args(%scan3A_558 = %scan3A_516) -> (i32)  : i32 {
      %get3A = arith.index_cast %scan3A_557 : i32 to index
      %get3A_559 = arith.constant 0 : index
      %get3A_560 = tpu.vector_load %arg17[%get3A, %get3A_559] {strides = array<i32>} : memref<80x64xi32, #tpu.memory_space<vmem>>, vector<1x16xi32>,
      %get3A_561 = vector.shape_cast %get3A_560 : vector<1x16xi32> to vector<16xi32>
      %shift_left3A = arith.constant 16 : i32
      %shift_left3A_562 = vector.broadcast %shift_left3A : i32 to vector<16xi32>
      %shift_left3A_563 = arith.shli %get3A_561, %shift_left3A_562 : vector<16xi32>
      %bitcast_convert_type3A = tpu.bitcast %shift_left3A_563 : vector<16xi32> -> vector<16xf32>
      %and3A = arith.constant -65536 : i32
      %and3A_564 = vector.broadcast %and3A : i32 to vector<16xi32>
      %and3A_565 = arith.andi %get3A_561, %and3A_564 : vector<16xi32>
      %bitcast_convert_type3A_566 = tpu.bitcast %and3A_565 : vector<16xi32> -> vector<16xf32>
      %get3A_567 = arith.index_cast %scan3A_557 : i32 to index
      %get3A_568 = arith.constant 0 : index
      %get3A_569 = tpu.vector_load %arg15[%get3A_567, %get3A_568] {strides = array<i32>} : memref<80x128xf32, #tpu.memory_space<vmem>>, vector<1x16xf32>,
      %get3A_570 = vector.shape_cast %get3A_569 : vector<1x16xf32> to vector<16xf32>
      %mul3A_571 = arith.mulf %get3A_570, %bitcast_convert_type3A : vector<16xf32>
      %swap3A = arith.index_cast %scan3A_557 : i32 to index
      %swap3A_572 = arith.constant 0 : index
      %swap3A_573 = tpu.vector_load %arg15[%swap3A, %swap3A_572] {strides = array<i32>} : memref<80x128xf32, #tpu.memory_space<vmem>>, vector<1x16xf32>,
      %swap3A_574 = vector.shape_cast %swap3A_573 : vector<1x16xf32> to vector<16xf32>
      %swap3A_575 = vector.shape_cast %mul3A_571 : vector<16xf32> to vector<1x16xf32>
      tpu.vector_store %arg15[%swap3A, %swap3A_572], %swap3A_575 {strides = array<i32>} : memref<80x128xf32, #tpu.memory_space<vmem>>, vector<1x16xf32>,
      %get3A_576 = arith.index_cast %scan3A_557 : i32 to index
      %get3A_577 = arith.constant 64 : index
      %get3A_578 = tpu.vector_load %arg15[%get3A_576, %get3A_577] {strides = array<i32>} : memref<80x128xf32, #tpu.memory_space<vmem>>, vector<1x16xf32>,
      %get3A_579 = vector.shape_cast %get3A_578 : vector<1x16xf32> to vector<16xf32>
      %mul3A_580 = arith.mulf %get3A_579, %bitcast_convert_type3A_566 : vector<16xf32>
      %swap3A_581 = arith.index_cast %scan3A_557 : i32 to index
      %swap3A_582 = arith.constant 64 : index
      %swap3A_583 = tpu.vector_load %arg15[%swap3A_581, %swap3A_582] {strides = array<i32>} : memref<80x128xf32, #tpu.memory_space<vmem>>, vector<1x16xf32>,
      %swap3A_584 = vector.shape_cast %swap3A_583 : vector<1x16xf32> to vector<16xf32>
      %swap3A_585 = vector.shape_cast %mul3A_580 : vector<16xf32> to vector<1x16xf32>
      tpu.vector_store %arg15[%swap3A_581, %swap3A_582], %swap3A_585 {strides = array<i32>} : memref<80x128xf32, #tpu.memory_space<vmem>>, vector<1x16xf32>,
      %get3A_586 = arith.index_cast %scan3A_557 : i32 to index
      %get3A_587 = arith.constant 16 : index
      %get3A_588 = tpu.vector_load %arg17[%get3A_586, %get3A_587] {strides = array<i32>} : memref<80x64xi32, #tpu.memory_space<vmem>>, vector<1x16xi32>,
      %get3A_589 = vector.shape_cast %get3A_588 : vector<1x16xi32> to vector<16xi32>
      %shift_left3A_590 = arith.constant 16 : i32
      %shift_left3A_591 = vector.broadcast %shift_left3A_590 : i32 to vector<16xi32>
      %shift_left3A_592 = arith.shli %get3A_589, %shift_left3A_591 : vector<16xi32>
      %bitcast_convert_type3A_593 = tpu.bitcast %shift_left3A_592 : vector<16xi32> -> vector<16xf32>
      %and3A_594 = arith.constant -65536 : i32
      %and3A_595 = vector.broadcast %and3A_594 : i32 to vector<16xi32>
      %and3A_596 = arith.andi %get3A_589, %and3A_595 : vector<16xi32>
      %bitcast_convert_type3A_597 = tpu.bitcast %and3A_596 : vector<16xi32> -> vector<16xf32>
      %get3A_598 = arith.index_cast %scan3A_557 : i32 to index
      %get3A_599 = arith.constant 16 : index
      %get3A_600 = tpu.vector_load %arg15[%get3A_598, %get3A_599] {strides = array<i32>} : memref<80x128xf32, #tpu.memory_space<vmem>>, vector<1x16xf32>,
      %get3A_601 = vector.shape_cast %get3A_600 : vector<1x16xf32> to vector<16xf32>
      %mul3A_602 = arith.mulf %get3A_601, %bitcast_convert_type3A_593 : vector<16xf32>
      %swap3A_603 = arith.index_cast %scan3A_557 : i32 to index
      %swap3A_604 = arith.constant 16 : index
      %swap3A_605 = tpu.vector_load %arg15[%swap3A_603, %swap3A_604] {strides = array<i32>} : memref<80x128xf32, #tpu.memory_space<vmem>>, vector<1x16xf32>,
      %swap3A_606 = vector.shape_cast %swap3A_605 : vector<1x16xf32> to vector<16xf32>
      %swap3A_607 = vector.shape_cast %mul3A_602 : vector<16xf32> to vector<1x16xf32>
      tpu.vector_store %arg15[%swap3A_603, %swap3A_604], %swap3A_607 {strides = array<i32>} : memref<80x128xf32, #tpu.memory_space<vmem>>, vector<1x16xf32>,
      %get3A_608 = arith.index_cast %scan3A_557 : i32 to index
      %get3A_609 = arith.constant 80 : index
      %get3A_610 = tpu.vector_load %arg15[%get3A_608, %get3A_609] {strides = array<i32>} : memref<80x128xf32, #tpu.memory_space<vmem>>, vector<1x16xf32>,
      %get3A_611 = vector.shape_cast %get3A_610 : vector<1x16xf32> to vector<16xf32>
      %mul3A_612 = arith.mulf %get3A_611, %bitcast_convert_type3A_597 : vector<16xf32>
      %swap3A_613 = arith.index_cast %scan3A_557 : i32 to index
      %swap3A_614 = arith.constant 80 : index
      %swap3A_615 = tpu.vector_load %arg15[%swap3A_613, %swap3A_614] {strides = array<i32>} : memref<80x128xf32, #tpu.memory_space<vmem>>, vector<1x16xf32>,
      %swap3A_616 = vector.shape_cast %swap3A_615 : vector<1x16xf32> to vector<16xf32>
      %swap3A_617 = vector.shape_cast %mul3A_612 : vector<16xf32> to vector<1x16xf32>
      tpu.vector_store %arg15[%swap3A_613, %swap3A_614], %swap3A_617 {strides = array<i32>} : memref<80x128xf32, #tpu.memory_space<vmem>>, vector<1x16xf32>,
      %get3A_618 = arith.index_cast %scan3A_557 : i32 to index
      %get3A_619 = arith.constant 32 : index
      %get3A_620 = tpu.vector_load %arg17[%get3A_618, %get3A_619] {strides = array<i32>} : memref<80x64xi32, #tpu.memory_space<vmem>>, vector<1x16xi32>,
      %get3A_621 = vector.shape_cast %get3A_620 : vector<1x16xi32> to vector<16xi32>
      %shift_left3A_622 = arith.constant 16 : i32
      %shift_left3A_623 = vector.broadcast %shift_left3A_622 : i32 to vector<16xi32>
      %shift_left3A_624 = arith.shli %get3A_621, %shift_left3A_623 : vector<16xi32>
      %bitcast_convert_type3A_625 = tpu.bitcast %shift_left3A_624 : vector<16xi32> -> vector<16xf32>
      %and3A_626 = arith.constant -65536 : i32
      %and3A_627 = vector.broadcast %and3A_626 : i32 to vector<16xi32>
      %and3A_628 = arith.andi %get3A_621, %and3A_627 : vector<16xi32>
      %bitcast_convert_type3A_629 = tpu.bitcast %and3A_628 : vector<16xi32> -> vector<16xf32>
      %get3A_630 = arith.index_cast %scan3A_557 : i32 to index
      %get3A_631 = arith.constant 32 : index
      %get3A_632 = tpu.vector_load %arg15[%get3A_630, %get3A_631] {strides = array<i32>} : memref<80x128xf32, #tpu.memory_space<vmem>>, vector<1x16xf32>,
      %get3A_633 = vector.shape_cast %get3A_632 : vector<1x16xf32> to vector<16xf32>
      %mul3A_634 = arith.mulf %get3A_633, %bitcast_convert_type3A_625 : vector<16xf32>
      %swap3A_635 = arith.index_cast %scan3A_557 : i32 to index
      %swap3A_636 = arith.constant 32 : index
      %swap3A_637 = tpu.vector_load %arg15[%swap3A_635, %swap3A_636] {strides = array<i32>} : memref<80x128xf32, #tpu.memory_space<vmem>>, vector<1x16xf32>,
      %swap3A_638 = vector.shape_cast %swap3A_637 : vector<1x16xf32> to vector<16xf32>
      %swap3A_639 = vector.shape_cast %mul3A_634 : vector<16xf32> to vector<1x16xf32>
      tpu.vector_store %arg15[%swap3A_635, %swap3A_636], %swap3A_639 {strides = array<i32>} : memref<80x128xf32, #tpu.memory_space<vmem>>, vector<1x16xf32>,
      %get3A_640 = arith.index_cast %scan3A_557 : i32 to index
      %get3A_641 = arith.constant 96 : index
      %get3A_642 = tpu.vector_load %arg15[%get3A_640, %get3A_641] {strides = array<i32>} : memref<80x128xf32, #tpu.memory_space<vmem>>, vector<1x16xf32>,
      %get3A_643 = vector.shape_cast %get3A_642 : vector<1x16xf32> to vector<16xf32>
      %mul3A_644 = arith.mulf %get3A_643, %bitcast_convert_type3A_629 : vector<16xf32>
      %swap3A_645 = arith.index_cast %scan3A_557 : i32 to index
      %swap3A_646 = arith.constant 96 : index
      %swap3A_647 = tpu.vector_load %arg15[%swap3A_645, %swap3A_646] {strides = array<i32>} : memref<80x128xf32, #tpu.memory_space<vmem>>, vector<1x16xf32>,
      %swap3A_648 = vector.shape_cast %swap3A_647 : vector<1x16xf32> to vector<16xf32>
      %swap3A_649 = vector.shape_cast %mul3A_644 : vector<16xf32> to vector<1x16xf32>
      tpu.vector_store %arg15[%swap3A_645, %swap3A_646], %swap3A_649 {strides = array<i32>} : memref<80x128xf32, #tpu.memory_space<vmem>>, vector<1x16xf32>,
      %get3A_650 = arith.index_cast %scan3A_557 : i32 to index
      %get3A_651 = arith.constant 48 : index
      %get3A_652 = tpu.vector_load %arg17[%get3A_650, %get3A_651] {strides = array<i32>} : memref<80x64xi32, #tpu.memory_space<vmem>>, vector<1x16xi32>,
      %get3A_653 = vector.shape_cast %get3A_652 : vector<1x16xi32> to vector<16xi32>
      %shift_left3A_654 = arith.constant 16 : i32
      %shift_left3A_655 = vector.broadcast %shift_left3A_654 : i32 to vector<16xi32>
      %shift_left3A_656 = arith.shli %get3A_653, %shift_left3A_655 : vector<16xi32>
      %bitcast_convert_type3A_657 = tpu.bitcast %shift_left3A_656 : vector<16xi32> -> vector<16xf32>
      %and3A_658 = arith.constant -65536 : i32
      %and3A_659 = vector.broadcast %and3A_658 : i32 to vector<16xi32>
      %and3A_660 = arith.andi %get3A_653, %and3A_659 : vector<16xi32>
      %bitcast_convert_type3A_661 = tpu.bitcast %and3A_660 : vector<16xi32> -> vector<16xf32>
      %get3A_662 = arith.index_cast %scan3A_557 : i32 to index
      %get3A_663 = arith.constant 48 : index
      %get3A_664 = tpu.vector_load %arg15[%get3A_662, %get3A_663] {strides = array<i32>} : memref<80x128xf32, #tpu.memory_space<vmem>>, vector<1x16xf32>,
      %get3A_665 = vector.shape_cast %get3A_664 : vector<1x16xf32> to vector<16xf32>
      %mul3A_666 = arith.mulf %get3A_665, %bitcast_convert_type3A_657 : vector<16xf32>
      %swap3A_667 = arith.index_cast %scan3A_557 : i32 to index
      %swap3A_668 = arith.constant 48 : index
      %swap3A_669 = tpu.vector_load %arg15[%swap3A_667, %swap3A_668] {strides = array<i32>} : memref<80x128xf32, #tpu.memory_space<vmem>>, vector<1x16xf32>,
      %swap3A_670 = vector.shape_cast %swap3A_669 : vector<1x16xf32> to vector<16xf32>
      %swap3A_671 = vector.shape_cast %mul3A_666 : vector<16xf32> to vector<1x16xf32>
      tpu.vector_store %arg15[%swap3A_667, %swap3A_668], %swap3A_671 {strides = array<i32>} : memref<80x128xf32, #tpu.memory_space<vmem>>, vector<1x16xf32>,
      %get3A_672 = arith.index_cast %scan3A_557 : i32 to index
      %get3A_673 = arith.constant 112 : index
      %get3A_674 = tpu.vector_load %arg15[%get3A_672, %get3A_673] {strides = array<i32>} : memref<80x128xf32, #tpu.memory_space<vmem>>, vector<1x16xf32>,
      %get3A_675 = vector.shape_cast %get3A_674 : vector<1x16xf32> to vector<16xf32>
      %mul3A_676 = arith.mulf %get3A_675, %bitcast_convert_type3A_661 : vector<16xf32>
      %swap3A_677 = arith.index_cast %scan3A_557 : i32 to index
      %swap3A_678 = arith.constant 112 : index
      %swap3A_679 = tpu.vector_load %arg15[%swap3A_677, %swap3A_678] {strides = array<i32>} : memref<80x128xf32, #tpu.memory_space<vmem>>, vector<1x16xf32>,
      %swap3A_680 = vector.shape_cast %swap3A_679 : vector<1x16xf32> to vector<16xf32>
      %swap3A_681 = vector.shape_cast %mul3A_676 : vector<16xf32> to vector<1x16xf32>
      tpu.vector_store %arg15[%swap3A_677, %swap3A_678], %swap3A_681 {strides = array<i32>} : memref<80x128xf32, #tpu.memory_space<vmem>>, vector<1x16xf32>,
      %scan3A_682 = arith.constant 0 : i32
      scf.yield %scan3A_682 : i32
    }
    %scan3A_522 = arith.constant 80 : i32
    %dma_start3A_523 = arith.constant 0 : i32
    %dma_start3A_524 = arith.constant 0 : i32
    %dma_start3A_525 = tpu.memref_slice %arg7[%dma_start3A_523, %dma_start3A_524] : memref<10000x128xf32, #tpu.memory_space<vmem_shared>> -> memref<10000x128xf32, #tpu.memory_space<vmem_shared>>
    tpu.enqueue_indirect_dma source(%arg15 : memref<80x128xf32, #tpu.memory_space<vmem>>) target(%dma_start3A_525 : memref<10000x128xf32, #tpu.memory_space<vmem_shared>>) offsets(%arg11 : memref<80xi32, #tpu.memory_space<vmem>>) semaphore(%arg29 : memref<!tpu.dma_semaphore, #tpu.memory_space<semaphore_mem>>) {add = true}
    %add3A_526 = arith.constant 9920 : i32
    %add3A_527 = arith.addi %mul3A_28, %add3A_526 : i32
    %dma_wait3A_528 = arith.constant 0 : i32
    %dma_wait3A_529 = tpu.memref_slice %arg3[%add3A_527, %dma_wait3A_528] : memref<320000x64xi32, #tpu.memory_space<hbm>> -> memref<80x64xi32, #tpu.memory_space<hbm>>
    %dma_wait3A_530 = arith.constant 0 : i32
    %dma_wait3A_531 = tpu.memref_slice %arg3[%add3A_527, %dma_wait3A_530] : memref<320000x64xi32, #tpu.memory_space<hbm>> -> memref<80x64xi32, #tpu.memory_space<hbm>>
    tpu.wait_dma2 semaphore(%arg20 : memref<!tpu.dma_semaphore, #tpu.memory_space<semaphore_mem>>) src(%dma_wait3A_531 : memref<80x64xi32, #tpu.memory_space<hbm>>) dst(%arg16 : memref<80x64xi32, #tpu.memory_space<vmem>>)
    %dma_wait3A_532 = arith.constant 0 : i32
    %dma_wait3A_533 = arith.constant 0 : i32
    %dma_wait3A_534 = tpu.memref_slice %arg2[%dma_wait3A_532, %dma_wait3A_533] : memref<10000x128xf32, #tpu.memory_space<hbm>> -> memref<10000x128xf32, #tpu.memory_space<hbm>>
    tpu.wait_indirect_dma semaphore(%arg18 : memref<!tpu.dma_semaphore, #tpu.memory_space<semaphore_mem>>) src(%dma_wait3A_534 : memref<10000x128xf32, #tpu.memory_space<hbm>>) dst(%arg14 : memref<80x128xf32, #tpu.memory_space<vmem>>)
    %scan3A_535 = arith.constant 0 : i32
    %scan3A_536 = arith.constant 0 : i32
    %scan3A_537 = arith.constant 80 : i32
    %scan3A_538 = arith.addi %scan3A_536, %scan3A_537 : i32
    %scan3A_539 = arith.constant 1 : i32
    %scan3A_540 = scf.for %scan3A_557 = %scan3A_536 to %scan3A_538 step %scan3A_539 iter_args(%scan3A_558 = %scan3A_535) -> (i32)  : i32 {
      %get3A = arith.index_cast %scan3A_557 : i32 to index
      %get3A_559 = arith.constant 0 : index
      %get3A_560 = tpu.vector_load %arg16[%get3A, %get3A_559] {strides = array<i32>} : memref<80x64xi32, #tpu.memory_space<vmem>>, vector<1x16xi32>,
      %get3A_561 = vector.shape_cast %get3A_560 : vector<1x16xi32> to vector<16xi32>
      %shift_left3A = arith.constant 16 : i32
      %shift_left3A_562 = vector.broadcast %shift_left3A : i32 to vector<16xi32>
      %shift_left3A_563 = arith.shli %get3A_561, %shift_left3A_562 : vector<16xi32>
      %bitcast_convert_type3A = tpu.bitcast %shift_left3A_563 : vector<16xi32> -> vector<16xf32>
      %and3A = arith.constant -65536 : i32
      %and3A_564 = vector.broadcast %and3A : i32 to vector<16xi32>
      %and3A_565 = arith.andi %get3A_561, %and3A_564 : vector<16xi32>
      %bitcast_convert_type3A_566 = tpu.bitcast %and3A_565 : vector<16xi32> -> vector<16xf32>
      %get3A_567 = arith.index_cast %scan3A_557 : i32 to index
      %get3A_568 = arith.constant 0 : index
      %get3A_569 = tpu.vector_load %arg14[%get3A_567, %get3A_568] {strides = array<i32>} : memref<80x128xf32, #tpu.memory_space<vmem>>, vector<1x16xf32>,
      %get3A_570 = vector.shape_cast %get3A_569 : vector<1x16xf32> to vector<16xf32>
      %mul3A_571 = arith.mulf %get3A_570, %bitcast_convert_type3A : vector<16xf32>
      %swap3A = arith.index_cast %scan3A_557 : i32 to index
      %swap3A_572 = arith.constant 0 : index
      %swap3A_573 = tpu.vector_load %arg14[%swap3A, %swap3A_572] {strides = array<i32>} : memref<80x128xf32, #tpu.memory_space<vmem>>, vector<1x16xf32>,
      %swap3A_574 = vector.shape_cast %swap3A_573 : vector<1x16xf32> to vector<16xf32>
      %swap3A_575 = vector.shape_cast %mul3A_571 : vector<16xf32> to vector<1x16xf32>
      tpu.vector_store %arg14[%swap3A, %swap3A_572], %swap3A_575 {strides = array<i32>} : memref<80x128xf32, #tpu.memory_space<vmem>>, vector<1x16xf32>,
      %get3A_576 = arith.index_cast %scan3A_557 : i32 to index
      %get3A_577 = arith.constant 64 : index
      %get3A_578 = tpu.vector_load %arg14[%get3A_576, %get3A_577] {strides = array<i32>} : memref<80x128xf32, #tpu.memory_space<vmem>>, vector<1x16xf32>,
      %get3A_579 = vector.shape_cast %get3A_578 : vector<1x16xf32> to vector<16xf32>
      %mul3A_580 = arith.mulf %get3A_579, %bitcast_convert_type3A_566 : vector<16xf32>
      %swap3A_581 = arith.index_cast %scan3A_557 : i32 to index
      %swap3A_582 = arith.constant 64 : index
      %swap3A_583 = tpu.vector_load %arg14[%swap3A_581, %swap3A_582] {strides = array<i32>} : memref<80x128xf32, #tpu.memory_space<vmem>>, vector<1x16xf32>,
      %swap3A_584 = vector.shape_cast %swap3A_583 : vector<1x16xf32> to vector<16xf32>
      %swap3A_585 = vector.shape_cast %mul3A_580 : vector<16xf32> to vector<1x16xf32>
      tpu.vector_store %arg14[%swap3A_581, %swap3A_582], %swap3A_585 {strides = array<i32>} : memref<80x128xf32, #tpu.memory_space<vmem>>, vector<1x16xf32>,
      %get3A_586 = arith.index_cast %scan3A_557 : i32 to index
      %get3A_587 = arith.constant 16 : index
      %get3A_588 = tpu.vector_load %arg16[%get3A_586, %get3A_587] {strides = array<i32>} : memref<80x64xi32, #tpu.memory_space<vmem>>, vector<1x16xi32>,
      %get3A_589 = vector.shape_cast %get3A_588 : vector<1x16xi32> to vector<16xi32>
      %shift_left3A_590 = arith.constant 16 : i32
      %shift_left3A_591 = vector.broadcast %shift_left3A_590 : i32 to vector<16xi32>
      %shift_left3A_592 = arith.shli %get3A_589, %shift_left3A_591 : vector<16xi32>
      %bitcast_convert_type3A_593 = tpu.bitcast %shift_left3A_592 : vector<16xi32> -> vector<16xf32>
      %and3A_594 = arith.constant -65536 : i32
      %and3A_595 = vector.broadcast %and3A_594 : i32 to vector<16xi32>
      %and3A_596 = arith.andi %get3A_589, %and3A_595 : vector<16xi32>
      %bitcast_convert_type3A_597 = tpu.bitcast %and3A_596 : vector<16xi32> -> vector<16xf32>
      %get3A_598 = arith.index_cast %scan3A_557 : i32 to index
      %get3A_599 = arith.constant 16 : index
      %get3A_600 = tpu.vector_load %arg14[%get3A_598, %get3A_599] {strides = array<i32>} : memref<80x128xf32, #tpu.memory_space<vmem>>, vector<1x16xf32>,
      %get3A_601 = vector.shape_cast %get3A_600 : vector<1x16xf32> to vector<16xf32>
      %mul3A_602 = arith.mulf %get3A_601, %bitcast_convert_type3A_593 : vector<16xf32>
      %swap3A_603 = arith.index_cast %scan3A_557 : i32 to index
      %swap3A_604 = arith.constant 16 : index
      %swap3A_605 = tpu.vector_load %arg14[%swap3A_603, %swap3A_604] {strides = array<i32>} : memref<80x128xf32, #tpu.memory_space<vmem>>, vector<1x16xf32>,
      %swap3A_606 = vector.shape_cast %swap3A_605 : vector<1x16xf32> to vector<16xf32>
      %swap3A_607 = vector.shape_cast %mul3A_602 : vector<16xf32> to vector<1x16xf32>
      tpu.vector_store %arg14[%swap3A_603, %swap3A_604], %swap3A_607 {strides = array<i32>} : memref<80x128xf32, #tpu.memory_space<vmem>>, vector<1x16xf32>,
      %get3A_608 = arith.index_cast %scan3A_557 : i32 to index
      %get3A_609 = arith.constant 80 : index
      %get3A_610 = tpu.vector_load %arg14[%get3A_608, %get3A_609] {strides = array<i32>} : memref<80x128xf32, #tpu.memory_space<vmem>>, vector<1x16xf32>,
      %get3A_611 = vector.shape_cast %get3A_610 : vector<1x16xf32> to vector<16xf32>
      %mul3A_612 = arith.mulf %get3A_611, %bitcast_convert_type3A_597 : vector<16xf32>
      %swap3A_613 = arith.index_cast %scan3A_557 : i32 to index
      %swap3A_614 = arith.constant 80 : index
      %swap3A_615 = tpu.vector_load %arg14[%swap3A_613, %swap3A_614] {strides = array<i32>} : memref<80x128xf32, #tpu.memory_space<vmem>>, vector<1x16xf32>,
      %swap3A_616 = vector.shape_cast %swap3A_615 : vector<1x16xf32> to vector<16xf32>
      %swap3A_617 = vector.shape_cast %mul3A_612 : vector<16xf32> to vector<1x16xf32>
      tpu.vector_store %arg14[%swap3A_613, %swap3A_614], %swap3A_617 {strides = array<i32>} : memref<80x128xf32, #tpu.memory_space<vmem>>, vector<1x16xf32>,
      %get3A_618 = arith.index_cast %scan3A_557 : i32 to index
      %get3A_619 = arith.constant 32 : index
      %get3A_620 = tpu.vector_load %arg16[%get3A_618, %get3A_619] {strides = array<i32>} : memref<80x64xi32, #tpu.memory_space<vmem>>, vector<1x16xi32>,
      %get3A_621 = vector.shape_cast %get3A_620 : vector<1x16xi32> to vector<16xi32>
      %shift_left3A_622 = arith.constant 16 : i32
      %shift_left3A_623 = vector.broadcast %shift_left3A_622 : i32 to vector<16xi32>
      %shift_left3A_624 = arith.shli %get3A_621, %shift_left3A_623 : vector<16xi32>
      %bitcast_convert_type3A_625 = tpu.bitcast %shift_left3A_624 : vector<16xi32> -> vector<16xf32>
      %and3A_626 = arith.constant -65536 : i32
      %and3A_627 = vector.broadcast %and3A_626 : i32 to vector<16xi32>
      %and3A_628 = arith.andi %get3A_621, %and3A_627 : vector<16xi32>
      %bitcast_convert_type3A_629 = tpu.bitcast %and3A_628 : vector<16xi32> -> vector<16xf32>
      %get3A_630 = arith.index_cast %scan3A_557 : i32 to index
      %get3A_631 = arith.constant 32 : index
      %get3A_632 = tpu.vector_load %arg14[%get3A_630, %get3A_631] {strides = array<i32>} : memref<80x128xf32, #tpu.memory_space<vmem>>, vector<1x16xf32>,
      %get3A_633 = vector.shape_cast %get3A_632 : vector<1x16xf32> to vector<16xf32>
      %mul3A_634 = arith.mulf %get3A_633, %bitcast_convert_type3A_625 : vector<16xf32>
      %swap3A_635 = arith.index_cast %scan3A_557 : i32 to index
      %swap3A_636 = arith.constant 32 : index
      %swap3A_637 = tpu.vector_load %arg14[%swap3A_635, %swap3A_636] {strides = array<i32>} : memref<80x128xf32, #tpu.memory_space<vmem>>, vector<1x16xf32>,
      %swap3A_638 = vector.shape_cast %swap3A_637 : vector<1x16xf32> to vector<16xf32>
      %swap3A_639 = vector.shape_cast %mul3A_634 : vector<16xf32> to vector<1x16xf32>
      tpu.vector_store %arg14[%swap3A_635, %swap3A_636], %swap3A_639 {strides = array<i32>} : memref<80x128xf32, #tpu.memory_space<vmem>>, vector<1x16xf32>,
      %get3A_640 = arith.index_cast %scan3A_557 : i32 to index
      %get3A_641 = arith.constant 96 : index
      %get3A_642 = tpu.vector_load %arg14[%get3A_640, %get3A_641] {strides = array<i32>} : memref<80x128xf32, #tpu.memory_space<vmem>>, vector<1x16xf32>,
      %get3A_643 = vector.shape_cast %get3A_642 : vector<1x16xf32> to vector<16xf32>
      %mul3A_644 = arith.mulf %get3A_643, %bitcast_convert_type3A_629 : vector<16xf32>
      %swap3A_645 = arith.index_cast %scan3A_557 : i32 to index
      %swap3A_646 = arith.constant 96 : index
      %swap3A_647 = tpu.vector_load %arg14[%swap3A_645, %swap3A_646] {strides = array<i32>} : memref<80x128xf32, #tpu.memory_space<vmem>>, vector<1x16xf32>,
      %swap3A_648 = vector.shape_cast %swap3A_647 : vector<1x16xf32> to vector<16xf32>
      %swap3A_649 = vector.shape_cast %mul3A_644 : vector<16xf32> to vector<1x16xf32>
      tpu.vector_store %arg14[%swap3A_645, %swap3A_646], %swap3A_649 {strides = array<i32>} : memref<80x128xf32, #tpu.memory_space<vmem>>, vector<1x16xf32>,
      %get3A_650 = arith.index_cast %scan3A_557 : i32 to index
      %get3A_651 = arith.constant 48 : index
      %get3A_652 = tpu.vector_load %arg16[%get3A_650, %get3A_651] {strides = array<i32>} : memref<80x64xi32, #tpu.memory_space<vmem>>, vector<1x16xi32>,
      %get3A_653 = vector.shape_cast %get3A_652 : vector<1x16xi32> to vector<16xi32>
      %shift_left3A_654 = arith.constant 16 : i32
      %shift_left3A_655 = vector.broadcast %shift_left3A_654 : i32 to vector<16xi32>
      %shift_left3A_656 = arith.shli %get3A_653, %shift_left3A_655 : vector<16xi32>
      %bitcast_convert_type3A_657 = tpu.bitcast %shift_left3A_656 : vector<16xi32> -> vector<16xf32>
      %and3A_658 = arith.constant -65536 : i32
      %and3A_659 = vector.broadcast %and3A_658 : i32 to vector<16xi32>
      %and3A_660 = arith.andi %get3A_653, %and3A_659 : vector<16xi32>
      %bitcast_convert_type3A_661 = tpu.bitcast %and3A_660 : vector<16xi32> -> vector<16xf32>
      %get3A_662 = arith.index_cast %scan3A_557 : i32 to index
      %get3A_663 = arith.constant 48 : index
      %get3A_664 = tpu.vector_load %arg14[%get3A_662, %get3A_663] {strides = array<i32>} : memref<80x128xf32, #tpu.memory_space<vmem>>, vector<1x16xf32>,
      %get3A_665 = vector.shape_cast %get3A_664 : vector<1x16xf32> to vector<16xf32>
      %mul3A_666 = arith.mulf %get3A_665, %bitcast_convert_type3A_657 : vector<16xf32>
      %swap3A_667 = arith.index_cast %scan3A_557 : i32 to index
      %swap3A_668 = arith.constant 48 : index
      %swap3A_669 = tpu.vector_load %arg14[%swap3A_667, %swap3A_668] {strides = array<i32>} : memref<80x128xf32, #tpu.memory_space<vmem>>, vector<1x16xf32>,
      %swap3A_670 = vector.shape_cast %swap3A_669 : vector<1x16xf32> to vector<16xf32>
      %swap3A_671 = vector.shape_cast %mul3A_666 : vector<16xf32> to vector<1x16xf32>
      tpu.vector_store %arg14[%swap3A_667, %swap3A_668], %swap3A_671 {strides = array<i32>} : memref<80x128xf32, #tpu.memory_space<vmem>>, vector<1x16xf32>,
      %get3A_672 = arith.index_cast %scan3A_557 : i32 to index
      %get3A_673 = arith.constant 112 : index
      %get3A_674 = tpu.vector_load %arg14[%get3A_672, %get3A_673] {strides = array<i32>} : memref<80x128xf32, #tpu.memory_space<vmem>>, vector<1x16xf32>,
      %get3A_675 = vector.shape_cast %get3A_674 : vector<1x16xf32> to vector<16xf32>
      %mul3A_676 = arith.mulf %get3A_675, %bitcast_convert_type3A_661 : vector<16xf32>
      %swap3A_677 = arith.index_cast %scan3A_557 : i32 to index
      %swap3A_678 = arith.constant 112 : index
      %swap3A_679 = tpu.vector_load %arg14[%swap3A_677, %swap3A_678] {strides = array<i32>} : memref<80x128xf32, #tpu.memory_space<vmem>>, vector<1x16xf32>,
      %swap3A_680 = vector.shape_cast %swap3A_679 : vector<1x16xf32> to vector<16xf32>
      %swap3A_681 = vector.shape_cast %mul3A_676 : vector<16xf32> to vector<1x16xf32>
      tpu.vector_store %arg14[%swap3A_677, %swap3A_678], %swap3A_681 {strides = array<i32>} : memref<80x128xf32, #tpu.memory_space<vmem>>, vector<1x16xf32>,
      %scan3A_682 = arith.constant 0 : i32
      scf.yield %scan3A_682 : i32
    }
    %scan3A_541 = arith.constant 80 : i32
    %dma_start3A_542 = arith.constant 0 : i32
    %dma_start3A_543 = arith.constant 0 : i32
    %dma_start3A_544 = tpu.memref_slice %arg7[%dma_start3A_542, %dma_start3A_543] : memref<10000x128xf32, #tpu.memory_space<vmem_shared>> -> memref<10000x128xf32, #tpu.memory_space<vmem_shared>>
    tpu.enqueue_indirect_dma source(%arg14 : memref<80x128xf32, #tpu.memory_space<vmem>>) target(%dma_start3A_544 : memref<10000x128xf32, #tpu.memory_space<vmem_shared>>) offsets(%arg12 : memref<80xi32, #tpu.memory_space<vmem>>) semaphore(%arg28 : memref<!tpu.dma_semaphore, #tpu.memory_space<semaphore_mem>>) {add = true}
    %dma_wait3A_545 = arith.constant 0 : i32
    %dma_wait3A_546 = arith.constant 0 : i32
    %dma_wait3A_547 = tpu.memref_slice %arg7[%dma_wait3A_545, %dma_wait3A_546] : memref<10000x128xf32, #tpu.memory_space<vmem_shared>> -> memref<10000x128xf32, #tpu.memory_space<vmem_shared>>
    tpu.wait_indirect_dma semaphore(%arg28 : memref<!tpu.dma_semaphore, #tpu.memory_space<semaphore_mem>>) src(%arg14 : memref<80x128xf32, #tpu.memory_space<vmem>>) dst(%dma_wait3A_547 : memref<10000x128xf32, #tpu.memory_space<vmem_shared>>)
    %dma_wait3A_548 = arith.constant 0 : i32
    %dma_wait3A_549 = arith.constant 0 : i32
    %dma_wait3A_550 = tpu.memref_slice %arg7[%dma_wait3A_548, %dma_wait3A_549] : memref<10000x128xf32, #tpu.memory_space<vmem_shared>> -> memref<10000x128xf32, #tpu.memory_space<vmem_shared>>
    tpu.wait_indirect_dma semaphore(%arg29 : memref<!tpu.dma_semaphore, #tpu.memory_space<semaphore_mem>>) src(%arg15 : memref<80x128xf32, #tpu.memory_space<vmem>>) dst(%dma_wait3A_550 : memref<10000x128xf32, #tpu.memory_space<vmem_shared>>)
    %barrier3A_551 = arith.constant 0 : index
    tpu.barrier barrier_id(%barrier3A_551)
    "tpu.region"() ({
      %run_scoped3A = tpu.sem_alloc : memref<!tpu.dma_semaphore, #tpu.memory_space<semaphore_mem>>
      %dma_start3A_557 = arith.constant 0 : i32
      %dma_start3A_558 = tpu.memref_slice %arg6[%arg0, %mul3A_6, %dma_start3A_557] : memref<2x10000x128xf32, #tpu.memory_space<hbm>> -> memref<1x624x128xf32, #tpu.memory_space<hbm>>
      %dma_start3A_559 = tpu.memref_squeeze %dma_start3A_558 : memref<1x624x128xf32, #tpu.memory_space<hbm>> -> memref<624x128xf32, #tpu.memory_space<hbm>>
      %dma_start3A_560 = arith.constant 0 : i32
      %dma_start3A_561 = tpu.memref_slice %arg7[%mul3A_6, %dma_start3A_560] : memref<10000x128xf32, #tpu.memory_space<vmem_shared>> -> memref<624x128xf32, #tpu.memory_space<vmem_shared>>
      tpu.enqueue_dma source(%dma_start3A_561 : memref<624x128xf32, #tpu.memory_space<vmem_shared>>) target(%dma_start3A_559 : memref<624x128xf32, #tpu.memory_space<hbm>>) target_semaphore(%run_scoped3A : memref<!tpu.dma_semaphore, #tpu.memory_space<semaphore_mem>>)
      %dma_wait3A_562 = arith.constant 0 : i32
      %dma_wait3A_563 = tpu.memref_slice %arg6[%arg0, %mul3A_6, %dma_wait3A_562] : memref<2x10000x128xf32, #tpu.memory_space<hbm>> -> memref<1x624x128xf32, #tpu.memory_space<hbm>>
      %dma_wait3A_564 = tpu.memref_squeeze %dma_wait3A_563 : memref<1x624x128xf32, #tpu.memory_space<hbm>> -> memref<624x128xf32, #tpu.memory_space<hbm>>
      %dma_wait3A_565 = arith.constant 0 : i32
      %dma_wait3A_566 = tpu.memref_slice %arg7[%mul3A_6, %dma_wait3A_565] : memref<10000x128xf32, #tpu.memory_space<vmem_shared>> -> memref<624x128xf32, #tpu.memory_space<vmem_shared>>
      tpu.wait_dma2 semaphore(%run_scoped3A : memref<!tpu.dma_semaphore, #tpu.memory_space<semaphore_mem>>) src(%dma_wait3A_566 : memref<624x128xf32, #tpu.memory_space<vmem_shared>>) dst(%dma_wait3A_564 : memref<624x128xf32, #tpu.memory_space<hbm>>)
      tpu.yield
    }) : () -> ()
    %eq3A_552 = arith.constant 15 : i32
    %eq3A_553 = arith.cmpi eq, %arg1, %eq3A_552 : i32
    %convert_element_type3A_554 = arith.extui %eq3A_553 : i1 to i32
    %cond3A_555 = arith.constant 0 : i32
    %cond3A_556 = arith.cmpi ne, %convert_element_type3A_554, %cond3A_555 : i32
    scf.if %cond3A_556 {
      "tpu.region"() ({
        %run_scoped3A = tpu.sem_alloc : memref<!tpu.dma_semaphore, #tpu.memory_space<semaphore_mem>>
        %dma_start3A_557 = arith.constant 9984 : i32
        %dma_start3A_558 = arith.constant 0 : i32
        %dma_start3A_559 = tpu.memref_slice %arg6[%arg0, %dma_start3A_557, %dma_start3A_558] : memref<2x10000x128xf32, #tpu.memory_space<hbm>> -> memref<1x16x128xf32, #tpu.memory_space<hbm>>
        %dma_start3A_560 = tpu.memref_squeeze %dma_start3A_559 : memref<1x16x128xf32, #tpu.memory_space<hbm>> -> memref<16x128xf32, #tpu.memory_space<hbm>>
        %dma_start3A_561 = arith.constant 9984 : i32
        %dma_start3A_562 = arith.constant 0 : i32
        %dma_start3A_563 = tpu.memref_slice %arg7[%dma_start3A_561, %dma_start3A_562] : memref<10000x128xf32, #tpu.memory_space<vmem_shared>> -> memref<16x128xf32, #tpu.memory_space<vmem_shared>>
        tpu.enqueue_dma source(%dma_start3A_563 : memref<16x128xf32, #tpu.memory_space<vmem_shared>>) target(%dma_start3A_560 : memref<16x128xf32, #tpu.memory_space<hbm>>) target_semaphore(%run_scoped3A : memref<!tpu.dma_semaphore, #tpu.memory_space<semaphore_mem>>)
        %dma_wait3A_564 = arith.constant 9984 : i32
        %dma_wait3A_565 = arith.constant 0 : i32
        %dma_wait3A_566 = tpu.memref_slice %arg6[%arg0, %dma_wait3A_564, %dma_wait3A_565] : memref<2x10000x128xf32, #tpu.memory_space<hbm>> -> memref<1x16x128xf32, #tpu.memory_space<hbm>>
        %dma_wait3A_567 = tpu.memref_squeeze %dma_wait3A_566 : memref<1x16x128xf32, #tpu.memory_space<hbm>> -> memref<16x128xf32, #tpu.memory_space<hbm>>
        %dma_wait3A_568 = arith.constant 9984 : i32
        %dma_wait3A_569 = arith.constant 0 : i32
        %dma_wait3A_570 = tpu.memref_slice %arg7[%dma_wait3A_568, %dma_wait3A_569] : memref<10000x128xf32, #tpu.memory_space<vmem_shared>> -> memref<16x128xf32, #tpu.memory_space<vmem_shared>>
        tpu.wait_dma2 semaphore(%run_scoped3A : memref<!tpu.dma_semaphore, #tpu.memory_space<semaphore_mem>>) src(%dma_wait3A_570 : memref<16x128xf32, #tpu.memory_space<vmem_shared>>) dst(%dma_wait3A_567 : memref<16x128xf32, #tpu.memory_space<hbm>>)
        tpu.yield
      }) : () -> ()
    } else {
    }
    return
  }
}

module attributes {stable_mosaic.version = 14 : i64} {
  func.func @_split_idx_kernel(%arg0: memref<2x320000xi32, #tpu.memory_space<vmem>>, %arg1: memref<320000xi32, #tpu.memory_space<vmem>>, %arg2: memref<320000xi32, #tpu.memory_space<vmem>>) attributes {dimension_semantics = [], scalar_prefetch = 0 : i64, scratch_operands = 0 : i64, tpu.core_type = #tpu.core_type<tc>} {
    %get3A = arith.constant 0 : index
    %get3A_0 = arith.constant 0 : index
    %get3A_1 = vector.load %arg0[%get3A, %get3A_0] : memref<2x320000xi32, #tpu.memory_space<vmem>>, vector<1x320000xi32>
    %get3A_2 = vector.shape_cast %get3A_1 : vector<1x320000xi32> to vector<320000xi32>
    %swap3A = arith.constant 0 : index
    %swap3A_3 = vector.load %arg1[%swap3A] : memref<320000xi32, #tpu.memory_space<vmem>>, vector<320000xi32>
    tpu.vector_store %arg1[%swap3A], %get3A_2 {strides = array<i32>} : memref<320000xi32, #tpu.memory_space<vmem>>, vector<320000xi32>,
    %get3A_4 = arith.constant 1 : index
    %get3A_5 = arith.constant 0 : index
    %get3A_6 = vector.load %arg0[%get3A_4, %get3A_5] : memref<2x320000xi32, #tpu.memory_space<vmem>>, vector<1x320000xi32>
    %get3A_7 = vector.shape_cast %get3A_6 : vector<1x320000xi32> to vector<320000xi32>
    %swap3A_8 = arith.constant 0 : index
    %swap3A_9 = vector.load %arg2[%swap3A_8] : memref<320000xi32, #tpu.memory_space<vmem>>, vector<320000xi32>
    tpu.vector_store %arg2[%swap3A_8], %get3A_7 {strides = array<i32>} : memref<320000xi32, #tpu.memory_space<vmem>>, vector<320000xi32>,
    return
  }
}

module attributes {stable_mosaic.version = 14 : i64} {
  func.func @_edge_kernel(%arg0: i32, %arg1: memref<8x6400xf32, #tpu.memory_space<vmem>>, %arg2: memref<1x6400xf32, #tpu.memory_space<vmem>>, %arg3: memref<8x8xf32, #tpu.memory_space<vmem>>, %arg4: memref<8x128xf32, #tpu.memory_space<vmem>>, %arg5: memref<6400x64xi32, #tpu.memory_space<vmem>>) attributes {dimension_semantics = [#tpu.dimension_semantics<arbitrary>], iteration_bounds = array<i64: 50>, scalar_prefetch = 0 : i64, scratch_operands = 0 : i64, tpu.core_type = #tpu.core_type<tc>, window_params = [{transform_indices = @transform_0, window_bounds = array<i64: 8, 6400>}, {transform_indices = @transform_1, window_bounds = array<i64: 1, 6400>}, {pipeline_mode = #tpu.pipeline_mode<synchronous>, transform_indices = @transform_2, window_bounds = array<i64: 8, 8>}, {pipeline_mode = #tpu.pipeline_mode<synchronous>, transform_indices = @transform_3, window_bounds = array<i64: 8, 128>}, {transform_indices = @transform_4, window_bounds = array<i64: 6400, 64>}]} {
    %get3A = arith.constant 0 : index
    %get3A_0 = arith.constant 0 : index
    %get3A_1 = vector.load %arg3[%get3A, %get3A_0] : memref<8x8xf32, #tpu.memory_space<vmem>>, vector<8x8xf32>
    %sqrt3A = arith.constant 8.000000e+00 : f32
    %sqrt3A_2 = math.sqrt %sqrt3A : f32
    %div3A = arith.constant 1.000000e+00 : f32
    %div3A_3 = arith.divf %div3A, %sqrt3A_2 : f32
    %mul3A = vector.broadcast %div3A_3 : f32 to vector<8x8xf32>
    %mul3A_4 = arith.mulf %get3A_1, %mul3A : vector<8x8xf32>
    %get3A_5 = arith.constant 0 : index
    %get3A_6 = arith.constant 0 : index
    %get3A_7 = vector.load %arg1[%get3A_5, %get3A_6] : memref<8x6400xf32, #tpu.memory_space<vmem>>, vector<8x6400xf32>
    %dot_general3A = arith.constant dense<0.000000e+00> : vector<8x6400xf32>
    %dot_general3A_8 = tpu.matmul %mul3A_4, %get3A_7, %dot_general3A {dimension_numbers = #tpu.dot_dimension_numbers<[0], [0], [1], [1], [0, 1, 1, 1], [], []>, transpose_lhs_hint = false} : vector<8x8xf32>, vector<8x6400xf32>, vector<8x6400xf32> -> vector<8x6400xf32>
    %custom_jvp_call3A = arith.constant 0.000000e+00 : f32
    %max3A = vector.broadcast %custom_jvp_call3A : f32 to vector<8x6400xf32>
    %max3A_9 = arith.maximumf %dot_general3A_8, %max3A : vector<8x6400xf32>
    %sub3A = vector.broadcast %custom_jvp_call3A : f32 to vector<8x6400xf32>
    %sub3A_10 = arith.subf %dot_general3A_8, %sub3A : vector<8x6400xf32>
    %ne3A = arith.cmpf one, %sub3A_10, %sub3A_10 : vector<8x6400xf32>
    %add3A = vector.broadcast %custom_jvp_call3A : f32 to vector<8x6400xf32>
    %add3A_11 = arith.addf %dot_general3A_8, %add3A : vector<8x6400xf32>
    %abs3A = math.absf %sub3A_10 : vector<8x6400xf32>
    %neg3A = arith.constant 0.000000e+00 : f32
    %neg3A_12 = vector.broadcast %neg3A : f32 to vector<8x6400xf32>
    %neg3A_13 = arith.subf %neg3A_12, %abs3A : vector<8x6400xf32>
    %exp3A = math.exp %neg3A_13 : vector<8x6400xf32>
    %log1p3A = math.log1p %exp3A : vector<8x6400xf32>
    %add3A_14 = arith.addf %max3A_9, %log1p3A : vector<8x6400xf32>
    %select_n3A = arith.select %ne3A, %add3A_11, %add3A_14 : vector<8x6400xi1>, vector<8x6400xf32>
    %log3A = arith.constant 2.000000e+00 : f32
    %log3A_15 = math.log %log3A : f32
    %sub3A_16 = vector.broadcast %log3A_15 : f32 to vector<8x6400xf32>
    %sub3A_17 = arith.subf %select_n3A, %sub3A_16 : vector<8x6400xf32>
    %get3A_18 = arith.constant 0 : index
    %get3A_19 = arith.constant 0 : index
    %get3A_20 = vector.load %arg2[%get3A_18, %get3A_19] : memref<1x6400xf32, #tpu.memory_space<vmem>>, vector<1x6400xf32>
    %mul3A_21 = vector.broadcast %get3A_20 : vector<1x6400xf32> to vector<8x6400xf32>
    %mul3A_22 = arith.mulf %sub3A_17, %mul3A_21 : vector<8x6400xf32>
    %get3A_23 = arith.constant 0 : index
    %get3A_24 = arith.constant 0 : index
    %get3A_25 = vector.load %arg4[%get3A_23, %get3A_24] : memref<8x128xf32, #tpu.memory_space<vmem>>, vector<8x128xf32>
    %sqrt3A_26 = arith.constant 2.560000e+02 : f32
    %sqrt3A_27 = math.sqrt %sqrt3A_26 : f32
    %div3A_28 = arith.constant 1.000000e+00 : f32
    %div3A_29 = arith.divf %div3A_28, %sqrt3A_27 : f32
    %mul3A_30 = vector.broadcast %div3A_29 : f32 to vector<8x128xf32>
    %mul3A_31 = arith.mulf %get3A_25, %mul3A_30 : vector<8x128xf32>
    %dot_general3A_32 = arith.constant dense<0.000000e+00> : vector<6400x128xf32>
    %dot_general3A_33 = tpu.matmul %mul3A_22, %mul3A_31, %dot_general3A_32 {dimension_numbers = #tpu.dot_dimension_numbers<[0], [0], [1], [1], [0, 1, 1, 1], [], []>, transpose_lhs_hint = false} : vector<8x6400xf32>, vector<8x128xf32>, vector<6400x128xf32> -> vector<6400x128xf32>
    %slice3A = vector.extract_strided_slice %dot_general3A_33 {offsets = [0, 0], sizes = [6400, 64], strides = [1, 1]} : vector<6400x128xf32> to vector<6400x64xf32>
    %slice3A_34 = vector.extract_strided_slice %dot_general3A_33 {offsets = [0, 64], sizes = [6400, 64], strides = [1, 1]} : vector<6400x128xf32> to vector<6400x64xf32>
    %pack_elementwise3A = tpu.pack_elementwise %slice3A, %slice3A_34 {target_type = bf16} : vector<6400x64xf32>, vector<6400x64xf32> -> vector<6400x64xi32>
    %swap3A = arith.constant 0 : index
    %swap3A_35 = arith.constant 0 : index
    %swap3A_36 = vector.load %arg5[%swap3A, %swap3A_35] : memref<6400x64xi32, #tpu.memory_space<vmem>>, vector<6400x64xi32>
    tpu.vector_store %arg5[%swap3A, %swap3A_35], %pack_elementwise3A {strides = array<i32>} : memref<6400x64xi32, #tpu.memory_space<vmem>>, vector<6400x64xi32>,
    return
  }
  func.func @transform_0(%arg0: i32) -> (i32, i32) {
    %c0_i32 = arith.constant 0 : i32
    %c0_i32_0 = arith.constant 0 : i32
    return %c0_i32, %arg0 : i32, i32
  }
  func.func @transform_1(%arg0: i32) -> (i32, i32) {
    %c0_i32 = arith.constant 0 : i32
    %c0_i32_0 = arith.constant 0 : i32
    return %c0_i32, %arg0 : i32, i32
  }
  func.func @transform_2(%arg0: i32) -> (i32, i32) {
    %c0_i32 = arith.constant 0 : i32
    %c0_i32_0 = arith.constant 0 : i32
    %c0_i32_1 = arith.constant 0 : i32
    return %c0_i32, %c0_i32_0 : i32, i32
  }
  func.func @transform_3(%arg0: i32) -> (i32, i32) {
    %c0_i32 = arith.constant 0 : i32
    %c0_i32_0 = arith.constant 0 : i32
    %c0_i32_1 = arith.constant 0 : i32
    return %c0_i32, %c0_i32_0 : i32, i32
  }
  func.func @transform_4(%arg0: i32) -> (i32, i32) {
    %c0_i32 = arith.constant 0 : i32
    %c0_i32_0 = arith.constant 0 : i32
    return %arg0, %c0_i32 : i32, i32
  }
}

module attributes {stable_mosaic.version = 14 : i64} {
  func.func @_xl_kernel(%arg0: i32, %arg1: memref<1000x128xf32, #tpu.memory_space<vmem>>, %arg2: memref<128x128xf32, #tpu.memory_space<vmem>>, %arg3: memref<1000x128xf32, #tpu.memory_space<vmem>>) attributes {dimension_semantics = [#tpu.dimension_semantics<arbitrary>], iteration_bounds = array<i64: 10>, scalar_prefetch = 0 : i64, scratch_operands = 0 : i64, tpu.core_type = #tpu.core_type<tc>, window_params = [{transform_indices = @transform_0, window_bounds = array<i64: 1000, 128>}, {pipeline_mode = #tpu.pipeline_mode<synchronous>, transform_indices = @transform_1, window_bounds = array<i64: 128, 128>}, {transform_indices = @transform_2, window_bounds = array<i64: 1000, 128>}]} {
    %get3A = arith.constant 0 : index
    %get3A_0 = arith.constant 0 : index
    %get3A_1 = vector.load %arg1[%get3A, %get3A_0] : memref<1000x128xf32, #tpu.memory_space<vmem>>, vector<1000x128xf32>
    %get3A_2 = arith.constant 0 : index
    %get3A_3 = arith.constant 0 : index
    %get3A_4 = vector.load %arg2[%get3A_2, %get3A_3] : memref<128x128xf32, #tpu.memory_space<vmem>>, vector<128x128xf32>
    %sqrt3A = arith.constant 1.280000e+02 : f32
    %sqrt3A_5 = math.sqrt %sqrt3A : f32
    %div3A = arith.constant 1.000000e+00 : f32
    %div3A_6 = arith.divf %div3A, %sqrt3A_5 : f32
    %mul3A = vector.broadcast %div3A_6 : f32 to vector<128x128xf32>
    %mul3A_7 = arith.mulf %get3A_4, %mul3A : vector<128x128xf32>
    %dot_general3A = arith.constant dense<0.000000e+00> : vector<1000x128xf32>
    %dot_general3A_8 = tpu.matmul %get3A_1, %mul3A_7, %dot_general3A {dimension_numbers = #tpu.dot_dimension_numbers<[1], [0], [0], [1], [0, 0, 1, 1], [], []>, transpose_lhs_hint = false} : vector<1000x128xf32>, vector<128x128xf32>, vector<1000x128xf32> -> vector<1000x128xf32>
    %swap3A = arith.constant 0 : index
    %swap3A_9 = arith.constant 0 : index
    %swap3A_10 = vector.load %arg3[%swap3A, %swap3A_9] : memref<1000x128xf32, #tpu.memory_space<vmem>>, vector<1000x128xf32>
    tpu.vector_store %arg3[%swap3A, %swap3A_9], %dot_general3A_8 {strides = array<i32>} : memref<1000x128xf32, #tpu.memory_space<vmem>>, vector<1000x128xf32>,
    return
  }
  func.func @transform_0(%arg0: i32) -> (i32, i32) {
    %c0_i32 = arith.constant 0 : i32
    %c0_i32_0 = arith.constant 0 : i32
    return %arg0, %c0_i32 : i32, i32
  }
  func.func @transform_1(%arg0: i32) -> (i32, i32) {
    %c0_i32 = arith.constant 0 : i32
    %c0_i32_0 = arith.constant 0 : i32
    %c0_i32_1 = arith.constant 0 : i32
    return %c0_i32, %c0_i32_0 : i32, i32
  }
  func.func @transform_2(%arg0: i32) -> (i32, i32) {
    %c0_i32 = arith.constant 0 : i32
    %c0_i32_0 = arith.constant 0 : i32
    return %arg0, %c0_i32 : i32, i32
  }
}

module attributes {stable_mosaic.version = 14 : i64} {
  func.func @_combine_kernel(%arg0: i32, %arg1: memref<2x1000x128xf32, #tpu.memory_space<vmem>>, %arg2: memref<1000x128xf32, #tpu.memory_space<vmem>>, %arg3: memref<1000x128xf32, #tpu.memory_space<vmem>>) attributes {dimension_semantics = [#tpu.dimension_semantics<arbitrary>], iteration_bounds = array<i64: 10>, scalar_prefetch = 0 : i64, scratch_operands = 0 : i64, tpu.core_type = #tpu.core_type<tc>, window_params = [{transform_indices = @transform_0, window_bounds = array<i64: 2, 1000, 128>}, {transform_indices = @transform_1, window_bounds = array<i64: 1000, 128>}, {transform_indices = @transform_2, window_bounds = array<i64: 1000, 128>}]} {
    %get3A = arith.constant 0 : index
    %get3A_0 = arith.constant 0 : index
    %get3A_1 = arith.constant 0 : index
    %get3A_2 = vector.load %arg1[%get3A, %get3A_0, %get3A_1] : memref<2x1000x128xf32, #tpu.memory_space<vmem>>, vector<1x1000x128xf32>
    %get3A_3 = vector.shape_cast %get3A_2 : vector<1x1000x128xf32> to vector<1000x128xf32>
    %get3A_4 = arith.constant 1 : index
    %get3A_5 = arith.constant 0 : index
    %get3A_6 = arith.constant 0 : index
    %get3A_7 = vector.load %arg1[%get3A_4, %get3A_5, %get3A_6] : memref<2x1000x128xf32, #tpu.memory_space<vmem>>, vector<1x1000x128xf32>
    %get3A_8 = vector.shape_cast %get3A_7 : vector<1x1000x128xf32> to vector<1000x128xf32>
    %add3A = arith.addf %get3A_3, %get3A_8 : vector<1000x128xf32>
    %get3A_9 = arith.constant 0 : index
    %get3A_10 = arith.constant 0 : index
    %get3A_11 = vector.load %arg2[%get3A_9, %get3A_10] : memref<1000x128xf32, #tpu.memory_space<vmem>>, vector<1000x128xf32>
    %add3A_12 = arith.addf %add3A, %get3A_11 : vector<1000x128xf32>
    %swap3A = arith.constant 0 : index
    %swap3A_13 = arith.constant 0 : index
    %swap3A_14 = vector.load %arg3[%swap3A, %swap3A_13] : memref<1000x128xf32, #tpu.memory_space<vmem>>, vector<1000x128xf32>
    tpu.vector_store %arg3[%swap3A, %swap3A_13], %add3A_12 {strides = array<i32>} : memref<1000x128xf32, #tpu.memory_space<vmem>>, vector<1000x128xf32>,
    return
  }
  func.func @transform_0(%arg0: i32) -> (i32, i32, i32) {
    %c0_i32 = arith.constant 0 : i32
    %c0_i32_0 = arith.constant 0 : i32
    %c0_i32_1 = arith.constant 0 : i32
    return %c0_i32, %arg0, %c0_i32_0 : i32, i32, i32
  }
  func.func @transform_1(%arg0: i32) -> (i32, i32) {
    %c0_i32 = arith.constant 0 : i32
    %c0_i32_0 = arith.constant 0 : i32
    return %arg0, %c0_i32 : i32, i32
  }
  func.func @transform_2(%arg0: i32) -> (i32, i32) {
    %c0_i32 = arith.constant 0 : i32
    %c0_i32_0 = arith.constant 0 : i32
    return %arg0, %c0_i32 : i32, i32
  }
}

module attributes {stable_mosaic.version = 14 : i64} {
  func.func @_sc_term_kernel(%arg0: i32, %arg1: memref<1000x128xf32, #tpu.memory_space<vmem>>, %arg2: memref<1000x16xf32, #tpu.memory_space<vmem>>, %arg3: memref<128x16x128xf32, #tpu.memory_space<vmem>>, %arg4: memref<1000x128xf32, #tpu.memory_space<vmem>>) attributes {dimension_semantics = [#tpu.dimension_semantics<arbitrary>], iteration_bounds = array<i64: 10>, scalar_prefetch = 0 : i64, scratch_operands = 0 : i64, tpu.core_type = #tpu.core_type<tc>, window_params = [{transform_indices = @transform_0, window_bounds = array<i64: 1000, 128>}, {transform_indices = @transform_1, window_bounds = array<i64: 1000, 16>}, {pipeline_mode = #tpu.pipeline_mode<synchronous>, transform_indices = @transform_2, window_bounds = array<i64: 128, 16, 128>}, {transform_indices = @transform_3, window_bounds = array<i64: 1000, 128>}]} {
    %get3A = arith.constant 0 : index
    %get3A_0 = arith.constant 0 : index
    %get3A_1 = vector.load %arg1[%get3A, %get3A_0] : memref<1000x128xf32, #tpu.memory_space<vmem>>, vector<1000x128xf32>
    %broadcast_in_dim3A = arith.constant 0.000000e+00 : f32
    %broadcast_in_dim3A_2 = vector.broadcast %broadcast_in_dim3A : f32 to vector<1000x128xf32>
    %get3A_3 = arith.constant 0 : index
    %get3A_4 = arith.constant 0 : index
    %get3A_5 = vector.load %arg2[%get3A_3, %get3A_4] : memref<1000x16xf32, #tpu.memory_space<vmem>>, vector<1000x1xf32>
    %get3A_6 = vector.shape_cast %get3A_5 : vector<1000x1xf32> to vector<1000xf32>
    %broadcast_in_dim3A_7 = vector.shape_cast %get3A_6 : vector<1000xf32> to vector<1000x1xf32>
    %mul3A = vector.broadcast %broadcast_in_dim3A_7 : vector<1000x1xf32> to vector<1000x128xf32>
    %mul3A_8 = arith.mulf %get3A_1, %mul3A : vector<1000x128xf32>
    %get3A_9 = arith.constant 0 : index
    %get3A_10 = arith.constant 0 : index
    %get3A_11 = arith.constant 0 : index
    %get3A_12 = vector.load %arg3[%get3A_9, %get3A_10, %get3A_11] : memref<128x16x128xf32, #tpu.memory_space<vmem>>, vector<128x1x128xf32>
    %get3A_13 = vector.shape_cast %get3A_12 : vector<128x1x128xf32> to vector<128x128xf32>
    %dot_general3A = arith.constant dense<0.000000e+00> : vector<1000x128xf32>
    %dot_general3A_14 = tpu.matmul %mul3A_8, %get3A_13, %dot_general3A {dimension_numbers = #tpu.dot_dimension_numbers<[1], [0], [0], [1], [0, 0, 1, 1], [], []>, transpose_lhs_hint = false} : vector<1000x128xf32>, vector<128x128xf32>, vector<1000x128xf32> -> vector<1000x128xf32>
    %add3A = arith.addf %broadcast_in_dim3A_2, %dot_general3A_14 : vector<1000x128xf32>
    %get3A_15 = arith.constant 0 : index
    %get3A_16 = arith.constant 1 : index
    %get3A_17 = vector.load %arg2[%get3A_15, %get3A_16] : memref<1000x16xf32, #tpu.memory_space<vmem>>, vector<1000x1xf32>
    %get3A_18 = vector.shape_cast %get3A_17 : vector<1000x1xf32> to vector<1000xf32>
    %broadcast_in_dim3A_19 = vector.shape_cast %get3A_18 : vector<1000xf32> to vector<1000x1xf32>
    %mul3A_20 = vector.broadcast %broadcast_in_dim3A_19 : vector<1000x1xf32> to vector<1000x128xf32>
    %mul3A_21 = arith.mulf %get3A_1, %mul3A_20 : vector<1000x128xf32>
    %get3A_22 = arith.constant 0 : index
    %get3A_23 = arith.constant 1 : index
    %get3A_24 = arith.constant 0 : index
    %get3A_25 = vector.load %arg3[%get3A_22, %get3A_23, %get3A_24] : memref<128x16x128xf32, #tpu.memory_space<vmem>>, vector<128x1x128xf32>
    %get3A_26 = vector.shape_cast %get3A_25 : vector<128x1x128xf32> to vector<128x128xf32>
    %dot_general3A_27 = arith.constant dense<0.000000e+00> : vector<1000x128xf32>
    %dot_general3A_28 = tpu.matmul %mul3A_21, %get3A_26, %dot_general3A_27 {dimension_numbers = #tpu.dot_dimension_numbers<[1], [0], [0], [1], [0, 0, 1, 1], [], []>, transpose_lhs_hint = false} : vector<1000x128xf32>, vector<128x128xf32>, vector<1000x128xf32> -> vector<1000x128xf32>
    %add3A_29 = arith.addf %add3A, %dot_general3A_28 : vector<1000x128xf32>
    %get3A_30 = arith.constant 0 : index
    %get3A_31 = arith.constant 2 : index
    %get3A_32 = vector.load %arg2[%get3A_30, %get3A_31] : memref<1000x16xf32, #tpu.memory_space<vmem>>, vector<1000x1xf32>
    %get3A_33 = vector.shape_cast %get3A_32 : vector<1000x1xf32> to vector<1000xf32>
    %broadcast_in_dim3A_34 = vector.shape_cast %get3A_33 : vector<1000xf32> to vector<1000x1xf32>
    %mul3A_35 = vector.broadcast %broadcast_in_dim3A_34 : vector<1000x1xf32> to vector<1000x128xf32>
    %mul3A_36 = arith.mulf %get3A_1, %mul3A_35 : vector<1000x128xf32>
    %get3A_37 = arith.constant 0 : index
    %get3A_38 = arith.constant 2 : index
    %get3A_39 = arith.constant 0 : index
    %get3A_40 = vector.load %arg3[%get3A_37, %get3A_38, %get3A_39] : memref<128x16x128xf32, #tpu.memory_space<vmem>>, vector<128x1x128xf32>
    %get3A_41 = vector.shape_cast %get3A_40 : vector<128x1x128xf32> to vector<128x128xf32>
    %dot_general3A_42 = arith.constant dense<0.000000e+00> : vector<1000x128xf32>
    %dot_general3A_43 = tpu.matmul %mul3A_36, %get3A_41, %dot_general3A_42 {dimension_numbers = #tpu.dot_dimension_numbers<[1], [0], [0], [1], [0, 0, 1, 1], [], []>, transpose_lhs_hint = false} : vector<1000x128xf32>, vector<128x128xf32>, vector<1000x128xf32> -> vector<1000x128xf32>
    %add3A_44 = arith.addf %add3A_29, %dot_general3A_43 : vector<1000x128xf32>
    %get3A_45 = arith.constant 0 : index
    %get3A_46 = arith.constant 3 : index
    %get3A_47 = vector.load %arg2[%get3A_45, %get3A_46] : memref<1000x16xf32, #tpu.memory_space<vmem>>, vector<1000x1xf32>
    %get3A_48 = vector.shape_cast %get3A_47 : vector<1000x1xf32> to vector<1000xf32>
    %broadcast_in_dim3A_49 = vector.shape_cast %get3A_48 : vector<1000xf32> to vector<1000x1xf32>
    %mul3A_50 = vector.broadcast %broadcast_in_dim3A_49 : vector<1000x1xf32> to vector<1000x128xf32>
    %mul3A_51 = arith.mulf %get3A_1, %mul3A_50 : vector<1000x128xf32>
    %get3A_52 = arith.constant 0 : index
    %get3A_53 = arith.constant 3 : index
    %get3A_54 = arith.constant 0 : index
    %get3A_55 = vector.load %arg3[%get3A_52, %get3A_53, %get3A_54] : memref<128x16x128xf32, #tpu.memory_space<vmem>>, vector<128x1x128xf32>
    %get3A_56 = vector.shape_cast %get3A_55 : vector<128x1x128xf32> to vector<128x128xf32>
    %dot_general3A_57 = arith.constant dense<0.000000e+00> : vector<1000x128xf32>
    %dot_general3A_58 = tpu.matmul %mul3A_51, %get3A_56, %dot_general3A_57 {dimension_numbers = #tpu.dot_dimension_numbers<[1], [0], [0], [1], [0, 0, 1, 1], [], []>, transpose_lhs_hint = false} : vector<1000x128xf32>, vector<128x128xf32>, vector<1000x128xf32> -> vector<1000x128xf32>
    %add3A_59 = arith.addf %add3A_44, %dot_general3A_58 : vector<1000x128xf32>
    %get3A_60 = arith.constant 0 : index
    %get3A_61 = arith.constant 4 : index
    %get3A_62 = vector.load %arg2[%get3A_60, %get3A_61] : memref<1000x16xf32, #tpu.memory_space<vmem>>, vector<1000x1xf32>
    %get3A_63 = vector.shape_cast %get3A_62 : vector<1000x1xf32> to vector<1000xf32>
    %broadcast_in_dim3A_64 = vector.shape_cast %get3A_63 : vector<1000xf32> to vector<1000x1xf32>
    %mul3A_65 = vector.broadcast %broadcast_in_dim3A_64 : vector<1000x1xf32> to vector<1000x128xf32>
    %mul3A_66 = arith.mulf %get3A_1, %mul3A_65 : vector<1000x128xf32>
    %get3A_67 = arith.constant 0 : index
    %get3A_68 = arith.constant 4 : index
    %get3A_69 = arith.constant 0 : index
    %get3A_70 = vector.load %arg3[%get3A_67, %get3A_68, %get3A_69] : memref<128x16x128xf32, #tpu.memory_space<vmem>>, vector<128x1x128xf32>
    %get3A_71 = vector.shape_cast %get3A_70 : vector<128x1x128xf32> to vector<128x128xf32>
    %dot_general3A_72 = arith.constant dense<0.000000e+00> : vector<1000x128xf32>
    %dot_general3A_73 = tpu.matmul %mul3A_66, %get3A_71, %dot_general3A_72 {dimension_numbers = #tpu.dot_dimension_numbers<[1], [0], [0], [1], [0, 0, 1, 1], [], []>, transpose_lhs_hint = false} : vector<1000x128xf32>, vector<128x128xf32>, vector<1000x128xf32> -> vector<1000x128xf32>
    %add3A_74 = arith.addf %add3A_59, %dot_general3A_73 : vector<1000x128xf32>
    %get3A_75 = arith.constant 0 : index
    %get3A_76 = arith.constant 5 : index
    %get3A_77 = vector.load %arg2[%get3A_75, %get3A_76] : memref<1000x16xf32, #tpu.memory_space<vmem>>, vector<1000x1xf32>
    %get3A_78 = vector.shape_cast %get3A_77 : vector<1000x1xf32> to vector<1000xf32>
    %broadcast_in_dim3A_79 = vector.shape_cast %get3A_78 : vector<1000xf32> to vector<1000x1xf32>
    %mul3A_80 = vector.broadcast %broadcast_in_dim3A_79 : vector<1000x1xf32> to vector<1000x128xf32>
    %mul3A_81 = arith.mulf %get3A_1, %mul3A_80 : vector<1000x128xf32>
    %get3A_82 = arith.constant 0 : index
    %get3A_83 = arith.constant 5 : index
    %get3A_84 = arith.constant 0 : index
    %get3A_85 = vector.load %arg3[%get3A_82, %get3A_83, %get3A_84] : memref<128x16x128xf32, #tpu.memory_space<vmem>>, vector<128x1x128xf32>
    %get3A_86 = vector.shape_cast %get3A_85 : vector<128x1x128xf32> to vector<128x128xf32>
    %dot_general3A_87 = arith.constant dense<0.000000e+00> : vector<1000x128xf32>
    %dot_general3A_88 = tpu.matmul %mul3A_81, %get3A_86, %dot_general3A_87 {dimension_numbers = #tpu.dot_dimension_numbers<[1], [0], [0], [1], [0, 0, 1, 1], [], []>, transpose_lhs_hint = false} : vector<1000x128xf32>, vector<128x128xf32>, vector<1000x128xf32> -> vector<1000x128xf32>
    %add3A_89 = arith.addf %add3A_74, %dot_general3A_88 : vector<1000x128xf32>
    %get3A_90 = arith.constant 0 : index
    %get3A_91 = arith.constant 6 : index
    %get3A_92 = vector.load %arg2[%get3A_90, %get3A_91] : memref<1000x16xf32, #tpu.memory_space<vmem>>, vector<1000x1xf32>
    %get3A_93 = vector.shape_cast %get3A_92 : vector<1000x1xf32> to vector<1000xf32>
    %broadcast_in_dim3A_94 = vector.shape_cast %get3A_93 : vector<1000xf32> to vector<1000x1xf32>
    %mul3A_95 = vector.broadcast %broadcast_in_dim3A_94 : vector<1000x1xf32> to vector<1000x128xf32>
    %mul3A_96 = arith.mulf %get3A_1, %mul3A_95 : vector<1000x128xf32>
    %get3A_97 = arith.constant 0 : index
    %get3A_98 = arith.constant 6 : index
    %get3A_99 = arith.constant 0 : index
    %get3A_100 = vector.load %arg3[%get3A_97, %get3A_98, %get3A_99] : memref<128x16x128xf32, #tpu.memory_space<vmem>>, vector<128x1x128xf32>
    %get3A_101 = vector.shape_cast %get3A_100 : vector<128x1x128xf32> to vector<128x128xf32>
    %dot_general3A_102 = arith.constant dense<0.000000e+00> : vector<1000x128xf32>
    %dot_general3A_103 = tpu.matmul %mul3A_96, %get3A_101, %dot_general3A_102 {dimension_numbers = #tpu.dot_dimension_numbers<[1], [0], [0], [1], [0, 0, 1, 1], [], []>, transpose_lhs_hint = false} : vector<1000x128xf32>, vector<128x128xf32>, vector<1000x128xf32> -> vector<1000x128xf32>
    %add3A_104 = arith.addf %add3A_89, %dot_general3A_103 : vector<1000x128xf32>
    %get3A_105 = arith.constant 0 : index
    %get3A_106 = arith.constant 7 : index
    %get3A_107 = vector.load %arg2[%get3A_105, %get3A_106] : memref<1000x16xf32, #tpu.memory_space<vmem>>, vector<1000x1xf32>
    %get3A_108 = vector.shape_cast %get3A_107 : vector<1000x1xf32> to vector<1000xf32>
    %broadcast_in_dim3A_109 = vector.shape_cast %get3A_108 : vector<1000xf32> to vector<1000x1xf32>
    %mul3A_110 = vector.broadcast %broadcast_in_dim3A_109 : vector<1000x1xf32> to vector<1000x128xf32>
    %mul3A_111 = arith.mulf %get3A_1, %mul3A_110 : vector<1000x128xf32>
    %get3A_112 = arith.constant 0 : index
    %get3A_113 = arith.constant 7 : index
    %get3A_114 = arith.constant 0 : index
    %get3A_115 = vector.load %arg3[%get3A_112, %get3A_113, %get3A_114] : memref<128x16x128xf32, #tpu.memory_space<vmem>>, vector<128x1x128xf32>
    %get3A_116 = vector.shape_cast %get3A_115 : vector<128x1x128xf32> to vector<128x128xf32>
    %dot_general3A_117 = arith.constant dense<0.000000e+00> : vector<1000x128xf32>
    %dot_general3A_118 = tpu.matmul %mul3A_111, %get3A_116, %dot_general3A_117 {dimension_numbers = #tpu.dot_dimension_numbers<[1], [0], [0], [1], [0, 0, 1, 1], [], []>, transpose_lhs_hint = false} : vector<1000x128xf32>, vector<128x128xf32>, vector<1000x128xf32> -> vector<1000x128xf32>
    %add3A_119 = arith.addf %add3A_104, %dot_general3A_118 : vector<1000x128xf32>
    %get3A_120 = arith.constant 0 : index
    %get3A_121 = arith.constant 8 : index
    %get3A_122 = vector.load %arg2[%get3A_120, %get3A_121] : memref<1000x16xf32, #tpu.memory_space<vmem>>, vector<1000x1xf32>
    %get3A_123 = vector.shape_cast %get3A_122 : vector<1000x1xf32> to vector<1000xf32>
    %broadcast_in_dim3A_124 = vector.shape_cast %get3A_123 : vector<1000xf32> to vector<1000x1xf32>
    %mul3A_125 = vector.broadcast %broadcast_in_dim3A_124 : vector<1000x1xf32> to vector<1000x128xf32>
    %mul3A_126 = arith.mulf %get3A_1, %mul3A_125 : vector<1000x128xf32>
    %get3A_127 = arith.constant 0 : index
    %get3A_128 = arith.constant 8 : index
    %get3A_129 = arith.constant 0 : index
    %get3A_130 = vector.load %arg3[%get3A_127, %get3A_128, %get3A_129] : memref<128x16x128xf32, #tpu.memory_space<vmem>>, vector<128x1x128xf32>
    %get3A_131 = vector.shape_cast %get3A_130 : vector<128x1x128xf32> to vector<128x128xf32>
    %dot_general3A_132 = arith.constant dense<0.000000e+00> : vector<1000x128xf32>
    %dot_general3A_133 = tpu.matmul %mul3A_126, %get3A_131, %dot_general3A_132 {dimension_numbers = #tpu.dot_dimension_numbers<[1], [0], [0], [1], [0, 0, 1, 1], [], []>, transpose_lhs_hint = false} : vector<1000x128xf32>, vector<128x128xf32>, vector<1000x128xf32> -> vector<1000x128xf32>
    %add3A_134 = arith.addf %add3A_119, %dot_general3A_133 : vector<1000x128xf32>
    %get3A_135 = arith.constant 0 : index
    %get3A_136 = arith.constant 9 : index
    %get3A_137 = vector.load %arg2[%get3A_135, %get3A_136] : memref<1000x16xf32, #tpu.memory_space<vmem>>, vector<1000x1xf32>
    %get3A_138 = vector.shape_cast %get3A_137 : vector<1000x1xf32> to vector<1000xf32>
    %broadcast_in_dim3A_139 = vector.shape_cast %get3A_138 : vector<1000xf32> to vector<1000x1xf32>
    %mul3A_140 = vector.broadcast %broadcast_in_dim3A_139 : vector<1000x1xf32> to vector<1000x128xf32>
    %mul3A_141 = arith.mulf %get3A_1, %mul3A_140 : vector<1000x128xf32>
    %get3A_142 = arith.constant 0 : index
    %get3A_143 = arith.constant 9 : index
    %get3A_144 = arith.constant 0 : index
    %get3A_145 = vector.load %arg3[%get3A_142, %get3A_143, %get3A_144] : memref<128x16x128xf32, #tpu.memory_space<vmem>>, vector<128x1x128xf32>
    %get3A_146 = vector.shape_cast %get3A_145 : vector<128x1x128xf32> to vector<128x128xf32>
    %dot_general3A_147 = arith.constant dense<0.000000e+00> : vector<1000x128xf32>
    %dot_general3A_148 = tpu.matmul %mul3A_141, %get3A_146, %dot_general3A_147 {dimension_numbers = #tpu.dot_dimension_numbers<[1], [0], [0], [1], [0, 0, 1, 1], [], []>, transpose_lhs_hint = false} : vector<1000x128xf32>, vector<128x128xf32>, vector<1000x128xf32> -> vector<1000x128xf32>
    %add3A_149 = arith.addf %add3A_134, %dot_general3A_148 : vector<1000x128xf32>
    %get3A_150 = arith.constant 0 : index
    %get3A_151 = arith.constant 10 : index
    %get3A_152 = vector.load %arg2[%get3A_150, %get3A_151] : memref<1000x16xf32, #tpu.memory_space<vmem>>, vector<1000x1xf32>
    %get3A_153 = vector.shape_cast %get3A_152 : vector<1000x1xf32> to vector<1000xf32>
    %broadcast_in_dim3A_154 = vector.shape_cast %get3A_153 : vector<1000xf32> to vector<1000x1xf32>
    %mul3A_155 = vector.broadcast %broadcast_in_dim3A_154 : vector<1000x1xf32> to vector<1000x128xf32>
    %mul3A_156 = arith.mulf %get3A_1, %mul3A_155 : vector<1000x128xf32>
    %get3A_157 = arith.constant 0 : index
    %get3A_158 = arith.constant 10 : index
    %get3A_159 = arith.constant 0 : index
    %get3A_160 = vector.load %arg3[%get3A_157, %get3A_158, %get3A_159] : memref<128x16x128xf32, #tpu.memory_space<vmem>>, vector<128x1x128xf32>
    %get3A_161 = vector.shape_cast %get3A_160 : vector<128x1x128xf32> to vector<128x128xf32>
    %dot_general3A_162 = arith.constant dense<0.000000e+00> : vector<1000x128xf32>
    %dot_general3A_163 = tpu.matmul %mul3A_156, %get3A_161, %dot_general3A_162 {dimension_numbers = #tpu.dot_dimension_numbers<[1], [0], [0], [1], [0, 0, 1, 1], [], []>, transpose_lhs_hint = false} : vector<1000x128xf32>, vector<128x128xf32>, vector<1000x128xf32> -> vector<1000x128xf32>
    %add3A_164 = arith.addf %add3A_149, %dot_general3A_163 : vector<1000x128xf32>
    %get3A_165 = arith.constant 0 : index
    %get3A_166 = arith.constant 11 : index
    %get3A_167 = vector.load %arg2[%get3A_165, %get3A_166] : memref<1000x16xf32, #tpu.memory_space<vmem>>, vector<1000x1xf32>
    %get3A_168 = vector.shape_cast %get3A_167 : vector<1000x1xf32> to vector<1000xf32>
    %broadcast_in_dim3A_169 = vector.shape_cast %get3A_168 : vector<1000xf32> to vector<1000x1xf32>
    %mul3A_170 = vector.broadcast %broadcast_in_dim3A_169 : vector<1000x1xf32> to vector<1000x128xf32>
    %mul3A_171 = arith.mulf %get3A_1, %mul3A_170 : vector<1000x128xf32>
    %get3A_172 = arith.constant 0 : index
    %get3A_173 = arith.constant 11 : index
    %get3A_174 = arith.constant 0 : index
    %get3A_175 = vector.load %arg3[%get3A_172, %get3A_173, %get3A_174] : memref<128x16x128xf32, #tpu.memory_space<vmem>>, vector<128x1x128xf32>
    %get3A_176 = vector.shape_cast %get3A_175 : vector<128x1x128xf32> to vector<128x128xf32>
    %dot_general3A_177 = arith.constant dense<0.000000e+00> : vector<1000x128xf32>
    %dot_general3A_178 = tpu.matmul %mul3A_171, %get3A_176, %dot_general3A_177 {dimension_numbers = #tpu.dot_dimension_numbers<[1], [0], [0], [1], [0, 0, 1, 1], [], []>, transpose_lhs_hint = false} : vector<1000x128xf32>, vector<128x128xf32>, vector<1000x128xf32> -> vector<1000x128xf32>
    %add3A_179 = arith.addf %add3A_164, %dot_general3A_178 : vector<1000x128xf32>
    %get3A_180 = arith.constant 0 : index
    %get3A_181 = arith.constant 12 : index
    %get3A_182 = vector.load %arg2[%get3A_180, %get3A_181] : memref<1000x16xf32, #tpu.memory_space<vmem>>, vector<1000x1xf32>
    %get3A_183 = vector.shape_cast %get3A_182 : vector<1000x1xf32> to vector<1000xf32>
    %broadcast_in_dim3A_184 = vector.shape_cast %get3A_183 : vector<1000xf32> to vector<1000x1xf32>
    %mul3A_185 = vector.broadcast %broadcast_in_dim3A_184 : vector<1000x1xf32> to vector<1000x128xf32>
    %mul3A_186 = arith.mulf %get3A_1, %mul3A_185 : vector<1000x128xf32>
    %get3A_187 = arith.constant 0 : index
    %get3A_188 = arith.constant 12 : index
    %get3A_189 = arith.constant 0 : index
    %get3A_190 = vector.load %arg3[%get3A_187, %get3A_188, %get3A_189] : memref<128x16x128xf32, #tpu.memory_space<vmem>>, vector<128x1x128xf32>
    %get3A_191 = vector.shape_cast %get3A_190 : vector<128x1x128xf32> to vector<128x128xf32>
    %dot_general3A_192 = arith.constant dense<0.000000e+00> : vector<1000x128xf32>
    %dot_general3A_193 = tpu.matmul %mul3A_186, %get3A_191, %dot_general3A_192 {dimension_numbers = #tpu.dot_dimension_numbers<[1], [0], [0], [1], [0, 0, 1, 1], [], []>, transpose_lhs_hint = false} : vector<1000x128xf32>, vector<128x128xf32>, vector<1000x128xf32> -> vector<1000x128xf32>
    %add3A_194 = arith.addf %add3A_179, %dot_general3A_193 : vector<1000x128xf32>
    %get3A_195 = arith.constant 0 : index
    %get3A_196 = arith.constant 13 : index
    %get3A_197 = vector.load %arg2[%get3A_195, %get3A_196] : memref<1000x16xf32, #tpu.memory_space<vmem>>, vector<1000x1xf32>
    %get3A_198 = vector.shape_cast %get3A_197 : vector<1000x1xf32> to vector<1000xf32>
    %broadcast_in_dim3A_199 = vector.shape_cast %get3A_198 : vector<1000xf32> to vector<1000x1xf32>
    %mul3A_200 = vector.broadcast %broadcast_in_dim3A_199 : vector<1000x1xf32> to vector<1000x128xf32>
    %mul3A_201 = arith.mulf %get3A_1, %mul3A_200 : vector<1000x128xf32>
    %get3A_202 = arith.constant 0 : index
    %get3A_203 = arith.constant 13 : index
    %get3A_204 = arith.constant 0 : index
    %get3A_205 = vector.load %arg3[%get3A_202, %get3A_203, %get3A_204] : memref<128x16x128xf32, #tpu.memory_space<vmem>>, vector<128x1x128xf32>
    %get3A_206 = vector.shape_cast %get3A_205 : vector<128x1x128xf32> to vector<128x128xf32>
    %dot_general3A_207 = arith.constant dense<0.000000e+00> : vector<1000x128xf32>
    %dot_general3A_208 = tpu.matmul %mul3A_201, %get3A_206, %dot_general3A_207 {dimension_numbers = #tpu.dot_dimension_numbers<[1], [0], [0], [1], [0, 0, 1, 1], [], []>, transpose_lhs_hint = false} : vector<1000x128xf32>, vector<128x128xf32>, vector<1000x128xf32> -> vector<1000x128xf32>
    %add3A_209 = arith.addf %add3A_194, %dot_general3A_208 : vector<1000x128xf32>
    %get3A_210 = arith.constant 0 : index
    %get3A_211 = arith.constant 14 : index
    %get3A_212 = vector.load %arg2[%get3A_210, %get3A_211] : memref<1000x16xf32, #tpu.memory_space<vmem>>, vector<1000x1xf32>
    %get3A_213 = vector.shape_cast %get3A_212 : vector<1000x1xf32> to vector<1000xf32>
    %broadcast_in_dim3A_214 = vector.shape_cast %get3A_213 : vector<1000xf32> to vector<1000x1xf32>
    %mul3A_215 = vector.broadcast %broadcast_in_dim3A_214 : vector<1000x1xf32> to vector<1000x128xf32>
    %mul3A_216 = arith.mulf %get3A_1, %mul3A_215 : vector<1000x128xf32>
    %get3A_217 = arith.constant 0 : index
    %get3A_218 = arith.constant 14 : index
    %get3A_219 = arith.constant 0 : index
    %get3A_220 = vector.load %arg3[%get3A_217, %get3A_218, %get3A_219] : memref<128x16x128xf32, #tpu.memory_space<vmem>>, vector<128x1x128xf32>
    %get3A_221 = vector.shape_cast %get3A_220 : vector<128x1x128xf32> to vector<128x128xf32>
    %dot_general3A_222 = arith.constant dense<0.000000e+00> : vector<1000x128xf32>
    %dot_general3A_223 = tpu.matmul %mul3A_216, %get3A_221, %dot_general3A_222 {dimension_numbers = #tpu.dot_dimension_numbers<[1], [0], [0], [1], [0, 0, 1, 1], [], []>, transpose_lhs_hint = false} : vector<1000x128xf32>, vector<128x128xf32>, vector<1000x128xf32> -> vector<1000x128xf32>
    %add3A_224 = arith.addf %add3A_209, %dot_general3A_223 : vector<1000x128xf32>
    %get3A_225 = arith.constant 0 : index
    %get3A_226 = arith.constant 15 : index
    %get3A_227 = vector.load %arg2[%get3A_225, %get3A_226] : memref<1000x16xf32, #tpu.memory_space<vmem>>, vector<1000x1xf32>
    %get3A_228 = vector.shape_cast %get3A_227 : vector<1000x1xf32> to vector<1000xf32>
    %broadcast_in_dim3A_229 = vector.shape_cast %get3A_228 : vector<1000xf32> to vector<1000x1xf32>
    %mul3A_230 = vector.broadcast %broadcast_in_dim3A_229 : vector<1000x1xf32> to vector<1000x128xf32>
    %mul3A_231 = arith.mulf %get3A_1, %mul3A_230 : vector<1000x128xf32>
    %get3A_232 = arith.constant 0 : index
    %get3A_233 = arith.constant 15 : index
    %get3A_234 = arith.constant 0 : index
    %get3A_235 = vector.load %arg3[%get3A_232, %get3A_233, %get3A_234] : memref<128x16x128xf32, #tpu.memory_space<vmem>>, vector<128x1x128xf32>
    %get3A_236 = vector.shape_cast %get3A_235 : vector<128x1x128xf32> to vector<128x128xf32>
    %dot_general3A_237 = arith.constant dense<0.000000e+00> : vector<1000x128xf32>
    %dot_general3A_238 = tpu.matmul %mul3A_231, %get3A_236, %dot_general3A_237 {dimension_numbers = #tpu.dot_dimension_numbers<[1], [0], [0], [1], [0, 0, 1, 1], [], []>, transpose_lhs_hint = false} : vector<1000x128xf32>, vector<128x128xf32>, vector<1000x128xf32> -> vector<1000x128xf32>
    %add3A_239 = arith.addf %add3A_224, %dot_general3A_238 : vector<1000x128xf32>
    %sqrt3A = arith.constant 2.048000e+03 : f32
    %sqrt3A_240 = math.sqrt %sqrt3A : f32
    %div3A = arith.constant 1.000000e+00 : f32
    %div3A_241 = arith.divf %div3A, %sqrt3A_240 : f32
    %mul3A_242 = vector.broadcast %div3A_241 : f32 to vector<1000x128xf32>
    %mul3A_243 = arith.mulf %add3A_239, %mul3A_242 : vector<1000x128xf32>
    %swap3A = arith.constant 0 : index
    %swap3A_244 = arith.constant 0 : index
    %swap3A_245 = vector.load %arg4[%swap3A, %swap3A_244] : memref<1000x128xf32, #tpu.memory_space<vmem>>, vector<1000x128xf32>
    tpu.vector_store %arg4[%swap3A, %swap3A_244], %mul3A_243 {strides = array<i32>} : memref<1000x128xf32, #tpu.memory_space<vmem>>, vector<1000x128xf32>,
    return
  }
  func.func @transform_0(%arg0: i32) -> (i32, i32) {
    %c0_i32 = arith.constant 0 : i32
    %c0_i32_0 = arith.constant 0 : i32
    return %arg0, %c0_i32 : i32, i32
  }
  func.func @transform_1(%arg0: i32) -> (i32, i32) {
    %c0_i32 = arith.constant 0 : i32
    %c0_i32_0 = arith.constant 0 : i32
    return %arg0, %c0_i32 : i32, i32
  }
  func.func @transform_2(%arg0: i32) -> (i32, i32, i32) {
    %c0_i32 = arith.constant 0 : i32
    %c0_i32_0 = arith.constant 0 : i32
    %c0_i32_1 = arith.constant 0 : i32
    %c0_i32_2 = arith.constant 0 : i32
    return %c0_i32, %c0_i32_0, %c0_i32_1 : i32, i32, i32
  }
  func.func @transform_3(%arg0: i32) -> (i32, i32) {
    %c0_i32 = arith.constant 0 : i32
    %c0_i32_0 = arith.constant 0 : i32
    return %arg0, %c0_i32 : i32, i32
  }
}

</mosaic_0001>

<sc_bundles>
// kernel: kernel.8.cloned.1.call-start
scs
__scs_entry_jumppad:
0x0: {  	(pc) =	sbr.rel $0x88, $3  }
0x1: {  	(tag) =	ssettag $0x0;
	lr =	simm.s32 $0x1  }
0x2: {  	[smem:$0x3F98] =	sst lr;
	_ =	strace $0xD0000000  }
0x3: {  	_ = 	snop  }
0x4: {  	_ = 	snop  }
0x5: {  	_ = 	snop  }
0x6: {  	_ = 	snop  }
0x7: {  	_ = 	snop  }
__scs_overlays_trampoline_lowered:
0x8: {  	[smem:$0x3FA7] =	sst s0  }
0x9: {  	[smem:$0x3FA8] =	sst s1  }
0xa: {  	[smem:$0x3FA9] =	sst s2  }
0xb: {  	[smem:$0x3FAA] =	sst s3  }
0xc: {  	[smem:$0x3FAB] =	sst s4  }
0xd: {  	[smem:$0x3FAC] =	sst s5  }
0xe: {  	[smem:$0x3FAD] =	sst s6  }
0xf: {  	[smem:$0x3FAE] =	sst s7  }
0x10: {  	[smem:$0x3FAF] =	sst s8  }
0x11: {  	[smem:$0x3FB0] =	sst s9;
	s0 =	simm.s32 @!p0 $0x0  }
0x12: {  	s1 =	sld [smem:$0x3F96];
	s0 =	simm.s32 @p0 $0x1  }
0x13: {  	[smem:$0x3FB1] =	sst s0;
	s0 =	simm.s32 @!p1 $0x0  }
0x14: {  	s2 =	sld [smem:$0x3F95];
	s0 =	simm.s32 @p1 $0x1  }
0x15: {  	[smem:$0x3FB2] =	sst s0;
	s0 =	simm.s32 @!p2 $0x0  }
0x16: {  	s3 =	sld [smem:$0x3FDB];
	s0 =	simm.s32 @p2 $0x1  }
0x17: {  	s4 =	simm.s32 $0x1BF5;
	[smem:$0x3FB4] =	sst s0  }
0x18: {  	s0 =	sld [smem:$0x3F97];
	_ =	swait.ge [sflag:s4], $0x0  }
0x19: {  	s7 =	sld [smem:$0x3F98]  }
0x1a: {  	s8 =	sadd.s32 $0xFFFFE003, lr  }
0x1b: {  	s9 =	sadd.s32 $0xFFFFFEF7, lr;
	s5 =	simm.s32 $0xFFFFFFFF;
	p2 =	slt.u32 s8, $0xFFFFF086  }
0x1c: {  	p1 =	slt.u32 s9, $0xF7A;
	s5 =	simm.s32 @!p2 $0x0  }
0x1d: {  	s5 =	simm.s32 @p1 $0x1;
	p0 =	seq.s32 s7, s2  }
0x1e: {  	s7 =	smul.u32 @!p0 $0xF7A, s2;
	p2 =	seq.s32 @!p0 s5, $0x0  }
0x1f: {  	s9 =	smul.u32 $0xF7A, s1;
	s8 =	simm.s32 @!p0 $0x1BF5;
	p2 =	por !p2, p0  }
0x20: {  	[sflag:s8] =	ssyncset.s32 @!p0 $0xFFFFF086;
	s6 =	sadd.s32 @!p0 s3, s7;
	s7 =	simm.s32 @!p0 $0x108  }
0x21: {  	s3 =	sadd.s32 s3, s9;
	s6 =	sadd.s32 @!p0 $0x88, s6;
	s7 =	simm.s32 @p2 $0x1082  }
0x22: {  	[simem:s7], [sflag:s8] =	dma.local @!p0 [hbm:s6], $0xF7A  }
0x23: {  	s9 =	sor.u32 $0xD0000000, s2;
	s6 =	simm.s32 $0x108;
	_ =	swait.ge @!p0 [sflag:s8], $0x0  }
0x24: {  	s3 =	sadd.s32 $0x88, s3;
	s6 =	simm.s32 @!p1 $0x1082;
	[sflag:s4] =	ssyncset.s32 $0xFFFFF086  }
0x25: {  	[simem:s6], [sflag:s4] =	dma.local [hbm:s3], $0xF7A  }
0x26: {  	[smem:$0x3F98] =	sst s1;
	(tag) =	ssettag s2;
	_ =	strace s9  }
0x27: {  	s1 =	sld [smem:$0x3FA8]  }
0x28: {  	s2 =	sld [smem:$0x3FA9]  }
0x29: {  	s4 =	sld [smem:$0x3FAB]  }
0x2a: {  	p0 =	seq.s32 s5, $0x0;
	s5 =	sld [smem:$0x3FAC]  }
0x2b: {  	s6 =	sld [smem:$0x3FAD]  }
0x2c: {  	s7 =	sld [smem:$0x3FAE]  }
0x2d: {  	s3 =	simm.s32 $0x108;
	s8 =	sld [smem:$0x3FAF]  }
0x2e: {  	s3 =	simm.s32 @!p0 $0x1082;
	s9 =	sld [smem:$0x3FB0]  }
0x2f: {  	lr =	sadd.s32 s0, s3;
	s0 =	sld [smem:$0x3FA7]  }
0x30: {  	s3 =	sld [smem:$0x3FAA]  }
0x31: {  	[smem:$0x3FB3] =	sst s10  }
0x32: {  	s10 =	sld [smem:$0x3FB1];
	_ =	sdelay $0x3  }
0x33: {  	p0 =	seq.s32 s10, $0x1;
	s10 =	sld [smem:$0x3FB3];
	_ =	sdelay $0x3  }
0x34: {  	[smem:$0x3FB3] =	sst s10  }
0x35: {  	s10 =	sld [smem:$0x3FB2];
	_ =	sdelay $0x3  }
0x36: {  	p1 =	seq.s32 s10, $0x1;
	s10 =	sld [smem:$0x3FB3];
	_ =	sdelay $0x3  }
0x37: {  	[smem:$0x3FB3] =	sst s10  }
0x38: {  	s10 =	sld [smem:$0x3FB4]  }
0x39: {  	_ = 	snop;
	(pc) =	sbr.ind lr, $3  }
0x3a: {  	_ = 	snop  }
0x3b: {  	_ = 	snop  }
0x3c: {  	p2 =	seq.s32 s10, $0x1;
	s10 =	sld [smem:$0x3FB3]  }
0x3d: {  	_ =	shalt  }
0x3e: {  	_ =	shalt  }
0x3f: {  	_ =	shalt  }
0x40: {  	_ =	shalt  }
0x41: {  	_ =	shalt  }
0x42: {  	_ =	shalt  }
0x43: {  	_ =	shalt  }
0x44: {  	_ =	shalt  }
0x45: {  	_ =	shalt  }
0x46: {  	_ =	shalt  }
0x47: {  	_ =	shalt  }
0x48: {  	_ =	shalt  }
0x49: {  	_ =	shalt  }
0x4a: {  	_ =	shalt  }
0x4b: {  	_ =	shalt  }
0x4c: {  	_ =	shalt  }
0x4d: {  	_ =	shalt  }
0x4e: {  	_ =	shalt  }
0x4f: {  	_ =	shalt  }
0x50: {  	_ =	shalt  }
0x51: {  	_ =	shalt  }
0x52: {  	_ =	shalt  }
0x53: {  	_ =	shalt  }
0x54: {  	_ =	shalt  }
0x55: {  	_ =	shalt  }
0x56: {  	_ =	shalt  }
0x57: {  	_ =	shalt  }
0x58: {  	_ =	shalt  }
0x59: {  	_ =	shalt  }
0x5a: {  	_ =	shalt  }
0x5b: {  	_ =	shalt  }
0x5c: {  	_ =	shalt  }
0x5d: {  	_ =	shalt  }
0x5e: {  	_ =	shalt  }
0x5f: {  	_ =	shalt  }
0x60: {  	_ =	shalt  }
0x61: {  	_ =	shalt  }
0x62: {  	_ =	shalt  }
0x63: {  	_ =	shalt  }
0x64: {  	_ =	shalt  }
0x65: {  	_ =	shalt  }
0x66: {  	_ =	shalt  }
0x67: {  	_ =	shalt  }
0x68: {  	_ =	shalt  }
0x69: {  	_ =	shalt  }
0x6a: {  	_ =	shalt  }
0x6b: {  	_ =	shalt  }
0x6c: {  	_ =	shalt  }
0x6d: {  	_ =	shalt  }
0x6e: {  	_ =	shalt  }
0x6f: {  	_ =	shalt  }
0x70: {  	_ =	shalt  }
0x71: {  	_ =	shalt  }
0x72: {  	_ =	shalt  }
0x73: {  	_ =	shalt  }
0x74: {  	_ =	shalt  }
0x75: {  	_ =	shalt  }
0x76: {  	_ =	shalt  }
0x77: {  	_ =	shalt  }
0x78: {  	_ =	shalt  }
0x79: {  	_ =	shalt  }
0x7a: {  	_ =	shalt  }
0x7b: {  	_ =	shalt  }
0x7c: {  	_ =	shalt  }
0x7d: {  	_ =	shalt  }
0x7e: {  	_ =	shalt  }
0x7f: {  	_ =	shalt  }
0x80: {  	_ =	shalt  }
0x81: {  	_ =	shalt  }
0x82: {  	_ =	shalt  }
0x83: {  	_ =	shalt  }
0x84: {  	_ =	shalt  }
0x85: {  	_ =	shalt  }
0x86: {  	_ =	shalt  }
0x87: {  	_ =	shalt  }
.Lfunc_end0:
.L_simem_size_0:
called_computation_lowered:
.L_overlay_start_0:
0x88: {  	s2 =	sld [smem:$0x3FD9]  }
0x89: {  	s3 =	sld [smem:$0x3FFE];
	_ =	sdelay $0x1  }
0x8a: {  	s1 =	srdreg.scid  }
0x8b: {  	s0 =	sand.u32 $0x1, s1  }
0x8c: {  	s17 =	sshll.u32 s0, $0xA;
	s2 =	sadd.s32 s3, s2  }
0x8d: {  	s2 =	sadd.s32 s2, s17  }
0x8e: {  	[smem:$0x3FBF] =	sst s2  }
0x8f: {  	_ = 	snop  }
0x90: {  	s2 =	sld [smem:$0x3FD0];
	(tm) =	ssettm $0x1  }
0x91: {  	s18 =	sld [smem:$0x3FFB];
	_ =	sdelay $0x3  }
0x92: {  	_ =	strace s18  }
0x93: {  	s3 =	sld [smem:$0x3FFC];
	_ =	sdelay $0x3  }
0x94: {  	_ =	strace s3  }
0x95: {  	s3 =	sld [smem:$0x3FFD];
	_ =	sdelay $0x3  }
0x96: {  	_ =	strace s3  }
0x97: {  	_ =	strace $0x8FFFFFFF  }
0x98: {  	s19 =	sld [smem:$0x3FDB];
	_ =	sdelay $0x1  }
0x99: {  	s4 =	simm.s32 $_scs_section_size  }
0x9a: {  	s5 =	simm.s32 $_size__tile_overlayer_lowered;
	s6 =	simm.s32 $_tile_overlayer_lowered  }
0x9b: {  	s22 =	simm.s32 $0x1BFF;
	s21 =	sshll.u32 s6, $0x1;
	s3 =	sadd.s32 s4, s19  }
0x9c: {  	s7 =	simm.s32 $0x0;
	s20 =	sshll.u32 s5, $0x1;
	s5 =	sadd.s32 s21, s3  }
0x9d: {  	[timem:s7], [sflag:s22] =	dma.local [hbm:s5], s20  }
0x9e: {  	_ =	swait.ge [sflag:s22], s20  }
0x9f: {  	s4 =	ssub.s32 $0x0, s20;
	[sflag:s22] =	ssyncset.done $0x0  }
0xa0: {  	[sflag:s22] =	ssyncadd.s32 s4;
	_ =	sdelay $0x1  }
0xa1: {  	s23 =	simm.s32 $0x1B8B  }
0xa2: {  	_ =	swait.ge [sflag:s23], $0x1  }
0xa3: {  	[sflag:s23] =	ssyncset.done $0x0  }
0xa4: {  	s25 =	simm.s32 $0x1B8E;
	s24 =	sld [smem:$0x3FFE];
	[sflag:s23] =	ssyncadd.s32 $0xFFFFFFFF  }
0xa5: {  	s26 =	simm.s32 $execute0_lowered;
	[smem:$0x3FD2] =	sst s25  }
0xa6: {  	s5 =	sshll.u32 s26, $0x1;
	_ =	strace $0x80000046;
	[dreg:$0x1] =	wrdreg $0xFFFFFFFF  }
0xa7: {  	s28 =	simm.s32 $_size_execute0_lowered;
	s3 =	sadd.s32 s3, s5;
	[dreg:$0x0] =	wrdreg $0x0  }
0xa8: {  	s5 =	sshll.u32 s28, $0x1;
	[dreg:$0x2] =	wrdreg s3  }
0xa9: {  	[dreg:$0x3] =	wrdreg s5  }
0xaa: {  	[dreg:$0x4] =	wrdreg $0xC0  }
0xab: {  	_ =	task [dreg:s7], $0x5FFFF  }
0xac: {  	[dreg:$0x1] =	wrdreg $0xFFFFFFFF  }
0xad: {  	[dreg:$0x0] =	wrdreg $0x60  }
0xae: {  	[dreg:$0x2] =	wrdreg s2  }
0xaf: {  	[dreg:$0x3] =	wrdreg s24  }
0xb0: {  	[dreg:$0x4] =	wrdreg $0x0  }
0xb1: {  	[dreg:$0x5] =	wrdreg $0x9  }
0xb2: {  	_ =	task.clear_ibuf [dreg:s7], $0x6FFFF;
	_ =	strace $0x90000046  }
0xb3: {  	s29 =	simm.s32 $0x9;
	_ =	strace $0x80000048  }
0xb4: {  	_ =	swait.ge [sflag:s29], $0x1  }
0xb5: {  	[sflag:s29] =	ssyncadd.s32 $0xFFFFFFFF  }
0xb6: {  	_ =	strace $0x90000048  }
0xb7: {  	_ =	sfence  }
0xb8: {  	s30 =	sld [smem:$0x0];
	_ =	sdelay $0x2  }
0xb9: {  	s31 =	sshll.u32 s1, $0xD;
	s1 =	sshrl.u32 s1, $0x2  }
0xba: {  	s3 =	sand.u32 $0x4000, s31;
	s1 =	sadd.s32 s1, s30  }
0xbb: {  	s0 =	sor.u32 s3, s0;
	s1 =	sshll.u32 s1, $0x11  }
0xbc: {  	s0 =	sor.u32 s1, s0  }
0xbd: {  	s0 =	sadd.s32 $0x8F2B, s0  }
0xbe: {  	[sflag:s0] =	ssyncadd.remote.s32 $0x1  }
0xbf: {  	_ =	sfence.sel $0xFFFF  }
0xc0: {  	[dreg:$0x0] =	wrdreg $0xFFFFFFFF;
	(pc) =	sbr.abs _section_cstart, $3  }
0xc1: {  	[dreg:$0x1] =	wrdreg $0xFFFFFFFF  }
0xc2: {  	_ =	task.clear_ibuf [dreg:s7], $0x2FFFF;
	_ =	strace $0x9FFFFFFF  }
0xc3: {  	(tm) =	ssettm $0x7FFFFFFF  }
tec
execute0_lowered:
.L_overlay_start_1:
0x0: {  	(tag) =	ssettag $0x1  }
0x1: {  	s1 =	rddreg [dreg:$0x0]  }
0x2: {  	s0 =	rddreg [dreg:$0x1]  }
0x3: {  	s2 =	rddreg [dreg:$0x2];
	s16 =	simm.s32 $0x0  }
0x4: {  	s3 =	srdreg.scid;
	s14 =	stileid.u32;
	s28 =	simm.s32 $0x13A00  }
0x5: {  	s29 =	simm.s32 $0x50;
	s30 =	simm.s32 $0xB;
	[smem:$0x7FF] =	sst s16  }
0x6: {  	s4 =	sand.u32 $0x1, s3;
	s5 =	sadd.s32 $0x15E00, s0;
	s9 =	smul.u32 $0x4E000, s14  }
0x7: {  	s6 =	sadd.s32 $0x2200, s0;
	s7 =	sadd.s32 $0xC000, s0;
	s12 =	sadd.s32 $0x4F7E00, s0  }
0x8: {  	_ =	strace $0x80000047;
	s3 =	sshll.u32 s4, $0x4;
	s8 =	ssub.s32 $0x2, s4  }
0x9: {  	s4 =	smul.u32 $0x138800, s4;
	s10 =	sor.u32 s14, s3;
	s11 =	sshrl.u32 s8, $0x1  }
0xa: {  	s23 =	sshrl.u32 s9, $0x2;
	s3 =	smul.u32 $0x2710, s10;
	s0 =	ssub.s32 s8, s11  }
0xb: {  	s17 =	sadd.s32 s23, s2;
	s15 =	smul.u32 $0x27100, s10;
	s0 =	smax.u32 s0, $0x1  }
0xc: {  	[dreg:$0x5] =	wrdreg s17;
	s24 =	sshrl.u32 s3, $0x3;
	s25 =	sadd.s32 $0x50, s3  }
0xd: {  	s18 =	sadd.s32 $0xA0, s3;
	[smem:$0x7F5] =	sst s0;
	s26 =	sadd.s32 s6, s24  }
0xe: {  	s31 =	sshrl.u32 s25, $0x3;
	s9 =	sadd.s32 s7, s24;
	[dreg:$0x6] =	wrdreg s26  }
0xf: {  	s21 =	sadd.s32 $0xF0, s3;
	[dreg:$0x7] =	wrdreg s9;
	s13 =	sadd.s32 s6, s31  }
0x10: {  	s19 =	sshrl.u32 s18, $0x3;
	s8 =	sadd.s32 s7, s31;
	[dreg:$0x8] =	wrdreg s13  }
0x11: {  	s20 =	sshll.u32 s25, $0x4;
	s9 =	sadd.s32 s5, s15;
	[dreg:$0x9] =	wrdreg s8  }
0x12: {  	s23 =	sshrl.u32 s21, $0x3;
	s15 =	sadd.s32 s6, s19;
	[dreg:$0xa] =	wrdreg s9  }
0x13: {  	s24 =	sadd.s32 $0x140, s3;
	s25 =	sadd.s32 s6, s23;
	[dreg:$0xb] =	wrdreg s15  }
0x14: {  	s26 =	sshrl.u32 s24, $0x3;
	s9 =	sadd.s32 s7, s19;
	[dreg:$0xf] =	wrdreg s25  }
0x15: {  	s13 =	smul.u32 $0x13800, s14;
	s31 =	sadd.s32 s6, s26;
	[dreg:$0xc] =	wrdreg s9  }
0x16: {  	s8 =	sshll.u32 s18, $0x4;
	s9 =	sadd.s32 s5, s20;
	[dreg:$0x12] =	wrdreg s31  }
0x17: {  	s15 =	sshll.u32 s21, $0x4;
	s8 =	sadd.s32 s5, s8;
	[dreg:$0xd] =	wrdreg s9  }
0x18: {  	s18 =	sadd.s32 $0x190, s3;
	s31 =	sadd.s32 $0x230, s3;
	[dreg:$0x11] =	wrdreg s8  }
0x19: {  	s22 =	sadd.s32 s13, s4;
	s13 =	sadd.s32 s7, s23;
	[dreg:$0x1a] =	wrdreg s31  }
0x1a: {  	s19 =	sshrl.u32 s18, $0x3;
	s8 =	sadd.s32 s5, s15;
	[dreg:$0x10] =	wrdreg s13  }
0x1b: {  	p0 =	sne.s32 s14, $0xF;
	s21 =	sadd.s32 s6, s19;
	[dreg:$0x14] =	wrdreg s8  }
0x1c: {  	s14 =	simm.s32 $0xA;
	s13 =	sadd.s32 s7, s26;
	[dreg:$0x15] =	wrdreg s21  }
0x1d: {  	s20 =	sadd.s32 $0x1E0, s3;
	s8 =	sadd.s32 s7, s19;
	[dreg:$0x13] =	wrdreg s13  }
0x1e: {  	s11 =	sshrl.u32 s22, $0x3;
	s21 =	sadd.s32 $0x280, s3;
	[dreg:$0x16] =	wrdreg s8  }
0x1f: {  	s22 =	sshrl.u32 s20, $0x3;
	s11 =	sadd.s32 s12, s11;
	[smem:$0x7E7] =	sst s21  }
0x20: {  	s26 =	sshll.u32 s18, $0x4;
	s25 =	sadd.s32 s7, s22;
	[dreg:$0xe] =	wrdreg s11  }
0x21: {  	s9 =	sshrl.u32 s31, $0x3;
	s8 =	sadd.s32 s5, s26;
	[dreg:$0x19] =	wrdreg s25  }
0x22: {  	s4 =	sshrl.u32 s4, $0x3;
	s13 =	sadd.s32 s6, s9;
	[dreg:$0x1b] =	wrdreg s8  }
0x23: {  	s15 =	sshll.u32 s20, $0x4;
	s9 =	sadd.s32 s7, s9;
	[dreg:$0x1c] =	wrdreg s13  }
0x24: {  	s4 =	sadd.s32 s12, s4;
	s26 =	sadd.s32 $0x3C0, s3;
	[dreg:$0x1d] =	wrdreg s9  }
0x25: {  	s12 =	sadd.s32 $0x410, s3;
	s21 =	sadd.s32 $0x2800, s17;
	[smem:$0x7EB] =	sst s26  }
0x26: {  	s11 =	sshll.u32 s24, $0x4;
	s24 =	sadd.s32 s6, s22;
	[smem:$0x7EC] =	sst s12  }
0x27: {  	s9 =	sadd.s32 $0x2620, s3;
	s22 =	sadd.s32 $0x2D0, s3;
	[smem:$0x7F6] =	sst s21  }
0x28: {  	s25 =	sadd.s32 $0x370, s3;
	s26 =	sadd.s32 $0xF000, s17;
	[dreg:$0x18] =	wrdreg s24  }
0x29: {  	s21 =	simm.s32 $0xD;
	s23 =	sadd.s32 s5, s11;
	[smem:$0x7E8] =	sst s22  }
0x2a: {  	s11 =	smul.u32 $0x138800, s10;
	s18 =	sshrl.u32 s9, $0x3;
	[smem:$0x7EA] =	sst s25  }
0x2b: {  	s10 =	sadd.s32 s5, s15;
	s24 =	sadd.s32 $0x2670, s3;
	[smem:$0x7FB] =	sst s26  }
0x2c: {  	s9 =	sshll.u32 s9, $0x4;
	s22 =	sadd.s32 $0x5000, s17;
	[dreg:$0x17] =	wrdreg s23  }
0x2d: {  	s25 =	sadd.s32 $0xC800, s17;
	s26 =	simm.s32 $0x8;
	[dreg:$0x1e] =	wrdreg s10  }
0x2e: {  	s19 =	sadd.s32 s6, s18;
	s20 =	sadd.s32 s7, s18;
	[smem:$0x7F7] =	sst s22  }
0x2f: {  	s23 =	sadd.s32 $0x320, s3;
	s31 =	sshrl.u32 s24, $0x3;
	[smem:$0x7FA] =	sst s25  }
0x30: {  	s3 =	sadd.s32 $0x26C0, s3;
	s9 =	sadd.s32 s5, s9;
	[dreg:$0x1f] =	wrdreg s19  }
0x31: {  	s25 =	simm.s32 $0x5;
	s8 =	sshrl.u32 s11, $0x3;
	[smem:$0x7E5] =	sst s20  }
0x32: {  	[smem:$0x7E9] =	sst s23;
	s13 =	sadd.s32 s6, s31;
	s10 =	sadd.s32 s7, s31  }
0x33: {  	s15 =	sshrl.u32 s3, $0x3;
	[smem:$0x7EF] =	sst s9;
	s3 =	sshll.u32 s3, $0x4  }
0x34: {  	s20 =	sadd.s32 $0x27000, s4;
	s23 =	sadd.s32 $0x7800, s17;
	[smem:$0x7ED] =	sst s13  }
0x35: {  	s31 =	sadd.s32 $0x11800, s17;
	s4 =	simm.s32 $0x3;
	[smem:$0x7EE] =	sst s10  }
0x36: {  	s9 =	simm.s32 $0x1;
	s11 =	simm.s32 $0x9;
	[smem:$0x7F4] =	sst s20  }
0x37: {  	s8 =	sadd.s32 s5, s8;
	s18 =	sadd.s32 s6, s15;
	[smem:$0x7F8] =	sst s23  }
0x38: {  	s19 =	sadd.s32 s7, s15;
	s3 =	sadd.s32 s5, s3;
	[smem:$0x7FC] =	sst s31  }
0x39: {  	s23 =	simm.s32 $0x13900;
	s10 =	simm.s32 $0x6;
	[smem:$0x7F0] =	sst s18  }
0x3a: {  	s20 =	simm.s32 $0x2;
	s13 =	simm.s32 $0x7;
	[smem:$0x7F1] =	sst s19  }
0x3b: {  	s15 =	simm.s32 $0xC;
	s8 =	sadd.s32 $0x25D00, s8;
	[smem:$0x7F3] =	sst s3  }
0x3c: {  	s18 =	sadd.s32 $0x138000, s2;
	s19 =	simm.s32 $0x13B80;
	[smem:$0x7E6] =	sst s8  }
0x3d: {  	s8 =	sshll.u32 s24, $0x4;
	s24 =	sadd.s32 $0xA000, s17;
	[smem:$0x7FD] =	sst s18  }
0x3e: {  	s3 =	simm.s32 $0x4;
	s8 =	sadd.s32 s5, s8;
	[smem:$0x7F9] =	sst s24  }
0x3f: {  	v0 =	vimm.f32 $0.0e+00;
	s24 =	simm.s32 $0x13A80;
	[smem:$0x7F2] =	sst s8;
	s8 =	simm.s32 $0x16380  }
.LBB2_1:
0x40: {  	[dreg:$0x4] =	wrdreg s16;
	s12 =	simm.s32 $0x0;
	s16 =	simm.s32 $0x200  }
.LBB2_2:
0x41: {  	p1 =	sne.s32 s16, $0x9E00;
	[tilespmem:s12+$0x13BF0] =	vst v0  }
0x42: {  	[tilespmem:s12+$0x13B80] =	vst v0  }
0x43: {  	[tilespmem:s12+$0x13B90] =	vst v0  }
.Ltmp0:
0x44: {  	[tilespmem:s12+$0x13BA0] =	vst v0;
	(pc) =	sbr.rel @p1 .LBB2_2-.Ltmp0, $4  }
0x45: {  	[tilespmem:s12+$0x13BB0] =	vst v0  }
0x46: {  	[tilespmem:s12+$0x13BC0] =	vst v0  }
0x47: {  	[tilespmem:s12+$0x13BD0] =	vst v0  }
0x48: {  	[tilespmem:s12+$0x13BE0] =	vst v0;
	s12 =	sshra.s32 s16, $0x2;
	s16 =	sadd.s32 $0x200, s16  }
0x49: {  	[tilespmem:s12+$0x13BF0] =	vst v0  }
0x4a: {  	[tilespmem:s12+$0x13B80] =	vst v0  }
0x4b: {  	[tilespmem:s12+$0x13B90] =	vst v0  }
0x4c: {  	[tilespmem:s12+$0x13BA0] =	vst v0  }
0x4d: {  	[tilespmem:s12+$0x13BB0] =	vst v0  }
0x4e: {  	[tilespmem:s12+$0x13BC0] =	vst v0  }
0x4f: {  	[tilespmem:s12+$0x13BD0] =	vst v0  }
0x50: {  	[tilespmem:s12+$0x13BE0] =	vst v0  }
0x51: {  	[spmem:s17] =	stream.linear.scatter [tilespmem:s19], [sflag:$0xD], $0x2800, $0x38;
	[tilespmem:$0x1DB80] =	vst v63  }
0x52: {  	_ =	swait.ge [sflag:s21], $0x2800  }
0x53: {  	s0 =	sld [smem:$0x7F6]  }
0x54: {  	[sflag:s21] =	ssyncset.done $0x0  }
0x55: {  	[sflag:s21] =	ssyncadd.s32 $0xFFFFD800  }
0x56: {  	[spmem:s0] =	stream.linear.scatter [tilespmem:s19], [sflag:$0xD], $0x2800, $0x38;
	[tilespmem:$0x1DB80] =	vst v63  }
0x57: {  	_ =	swait.ge [sflag:s21], $0x2800  }
0x58: {  	s16 =	sld [smem:$0x7F7]  }
0x59: {  	[sflag:s21] =	ssyncset.done $0x0  }
0x5a: {  	[sflag:s21] =	ssyncadd.s32 $0xFFFFD800  }
0x5b: {  	[spmem:s16] =	stream.linear.scatter [tilespmem:s19], [sflag:$0xD], $0x2800, $0x38;
	[tilespmem:$0x1DB80] =	vst v63  }
0x5c: {  	_ =	swait.ge [sflag:s21], $0x2800  }
0x5d: {  	s17 =	sld [smem:$0x7F8]  }
0x5e: {  	[sflag:s21] =	ssyncset.done $0x0  }
0x5f: {  	[sflag:s21] =	ssyncadd.s32 $0xFFFFD800  }
0x60: {  	[spmem:s17] =	stream.linear.scatter [tilespmem:s19], [sflag:$0xD], $0x2800, $0x38;
	[tilespmem:$0x1DB80] =	vst v63  }
0x61: {  	_ =	swait.ge [sflag:s21], $0x2800  }
0x62: {  	s22 =	sld [smem:$0x7F9]  }
0x63: {  	[sflag:s21] =	ssyncset.done $0x0  }
0x64: {  	[sflag:s21] =	ssyncadd.s32 $0xFFFFD800  }
0x65: {  	[spmem:s22] =	stream.linear.scatter [tilespmem:s19], [sflag:$0xD], $0x2800, $0x38;
	[tilespmem:$0x1DB80] =	vst v63  }
0x66: {  	_ =	swait.ge [sflag:s21], $0x2800  }
0x67: {  	s31 =	sld [smem:$0x7FA]  }
0x68: {  	[sflag:s21] =	ssyncset.done $0x0  }
0x69: {  	[sflag:s21] =	ssyncadd.s32 $0xFFFFD800  }
0x6a: {  	[spmem:s31] =	stream.linear.scatter [tilespmem:s19], [sflag:$0xD], $0x2800, $0x38;
	[tilespmem:$0x1DB80] =	vst v63  }
0x6b: {  	_ =	swait.ge [sflag:s21], $0x2800  }
0x6c: {  	s12 =	sld [smem:$0x7FB]  }
0x6d: {  	[sflag:s21] =	ssyncset.done $0x0  }
0x6e: {  	[sflag:s21] =	ssyncadd.s32 $0xFFFFD800  }
0x6f: {  	[spmem:s12] =	stream.linear.scatter [tilespmem:s19], [sflag:$0xD], $0x2800, $0x38;
	[tilespmem:$0x1DB80] =	vst v63  }
0x70: {  	_ =	swait.ge [sflag:s21], $0x2800  }
0x71: {  	s16 =	sld [smem:$0x7FC]  }
0x72: {  	[sflag:s21] =	ssyncset.done $0x0  }
0x73: {  	[sflag:s21] =	ssyncadd.s32 $0xFFFFD800  }
0x74: {  	[spmem:s16] =	stream.linear.scatter [tilespmem:s19], [sflag:$0xD], $0x2000, $0x38;
	[tilespmem:$0x1DB80] =	vst v63  }
0x75: {  	_ =	swait.ge [sflag:s21], $0x2000  }
0x76: {  	[sflag:s21] =	ssyncset.done $0x0  }
0x77: {  	s12 =	simm.s32 @!p0 $0x13B80;
	[sflag:s21] =	ssyncadd.s32 $0xFFFFE000  }
0x78: {  	[spmem:s18] =	stream.linear.scatter @!p0 [tilespmem:s12], [sflag:$0xD], $0x800, $0x38;
	[tilespmem:$0x1DB80] =	vst v63  }
0x79: {  	s12 =	simm.s32 @!p0 $0xD  }
0x7a: {  	_ =	swait.ge @!p0 [sflag:s12], $0x800  }
0x7b: {  	[sflag:s12] =	ssyncset.done @!p0 $0x0  }
0x7c: {  	[sflag:s12] =	ssyncadd.s32 @!p0 $0xFFFFF800  }
0x7d: {  	[bflag:$0x0] =	sbarrier.arrive $0xFFFF  }
0x7e: {  	s16 =	simm.s32 $0x13880;
	s12 =	simm.s32 $0x0;
	s17 =	rddreg [dreg:$0x6]  }
0x7f: {  	[tilespmem:s16], [sflag:$0x5] =	stream.linear.gather [hbm4b:s17+s12], $0x50, $0x38;
	[tilespmem:$0x1DB80] =	vst v63  }
0x80: {  	s18 =	rddreg [dreg:$0x7]  }
0x81: {  	[tilespmem:s28], [sflag:$0x8] =	stream.linear.gather [hbm4b:s18+s12], $0x50, $0x38;
	[tilespmem:$0x1DB80] =	vst v63  }
0x82: {  	s21 =	rddreg [dreg:$0x8]  }
0x83: {  	[tilespmem:s23], [sflag:$0x6] =	stream.linear.gather [hbm4b:s21+s12], $0x50, $0x38;
	[tilespmem:$0x1DB80] =	vst v63  }
0x84: {  	s22 =	rddreg [dreg:$0x9]  }
0x85: {  	[tilespmem:s24], [sflag:$0x9] =	stream.linear.gather [hbm4b:s22+s12], $0x50, $0x38;
	[tilespmem:$0x1DB80] =	vst v63  }
0x86: {  	_ =	swait.ge [sflag:s25], $0x50  }
0x87: {  	[sflag:s25] =	ssyncset.done $0x0  }
0x88: {  	[sflag:s25] =	ssyncadd.s32 $0xFFFFFFB0  }
0x89: {  	_ =	swait.ge [sflag:s26], $0x50  }
0x8a: {  	[sflag:s26] =	ssyncset.done $0x0  }
0x8b: {  	s31 =	simm.s32 $0x18B80;
	s28 =	rddreg [dreg:$0xa];
	[sflag:s26] =	ssyncadd.s32 $0xFFFFFFB0  }
0x8c: {  	[tilespmem:s31], [sflag:$0x3] =	stream.linear.gather [hbm4b:s28+s12], $0x2800, $0x38;
	[tilespmem:$0x1DB80] =	vst v63  }
0x8d: {  	_ = 	snop  }
0x8e: {  	[tilespmem:s19], [sflag:$0x1] =	stream.indirect.gather [hbm4b:s1+s29], $0x80, s16, s29, $0xb8;
	[tilespmem:$0x1DB80] =	vst v63  }
0x8f: {  	s21 =	simm.s32 $0x13980;
	s18 =	rddreg [dreg:$0xb]  }
0x90: {  	[tilespmem:s21], [sflag:$0x7] =	stream.linear.gather [hbm4b:s18+s12], $0x50, $0x38;
	[tilespmem:$0x1DB80] =	vst v63  }
0x91: {  	s22 =	rddreg [dreg:$0xc];
	s21 =	simm.s32 $0x13B00  }
0x92: {  	[tilespmem:s21], [sflag:$0xA] =	stream.linear.gather [hbm4b:s22+s12], $0x50, $0x38;
	[tilespmem:$0x1DB80] =	vst v63  }
0x93: {  	_ =	swait.ge [sflag:s4], $0x2800  }
0x94: {  	[sflag:s4] =	ssyncset.done $0x0  }
0x95: {  	[sflag:s4] =	ssyncadd.s32 $0xFFFFD800  }
0x96: {  	_ =	swait.ge [sflag:s9], $0x2800  }
0x97: {  	[sflag:s9] =	ssyncset.done $0x0  }
0x98: {  	[sflag:s9] =	ssyncadd.s32 $0xFFFFD800  }
0x99: {  	_ =	swait.ge [sflag:s10], $0x50  }
0x9a: {  	[sflag:s10] =	ssyncset.done $0x0  }
0x9b: {  	[sflag:s10] =	ssyncadd.s32 $0xFFFFFFB0  }
0x9c: {  	_ =	swait.ge [sflag:s11], $0x50  }
0x9d: {  	[sflag:s11] =	ssyncset.done $0x0  }
0x9e: {  	s31 =	simm.s32 $0x1B380;
	s28 =	rddreg [dreg:$0xd];
	[sflag:s11] =	ssyncadd.s32 $0xFFFFFFB0  }
0x9f: {  	[tilespmem:s31], [sflag:$0x4] =	stream.linear.gather [hbm4b:s28+s12], $0x2800, $0x38;
	[tilespmem:$0x1DB80] =	vst v63  }
0xa0: {  	s12 =	simm.s32 $0x0  }
0xa1: {  	[tilespmem:s8], [sflag:$0x2] =	stream.indirect.gather [hbm4b:s1+s29], $0x80, s23, s29, $0xb8;
	[tilespmem:$0x1DB80] =	vst v63  }
0xa2: {  	v5 =	vld [tilespmem:s12+$0x18B80]  }
0xa3: {  	v3 =	vld [tilespmem:s12+$0x18B90]  }
0xa4: {  	v2 =	vld [tilespmem:s12+$0x18BA0]  }
0xa5: {  	v1 =	vld [tilespmem:s12+$0x18BB0]  }
0xa6: {  	v9 =	vld [tilespmem:s12+$0x13B80]  }
0xa7: {  	v8 =	vld [tilespmem:s12+$0x13BC0]  }
0xa8: {  	v7 =	vld [tilespmem:s12+$0x13B90]  }
0xa9: {  	v6 =	vld [tilespmem:s12+$0x13BD0]  }
0xaa: {  	v4 =	vld [tilespmem:s12+$0x13BA0];
	v11 =	vshll.u32 v5, $0x10  }
0xab: {  	s16 =	simm.s32 $0x200;
	v10 =	vand.u32 $0xFFFF0000, v5;
	v5 =	vld [tilespmem:s12+$0x13BE0];
	v9 =	vmul.f32 v11, v9  }
.LBB2_4:
0xac: {  	p1 =	sne.s32 s16, $0x9E00;
	v8 =	vmul.f32 v10, v8;
	v10 =	vshll.u32 v3, $0x10;
	v11 =	vld [tilespmem:s12+$0x13BB0]  }
0xad: {  	s17 =	sshra.s32 s16, $0x2;
	v3 =	vand.u32 $0xFFFF0000, v3;
	[tilespmem:s12+$0x13B80] =	vst v9;
	v7 =	vmul.f32 v10, v7;
	v9 =	vld [tilespmem:s12+$0x13BF0]  }
0xae: {  	v10 =	vld [tilespmem:s17+$0x18B80];
	[tilespmem:s12+$0x13BC0] =	vst v8;
	v6 =	vmul.f32 v3, v6;
	v8 =	vshll.u32 v2, $0x10  }
0xaf: {  	v3 =	vld [tilespmem:s17+$0x18B90];
	[tilespmem:s12+$0x13B90] =	vst v7;
	v7 =	vand.u32 $0xFFFF0000, v2;
	v4 =	vmul.f32 v8, v4  }
0xb0: {  	v2 =	vld [tilespmem:s17+$0x18BA0];
	[tilespmem:s12+$0x13BD0] =	vst v6;
	v5 =	vmul.f32 v7, v5;
	v6 =	vshll.u32 v1, $0x10  }
0xb1: {  	[tilespmem:s12+$0x13BA0] =	vst v4;
	v4 =	vand.u32 $0xFFFF0000, v1;
	v1 =	vld [tilespmem:s17+$0x18BB0];
	v6 =	vmul.f32 v6, v11  }
0xb2: {  	v11 =	vld [tilespmem:s17+$0x13B80];
	[tilespmem:s12+$0x13BE0] =	vst v5;
	v4 =	vmul.f32 v4, v9  }
.Ltmp1:
0xb3: {  	v8 =	vld [tilespmem:s17+$0x13BC0];
	[tilespmem:s12+$0x13BB0] =	vst v6;
	(pc) =	sbr.rel @p1 .LBB2_4-.Ltmp1, $4  }
0xb4: {  	v7 =	vld [tilespmem:s17+$0x13B90];
	[tilespmem:s12+$0x13BF0] =	vst v4;
	s12 =	smov.u32 s17  }
0xb5: {  	v6 =	vld [tilespmem:s12+$0x13BD0]  }
0xb6: {  	v5 =	vshll.u32 v10, $0x10;
	v4 =	vld [tilespmem:s12+$0x13BA0]  }
0xb7: {  	s16 =	sadd.s32 $0x200, s16;
	v10 =	vand.u32 $0xFFFF0000, v10;
	v9 =	vmul.f32 v5, v11;
	v5 =	vld [tilespmem:s12+$0x13BE0]  }
0xb8: {  	v11 =	vld [tilespmem:s12+$0x13BB0];
	v8 =	vmul.f32 v10, v8;
	v10 =	vshll.u32 v3, $0x10  }
0xb9: {  	v3 =	vand.u32 $0xFFFF0000, v3;
	[tilespmem:s12+$0x13B80] =	vst v9;
	v7 =	vmul.f32 v10, v7;
	v9 =	vld [tilespmem:s12+$0x13BF0]  }
0xba: {  	[tilespmem:s12+$0x13BC0] =	vst v8;
	v3 =	vmul.f32 v3, v6;
	v6 =	vshll.u32 v2, $0x10  }
0xbb: {  	v2 =	vand.u32 $0xFFFF0000, v2;
	[tilespmem:s12+$0x13B90] =	vst v7;
	v4 =	vmul.f32 v6, v4  }
0xbc: {  	[tilespmem:s12+$0x13BD0] =	vst v3;
	v2 =	vmul.f32 v2, v5;
	v3 =	vshll.u32 v1, $0x10  }
0xbd: {  	v1 =	vand.u32 $0xFFFF0000, v1;
	[tilespmem:s12+$0x13BA0] =	vst v4;
	v3 =	vmul.f32 v3, v11  }
0xbe: {  	[tilespmem:s12+$0x13BE0] =	vst v2;
	v1 =	vmul.f32 v1, v9  }
0xbf: {  	[tilespmem:s12+$0x13BB0] =	vst v3  }
0xc0: {  	s16 =	simm.s32 $0x13A00;
	[tilespmem:s12+$0x13BF0] =	vst v1  }
0xc1: {  	[spmem:s2] =	stream.indirect.scatter.add.f32 [tilespmem:s19], [sflag:$0xB], $0x80, s16, s29, $0xb8;
	[tilespmem:$0x1DB80] =	vst v63  }
0xc2: {  	s31 =	simm.s32 $0x0;
	s0 =	rddreg [dreg:$0xf];
	s17 =	simm.s32 $0x13880  }
0xc3: {  	[tilespmem:s17], [sflag:$0x5] =	stream.linear.gather [hbm4b:s0+s31], $0x50, $0x38;
	[tilespmem:$0x1DB80] =	vst v63  }
0xc4: {  	s18 =	rddreg [dreg:$0x10]  }
0xc5: {  	[tilespmem:s16], [sflag:$0x8] =	stream.linear.gather [hbm4b:s18+s31], $0x50, $0x38;
	[tilespmem:$0x1DB80] =	vst v63  }
0xc6: {  	_ =	swait.ge [sflag:s3], $0x2800  }
0xc7: {  	[sflag:s3] =	ssyncset.done $0x0  }
0xc8: {  	[sflag:s3] =	ssyncadd.s32 $0xFFFFD800  }
0xc9: {  	_ =	swait.ge [sflag:s20], $0x2800  }
0xca: {  	[sflag:s20] =	ssyncset.done $0x0  }
0xcb: {  	[sflag:s20] =	ssyncadd.s32 $0xFFFFD800  }
0xcc: {  	_ =	swait.ge [sflag:s30], $0x2800  }
0xcd: {  	[sflag:s30] =	ssyncset.done $0x0  }
0xce: {  	[sflag:s30] =	ssyncadd.s32 $0xFFFFD800  }
0xcf: {  	_ =	swait.ge [sflag:s13], $0x50  }
0xd0: {  	[sflag:s13] =	ssyncset.done $0x0  }
0xd1: {  	[sflag:s13] =	ssyncadd.s32 $0xFFFFFFB0  }
0xd2: {  	_ =	swait.ge [sflag:s14], $0x50  }
0xd3: {  	[sflag:s14] =	ssyncset.done $0x0  }
0xd4: {  	s28 =	simm.s32 $0x18B80;
	s22 =	rddreg [dreg:$0x11];
	[sflag:s14] =	ssyncadd.s32 $0xFFFFFFB0  }
0xd5: {  	[tilespmem:s28], [sflag:$0x3] =	stream.linear.gather [hbm4b:s22+s31], $0x2800, $0x38;
	[tilespmem:$0x1DB80] =	vst v63  }
0xd6: {  	s12 =	simm.s32 $0x0;
	s31 =	simm.s32 $0x13980  }
0xd7: {  	[tilespmem:s19], [sflag:$0x1] =	stream.indirect.gather [hbm4b:s1+s29], $0x80, s31, s29, $0xb8;
	[tilespmem:$0x1DB80] =	vst v63  }
0xd8: {  	v5 =	vld [tilespmem:s12+$0x1B380]  }
0xd9: {  	v3 =	vld [tilespmem:s12+$0x1B390]  }
0xda: {  	v2 =	vld [tilespmem:s12+$0x1B3A0]  }
0xdb: {  	v1 =	vld [tilespmem:s12+$0x1B3B0]  }
0xdc: {  	v9 =	vld [tilespmem:s12+$0x16380]  }
0xdd: {  	v8 =	vld [tilespmem:s12+$0x163C0]  }
0xde: {  	v7 =	vld [tilespmem:s12+$0x16390]  }
0xdf: {  	v6 =	vld [tilespmem:s12+$0x163D0]  }
0xe0: {  	v4 =	vld [tilespmem:s12+$0x163A0];
	v11 =	vshll.u32 v5, $0x10  }
0xe1: {  	s16 =	simm.s32 $0x200;
	v10 =	vand.u32 $0xFFFF0000, v5;
	v5 =	vld [tilespmem:s12+$0x163E0];
	v9 =	vmul.f32 v11, v9  }
.LBB2_6:
0xe2: {  	p1 =	sne.s32 s16, $0x9E00;
	v8 =	vmul.f32 v10, v8;
	v10 =	vshll.u32 v3, $0x10;
	v11 =	vld [tilespmem:s12+$0x163B0]  }
0xe3: {  	s17 =	sshra.s32 s16, $0x2;
	v3 =	vand.u32 $0xFFFF0000, v3;
	[tilespmem:s12+$0x16380] =	vst v9;
	v7 =	vmul.f32 v10, v7;
	v9 =	vld [tilespmem:s12+$0x163F0]  }
0xe4: {  	v10 =	vld [tilespmem:s17+$0x1B380];
	[tilespmem:s12+$0x163C0] =	vst v8;
	v6 =	vmul.f32 v3, v6;
	v8 =	vshll.u32 v2, $0x10  }
0xe5: {  	v3 =	vld [tilespmem:s17+$0x1B390];
	[tilespmem:s12+$0x16390] =	vst v7;
	v7 =	vand.u32 $0xFFFF0000, v2;
	v4 =	vmul.f32 v8, v4  }
0xe6: {  	v2 =	vld [tilespmem:s17+$0x1B3A0];
	[tilespmem:s12+$0x163D0] =	vst v6;
	v5 =	vmul.f32 v7, v5;
	v6 =	vshll.u32 v1, $0x10  }
0xe7: {  	[tilespmem:s12+$0x163A0] =	vst v4;
	v4 =	vand.u32 $0xFFFF0000, v1;
	v1 =	vld [tilespmem:s17+$0x1B3B0];
	v6 =	vmul.f32 v6, v11  }
0xe8: {  	v11 =	vld [tilespmem:s17+$0x16380];
	[tilespmem:s12+$0x163E0] =	vst v5;
	v4 =	vmul.f32 v4, v9  }
.Ltmp2:
0xe9: {  	v8 =	vld [tilespmem:s17+$0x163C0];
	[tilespmem:s12+$0x163B0] =	vst v6;
	(pc) =	sbr.rel @p1 .LBB2_6-.Ltmp2, $4  }
0xea: {  	v7 =	vld [tilespmem:s17+$0x16390];
	[tilespmem:s12+$0x163F0] =	vst v4;
	s12 =	smov.u32 s17  }
0xeb: {  	v6 =	vld [tilespmem:s12+$0x163D0]  }
0xec: {  	v5 =	vshll.u32 v10, $0x10;
	v4 =	vld [tilespmem:s12+$0x163A0]  }
0xed: {  	s16 =	sadd.s32 $0x200, s16;
	v10 =	vand.u32 $0xFFFF0000, v10;
	v9 =	vmul.f32 v5, v11;
	v5 =	vld [tilespmem:s12+$0x163E0]  }
0xee: {  	v11 =	vld [tilespmem:s12+$0x163B0];
	v8 =	vmul.f32 v10, v8;
	v10 =	vshll.u32 v3, $0x10  }
0xef: {  	v3 =	vand.u32 $0xFFFF0000, v3;
	[tilespmem:s12+$0x16380] =	vst v9;
	v7 =	vmul.f32 v10, v7;
	v9 =	vld [tilespmem:s12+$0x163F0]  }
0xf0: {  	[tilespmem:s12+$0x163C0] =	vst v8;
	v3 =	vmul.f32 v3, v6;
	v6 =	vshll.u32 v2, $0x10  }
0xf1: {  	v2 =	vand.u32 $0xFFFF0000, v2;
	[tilespmem:s12+$0x16390] =	vst v7;
	v4 =	vmul.f32 v6, v4  }
0xf2: {  	[tilespmem:s12+$0x163D0] =	vst v3;
	v2 =	vmul.f32 v2, v5;
	v3 =	vshll.u32 v1, $0x10  }
0xf3: {  	v1 =	vand.u32 $0xFFFF0000, v1;
	[tilespmem:s12+$0x163A0] =	vst v4;
	v3 =	vmul.f32 v3, v11  }
0xf4: {  	[tilespmem:s12+$0x163E0] =	vst v2;
	v1 =	vmul.f32 v1, v9  }
0xf5: {  	[tilespmem:s12+$0x163B0] =	vst v3  }
0xf6: {  	[tilespmem:s12+$0x163F0] =	vst v1  }
0xf7: {  	[spmem:s2] =	stream.indirect.scatter.add.f32 [tilespmem:s8], [sflag:$0xC], $0x80, s24, s29, $0xb8;
	[tilespmem:$0x1DB80] =	vst v63  }
0xf8: {  	s18 =	simm.s32 $0x0;
	s0 =	rddreg [dreg:$0x12]  }
0xf9: {  	[tilespmem:s23], [sflag:$0x6] =	stream.linear.gather [hbm4b:s0+s18], $0x50, $0x38;
	[tilespmem:$0x1DB80] =	vst v63  }
0xfa: {  	s22 =	rddreg [dreg:$0x13]  }
0xfb: {  	[tilespmem:s24], [sflag:$0x9] =	stream.linear.gather [hbm4b:s22+s18], $0x50, $0x38;
	[tilespmem:$0x1DB80] =	vst v63  }
0xfc: {  	_ =	swait.ge [sflag:s4], $0x2800  }
0xfd: {  	[sflag:s4] =	ssyncset.done $0x0  }
0xfe: {  	[sflag:s4] =	ssyncadd.s32 $0xFFFFD800  }
0xff: {  	_ =	swait.ge [sflag:s9], $0x2800  }
0x100: {  	[sflag:s9] =	ssyncset.done $0x0  }
0x101: {  	[sflag:s9] =	ssyncadd.s32 $0xFFFFD800  }
0x102: {  	_ =	swait.ge [sflag:s15], $0x2800  }
0x103: {  	[sflag:s15] =	ssyncset.done $0x0  }
0x104: {  	[sflag:s15] =	ssyncadd.s32 $0xFFFFD800  }
0x105: {  	_ =	swait.ge [sflag:s25], $0x50  }
0x106: {  	[sflag:s25] =	ssyncset.done $0x0  }
0x107: {  	[sflag:s25] =	ssyncadd.s32 $0xFFFFFFB0  }
0x108: {  	_ =	swait.ge [sflag:s26], $0x50  }
0x109: {  	[sflag:s26] =	ssyncset.done $0x0  }
0x10a: {  	s16 =	simm.s32 $0x1B380;
	s28 =	rddreg [dreg:$0x14];
	[sflag:s26] =	ssyncadd.s32 $0xFFFFFFB0  }
0x10b: {  	[tilespmem:s16], [sflag:$0x4] =	stream.linear.gather [hbm4b:s28+s18], $0x2800, $0x38;
	[tilespmem:$0x1DB80] =	vst v63  }
0x10c: {  	s31 =	simm.s32 $0x13880;
	s12 =	simm.s32 $0x0  }
0x10d: {  	[tilespmem:s8], [sflag:$0x2] =	stream.indirect.gather [hbm4b:s1+s29], $0x80, s31, s29, $0xb8;
	[tilespmem:$0x1DB80] =	vst v63  }
0x10e: {  	v5 =	vld [tilespmem:s12+$0x18B80]  }
0x10f: {  	v3 =	vld [tilespmem:s12+$0x18B90]  }
0x110: {  	v2 =	vld [tilespmem:s12+$0x18BA0]  }
0x111: {  	v1 =	vld [tilespmem:s12+$0x18BB0]  }
0x112: {  	v9 =	vld [tilespmem:s12+$0x13B80]  }
0x113: {  	v8 =	vld [tilespmem:s12+$0x13BC0]  }
0x114: {  	v7 =	vld [tilespmem:s12+$0x13B90]  }
0x115: {  	v6 =	vld [tilespmem:s12+$0x13BD0]  }
0x116: {  	v4 =	vld [tilespmem:s12+$0x13BA0];
	v11 =	vshll.u32 v5, $0x10  }
0x117: {  	s16 =	simm.s32 $0x200;
	v10 =	vand.u32 $0xFFFF0000, v5;
	v5 =	vld [tilespmem:s12+$0x13BE0];
	v9 =	vmul.f32 v11, v9  }
.LBB2_8:
0x118: {  	p1 =	sne.s32 s16, $0x9E00;
	v8 =	vmul.f32 v10, v8;
	v10 =	vshll.u32 v3, $0x10;
	v11 =	vld [tilespmem:s12+$0x13BB0]  }
0x119: {  	s17 =	sshra.s32 s16, $0x2;
	v3 =	vand.u32 $0xFFFF0000, v3;
	[tilespmem:s12+$0x13B80] =	vst v9;
	v7 =	vmul.f32 v10, v7;
	v9 =	vld [tilespmem:s12+$0x13BF0]  }
0x11a: {  	v10 =	vld [tilespmem:s17+$0x18B80];
	[tilespmem:s12+$0x13BC0] =	vst v8;
	v6 =	vmul.f32 v3, v6;
	v8 =	vshll.u32 v2, $0x10  }
0x11b: {  	v3 =	vld [tilespmem:s17+$0x18B90];
	[tilespmem:s12+$0x13B90] =	vst v7;
	v7 =	vand.u32 $0xFFFF0000, v2;
	v4 =	vmul.f32 v8, v4  }
0x11c: {  	v2 =	vld [tilespmem:s17+$0x18BA0];
	[tilespmem:s12+$0x13BD0] =	vst v6;
	v5 =	vmul.f32 v7, v5;
	v6 =	vshll.u32 v1, $0x10  }
0x11d: {  	[tilespmem:s12+$0x13BA0] =	vst v4;
	v4 =	vand.u32 $0xFFFF0000, v1;
	v1 =	vld [tilespmem:s17+$0x18BB0];
	v6 =	vmul.f32 v6, v11  }
0x11e: {  	v11 =	vld [tilespmem:s17+$0x13B80];
	[tilespmem:s12+$0x13BE0] =	vst v5;
	v4 =	vmul.f32 v4, v9  }
.Ltmp3:
0x11f: {  	v8 =	vld [tilespmem:s17+$0x13BC0];
	[tilespmem:s12+$0x13BB0] =	vst v6;
	(pc) =	sbr.rel @p1 .LBB2_8-.Ltmp3, $4  }
0x120: {  	v7 =	vld [tilespmem:s17+$0x13B90];
	[tilespmem:s12+$0x13BF0] =	vst v4;
	s12 =	smov.u32 s17  }
0x121: {  	v6 =	vld [tilespmem:s12+$0x13BD0]  }
0x122: {  	v5 =	vshll.u32 v10, $0x10;
	v4 =	vld [tilespmem:s12+$0x13BA0]  }
0x123: {  	s16 =	sadd.s32 $0x200, s16;
	v10 =	vand.u32 $0xFFFF0000, v10;
	v9 =	vmul.f32 v5, v11;
	v5 =	vld [tilespmem:s12+$0x13BE0]  }
0x124: {  	v11 =	vld [tilespmem:s12+$0x13BB0];
	v8 =	vmul.f32 v10, v8;
	v10 =	vshll.u32 v3, $0x10  }
0x125: {  	v3 =	vand.u32 $0xFFFF0000, v3;
	[tilespmem:s12+$0x13B80] =	vst v9;
	v7 =	vmul.f32 v10, v7;
	v9 =	vld [tilespmem:s12+$0x13BF0]  }
0x126: {  	[tilespmem:s12+$0x13BC0] =	vst v8;
	v3 =	vmul.f32 v3, v6;
	v6 =	vshll.u32 v2, $0x10  }
0x127: {  	v2 =	vand.u32 $0xFFFF0000, v2;
	[tilespmem:s12+$0x13B90] =	vst v7;
	v4 =	vmul.f32 v6, v4  }
0x128: {  	[tilespmem:s12+$0x13BD0] =	vst v3;
	v2 =	vmul.f32 v2, v5;
	v3 =	vshll.u32 v1, $0x10  }
0x129: {  	v1 =	vand.u32 $0xFFFF0000, v1;
	[tilespmem:s12+$0x13BA0] =	vst v4;
	v3 =	vmul.f32 v3, v11  }
0x12a: {  	[tilespmem:s12+$0x13BE0] =	vst v2;
	v1 =	vmul.f32 v1, v9  }
0x12b: {  	[tilespmem:s12+$0x13BB0] =	vst v3  }
0x12c: {  	[tilespmem:s12+$0x13BF0] =	vst v1  }
0x12d: {  	[spmem:s2] =	stream.indirect.scatter.add.f32 [tilespmem:s19], [sflag:$0xB], $0x80, s21, s29, $0xb8;
	[tilespmem:$0x1DB80] =	vst v63  }
0x12e: {  	s18 =	simm.s32 $0x0;
	s0 =	rddreg [dreg:$0x15];
	s16 =	simm.s32 $0x13980  }
0x12f: {  	[tilespmem:s16], [sflag:$0x7] =	stream.linear.gather [hbm4b:s0+s18], $0x50, $0x38;
	[tilespmem:$0x1DB80] =	vst v63  }
0x130: {  	s22 =	rddreg [dreg:$0x16]  }
0x131: {  	[tilespmem:s21], [sflag:$0xA] =	stream.linear.gather [hbm4b:s22+s18], $0x50, $0x38;
	[tilespmem:$0x1DB80] =	vst v63  }
0x132: {  	_ =	swait.ge [sflag:s3], $0x2800  }
0x133: {  	[sflag:s3] =	ssyncset.done $0x0  }
0x134: {  	[sflag:s3] =	ssyncadd.s32 $0xFFFFD800  }
0x135: {  	_ =	swait.ge [sflag:s20], $0x2800  }
0x136: {  	[sflag:s20] =	ssyncset.done $0x0  }
0x137: {  	[sflag:s20] =	ssyncadd.s32 $0xFFFFD800  }
0x138: {  	_ =	swait.ge [sflag:s30], $0x2800  }
0x139: {  	[sflag:s30] =	ssyncset.done $0x0  }
0x13a: {  	[sflag:s30] =	ssyncadd.s32 $0xFFFFD800  }
0x13b: {  	_ =	swait.ge [sflag:s10], $0x50  }
0x13c: {  	[sflag:s10] =	ssyncset.done $0x0  }
0x13d: {  	[sflag:s10] =	ssyncadd.s32 $0xFFFFFFB0  }
0x13e: {  	_ =	swait.ge [sflag:s11], $0x50  }
0x13f: {  	[sflag:s11] =	ssyncset.done $0x0  }
0x140: {  	s31 =	simm.s32 $0x18B80;
	s28 =	rddreg [dreg:$0x17];
	[sflag:s11] =	ssyncadd.s32 $0xFFFFFFB0  }
0x141: {  	[tilespmem:s31], [sflag:$0x3] =	stream.linear.gather [hbm4b:s28+s18], $0x2800, $0x38;
	[tilespmem:$0x1DB80] =	vst v63  }
0x142: {  	s12 =	simm.s32 $0x0  }
0x143: {  	[tilespmem:s19], [sflag:$0x1] =	stream.indirect.gather [hbm4b:s1+s29], $0x80, s23, s29, $0xb8;
	[tilespmem:$0x1DB80] =	vst v63  }
0x144: {  	v5 =	vld [tilespmem:s12+$0x1B380]  }
0x145: {  	v3 =	vld [tilespmem:s12+$0x1B390]  }
0x146: {  	v2 =	vld [tilespmem:s12+$0x1B3A0]  }
0x147: {  	v1 =	vld [tilespmem:s12+$0x1B3B0]  }
0x148: {  	v9 =	vld [tilespmem:s12+$0x16380]  }
0x149: {  	v8 =	vld [tilespmem:s12+$0x163C0]  }
0x14a: {  	v7 =	vld [tilespmem:s12+$0x16390]  }
0x14b: {  	v6 =	vld [tilespmem:s12+$0x163D0]  }
0x14c: {  	v4 =	vld [tilespmem:s12+$0x163A0];
	v11 =	vshll.u32 v5, $0x10  }
0x14d: {  	s16 =	simm.s32 $0x200;
	v10 =	vand.u32 $0xFFFF0000, v5;
	v5 =	vld [tilespmem:s12+$0x163E0];
	v9 =	vmul.f32 v11, v9  }
.LBB2_10:
0x14e: {  	p1 =	sne.s32 s16, $0x9E00;
	v8 =	vmul.f32 v10, v8;
	v10 =	vshll.u32 v3, $0x10;
	v11 =	vld [tilespmem:s12+$0x163B0]  }
0x14f: {  	s17 =	sshra.s32 s16, $0x2;
	v3 =	vand.u32 $0xFFFF0000, v3;
	[tilespmem:s12+$0x16380] =	vst v9;
	v7 =	vmul.f32 v10, v7;
	v9 =	vld [tilespmem:s12+$0x163F0]  }
0x150: {  	v10 =	vld [tilespmem:s17+$0x1B380];
	[tilespmem:s12+$0x163C0] =	vst v8;
	v6 =	vmul.f32 v3, v6;
	v8 =	vshll.u32 v2, $0x10  }
0x151: {  	v3 =	vld [tilespmem:s17+$0x1B390];
	[tilespmem:s12+$0x16390] =	vst v7;
	v7 =	vand.u32 $0xFFFF0000, v2;
	v4 =	vmul.f32 v8, v4  }
0x152: {  	v2 =	vld [tilespmem:s17+$0x1B3A0];
	[tilespmem:s12+$0x163D0] =	vst v6;
	v5 =	vmul.f32 v7, v5;
	v6 =	vshll.u32 v1, $0x10  }
0x153: {  	[tilespmem:s12+$0x163A0] =	vst v4;
	v4 =	vand.u32 $0xFFFF0000, v1;
	v1 =	vld [tilespmem:s17+$0x1B3B0];
	v6 =	vmul.f32 v6, v11  }
0x154: {  	v11 =	vld [tilespmem:s17+$0x16380];
	[tilespmem:s12+$0x163E0] =	vst v5;
	v4 =	vmul.f32 v4, v9  }
.Ltmp4:
0x155: {  	v8 =	vld [tilespmem:s17+$0x163C0];
	[tilespmem:s12+$0x163B0] =	vst v6;
	(pc) =	sbr.rel @p1 .LBB2_10-.Ltmp4, $4  }
0x156: {  	v7 =	vld [tilespmem:s17+$0x16390];
	[tilespmem:s12+$0x163F0] =	vst v4;
	s12 =	smov.u32 s17  }
0x157: {  	v6 =	vld [tilespmem:s12+$0x163D0]  }
0x158: {  	v5 =	vshll.u32 v10, $0x10;
	v4 =	vld [tilespmem:s12+$0x163A0]  }
0x159: {  	s16 =	sadd.s32 $0x200, s16;
	v10 =	vand.u32 $0xFFFF0000, v10;
	v9 =	vmul.f32 v5, v11;
	v5 =	vld [tilespmem:s12+$0x163E0]  }
0x15a: {  	v11 =	vld [tilespmem:s12+$0x163B0];
	v8 =	vmul.f32 v10, v8;
	v10 =	vshll.u32 v3, $0x10  }
0x15b: {  	v3 =	vand.u32 $0xFFFF0000, v3;
	[tilespmem:s12+$0x16380] =	vst v9;
	v7 =	vmul.f32 v10, v7;
	v9 =	vld [tilespmem:s12+$0x163F0]  }
0x15c: {  	[tilespmem:s12+$0x163C0] =	vst v8;
	v3 =	vmul.f32 v3, v6;
	v6 =	vshll.u32 v2, $0x10  }
0x15d: {  	v2 =	vand.u32 $0xFFFF0000, v2;
	[tilespmem:s12+$0x16390] =	vst v7;
	v4 =	vmul.f32 v6, v4  }
0x15e: {  	[tilespmem:s12+$0x163D0] =	vst v3;
	v2 =	vmul.f32 v2, v5;
	v3 =	vshll.u32 v1, $0x10  }
0x15f: {  	v1 =	vand.u32 $0xFFFF0000, v1;
	[tilespmem:s12+$0x163A0] =	vst v4;
	v3 =	vmul.f32 v3, v11  }
0x160: {  	[tilespmem:s12+$0x163E0] =	vst v2;
	v1 =	vmul.f32 v1, v9  }
0x161: {  	[tilespmem:s12+$0x163B0] =	vst v3  }
0x162: {  	s16 =	simm.s32 $0x13A00;
	[tilespmem:s12+$0x163F0] =	vst v1  }
0x163: {  	[spmem:s2] =	stream.indirect.scatter.add.f32 [tilespmem:s8], [sflag:$0xC], $0x80, s16, s29, $0xb8;
	[tilespmem:$0x1DB80] =	vst v63  }
0x164: {  	s31 =	simm.s32 $0x0;
	s0 =	rddreg [dreg:$0x18];
	s17 =	simm.s32 $0x13880  }
0x165: {  	[tilespmem:s17], [sflag:$0x5] =	stream.linear.gather [hbm4b:s0+s31], $0x50, $0x38;
	[tilespmem:$0x1DB80] =	vst v63  }
0x166: {  	s18 =	rddreg [dreg:$0x19]  }
0x167: {  	[tilespmem:s16], [sflag:$0x8] =	stream.linear.gather [hbm4b:s18+s31], $0x50, $0x38;
	[tilespmem:$0x1DB80] =	vst v63  }
0x168: {  	_ =	swait.ge [sflag:s4], $0x2800  }
0x169: {  	[sflag:s4] =	ssyncset.done $0x0  }
0x16a: {  	[sflag:s4] =	ssyncadd.s32 $0xFFFFD800  }
0x16b: {  	_ =	swait.ge [sflag:s9], $0x2800  }
0x16c: {  	[sflag:s9] =	ssyncset.done $0x0  }
0x16d: {  	[sflag:s9] =	ssyncadd.s32 $0xFFFFD800  }
0x16e: {  	_ =	swait.ge [sflag:s15], $0x2800  }
0x16f: {  	[sflag:s15] =	ssyncset.done $0x0  }
0x170: {  	[sflag:s15] =	ssyncadd.s32 $0xFFFFD800  }
0x171: {  	_ =	swait.ge [sflag:s13], $0x50  }
0x172: {  	[sflag:s13] =	ssyncset.done $0x0  }
0x173: {  	[sflag:s13] =	ssyncadd.s32 $0xFFFFFFB0  }
0x174: {  	_ =	swait.ge [sflag:s14], $0x50  }
0x175: {  	[sflag:s14] =	ssyncset.done $0x0  }
0x176: {  	s28 =	simm.s32 $0x1B380;
	s22 =	rddreg [dreg:$0x1b];
	[sflag:s14] =	ssyncadd.s32 $0xFFFFFFB0  }
0x177: {  	[tilespmem:s28], [sflag:$0x4] =	stream.linear.gather [hbm4b:s22+s31], $0x2800, $0x38;
	[tilespmem:$0x1DB80] =	vst v63  }
0x178: {  	s12 =	simm.s32 $0x0;
	s31 =	simm.s32 $0x13980  }
0x179: {  	[tilespmem:s8], [sflag:$0x2] =	stream.indirect.gather [hbm4b:s1+s29], $0x80, s31, s29, $0xb8;
	[tilespmem:$0x1DB80] =	vst v63  }
0x17a: {  	v5 =	vld [tilespmem:s12+$0x18B80]  }
0x17b: {  	v3 =	vld [tilespmem:s12+$0x18B90]  }
0x17c: {  	v2 =	vld [tilespmem:s12+$0x18BA0]  }
0x17d: {  	v1 =	vld [tilespmem:s12+$0x18BB0]  }
0x17e: {  	v9 =	vld [tilespmem:s12+$0x13B80]  }
0x17f: {  	v8 =	vld [tilespmem:s12+$0x13BC0]  }
0x180: {  	v7 =	vld [tilespmem:s12+$0x13B90]  }
0x181: {  	v6 =	vld [tilespmem:s12+$0x13BD0]  }
0x182: {  	v4 =	vld [tilespmem:s12+$0x13BA0];
	v11 =	vshll.u32 v5, $0x10  }
0x183: {  	s16 =	simm.s32 $0x200;
	v10 =	vand.u32 $0xFFFF0000, v5;
	v5 =	vld [tilespmem:s12+$0x13BE0];
	v9 =	vmul.f32 v11, v9  }
.LBB2_12:
0x184: {  	p1 =	sne.s32 s16, $0x9E00;
	v8 =	vmul.f32 v10, v8;
	v10 =	vshll.u32 v3, $0x10;
	v11 =	vld [tilespmem:s12+$0x13BB0]  }
0x185: {  	s17 =	sshra.s32 s16, $0x2;
	v3 =	vand.u32 $0xFFFF0000, v3;
	[tilespmem:s12+$0x13B80] =	vst v9;
	v7 =	vmul.f32 v10, v7;
	v9 =	vld [tilespmem:s12+$0x13BF0]  }
0x186: {  	v10 =	vld [tilespmem:s17+$0x18B80];
	[tilespmem:s12+$0x13BC0] =	vst v8;
	v6 =	vmul.f32 v3, v6;
	v8 =	vshll.u32 v2, $0x10  }
0x187: {  	v3 =	vld [tilespmem:s17+$0x18B90];
	[tilespmem:s12+$0x13B90] =	vst v7;
	v7 =	vand.u32 $0xFFFF0000, v2;
	v4 =	vmul.f32 v8, v4  }
0x188: {  	v2 =	vld [tilespmem:s17+$0x18BA0];
	[tilespmem:s12+$0x13BD0] =	vst v6;
	v5 =	vmul.f32 v7, v5;
	v6 =	vshll.u32 v1, $0x10  }
0x189: {  	[tilespmem:s12+$0x13BA0] =	vst v4;
	v4 =	vand.u32 $0xFFFF0000, v1;
	v1 =	vld [tilespmem:s17+$0x18BB0];
	v6 =	vmul.f32 v6, v11  }
0x18a: {  	v11 =	vld [tilespmem:s17+$0x13B80];
	[tilespmem:s12+$0x13BE0] =	vst v5;
	v4 =	vmul.f32 v4, v9  }
.Ltmp5:
0x18b: {  	v8 =	vld [tilespmem:s17+$0x13BC0];
	[tilespmem:s12+$0x13BB0] =	vst v6;
	(pc) =	sbr.rel @p1 .LBB2_12-.Ltmp5, $4  }
0x18c: {  	v7 =	vld [tilespmem:s17+$0x13B90];
	[tilespmem:s12+$0x13BF0] =	vst v4;
	s12 =	smov.u32 s17  }
0x18d: {  	v6 =	vld [tilespmem:s12+$0x13BD0]  }
0x18e: {  	v5 =	vshll.u32 v10, $0x10;
	v4 =	vld [tilespmem:s12+$0x13BA0]  }
0x18f: {  	s16 =	sadd.s32 $0x200, s16;
	v10 =	vand.u32 $0xFFFF0000, v10;
	v9 =	vmul.f32 v5, v11;
	v5 =	vld [tilespmem:s12+$0x13BE0]  }
0x190: {  	v11 =	vld [tilespmem:s12+$0x13BB0];
	v8 =	vmul.f32 v10, v8;
	v10 =	vshll.u32 v3, $0x10  }
0x191: {  	v3 =	vand.u32 $0xFFFF0000, v3;
	[tilespmem:s12+$0x13B80] =	vst v9;
	v7 =	vmul.f32 v10, v7;
	v9 =	vld [tilespmem:s12+$0x13BF0]  }
0x192: {  	[tilespmem:s12+$0x13BC0] =	vst v8;
	v3 =	vmul.f32 v3, v6;
	v6 =	vshll.u32 v2, $0x10  }
0x193: {  	v2 =	vand.u32 $0xFFFF0000, v2;
	[tilespmem:s12+$0x13B90] =	vst v7;
	v4 =	vmul.f32 v6, v4  }
0x194: {  	[tilespmem:s12+$0x13BD0] =	vst v3;
	v2 =	vmul.f32 v2, v5;
	v3 =	vshll.u32 v1, $0x10  }
0x195: {  	v1 =	vand.u32 $0xFFFF0000, v1;
	[tilespmem:s12+$0x13BA0] =	vst v4;
	v3 =	vmul.f32 v3, v11  }
0x196: {  	[tilespmem:s12+$0x13BE0] =	vst v2;
	v1 =	vmul.f32 v1, v9  }
0x197: {  	[tilespmem:s12+$0x13BB0] =	vst v3  }
0x198: {  	[tilespmem:s12+$0x13BF0] =	vst v1  }
0x199: {  	[spmem:s2] =	stream.indirect.scatter.add.f32 [tilespmem:s19], [sflag:$0xB], $0x80, s24, s29, $0xb8;
	[tilespmem:$0x1DB80] =	vst v63  }
0x19a: {  	s18 =	simm.s32 $0x0;
	s0 =	rddreg [dreg:$0x1c]  }
0x19b: {  	[tilespmem:s23], [sflag:$0x6] =	stream.linear.gather [hbm4b:s0+s18], $0x50, $0x38;
	[tilespmem:$0x1DB80] =	vst v63  }
0x19c: {  	s22 =	rddreg [dreg:$0x1d]  }
0x19d: {  	[tilespmem:s24], [sflag:$0x9] =	stream.linear.gather [hbm4b:s22+s18], $0x50, $0x38;
	[tilespmem:$0x1DB80] =	vst v63  }
0x19e: {  	_ =	swait.ge [sflag:s3], $0x2800  }
0x19f: {  	[sflag:s3] =	ssyncset.done $0x0  }
0x1a0: {  	[sflag:s3] =	ssyncadd.s32 $0xFFFFD800  }
0x1a1: {  	_ =	swait.ge [sflag:s20], $0x2800  }
0x1a2: {  	[sflag:s20] =	ssyncset.done $0x0  }
0x1a3: {  	[sflag:s20] =	ssyncadd.s32 $0xFFFFD800  }
0x1a4: {  	_ =	swait.ge [sflag:s30], $0x2800  }
0x1a5: {  	[sflag:s30] =	ssyncset.done $0x0  }
0x1a6: {  	[sflag:s30] =	ssyncadd.s32 $0xFFFFD800  }
0x1a7: {  	_ =	swait.ge [sflag:s25], $0x50  }
0x1a8: {  	[sflag:s25] =	ssyncset.done $0x0  }
0x1a9: {  	[sflag:s25] =	ssyncadd.s32 $0xFFFFFFB0  }
0x1aa: {  	_ =	swait.ge [sflag:s26], $0x50  }
0x1ab: {  	[sflag:s26] =	ssyncset.done $0x0  }
0x1ac: {  	s16 =	simm.s32 $0x18B80;
	s28 =	rddreg [dreg:$0x1e];
	[sflag:s26] =	ssyncadd.s32 $0xFFFFFFB0  }
0x1ad: {  	[tilespmem:s16], [sflag:$0x3] =	stream.linear.gather [hbm4b:s28+s18], $0x2800, $0x38;
	[tilespmem:$0x1DB80] =	vst v63  }
0x1ae: {  	s31 =	simm.s32 $0x13880;
	s12 =	simm.s32 $0x0  }
0x1af: {  	[tilespmem:s19], [sflag:$0x1] =	stream.indirect.gather [hbm4b:s1+s29], $0x80, s31, s29, $0xb8;
	[tilespmem:$0x1DB80] =	vst v63  }
0x1b0: {  	v5 =	vld [tilespmem:s12+$0x1B380]  }
0x1b1: {  	v3 =	vld [tilespmem:s12+$0x1B390]  }
0x1b2: {  	v2 =	vld [tilespmem:s12+$0x1B3A0]  }
0x1b3: {  	v1 =	vld [tilespmem:s12+$0x1B3B0]  }
0x1b4: {  	v9 =	vld [tilespmem:s12+$0x16380]  }
0x1b5: {  	v8 =	vld [tilespmem:s12+$0x163C0]  }
0x1b6: {  	v7 =	vld [tilespmem:s12+$0x16390]  }
0x1b7: {  	v6 =	vld [tilespmem:s12+$0x163D0]  }
0x1b8: {  	v4 =	vld [tilespmem:s12+$0x163A0];
	v11 =	vshll.u32 v5, $0x10  }
0x1b9: {  	s16 =	simm.s32 $0x200;
	v10 =	vand.u32 $0xFFFF0000, v5;
	v5 =	vld [tilespmem:s12+$0x163E0];
	v9 =	vmul.f32 v11, v9  }
.LBB2_14:
0x1ba: {  	p1 =	sne.s32 s16, $0x9E00;
	v8 =	vmul.f32 v10, v8;
	v10 =	vshll.u32 v3, $0x10;
	v11 =	vld [tilespmem:s12+$0x163B0]  }
0x1bb: {  	s17 =	sshra.s32 s16, $0x2;
	v3 =	vand.u32 $0xFFFF0000, v3;
	[tilespmem:s12+$0x16380] =	vst v9;
	v7 =	vmul.f32 v10, v7;
	v9 =	vld [tilespmem:s12+$0x163F0]  }
0x1bc: {  	v10 =	vld [tilespmem:s17+$0x1B380];
	[tilespmem:s12+$0x163C0] =	vst v8;
	v6 =	vmul.f32 v3, v6;
	v8 =	vshll.u32 v2, $0x10  }
0x1bd: {  	v3 =	vld [tilespmem:s17+$0x1B390];
	[tilespmem:s12+$0x16390] =	vst v7;
	v7 =	vand.u32 $0xFFFF0000, v2;
	v4 =	vmul.f32 v8, v4  }
0x1be: {  	v2 =	vld [tilespmem:s17+$0x1B3A0];
	[tilespmem:s12+$0x163D0] =	vst v6;
	v5 =	vmul.f32 v7, v5;
	v6 =	vshll.u32 v1, $0x10  }
0x1bf: {  	[tilespmem:s12+$0x163A0] =	vst v4;
	v4 =	vand.u32 $0xFFFF0000, v1;
	v1 =	vld [tilespmem:s17+$0x1B3B0];
	v6 =	vmul.f32 v6, v11  }
0x1c0: {  	v11 =	vld [tilespmem:s17+$0x16380];
	[tilespmem:s12+$0x163E0] =	vst v5;
	v4 =	vmul.f32 v4, v9  }
.Ltmp6:
0x1c1: {  	v8 =	vld [tilespmem:s17+$0x163C0];
	[tilespmem:s12+$0x163B0] =	vst v6;
	(pc) =	sbr.rel @p1 .LBB2_14-.Ltmp6, $4  }
0x1c2: {  	v7 =	vld [tilespmem:s17+$0x16390];
	[tilespmem:s12+$0x163F0] =	vst v4;
	s12 =	smov.u32 s17  }
0x1c3: {  	v6 =	vld [tilespmem:s12+$0x163D0]  }
0x1c4: {  	v5 =	vshll.u32 v10, $0x10;
	v4 =	vld [tilespmem:s12+$0x163A0]  }
0x1c5: {  	s16 =	sadd.s32 $0x200, s16;
	v10 =	vand.u32 $0xFFFF0000, v10;
	v9 =	vmul.f32 v5, v11;
	v5 =	vld [tilespmem:s12+$0x163E0]  }
0x1c6: {  	v11 =	vld [tilespmem:s12+$0x163B0];
	v8 =	vmul.f32 v10, v8;
	v61 =	vshll.u32 v3, $0x10  }
0x1c7: {  	v3 =	vand.u32 $0xFFFF0000, v3;
	v62 =	vld [tilespmem:s12+$0x163F0];
	[tilespmem:s12+$0x16380] =	vst v9;
	v7 =	vmul.f32 v61, v7  }
0x1c8: {  	v63 =	vshll.u32 v2, $0x10;
	[tilespmem:s12+$0x163C0] =	vst v8;
	v3 =	vmul.f32 v3, v6  }
0x1c9: {  	v2 =	vand.u32 $0xFFFF0000, v2;
	[tilespmem:s12+$0x16390] =	vst v7;
	v4 =	vmul.f32 v63, v4  }
0x1ca: {  	[tilespmem:s12+$0x163D0] =	vst v3;
	v2 =	vmul.f32 v2, v5;
	v3 =	vshll.u32 v1, $0x10  }
0x1cb: {  	v1 =	vand.u32 $0xFFFF0000, v1;
	[tilespmem:s12+$0x163A0] =	vst v4;
	v3 =	vmul.f32 v3, v11  }
0x1cc: {  	v1 =	vmul.f32 v1, v62;
	[tilespmem:s12+$0x163E0] =	vst v2  }
0x1cd: {  	[tilespmem:s12+$0x163B0] =	vst v3  }
0x1ce: {  	s16 =	simm.s32 $0x0;
	s17 =	simm.s32 $0x0;
	[tilespmem:s12+$0x163F0] =	vst v1  }
0x1cf: {  	[spmem:s2] =	stream.indirect.scatter.add.f32 [tilespmem:s8], [sflag:$0xC], $0x80, s21, s29, $0xb8;
	[tilespmem:$0x1DB80] =	vst v63  }
.LBB2_16:
0x1d0: {  	s0 =	sld [smem:$0x7E7]  }
0x1d1: {  	s18 =	smul.u32 $0x1E0, s17;
	_ =	sdelay $0x1  }
0x1d2: {  	s12 =	sadd.s32 s18, s0  }
0x1d3: {  	s28 =	sshrl.u32 s12, $0x3  }
0x1d4: {  	s22 =	simm.s32 $0x13980;
	s31 =	sadd.s32 s6, s28  }
0x1d5: {  	[tilespmem:s22], [sflag:$0x7] =	stream.linear.gather [hbm4b:s31+s16], $0x50, $0x38;
	[tilespmem:$0x1DB80] =	vst v63  }
0x1d6: {  	s28 =	sadd.s32 s7, s28  }
0x1d7: {  	[tilespmem:s21], [sflag:$0xA] =	stream.linear.gather [hbm4b:s28+s16], $0x50, $0x38;
	[tilespmem:$0x1DB80] =	vst v63  }
0x1d8: {  	_ =	swait.ge [sflag:s4], $0x2800  }
0x1d9: {  	[sflag:s4] =	ssyncset.done $0x0  }
0x1da: {  	[sflag:s4] =	ssyncadd.s32 $0xFFFFD800  }
0x1db: {  	_ =	swait.ge [sflag:s9], $0x2800  }
0x1dc: {  	[sflag:s9] =	ssyncset.done $0x0  }
0x1dd: {  	[sflag:s9] =	ssyncadd.s32 $0xFFFFD800  }
0x1de: {  	_ =	swait.ge [sflag:s15], $0x2800  }
0x1df: {  	[sflag:s15] =	ssyncset.done $0x0  }
0x1e0: {  	[sflag:s15] =	ssyncadd.s32 $0xFFFFD800  }
0x1e1: {  	_ =	swait.ge [sflag:s10], $0x50  }
0x1e2: {  	[sflag:s10] =	ssyncset.done $0x0  }
0x1e3: {  	[sflag:s10] =	ssyncadd.s32 $0xFFFFFFB0  }
0x1e4: {  	_ =	swait.ge [sflag:s11], $0x50  }
0x1e5: {  	s21 =	rddreg [dreg:$0x1a]  }
0x1e6: {  	s28 =	sadd.s32 s18, s21  }
0x1e7: {  	[sflag:s11] =	ssyncset.done $0x0;
	s28 =	sshll.u32 s28, $0x4  }
0x1e8: {  	s22 =	simm.s32 $0x1B380;
	[sflag:s11] =	ssyncadd.s32 $0xFFFFFFB0;
	s28 =	sadd.s32 s5, s28  }
0x1e9: {  	[tilespmem:s22], [sflag:$0x4] =	stream.linear.gather [hbm4b:s28+s16], $0x2800, $0x38;
	[tilespmem:$0x1DB80] =	vst v63  }
0x1ea: {  	s28 =	simm.s32 $0x0  }
0x1eb: {  	[tilespmem:s8], [sflag:$0x2] =	stream.indirect.gather [hbm4b:s1+s29], $0x80, s23, s29, $0xb8;
	[tilespmem:$0x1DB80] =	vst v63  }
0x1ec: {  	v5 =	vld [tilespmem:s28+$0x18B80]  }
0x1ed: {  	v3 =	vld [tilespmem:s28+$0x18B90]  }
0x1ee: {  	v2 =	vld [tilespmem:s28+$0x18BA0]  }
0x1ef: {  	v1 =	vld [tilespmem:s28+$0x18BB0]  }
0x1f0: {  	v9 =	vld [tilespmem:s28+$0x13B80]  }
0x1f1: {  	v8 =	vld [tilespmem:s28+$0x13BC0]  }
0x1f2: {  	v7 =	vld [tilespmem:s28+$0x13B90]  }
0x1f3: {  	v6 =	vld [tilespmem:s28+$0x13BD0]  }
0x1f4: {  	v4 =	vld [tilespmem:s28+$0x13BA0];
	v11 =	vshll.u32 v5, $0x10  }
0x1f5: {  	s31 =	simm.s32 $0x200;
	v10 =	vand.u32 $0xFFFF0000, v5;
	v5 =	vld [tilespmem:s28+$0x13BE0];
	v9 =	vmul.f32 v11, v9  }
.LBB2_17:
0x1f6: {  	p1 =	sne.s32 s31, $0x9E00;
	v8 =	vmul.f32 v10, v8;
	v10 =	vshll.u32 v3, $0x10;
	v11 =	vld [tilespmem:s28+$0x13BB0]  }
0x1f7: {  	s0 =	sshra.s32 s31, $0x2;
	v3 =	vand.u32 $0xFFFF0000, v3;
	[tilespmem:s28+$0x13B80] =	vst v9;
	v7 =	vmul.f32 v10, v7;
	v9 =	vld [tilespmem:s28+$0x13BF0]  }
0x1f8: {  	v10 =	vld [tilespmem:s0+$0x18B80];
	[tilespmem:s28+$0x13BC0] =	vst v8;
	v6 =	vmul.f32 v3, v6;
	v8 =	vshll.u32 v2, $0x10  }
0x1f9: {  	v3 =	vld [tilespmem:s0+$0x18B90];
	[tilespmem:s28+$0x13B90] =	vst v7;
	v7 =	vand.u32 $0xFFFF0000, v2;
	v4 =	vmul.f32 v8, v4  }
0x1fa: {  	v2 =	vld [tilespmem:s0+$0x18BA0];
	[tilespmem:s28+$0x13BD0] =	vst v6;
	v5 =	vmul.f32 v7, v5;
	v6 =	vshll.u32 v1, $0x10  }
0x1fb: {  	[tilespmem:s28+$0x13BA0] =	vst v4;
	v4 =	vand.u32 $0xFFFF0000, v1;
	v1 =	vld [tilespmem:s0+$0x18BB0];
	v6 =	vmul.f32 v6, v11  }
0x1fc: {  	v11 =	vld [tilespmem:s0+$0x13B80];
	[tilespmem:s28+$0x13BE0] =	vst v5;
	v4 =	vmul.f32 v4, v9  }
.Ltmp7:
0x1fd: {  	v8 =	vld [tilespmem:s0+$0x13BC0];
	[tilespmem:s28+$0x13BB0] =	vst v6;
	(pc) =	sbr.rel @p1 .LBB2_17-.Ltmp7, $4  }
0x1fe: {  	v7 =	vld [tilespmem:s0+$0x13B90];
	[tilespmem:s28+$0x13BF0] =	vst v4;
	s28 =	smov.u32 s0  }
0x1ff: {  	v6 =	vld [tilespmem:s28+$0x13BD0]  }
0x200: {  	v5 =	vshll.u32 v10, $0x10;
	v4 =	vld [tilespmem:s28+$0x13BA0]  }
0x201: {  	s31 =	sadd.s32 $0x200, s31;
	v10 =	vand.u32 $0xFFFF0000, v10;
	v9 =	vmul.f32 v5, v11;
	v5 =	vld [tilespmem:s28+$0x13BE0]  }
0x202: {  	v11 =	vld [tilespmem:s28+$0x13BB0];
	v8 =	vmul.f32 v10, v8;
	v10 =	vshll.u32 v3, $0x10  }
0x203: {  	v3 =	vand.u32 $0xFFFF0000, v3;
	[tilespmem:s28+$0x13B80] =	vst v9;
	v7 =	vmul.f32 v10, v7;
	v9 =	vld [tilespmem:s28+$0x13BF0]  }
0x204: {  	[tilespmem:s28+$0x13BC0] =	vst v8;
	v3 =	vmul.f32 v3, v6;
	v6 =	vshll.u32 v2, $0x10  }
0x205: {  	v2 =	vand.u32 $0xFFFF0000, v2;
	[tilespmem:s28+$0x13B90] =	vst v7;
	v4 =	vmul.f32 v6, v4  }
0x206: {  	[tilespmem:s28+$0x13BD0] =	vst v3;
	v2 =	vmul.f32 v2, v5;
	v3 =	vshll.u32 v1, $0x10  }
0x207: {  	s0 =	sld [smem:$0x7E8];
	v1 =	vand.u32 $0xFFFF0000, v1;
	[tilespmem:s28+$0x13BA0] =	vst v4;
	v3 =	vmul.f32 v3, v11  }
0x208: {  	[tilespmem:s28+$0x13BE0] =	vst v2;
	v1 =	vmul.f32 v1, v9  }
0x209: {  	[tilespmem:s28+$0x13BB0] =	vst v3  }
0x20a: {  	s23 =	simm.s32 $0x13A00;
	[tilespmem:s28+$0x13BF0] =	vst v1;
	s28 =	sadd.s32 s18, s0  }
0x20b: {  	[spmem:s2] =	stream.indirect.scatter.add.f32 [tilespmem:s19], [sflag:$0xB], $0x80, s23, s29, $0xb8;
	[tilespmem:$0x1DB80] =	vst v63  }
0x20c: {  	s0 =	sshrl.u32 s28, $0x3  }
0x20d: {  	s21 =	simm.s32 $0x0;
	s22 =	simm.s32 $0x13880;
	s31 =	sadd.s32 s6, s0  }
0x20e: {  	[tilespmem:s22], [sflag:$0x5] =	stream.linear.gather [hbm4b:s31+s21], $0x50, $0x38;
	[tilespmem:$0x1DB80] =	vst v63  }
0x20f: {  	s0 =	sadd.s32 s7, s0  }
0x210: {  	[tilespmem:s23], [sflag:$0x8] =	stream.linear.gather [hbm4b:s0+s21], $0x50, $0x38;
	[tilespmem:$0x1DB80] =	vst v63  }
0x211: {  	_ =	swait.ge [sflag:s3], $0x2800  }
0x212: {  	[sflag:s3] =	ssyncset.done $0x0  }
0x213: {  	[sflag:s3] =	ssyncadd.s32 $0xFFFFD800  }
0x214: {  	_ =	swait.ge [sflag:s20], $0x2800  }
0x215: {  	[sflag:s20] =	ssyncset.done $0x0  }
0x216: {  	[sflag:s20] =	ssyncadd.s32 $0xFFFFD800  }
0x217: {  	_ =	swait.ge [sflag:s30], $0x2800  }
0x218: {  	[sflag:s30] =	ssyncset.done $0x0  }
0x219: {  	[sflag:s30] =	ssyncadd.s32 $0xFFFFD800  }
0x21a: {  	_ =	swait.ge [sflag:s13], $0x50  }
0x21b: {  	[sflag:s13] =	ssyncset.done $0x0  }
0x21c: {  	[sflag:s13] =	ssyncadd.s32 $0xFFFFFFB0  }
0x21d: {  	_ =	swait.ge [sflag:s14], $0x50  }
0x21e: {  	s12 =	sshll.u32 s12, $0x4;
	[sflag:s14] =	ssyncset.done $0x0  }
0x21f: {  	s22 =	simm.s32 $0x18B80;
	s0 =	sadd.s32 s5, s12;
	[sflag:s14] =	ssyncadd.s32 $0xFFFFFFB0  }
0x220: {  	[tilespmem:s22], [sflag:$0x3] =	stream.linear.gather [hbm4b:s0+s21], $0x2800, $0x38;
	[tilespmem:$0x1DB80] =	vst v63  }
0x221: {  	s23 =	simm.s32 $0x13980;
	s12 =	simm.s32 $0x0  }
0x222: {  	[tilespmem:s19], [sflag:$0x1] =	stream.indirect.gather [hbm4b:s1+s29], $0x80, s23, s29, $0xb8;
	[tilespmem:$0x1DB80] =	vst v63  }
0x223: {  	v5 =	vld [tilespmem:s12+$0x1B380]  }
0x224: {  	v3 =	vld [tilespmem:s12+$0x1B390]  }
0x225: {  	v2 =	vld [tilespmem:s12+$0x1B3A0]  }
0x226: {  	v1 =	vld [tilespmem:s12+$0x1B3B0]  }
0x227: {  	v9 =	vld [tilespmem:s12+$0x16380]  }
0x228: {  	v8 =	vld [tilespmem:s12+$0x163C0]  }
0x229: {  	v7 =	vld [tilespmem:s12+$0x16390]  }
0x22a: {  	v6 =	vld [tilespmem:s12+$0x163D0]  }
0x22b: {  	v4 =	vld [tilespmem:s12+$0x163A0];
	v11 =	vshll.u32 v5, $0x10  }
0x22c: {  	s31 =	simm.s32 $0x200;
	v10 =	vand.u32 $0xFFFF0000, v5;
	v5 =	vld [tilespmem:s12+$0x163E0];
	v9 =	vmul.f32 v11, v9  }
.LBB2_19:
0x22d: {  	p1 =	sne.s32 s31, $0x9E00;
	v8 =	vmul.f32 v10, v8;
	v10 =	vshll.u32 v3, $0x10;
	v11 =	vld [tilespmem:s12+$0x163B0]  }
0x22e: {  	s0 =	sshra.s32 s31, $0x2;
	v3 =	vand.u32 $0xFFFF0000, v3;
	[tilespmem:s12+$0x16380] =	vst v9;
	v7 =	vmul.f32 v10, v7;
	v9 =	vld [tilespmem:s12+$0x163F0]  }
0x22f: {  	v10 =	vld [tilespmem:s0+$0x1B380];
	[tilespmem:s12+$0x163C0] =	vst v8;
	v6 =	vmul.f32 v3, v6;
	v8 =	vshll.u32 v2, $0x10  }
0x230: {  	v3 =	vld [tilespmem:s0+$0x1B390];
	[tilespmem:s12+$0x16390] =	vst v7;
	v7 =	vand.u32 $0xFFFF0000, v2;
	v4 =	vmul.f32 v8, v4  }
0x231: {  	v2 =	vld [tilespmem:s0+$0x1B3A0];
	[tilespmem:s12+$0x163D0] =	vst v6;
	v5 =	vmul.f32 v7, v5;
	v6 =	vshll.u32 v1, $0x10  }
0x232: {  	[tilespmem:s12+$0x163A0] =	vst v4;
	v4 =	vand.u32 $0xFFFF0000, v1;
	v1 =	vld [tilespmem:s0+$0x1B3B0];
	v6 =	vmul.f32 v6, v11  }
0x233: {  	v11 =	vld [tilespmem:s0+$0x16380];
	[tilespmem:s12+$0x163E0] =	vst v5;
	v4 =	vmul.f32 v4, v9  }
.Ltmp8:
0x234: {  	v8 =	vld [tilespmem:s0+$0x163C0];
	[tilespmem:s12+$0x163B0] =	vst v6;
	(pc) =	sbr.rel @p1 .LBB2_19-.Ltmp8, $4  }
0x235: {  	v7 =	vld [tilespmem:s0+$0x16390];
	[tilespmem:s12+$0x163F0] =	vst v4;
	s12 =	smov.u32 s0  }
0x236: {  	v6 =	vld [tilespmem:s12+$0x163D0]  }
0x237: {  	v5 =	vshll.u32 v10, $0x10;
	v4 =	vld [tilespmem:s12+$0x163A0]  }
0x238: {  	s31 =	sadd.s32 $0x200, s31;
	v10 =	vand.u32 $0xFFFF0000, v10;
	v9 =	vmul.f32 v5, v11;
	v5 =	vld [tilespmem:s12+$0x163E0]  }
0x239: {  	v11 =	vld [tilespmem:s12+$0x163B0];
	v8 =	vmul.f32 v10, v8;
	v10 =	vshll.u32 v3, $0x10  }
0x23a: {  	v3 =	vand.u32 $0xFFFF0000, v3;
	[tilespmem:s12+$0x16380] =	vst v9;
	v7 =	vmul.f32 v10, v7;
	v9 =	vld [tilespmem:s12+$0x163F0]  }
0x23b: {  	[tilespmem:s12+$0x163C0] =	vst v8;
	v3 =	vmul.f32 v3, v6;
	v6 =	vshll.u32 v2, $0x10  }
0x23c: {  	v2 =	vand.u32 $0xFFFF0000, v2;
	[tilespmem:s12+$0x16390] =	vst v7;
	v4 =	vmul.f32 v6, v4  }
0x23d: {  	[tilespmem:s12+$0x163D0] =	vst v3;
	v2 =	vmul.f32 v2, v5;
	v3 =	vshll.u32 v1, $0x10  }
0x23e: {  	s0 =	sld [smem:$0x7E9];
	v1 =	vand.u32 $0xFFFF0000, v1;
	[tilespmem:s12+$0x163A0] =	vst v4;
	v3 =	vmul.f32 v3, v11  }
0x23f: {  	[tilespmem:s12+$0x163E0] =	vst v2;
	v1 =	vmul.f32 v1, v9  }
0x240: {  	[tilespmem:s12+$0x163B0] =	vst v3  }
0x241: {  	[tilespmem:s12+$0x163F0] =	vst v1;
	s12 =	sadd.s32 s18, s0  }
0x242: {  	[spmem:s2] =	stream.indirect.scatter.add.f32 [tilespmem:s8], [sflag:$0xC], $0x80, s24, s29, $0xb8;
	[tilespmem:$0x1DB80] =	vst v63  }
0x243: {  	s0 =	sshrl.u32 s12, $0x3  }
0x244: {  	s31 =	simm.s32 $0x0;
	s23 =	simm.s32 $0x13900;
	s21 =	sadd.s32 s6, s0  }
0x245: {  	[tilespmem:s23], [sflag:$0x6] =	stream.linear.gather [hbm4b:s21+s31], $0x50, $0x38;
	[tilespmem:$0x1DB80] =	vst v63  }
0x246: {  	s0 =	sadd.s32 s7, s0  }
0x247: {  	[tilespmem:s24], [sflag:$0x9] =	stream.linear.gather [hbm4b:s0+s31], $0x50, $0x38;
	[tilespmem:$0x1DB80] =	vst v63  }
0x248: {  	_ =	swait.ge [sflag:s4], $0x2800  }
0x249: {  	[sflag:s4] =	ssyncset.done $0x0  }
0x24a: {  	[sflag:s4] =	ssyncadd.s32 $0xFFFFD800  }
0x24b: {  	_ =	swait.ge [sflag:s9], $0x2800  }
0x24c: {  	[sflag:s9] =	ssyncset.done $0x0  }
0x24d: {  	[sflag:s9] =	ssyncadd.s32 $0xFFFFD800  }
0x24e: {  	_ =	swait.ge [sflag:s15], $0x2800  }
0x24f: {  	[sflag:s15] =	ssyncset.done $0x0  }
0x250: {  	[sflag:s15] =	ssyncadd.s32 $0xFFFFD800  }
0x251: {  	_ =	swait.ge [sflag:s25], $0x50  }
0x252: {  	[sflag:s25] =	ssyncset.done $0x0  }
0x253: {  	[sflag:s25] =	ssyncadd.s32 $0xFFFFFFB0  }
0x254: {  	_ =	swait.ge [sflag:s26], $0x50  }
0x255: {  	s21 =	sshll.u32 s28, $0x4;
	[sflag:s26] =	ssyncset.done $0x0  }
0x256: {  	s22 =	simm.s32 $0x1B380;
	s0 =	sadd.s32 s5, s21;
	[sflag:s26] =	ssyncadd.s32 $0xFFFFFFB0  }
0x257: {  	[tilespmem:s22], [sflag:$0x4] =	stream.linear.gather [hbm4b:s0+s31], $0x2800, $0x38;
	[tilespmem:$0x1DB80] =	vst v63  }
0x258: {  	s28 =	simm.s32 $0x0;
	s24 =	simm.s32 $0x13880  }
0x259: {  	[tilespmem:s8], [sflag:$0x2] =	stream.indirect.gather [hbm4b:s1+s29], $0x80, s24, s29, $0xb8;
	[tilespmem:$0x1DB80] =	vst v63  }
0x25a: {  	v5 =	vld [tilespmem:s28+$0x18B80]  }
0x25b: {  	v3 =	vld [tilespmem:s28+$0x18B90]  }
0x25c: {  	v2 =	vld [tilespmem:s28+$0x18BA0]  }
0x25d: {  	v1 =	vld [tilespmem:s28+$0x18BB0]  }
0x25e: {  	v9 =	vld [tilespmem:s28+$0x13B80]  }
0x25f: {  	v8 =	vld [tilespmem:s28+$0x13BC0]  }
0x260: {  	v7 =	vld [tilespmem:s28+$0x13B90]  }
0x261: {  	v6 =	vld [tilespmem:s28+$0x13BD0]  }
0x262: {  	v4 =	vld [tilespmem:s28+$0x13BA0];
	v11 =	vshll.u32 v5, $0x10  }
0x263: {  	s31 =	simm.s32 $0x200;
	v10 =	vand.u32 $0xFFFF0000, v5;
	v5 =	vld [tilespmem:s28+$0x13BE0];
	v9 =	vmul.f32 v11, v9  }
.LBB2_21:
0x264: {  	p1 =	sne.s32 s31, $0x9E00;
	v8 =	vmul.f32 v10, v8;
	v10 =	vshll.u32 v3, $0x10;
	v11 =	vld [tilespmem:s28+$0x13BB0]  }
0x265: {  	s0 =	sshra.s32 s31, $0x2;
	v3 =	vand.u32 $0xFFFF0000, v3;
	[tilespmem:s28+$0x13B80] =	vst v9;
	v7 =	vmul.f32 v10, v7;
	v9 =	vld [tilespmem:s28+$0x13BF0]  }
0x266: {  	v10 =	vld [tilespmem:s0+$0x18B80];
	[tilespmem:s28+$0x13BC0] =	vst v8;
	v6 =	vmul.f32 v3, v6;
	v8 =	vshll.u32 v2, $0x10  }
0x267: {  	v3 =	vld [tilespmem:s0+$0x18B90];
	[tilespmem:s28+$0x13B90] =	vst v7;
	v7 =	vand.u32 $0xFFFF0000, v2;
	v4 =	vmul.f32 v8, v4  }
0x268: {  	v2 =	vld [tilespmem:s0+$0x18BA0];
	[tilespmem:s28+$0x13BD0] =	vst v6;
	v5 =	vmul.f32 v7, v5;
	v6 =	vshll.u32 v1, $0x10  }
0x269: {  	[tilespmem:s28+$0x13BA0] =	vst v4;
	v4 =	vand.u32 $0xFFFF0000, v1;
	v1 =	vld [tilespmem:s0+$0x18BB0];
	v6 =	vmul.f32 v6, v11  }
0x26a: {  	v11 =	vld [tilespmem:s0+$0x13B80];
	[tilespmem:s28+$0x13BE0] =	vst v5;
	v4 =	vmul.f32 v4, v9  }
.Ltmp9:
0x26b: {  	v8 =	vld [tilespmem:s0+$0x13BC0];
	[tilespmem:s28+$0x13BB0] =	vst v6;
	(pc) =	sbr.rel @p1 .LBB2_21-.Ltmp9, $4  }
0x26c: {  	v7 =	vld [tilespmem:s0+$0x13B90];
	[tilespmem:s28+$0x13BF0] =	vst v4;
	s28 =	smov.u32 s0  }
0x26d: {  	v6 =	vld [tilespmem:s28+$0x13BD0]  }
0x26e: {  	v5 =	vshll.u32 v10, $0x10;
	v4 =	vld [tilespmem:s28+$0x13BA0]  }
0x26f: {  	s31 =	sadd.s32 $0x200, s31;
	v10 =	vand.u32 $0xFFFF0000, v10;
	v9 =	vmul.f32 v5, v11;
	v5 =	vld [tilespmem:s28+$0x13BE0]  }
0x270: {  	v11 =	vld [tilespmem:s28+$0x13BB0];
	v8 =	vmul.f32 v10, v8;
	v10 =	vshll.u32 v3, $0x10  }
0x271: {  	v3 =	vand.u32 $0xFFFF0000, v3;
	[tilespmem:s28+$0x13B80] =	vst v9;
	v7 =	vmul.f32 v10, v7;
	v9 =	vld [tilespmem:s28+$0x13BF0]  }
0x272: {  	[tilespmem:s28+$0x13BC0] =	vst v8;
	v3 =	vmul.f32 v3, v6;
	v6 =	vshll.u32 v2, $0x10  }
0x273: {  	v2 =	vand.u32 $0xFFFF0000, v2;
	[tilespmem:s28+$0x13B90] =	vst v7;
	v4 =	vmul.f32 v6, v4  }
0x274: {  	[tilespmem:s28+$0x13BD0] =	vst v3;
	v2 =	vmul.f32 v2, v5;
	v3 =	vshll.u32 v1, $0x10  }
0x275: {  	s0 =	sld [smem:$0x7EA];
	v1 =	vand.u32 $0xFFFF0000, v1;
	[tilespmem:s28+$0x13BA0] =	vst v4;
	v3 =	vmul.f32 v3, v11  }
0x276: {  	[tilespmem:s28+$0x13BE0] =	vst v2;
	v1 =	vmul.f32 v1, v9  }
0x277: {  	[tilespmem:s28+$0x13BB0] =	vst v3  }
0x278: {  	s22 =	simm.s32 $0x13B00;
	[tilespmem:s28+$0x13BF0] =	vst v1;
	s28 =	sadd.s32 s18, s0  }
0x279: {  	[spmem:s2] =	stream.indirect.scatter.add.f32 [tilespmem:s19], [sflag:$0xB], $0x80, s22, s29, $0xb8;
	[tilespmem:$0x1DB80] =	vst v63  }
0x27a: {  	s0 =	sshrl.u32 s28, $0x3  }
0x27b: {  	s31 =	simm.s32 $0x0;
	s24 =	simm.s32 $0x13980;
	s21 =	sadd.s32 s6, s0  }
0x27c: {  	[tilespmem:s24], [sflag:$0x7] =	stream.linear.gather [hbm4b:s21+s31], $0x50, $0x38;
	[tilespmem:$0x1DB80] =	vst v63  }
0x27d: {  	s0 =	sadd.s32 s7, s0  }
0x27e: {  	[tilespmem:s22], [sflag:$0xA] =	stream.linear.gather [hbm4b:s0+s31], $0x50, $0x38;
	[tilespmem:$0x1DB80] =	vst v63  }
0x27f: {  	_ =	swait.ge [sflag:s3], $0x2800  }
0x280: {  	[sflag:s3] =	ssyncset.done $0x0  }
0x281: {  	[sflag:s3] =	ssyncadd.s32 $0xFFFFD800  }
0x282: {  	_ =	swait.ge [sflag:s20], $0x2800  }
0x283: {  	[sflag:s20] =	ssyncset.done $0x0  }
0x284: {  	[sflag:s20] =	ssyncadd.s32 $0xFFFFD800  }
0x285: {  	_ =	swait.ge [sflag:s30], $0x2800  }
0x286: {  	[sflag:s30] =	ssyncset.done $0x0  }
0x287: {  	[sflag:s30] =	ssyncadd.s32 $0xFFFFD800  }
0x288: {  	_ =	swait.ge [sflag:s10], $0x50  }
0x289: {  	[sflag:s10] =	ssyncset.done $0x0  }
0x28a: {  	[sflag:s10] =	ssyncadd.s32 $0xFFFFFFB0  }
0x28b: {  	_ =	swait.ge [sflag:s11], $0x50  }
0x28c: {  	s22 =	sshll.u32 s12, $0x4;
	[sflag:s11] =	ssyncset.done $0x0  }
0x28d: {  	s24 =	simm.s32 $0x18B80;
	s0 =	sadd.s32 s5, s22;
	[sflag:s11] =	ssyncadd.s32 $0xFFFFFFB0  }
0x28e: {  	[tilespmem:s24], [sflag:$0x3] =	stream.linear.gather [hbm4b:s0+s31], $0x2800, $0x38;
	[tilespmem:$0x1DB80] =	vst v63  }
0x28f: {  	s12 =	simm.s32 $0x0  }
0x290: {  	[tilespmem:s19], [sflag:$0x1] =	stream.indirect.gather [hbm4b:s1+s29], $0x80, s23, s29, $0xb8;
	[tilespmem:$0x1DB80] =	vst v63  }
0x291: {  	v5 =	vld [tilespmem:s12+$0x1B380]  }
0x292: {  	v3 =	vld [tilespmem:s12+$0x1B390]  }
0x293: {  	v2 =	vld [tilespmem:s12+$0x1B3A0]  }
0x294: {  	v1 =	vld [tilespmem:s12+$0x1B3B0]  }
0x295: {  	v9 =	vld [tilespmem:s12+$0x16380]  }
0x296: {  	v8 =	vld [tilespmem:s12+$0x163C0]  }
0x297: {  	v7 =	vld [tilespmem:s12+$0x16390]  }
0x298: {  	v6 =	vld [tilespmem:s12+$0x163D0]  }
0x299: {  	v4 =	vld [tilespmem:s12+$0x163A0];
	v11 =	vshll.u32 v5, $0x10  }
0x29a: {  	s31 =	simm.s32 $0x200;
	v10 =	vand.u32 $0xFFFF0000, v5;
	v5 =	vld [tilespmem:s12+$0x163E0];
	v9 =	vmul.f32 v11, v9  }
.LBB2_23:
0x29b: {  	p1 =	sne.s32 s31, $0x9E00;
	v8 =	vmul.f32 v10, v8;
	v10 =	vshll.u32 v3, $0x10;
	v11 =	vld [tilespmem:s12+$0x163B0]  }
0x29c: {  	s0 =	sshra.s32 s31, $0x2;
	v3 =	vand.u32 $0xFFFF0000, v3;
	[tilespmem:s12+$0x16380] =	vst v9;
	v7 =	vmul.f32 v10, v7;
	v9 =	vld [tilespmem:s12+$0x163F0]  }
0x29d: {  	v10 =	vld [tilespmem:s0+$0x1B380];
	[tilespmem:s12+$0x163C0] =	vst v8;
	v6 =	vmul.f32 v3, v6;
	v8 =	vshll.u32 v2, $0x10  }
0x29e: {  	v3 =	vld [tilespmem:s0+$0x1B390];
	[tilespmem:s12+$0x16390] =	vst v7;
	v7 =	vand.u32 $0xFFFF0000, v2;
	v4 =	vmul.f32 v8, v4  }
0x29f: {  	v2 =	vld [tilespmem:s0+$0x1B3A0];
	[tilespmem:s12+$0x163D0] =	vst v6;
	v5 =	vmul.f32 v7, v5;
	v6 =	vshll.u32 v1, $0x10  }
0x2a0: {  	[tilespmem:s12+$0x163A0] =	vst v4;
	v4 =	vand.u32 $0xFFFF0000, v1;
	v1 =	vld [tilespmem:s0+$0x1B3B0];
	v6 =	vmul.f32 v6, v11  }
0x2a1: {  	v11 =	vld [tilespmem:s0+$0x16380];
	[tilespmem:s12+$0x163E0] =	vst v5;
	v4 =	vmul.f32 v4, v9  }
.Ltmp10:
0x2a2: {  	v8 =	vld [tilespmem:s0+$0x163C0];
	[tilespmem:s12+$0x163B0] =	vst v6;
	(pc) =	sbr.rel @p1 .LBB2_23-.Ltmp10, $4  }
0x2a3: {  	v7 =	vld [tilespmem:s0+$0x16390];
	[tilespmem:s12+$0x163F0] =	vst v4;
	s12 =	smov.u32 s0  }
0x2a4: {  	v6 =	vld [tilespmem:s12+$0x163D0]  }
0x2a5: {  	v5 =	vshll.u32 v10, $0x10;
	v4 =	vld [tilespmem:s12+$0x163A0]  }
0x2a6: {  	s31 =	sadd.s32 $0x200, s31;
	v10 =	vand.u32 $0xFFFF0000, v10;
	v9 =	vmul.f32 v5, v11;
	v5 =	vld [tilespmem:s12+$0x163E0]  }
0x2a7: {  	v11 =	vld [tilespmem:s12+$0x163B0];
	v8 =	vmul.f32 v10, v8;
	v10 =	vshll.u32 v3, $0x10  }
0x2a8: {  	v3 =	vand.u32 $0xFFFF0000, v3;
	[tilespmem:s12+$0x16380] =	vst v9;
	v7 =	vmul.f32 v10, v7;
	v9 =	vld [tilespmem:s12+$0x163F0]  }
0x2a9: {  	[tilespmem:s12+$0x163C0] =	vst v8;
	v3 =	vmul.f32 v3, v6;
	v6 =	vshll.u32 v2, $0x10  }
0x2aa: {  	v2 =	vand.u32 $0xFFFF0000, v2;
	[tilespmem:s12+$0x16390] =	vst v7;
	v4 =	vmul.f32 v6, v4  }
0x2ab: {  	[tilespmem:s12+$0x163D0] =	vst v3;
	v2 =	vmul.f32 v2, v5;
	v3 =	vshll.u32 v1, $0x10  }
0x2ac: {  	s0 =	sld [smem:$0x7EB];
	v1 =	vand.u32 $0xFFFF0000, v1;
	[tilespmem:s12+$0x163A0] =	vst v4;
	v3 =	vmul.f32 v3, v11  }
0x2ad: {  	[tilespmem:s12+$0x163E0] =	vst v2;
	v1 =	vmul.f32 v1, v9  }
0x2ae: {  	[tilespmem:s12+$0x163B0] =	vst v3  }
0x2af: {  	s23 =	simm.s32 $0x13A00;
	[tilespmem:s12+$0x163F0] =	vst v1;
	s12 =	sadd.s32 s18, s0  }
0x2b0: {  	[spmem:s2] =	stream.indirect.scatter.add.f32 [tilespmem:s8], [sflag:$0xC], $0x80, s23, s29, $0xb8;
	[tilespmem:$0x1DB80] =	vst v63  }
0x2b1: {  	s0 =	sshrl.u32 s12, $0x3  }
0x2b2: {  	s31 =	simm.s32 $0x0;
	s22 =	simm.s32 $0x13880;
	s21 =	sadd.s32 s6, s0  }
0x2b3: {  	[tilespmem:s22], [sflag:$0x5] =	stream.linear.gather [hbm4b:s21+s31], $0x50, $0x38;
	[tilespmem:$0x1DB80] =	vst v63  }
0x2b4: {  	s0 =	sadd.s32 s7, s0  }
0x2b5: {  	[tilespmem:s23], [sflag:$0x8] =	stream.linear.gather [hbm4b:s0+s31], $0x50, $0x38;
	[tilespmem:$0x1DB80] =	vst v63  }
0x2b6: {  	_ =	swait.ge [sflag:s4], $0x2800  }
0x2b7: {  	[sflag:s4] =	ssyncset.done $0x0  }
0x2b8: {  	[sflag:s4] =	ssyncadd.s32 $0xFFFFD800  }
0x2b9: {  	_ =	swait.ge [sflag:s9], $0x2800  }
0x2ba: {  	[sflag:s9] =	ssyncset.done $0x0  }
0x2bb: {  	[sflag:s9] =	ssyncadd.s32 $0xFFFFD800  }
0x2bc: {  	_ =	swait.ge [sflag:s15], $0x2800  }
0x2bd: {  	[sflag:s15] =	ssyncset.done $0x0  }
0x2be: {  	[sflag:s15] =	ssyncadd.s32 $0xFFFFD800  }
0x2bf: {  	_ =	swait.ge [sflag:s13], $0x50  }
0x2c0: {  	[sflag:s13] =	ssyncset.done $0x0  }
0x2c1: {  	[sflag:s13] =	ssyncadd.s32 $0xFFFFFFB0  }
0x2c2: {  	_ =	swait.ge [sflag:s14], $0x50  }
0x2c3: {  	s22 =	sshll.u32 s28, $0x4;
	[sflag:s14] =	ssyncset.done $0x0  }
0x2c4: {  	s0 =	sadd.s32 s5, s22;
	s23 =	simm.s32 $0x1B380;
	[sflag:s14] =	ssyncadd.s32 $0xFFFFFFB0  }
0x2c5: {  	[tilespmem:s23], [sflag:$0x4] =	stream.linear.gather [hbm4b:s0+s31], $0x2800, $0x38;
	[tilespmem:$0x1DB80] =	vst v63  }
0x2c6: {  	s24 =	simm.s32 $0x13980;
	s28 =	simm.s32 $0x0  }
0x2c7: {  	[tilespmem:s8], [sflag:$0x2] =	stream.indirect.gather [hbm4b:s1+s29], $0x80, s24, s29, $0xb8;
	[tilespmem:$0x1DB80] =	vst v63  }
0x2c8: {  	v5 =	vld [tilespmem:s28+$0x18B80]  }
0x2c9: {  	v3 =	vld [tilespmem:s28+$0x18B90]  }
0x2ca: {  	v2 =	vld [tilespmem:s28+$0x18BA0]  }
0x2cb: {  	v1 =	vld [tilespmem:s28+$0x18BB0]  }
0x2cc: {  	v9 =	vld [tilespmem:s28+$0x13B80]  }
0x2cd: {  	v8 =	vld [tilespmem:s28+$0x13BC0]  }
0x2ce: {  	v7 =	vld [tilespmem:s28+$0x13B90]  }
0x2cf: {  	v6 =	vld [tilespmem:s28+$0x13BD0]  }
0x2d0: {  	v4 =	vld [tilespmem:s28+$0x13BA0];
	v11 =	vshll.u32 v5, $0x10  }
0x2d1: {  	s31 =	simm.s32 $0x200;
	s24 =	simm.s32 $0x13A80;
	v10 =	vand.u32 $0xFFFF0000, v5;
	v5 =	vld [tilespmem:s28+$0x13BE0];
	v9 =	vmul.f32 v11, v9  }
.LBB2_25:
0x2d2: {  	p1 =	sne.s32 s31, $0x9E00;
	v8 =	vmul.f32 v10, v8;
	v10 =	vshll.u32 v3, $0x10;
	v11 =	vld [tilespmem:s28+$0x13BB0]  }
0x2d3: {  	s0 =	sshra.s32 s31, $0x2;
	v3 =	vand.u32 $0xFFFF0000, v3;
	[tilespmem:s28+$0x13B80] =	vst v9;
	v7 =	vmul.f32 v10, v7;
	v9 =	vld [tilespmem:s28+$0x13BF0]  }
0x2d4: {  	v10 =	vld [tilespmem:s0+$0x18B80];
	[tilespmem:s28+$0x13BC0] =	vst v8;
	v6 =	vmul.f32 v3, v6;
	v8 =	vshll.u32 v2, $0x10  }
0x2d5: {  	v3 =	vld [tilespmem:s0+$0x18B90];
	[tilespmem:s28+$0x13B90] =	vst v7;
	v7 =	vand.u32 $0xFFFF0000, v2;
	v4 =	vmul.f32 v8, v4  }
0x2d6: {  	v2 =	vld [tilespmem:s0+$0x18BA0];
	[tilespmem:s28+$0x13BD0] =	vst v6;
	v5 =	vmul.f32 v7, v5;
	v6 =	vshll.u32 v1, $0x10  }
0x2d7: {  	[tilespmem:s28+$0x13BA0] =	vst v4;
	v4 =	vand.u32 $0xFFFF0000, v1;
	v1 =	vld [tilespmem:s0+$0x18BB0];
	v6 =	vmul.f32 v6, v11  }
0x2d8: {  	v11 =	vld [tilespmem:s0+$0x13B80];
	[tilespmem:s28+$0x13BE0] =	vst v5;
	v4 =	vmul.f32 v4, v9  }
.Ltmp11:
0x2d9: {  	v8 =	vld [tilespmem:s0+$0x13BC0];
	[tilespmem:s28+$0x13BB0] =	vst v6;
	(pc) =	sbr.rel @p1 .LBB2_25-.Ltmp11, $4  }
0x2da: {  	v7 =	vld [tilespmem:s0+$0x13B90];
	[tilespmem:s28+$0x13BF0] =	vst v4;
	s28 =	smov.u32 s0  }
0x2db: {  	v6 =	vld [tilespmem:s28+$0x13BD0]  }
0x2dc: {  	v5 =	vshll.u32 v10, $0x10;
	v4 =	vld [tilespmem:s28+$0x13BA0]  }
0x2dd: {  	s31 =	sadd.s32 $0x200, s31;
	v10 =	vand.u32 $0xFFFF0000, v10;
	v9 =	vmul.f32 v5, v11;
	v5 =	vld [tilespmem:s28+$0x13BE0]  }
0x2de: {  	v11 =	vld [tilespmem:s28+$0x13BB0];
	v8 =	vmul.f32 v10, v8;
	v10 =	vshll.u32 v3, $0x10  }
0x2df: {  	v3 =	vand.u32 $0xFFFF0000, v3;
	[tilespmem:s28+$0x13B80] =	vst v9;
	v7 =	vmul.f32 v10, v7;
	v9 =	vld [tilespmem:s28+$0x13BF0]  }
0x2e0: {  	[tilespmem:s28+$0x13BC0] =	vst v8;
	v3 =	vmul.f32 v3, v6;
	v6 =	vshll.u32 v2, $0x10  }
0x2e1: {  	v2 =	vand.u32 $0xFFFF0000, v2;
	[tilespmem:s28+$0x13B90] =	vst v7;
	v4 =	vmul.f32 v6, v4  }
0x2e2: {  	s0 =	sld [smem:$0x7EC];
	[tilespmem:s28+$0x13BD0] =	vst v3;
	v2 =	vmul.f32 v2, v5;
	v3 =	vshll.u32 v1, $0x10  }
0x2e3: {  	v1 =	vand.u32 $0xFFFF0000, v1;
	[tilespmem:s28+$0x13BA0] =	vst v4;
	v3 =	vmul.f32 v3, v11  }
0x2e4: {  	[tilespmem:s28+$0x13BE0] =	vst v2;
	v1 =	vmul.f32 v1, v9  }
0x2e5: {  	s0 =	sadd.s32 s18, s0;
	[tilespmem:s28+$0x13BB0] =	vst v3  }
0x2e6: {  	s0 =	sshrl.u32 s0, $0x3;
	[tilespmem:s28+$0x13BF0] =	vst v1  }
0x2e7: {  	[spmem:s2] =	stream.indirect.scatter.add.f32 [tilespmem:s19], [sflag:$0xB], $0x80, s24, s29, $0xb8;
	[tilespmem:$0x1DB80] =	vst v63  }
0x2e8: {  	s21 =	simm.s32 $0x0;
	s23 =	simm.s32 $0x13900;
	s31 =	sadd.s32 s6, s0  }
0x2e9: {  	[tilespmem:s23], [sflag:$0x6] =	stream.linear.gather [hbm4b:s31+s21], $0x50, $0x38;
	[tilespmem:$0x1DB80] =	vst v63  }
0x2ea: {  	s0 =	sadd.s32 s7, s0  }
0x2eb: {  	[tilespmem:s24], [sflag:$0x9] =	stream.linear.gather [hbm4b:s0+s21], $0x50, $0x38;
	[tilespmem:$0x1DB80] =	vst v63  }
0x2ec: {  	_ =	swait.ge [sflag:s3], $0x2800  }
0x2ed: {  	[sflag:s3] =	ssyncset.done $0x0  }
0x2ee: {  	[sflag:s3] =	ssyncadd.s32 $0xFFFFD800  }
0x2ef: {  	_ =	swait.ge [sflag:s20], $0x2800  }
0x2f0: {  	[sflag:s20] =	ssyncset.done $0x0  }
0x2f1: {  	[sflag:s20] =	ssyncadd.s32 $0xFFFFD800  }
0x2f2: {  	_ =	swait.ge [sflag:s30], $0x2800  }
0x2f3: {  	[sflag:s30] =	ssyncset.done $0x0  }
0x2f4: {  	[sflag:s30] =	ssyncadd.s32 $0xFFFFD800  }
0x2f5: {  	_ =	swait.ge [sflag:s25], $0x50  }
0x2f6: {  	[sflag:s25] =	ssyncset.done $0x0  }
0x2f7: {  	[sflag:s25] =	ssyncadd.s32 $0xFFFFFFB0  }
0x2f8: {  	_ =	swait.ge [sflag:s26], $0x50  }
0x2f9: {  	s22 =	sshll.u32 s12, $0x4;
	[sflag:s26] =	ssyncset.done $0x0  }
0x2fa: {  	s28 =	simm.s32 $0x18B80;
	s0 =	sadd.s32 s5, s22;
	[sflag:s26] =	ssyncadd.s32 $0xFFFFFFB0  }
0x2fb: {  	[tilespmem:s28], [sflag:$0x3] =	stream.linear.gather [hbm4b:s0+s21], $0x2800, $0x38;
	[tilespmem:$0x1DB80] =	vst v63  }
0x2fc: {  	s12 =	simm.s32 $0x0;
	s31 =	simm.s32 $0x13880  }
0x2fd: {  	[tilespmem:s19], [sflag:$0x1] =	stream.indirect.gather [hbm4b:s1+s29], $0x80, s31, s29, $0xb8;
	[tilespmem:$0x1DB80] =	vst v63  }
0x2fe: {  	v5 =	vld [tilespmem:s12+$0x1B380]  }
0x2ff: {  	v3 =	vld [tilespmem:s12+$0x1B390]  }
0x300: {  	v2 =	vld [tilespmem:s12+$0x1B3A0]  }
0x301: {  	v1 =	vld [tilespmem:s12+$0x1B3B0]  }
0x302: {  	v9 =	vld [tilespmem:s12+$0x16380]  }
0x303: {  	v8 =	vld [tilespmem:s12+$0x163C0]  }
0x304: {  	v7 =	vld [tilespmem:s12+$0x16390]  }
0x305: {  	v6 =	vld [tilespmem:s12+$0x163D0]  }
0x306: {  	v4 =	vld [tilespmem:s12+$0x163A0];
	v11 =	vshll.u32 v5, $0x10  }
0x307: {  	s18 =	simm.s32 $0x200;
	v10 =	vand.u32 $0xFFFF0000, v5;
	v5 =	vld [tilespmem:s12+$0x163E0];
	v9 =	vmul.f32 v11, v9  }
.LBB2_27:
0x308: {  	p1 =	sne.s32 s18, $0x9E00;
	v8 =	vmul.f32 v10, v8;
	v10 =	vshll.u32 v3, $0x10;
	v11 =	vld [tilespmem:s12+$0x163B0]  }
0x309: {  	s0 =	sshra.s32 s18, $0x2;
	v3 =	vand.u32 $0xFFFF0000, v3;
	[tilespmem:s12+$0x16380] =	vst v9;
	v7 =	vmul.f32 v10, v7;
	v9 =	vld [tilespmem:s12+$0x163F0]  }
0x30a: {  	v10 =	vld [tilespmem:s0+$0x1B380];
	[tilespmem:s12+$0x163C0] =	vst v8;
	v6 =	vmul.f32 v3, v6;
	v8 =	vshll.u32 v2, $0x10  }
0x30b: {  	v3 =	vld [tilespmem:s0+$0x1B390];
	[tilespmem:s12+$0x16390] =	vst v7;
	v7 =	vand.u32 $0xFFFF0000, v2;
	v4 =	vmul.f32 v8, v4  }
0x30c: {  	v2 =	vld [tilespmem:s0+$0x1B3A0];
	[tilespmem:s12+$0x163D0] =	vst v6;
	v5 =	vmul.f32 v7, v5;
	v6 =	vshll.u32 v1, $0x10  }
0x30d: {  	[tilespmem:s12+$0x163A0] =	vst v4;
	v4 =	vand.u32 $0xFFFF0000, v1;
	v1 =	vld [tilespmem:s0+$0x1B3B0];
	v6 =	vmul.f32 v6, v11  }
0x30e: {  	v11 =	vld [tilespmem:s0+$0x16380];
	[tilespmem:s12+$0x163E0] =	vst v5;
	v4 =	vmul.f32 v4, v9  }
.Ltmp12:
0x30f: {  	v8 =	vld [tilespmem:s0+$0x163C0];
	[tilespmem:s12+$0x163B0] =	vst v6;
	(pc) =	sbr.rel @p1 .LBB2_27-.Ltmp12, $4  }
0x310: {  	v7 =	vld [tilespmem:s0+$0x16390];
	[tilespmem:s12+$0x163F0] =	vst v4;
	s12 =	smov.u32 s0  }
0x311: {  	v6 =	vld [tilespmem:s12+$0x163D0]  }
0x312: {  	v5 =	vshll.u32 v10, $0x10;
	v4 =	vld [tilespmem:s12+$0x163A0]  }
0x313: {  	s18 =	sadd.s32 $0x200, s18;
	v10 =	vand.u32 $0xFFFF0000, v10;
	v9 =	vmul.f32 v5, v11;
	v5 =	vld [tilespmem:s12+$0x163E0]  }
0x314: {  	v11 =	vld [tilespmem:s12+$0x163B0];
	v8 =	vmul.f32 v10, v8;
	v61 =	vshll.u32 v3, $0x10  }
0x315: {  	v3 =	vand.u32 $0xFFFF0000, v3;
	v62 =	vld [tilespmem:s12+$0x163F0];
	[tilespmem:s12+$0x16380] =	vst v9;
	v7 =	vmul.f32 v61, v7  }
0x316: {  	v63 =	vshll.u32 v2, $0x10;
	[tilespmem:s12+$0x163C0] =	vst v8;
	v3 =	vmul.f32 v3, v6  }
0x317: {  	v2 =	vand.u32 $0xFFFF0000, v2;
	s17 =	sadd.s32 $0x1, s17;
	[tilespmem:s12+$0x16390] =	vst v7;
	v4 =	vmul.f32 v63, v4  }
0x318: {  	p1 =	sne.s32 s17, $0x13;
	[tilespmem:s12+$0x163D0] =	vst v3;
	v2 =	vmul.f32 v2, v5;
	v3 =	vshll.u32 v1, $0x10  }
.Ltmp13:
0x319: {  	v1 =	vand.u32 $0xFFFF0000, v1;
	[tilespmem:s12+$0x163A0] =	vst v4;
	v3 =	vmul.f32 v3, v11;
	(pc) =	sbr.rel @p1 .LBB2_16-.Ltmp13, $4  }
0x31a: {  	v1 =	vmul.f32 v1, v62;
	[tilespmem:s12+$0x163E0] =	vst v2  }
0x31b: {  	[tilespmem:s12+$0x163B0] =	vst v3  }
0x31c: {  	s21 =	simm.s32 $0x13B00;
	[tilespmem:s12+$0x163F0] =	vst v1  }
0x31d: {  	[spmem:s2] =	stream.indirect.scatter.add.f32 [tilespmem:s8], [sflag:$0xC], $0x80, s21, s29, $0xb8;
	[tilespmem:$0x1DB80] =	vst v63  }
0x31e: {  	s12 =	rddreg [dreg:$0x1f]  }
0x31f: {  	s0 =	simm.s32 $0x0;
	s16 =	simm.s32 $0x13980;
	s18 =	sld [smem:$0x7E5]  }
0x320: {  	[tilespmem:s16], [sflag:$0x7] =	stream.linear.gather [hbm4b:s12+s0], $0x50, $0x38;
	[tilespmem:$0x1DB80] =	vst v63  }
0x321: {  	_ = 	snop  }
0x322: {  	[tilespmem:s21], [sflag:$0xA] =	stream.linear.gather [hbm4b:s18+s0], $0x50, $0x38;
	[tilespmem:$0x1DB80] =	vst v63  }
0x323: {  	_ =	swait.ge [sflag:s4], $0x2800  }
0x324: {  	[sflag:s4] =	ssyncset.done $0x0  }
0x325: {  	[sflag:s4] =	ssyncadd.s32 $0xFFFFD800  }
0x326: {  	_ =	swait.ge [sflag:s9], $0x2800  }
0x327: {  	[sflag:s9] =	ssyncset.done $0x0  }
0x328: {  	[sflag:s9] =	ssyncadd.s32 $0xFFFFD800  }
0x329: {  	_ =	swait.ge [sflag:s15], $0x2800  }
0x32a: {  	[sflag:s15] =	ssyncset.done $0x0  }
0x32b: {  	[sflag:s15] =	ssyncadd.s32 $0xFFFFD800  }
0x32c: {  	_ =	swait.ge [sflag:s10], $0x50  }
0x32d: {  	[sflag:s10] =	ssyncset.done $0x0  }
0x32e: {  	[sflag:s10] =	ssyncadd.s32 $0xFFFFFFB0  }
0x32f: {  	_ =	swait.ge [sflag:s11], $0x50  }
0x330: {  	s22 =	sld [smem:$0x7E6]  }
0x331: {  	[sflag:s11] =	ssyncset.done $0x0  }
0x332: {  	s28 =	simm.s32 $0x1B380;
	[sflag:s11] =	ssyncadd.s32 $0xFFFFFFB0  }
0x333: {  	[tilespmem:s28], [sflag:$0x4] =	stream.linear.gather [hbm4b:s22+s0], $0x2800, $0x38;
	[tilespmem:$0x1DB80] =	vst v63  }
0x334: {  	s12 =	simm.s32 $0x0  }
0x335: {  	[tilespmem:s8], [sflag:$0x2] =	stream.indirect.gather [hbm4b:s1+s29], $0x80, s23, s29, $0xb8;
	[tilespmem:$0x1DB80] =	vst v63  }
0x336: {  	v5 =	vld [tilespmem:s12+$0x18B80]  }
0x337: {  	v3 =	vld [tilespmem:s12+$0x18B90]  }
0x338: {  	v2 =	vld [tilespmem:s12+$0x18BA0]  }
0x339: {  	v1 =	vld [tilespmem:s12+$0x18BB0]  }
0x33a: {  	v9 =	vld [tilespmem:s12+$0x13B80]  }
0x33b: {  	v8 =	vld [tilespmem:s12+$0x13BC0]  }
0x33c: {  	v7 =	vld [tilespmem:s12+$0x13B90]  }
0x33d: {  	v6 =	vld [tilespmem:s12+$0x13BD0]  }
0x33e: {  	v4 =	vld [tilespmem:s12+$0x13BA0];
	v11 =	vshll.u32 v5, $0x10  }
0x33f: {  	s31 =	simm.s32 $0x13B00;
	s16 =	simm.s32 $0x200;
	v10 =	vand.u32 $0xFFFF0000, v5;
	v5 =	vld [tilespmem:s12+$0x13BE0];
	v9 =	vmul.f32 v11, v9  }
.LBB2_30:
0x340: {  	p1 =	sne.s32 s16, $0x9E00;
	v8 =	vmul.f32 v10, v8;
	v10 =	vshll.u32 v3, $0x10;
	v11 =	vld [tilespmem:s12+$0x13BB0]  }
0x341: {  	s0 =	sshra.s32 s16, $0x2;
	v3 =	vand.u32 $0xFFFF0000, v3;
	[tilespmem:s12+$0x13B80] =	vst v9;
	v7 =	vmul.f32 v10, v7;
	v9 =	vld [tilespmem:s12+$0x13BF0]  }
0x342: {  	v10 =	vld [tilespmem:s0+$0x18B80];
	[tilespmem:s12+$0x13BC0] =	vst v8;
	v6 =	vmul.f32 v3, v6;
	v8 =	vshll.u32 v2, $0x10  }
0x343: {  	v3 =	vld [tilespmem:s0+$0x18B90];
	[tilespmem:s12+$0x13B90] =	vst v7;
	v7 =	vand.u32 $0xFFFF0000, v2;
	v4 =	vmul.f32 v8, v4  }
0x344: {  	v2 =	vld [tilespmem:s0+$0x18BA0];
	[tilespmem:s12+$0x13BD0] =	vst v6;
	v5 =	vmul.f32 v7, v5;
	v6 =	vshll.u32 v1, $0x10  }
0x345: {  	[tilespmem:s12+$0x13BA0] =	vst v4;
	v4 =	vand.u32 $0xFFFF0000, v1;
	v1 =	vld [tilespmem:s0+$0x18BB0];
	v6 =	vmul.f32 v6, v11  }
0x346: {  	v11 =	vld [tilespmem:s0+$0x13B80];
	[tilespmem:s12+$0x13BE0] =	vst v5;
	v4 =	vmul.f32 v4, v9  }
.Ltmp14:
0x347: {  	v8 =	vld [tilespmem:s0+$0x13BC0];
	[tilespmem:s12+$0x13BB0] =	vst v6;
	(pc) =	sbr.rel @p1 .LBB2_30-.Ltmp14, $4  }
0x348: {  	v7 =	vld [tilespmem:s0+$0x13B90];
	[tilespmem:s12+$0x13BF0] =	vst v4;
	s12 =	smov.u32 s0  }
0x349: {  	v6 =	vld [tilespmem:s12+$0x13BD0]  }
0x34a: {  	v5 =	vshll.u32 v10, $0x10;
	v4 =	vld [tilespmem:s12+$0x13BA0]  }
0x34b: {  	s16 =	sadd.s32 $0x200, s16;
	v10 =	vand.u32 $0xFFFF0000, v10;
	v9 =	vmul.f32 v5, v11;
	v5 =	vld [tilespmem:s12+$0x13BE0]  }
0x34c: {  	v11 =	vld [tilespmem:s12+$0x13BB0];
	v8 =	vmul.f32 v10, v8;
	v10 =	vshll.u32 v3, $0x10  }
0x34d: {  	v3 =	vand.u32 $0xFFFF0000, v3;
	[tilespmem:s12+$0x13B80] =	vst v9;
	v7 =	vmul.f32 v10, v7;
	v9 =	vld [tilespmem:s12+$0x13BF0]  }
0x34e: {  	[tilespmem:s12+$0x13BC0] =	vst v8;
	v3 =	vmul.f32 v3, v6;
	v6 =	vshll.u32 v2, $0x10  }
0x34f: {  	v2 =	vand.u32 $0xFFFF0000, v2;
	[tilespmem:s12+$0x13B90] =	vst v7;
	v4 =	vmul.f32 v6, v4  }
0x350: {  	[tilespmem:s12+$0x13BD0] =	vst v3;
	v2 =	vmul.f32 v2, v5;
	v3 =	vshll.u32 v1, $0x10  }
0x351: {  	v1 =	vand.u32 $0xFFFF0000, v1;
	[tilespmem:s12+$0x13BA0] =	vst v4;
	v3 =	vmul.f32 v3, v11  }
0x352: {  	[tilespmem:s12+$0x13BE0] =	vst v2;
	v1 =	vmul.f32 v1, v9  }
0x353: {  	[tilespmem:s12+$0x13BB0] =	vst v3  }
0x354: {  	s16 =	simm.s32 $0x13A00;
	s22 =	sld [smem:$0x7ED];
	[tilespmem:s12+$0x13BF0] =	vst v1  }
0x355: {  	[spmem:s2] =	stream.indirect.scatter.add.f32 [tilespmem:s19], [sflag:$0xB], $0x80, s16, s29, $0xb8;
	[tilespmem:$0x1DB80] =	vst v63  }
0x356: {  	s0 =	simm.s32 $0x0;
	s17 =	simm.s32 $0x13880  }
0x357: {  	[tilespmem:s17], [sflag:$0x5] =	stream.linear.gather [hbm4b:s22+s0], $0x50, $0x38;
	[tilespmem:$0x1DB80] =	vst v63  }
0x358: {  	s17 =	sld [smem:$0x7EE];
	_ =	sdelay $0x2  }
0x359: {  	[tilespmem:s16], [sflag:$0x8] =	stream.linear.gather [hbm4b:s17+s0], $0x50, $0x38;
	[tilespmem:$0x1DB80] =	vst v63  }
0x35a: {  	_ =	swait.ge [sflag:s3], $0x2800  }
0x35b: {  	[sflag:s3] =	ssyncset.done $0x0  }
0x35c: {  	[sflag:s3] =	ssyncadd.s32 $0xFFFFD800  }
0x35d: {  	_ =	swait.ge [sflag:s20], $0x2800  }
0x35e: {  	[sflag:s20] =	ssyncset.done $0x0  }
0x35f: {  	[sflag:s20] =	ssyncadd.s32 $0xFFFFD800  }
0x360: {  	_ =	swait.ge [sflag:s30], $0x2800  }
0x361: {  	[sflag:s30] =	ssyncset.done $0x0  }
0x362: {  	[sflag:s30] =	ssyncadd.s32 $0xFFFFD800  }
0x363: {  	_ =	swait.ge [sflag:s13], $0x50  }
0x364: {  	[sflag:s13] =	ssyncset.done $0x0  }
0x365: {  	[sflag:s13] =	ssyncadd.s32 $0xFFFFFFB0  }
0x366: {  	_ =	swait.ge [sflag:s14], $0x50  }
0x367: {  	s18 =	sld [smem:$0x7EF]  }
0x368: {  	[sflag:s14] =	ssyncset.done $0x0  }
0x369: {  	s21 =	simm.s32 $0x18B80;
	[sflag:s14] =	ssyncadd.s32 $0xFFFFFFB0  }
0x36a: {  	[tilespmem:s21], [sflag:$0x3] =	stream.linear.gather [hbm4b:s18+s0], $0x2800, $0x38;
	[tilespmem:$0x1DB80] =	vst v63  }
0x36b: {  	s12 =	simm.s32 $0x0;
	s22 =	simm.s32 $0x13980  }
0x36c: {  	[tilespmem:s19], [sflag:$0x1] =	stream.indirect.gather [hbm4b:s1+s29], $0x80, s22, s29, $0xb8;
	[tilespmem:$0x1DB80] =	vst v63  }
0x36d: {  	v5 =	vld [tilespmem:s12+$0x1B380]  }
0x36e: {  	v3 =	vld [tilespmem:s12+$0x1B390]  }
0x36f: {  	v2 =	vld [tilespmem:s12+$0x1B3A0]  }
0x370: {  	v1 =	vld [tilespmem:s12+$0x1B3B0]  }
0x371: {  	v9 =	vld [tilespmem:s12+$0x16380]  }
0x372: {  	v8 =	vld [tilespmem:s12+$0x163C0]  }
0x373: {  	v7 =	vld [tilespmem:s12+$0x16390]  }
0x374: {  	v6 =	vld [tilespmem:s12+$0x163D0]  }
0x375: {  	s28 =	simm.s32 $0x13A00;
	s17 =	rddreg [dreg:$0x5];
	v4 =	vld [tilespmem:s12+$0x163A0];
	v11 =	vshll.u32 v5, $0x10  }
0x376: {  	s16 =	simm.s32 $0x200;
	s18 =	sld [smem:$0x7FD];
	s21 =	simm.s32 $0xD;
	v10 =	vand.u32 $0xFFFF0000, v5;
	v5 =	vld [tilespmem:s12+$0x163E0];
	v9 =	vmul.f32 v11, v9  }
.LBB2_32:
0x377: {  	p1 =	sne.s32 s16, $0x9E00;
	v8 =	vmul.f32 v10, v8;
	v10 =	vshll.u32 v3, $0x10;
	v11 =	vld [tilespmem:s12+$0x163B0]  }
0x378: {  	s0 =	sshra.s32 s16, $0x2;
	v3 =	vand.u32 $0xFFFF0000, v3;
	[tilespmem:s12+$0x16380] =	vst v9;
	v7 =	vmul.f32 v10, v7;
	v9 =	vld [tilespmem:s12+$0x163F0]  }
0x379: {  	v10 =	vld [tilespmem:s0+$0x1B380];
	[tilespmem:s12+$0x163C0] =	vst v8;
	v6 =	vmul.f32 v3, v6;
	v8 =	vshll.u32 v2, $0x10  }
0x37a: {  	v3 =	vld [tilespmem:s0+$0x1B390];
	[tilespmem:s12+$0x16390] =	vst v7;
	v7 =	vand.u32 $0xFFFF0000, v2;
	v4 =	vmul.f32 v8, v4  }
0x37b: {  	v2 =	vld [tilespmem:s0+$0x1B3A0];
	[tilespmem:s12+$0x163D0] =	vst v6;
	v5 =	vmul.f32 v7, v5;
	v6 =	vshll.u32 v1, $0x10  }
0x37c: {  	[tilespmem:s12+$0x163A0] =	vst v4;
	v4 =	vand.u32 $0xFFFF0000, v1;
	v1 =	vld [tilespmem:s0+$0x1B3B0];
	v6 =	vmul.f32 v6, v11  }
0x37d: {  	v11 =	vld [tilespmem:s0+$0x16380];
	[tilespmem:s12+$0x163E0] =	vst v5;
	v4 =	vmul.f32 v4, v9  }
.Ltmp15:
0x37e: {  	v8 =	vld [tilespmem:s0+$0x163C0];
	[tilespmem:s12+$0x163B0] =	vst v6;
	(pc) =	sbr.rel @p1 .LBB2_32-.Ltmp15, $4  }
0x37f: {  	v7 =	vld [tilespmem:s0+$0x16390];
	[tilespmem:s12+$0x163F0] =	vst v4;
	s12 =	smov.u32 s0  }
0x380: {  	v6 =	vld [tilespmem:s12+$0x163D0]  }
0x381: {  	v5 =	vshll.u32 v10, $0x10;
	v4 =	vld [tilespmem:s12+$0x163A0]  }
0x382: {  	s16 =	sadd.s32 $0x200, s16;
	v10 =	vand.u32 $0xFFFF0000, v10;
	v9 =	vmul.f32 v5, v11;
	v5 =	vld [tilespmem:s12+$0x163E0]  }
0x383: {  	v11 =	vld [tilespmem:s12+$0x163B0];
	v8 =	vmul.f32 v10, v8;
	v10 =	vshll.u32 v3, $0x10  }
0x384: {  	v3 =	vand.u32 $0xFFFF0000, v3;
	[tilespmem:s12+$0x16380] =	vst v9;
	v7 =	vmul.f32 v10, v7;
	v9 =	vld [tilespmem:s12+$0x163F0]  }
0x385: {  	[tilespmem:s12+$0x163C0] =	vst v8;
	v3 =	vmul.f32 v3, v6;
	v6 =	vshll.u32 v2, $0x10  }
0x386: {  	v2 =	vand.u32 $0xFFFF0000, v2;
	[tilespmem:s12+$0x16390] =	vst v7;
	v4 =	vmul.f32 v6, v4  }
0x387: {  	[tilespmem:s12+$0x163D0] =	vst v3;
	v2 =	vmul.f32 v2, v5;
	v3 =	vshll.u32 v1, $0x10  }
0x388: {  	v1 =	vand.u32 $0xFFFF0000, v1;
	[tilespmem:s12+$0x163A0] =	vst v4;
	v3 =	vmul.f32 v3, v11  }
0x389: {  	[tilespmem:s12+$0x163E0] =	vst v2;
	v1 =	vmul.f32 v1, v9  }
0x38a: {  	[tilespmem:s12+$0x163B0] =	vst v3  }
0x38b: {  	s22 =	sld [smem:$0x7F0];
	[tilespmem:s12+$0x163F0] =	vst v1  }
0x38c: {  	[spmem:s2] =	stream.indirect.scatter.add.f32 [tilespmem:s8], [sflag:$0xC], $0x80, s24, s29, $0xb8;
	[tilespmem:$0x1DB80] =	vst v63  }
0x38d: {  	s0 =	simm.s32 $0x0;
	s16 =	sld [smem:$0x7F1]  }
0x38e: {  	[tilespmem:s23], [sflag:$0x6] =	stream.linear.gather [hbm4b:s22+s0], $0x50, $0x38;
	[tilespmem:$0x1DB80] =	vst v63  }
0x38f: {  	_ = 	snop  }
0x390: {  	[tilespmem:s24], [sflag:$0x9] =	stream.linear.gather [hbm4b:s16+s0], $0x50, $0x38;
	[tilespmem:$0x1DB80] =	vst v63  }
0x391: {  	_ =	swait.ge [sflag:s4], $0x2800  }
0x392: {  	[sflag:s4] =	ssyncset.done $0x0  }
0x393: {  	[sflag:s4] =	ssyncadd.s32 $0xFFFFD800  }
0x394: {  	_ =	swait.ge [sflag:s9], $0x2800  }
0x395: {  	[sflag:s9] =	ssyncset.done $0x0  }
0x396: {  	[sflag:s9] =	ssyncadd.s32 $0xFFFFD800  }
0x397: {  	_ =	swait.ge [sflag:s15], $0x2800  }
0x398: {  	[sflag:s15] =	ssyncset.done $0x0  }
0x399: {  	[sflag:s15] =	ssyncadd.s32 $0xFFFFD800  }
0x39a: {  	_ =	swait.ge [sflag:s25], $0x50  }
0x39b: {  	[sflag:s25] =	ssyncset.done $0x0  }
0x39c: {  	[sflag:s25] =	ssyncadd.s32 $0xFFFFFFB0  }
0x39d: {  	_ =	swait.ge [sflag:s26], $0x50  }
0x39e: {  	s22 =	sld [smem:$0x7F2]  }
0x39f: {  	[sflag:s26] =	ssyncset.done $0x0  }
0x3a0: {  	s16 =	simm.s32 $0x1B380;
	[sflag:s26] =	ssyncadd.s32 $0xFFFFFFB0  }
0x3a1: {  	[tilespmem:s16], [sflag:$0x4] =	stream.linear.gather [hbm4b:s22+s0], $0x2800, $0x38;
	[tilespmem:$0x1DB80] =	vst v63  }
0x3a2: {  	s12 =	simm.s32 $0x0;
	s22 =	simm.s32 $0x13880  }
0x3a3: {  	[tilespmem:s8], [sflag:$0x2] =	stream.indirect.gather [hbm4b:s1+s29], $0x80, s22, s29, $0xb8;
	[tilespmem:$0x1DB80] =	vst v63  }
0x3a4: {  	v5 =	vld [tilespmem:s12+$0x18B80]  }
0x3a5: {  	v3 =	vld [tilespmem:s12+$0x18B90]  }
0x3a6: {  	v2 =	vld [tilespmem:s12+$0x18BA0]  }
0x3a7: {  	v1 =	vld [tilespmem:s12+$0x18BB0]  }
0x3a8: {  	v9 =	vld [tilespmem:s12+$0x13B80]  }
0x3a9: {  	v8 =	vld [tilespmem:s12+$0x13BC0]  }
0x3aa: {  	v7 =	vld [tilespmem:s12+$0x13B90]  }
0x3ab: {  	v6 =	vld [tilespmem:s12+$0x13BD0]  }
0x3ac: {  	v4 =	vld [tilespmem:s12+$0x13BA0];
	v11 =	vshll.u32 v5, $0x10  }
0x3ad: {  	s16 =	simm.s32 $0x200;
	v10 =	vand.u32 $0xFFFF0000, v5;
	v5 =	vld [tilespmem:s12+$0x13BE0];
	v9 =	vmul.f32 v11, v9  }
.LBB2_34:
0x3ae: {  	p1 =	sne.s32 s16, $0x9E00;
	v8 =	vmul.f32 v10, v8;
	v10 =	vshll.u32 v3, $0x10;
	v11 =	vld [tilespmem:s12+$0x13BB0]  }
0x3af: {  	s0 =	sshra.s32 s16, $0x2;
	v3 =	vand.u32 $0xFFFF0000, v3;
	[tilespmem:s12+$0x13B80] =	vst v9;
	v7 =	vmul.f32 v10, v7;
	v9 =	vld [tilespmem:s12+$0x13BF0]  }
0x3b0: {  	v10 =	vld [tilespmem:s0+$0x18B80];
	[tilespmem:s12+$0x13BC0] =	vst v8;
	v6 =	vmul.f32 v3, v6;
	v8 =	vshll.u32 v2, $0x10  }
0x3b1: {  	v3 =	vld [tilespmem:s0+$0x18B90];
	[tilespmem:s12+$0x13B90] =	vst v7;
	v7 =	vand.u32 $0xFFFF0000, v2;
	v4 =	vmul.f32 v8, v4  }
0x3b2: {  	v2 =	vld [tilespmem:s0+$0x18BA0];
	[tilespmem:s12+$0x13BD0] =	vst v6;
	v5 =	vmul.f32 v7, v5;
	v6 =	vshll.u32 v1, $0x10  }
0x3b3: {  	[tilespmem:s12+$0x13BA0] =	vst v4;
	v4 =	vand.u32 $0xFFFF0000, v1;
	v1 =	vld [tilespmem:s0+$0x18BB0];
	v6 =	vmul.f32 v6, v11  }
0x3b4: {  	v11 =	vld [tilespmem:s0+$0x13B80];
	[tilespmem:s12+$0x13BE0] =	vst v5;
	v4 =	vmul.f32 v4, v9  }
.Ltmp16:
0x3b5: {  	v8 =	vld [tilespmem:s0+$0x13BC0];
	[tilespmem:s12+$0x13BB0] =	vst v6;
	(pc) =	sbr.rel @p1 .LBB2_34-.Ltmp16, $4  }
0x3b6: {  	v7 =	vld [tilespmem:s0+$0x13B90];
	[tilespmem:s12+$0x13BF0] =	vst v4;
	s12 =	smov.u32 s0  }
0x3b7: {  	v6 =	vld [tilespmem:s12+$0x13BD0]  }
0x3b8: {  	v5 =	vshll.u32 v10, $0x10;
	v4 =	vld [tilespmem:s12+$0x13BA0]  }
0x3b9: {  	s16 =	sadd.s32 $0x200, s16;
	v10 =	vand.u32 $0xFFFF0000, v10;
	v9 =	vmul.f32 v5, v11;
	v5 =	vld [tilespmem:s12+$0x13BE0]  }
0x3ba: {  	v11 =	vld [tilespmem:s12+$0x13BB0];
	v8 =	vmul.f32 v10, v8;
	v10 =	vshll.u32 v3, $0x10  }
0x3bb: {  	v3 =	vand.u32 $0xFFFF0000, v3;
	[tilespmem:s12+$0x13B80] =	vst v9;
	v7 =	vmul.f32 v10, v7;
	v9 =	vld [tilespmem:s12+$0x13BF0]  }
0x3bc: {  	[tilespmem:s12+$0x13BC0] =	vst v8;
	v3 =	vmul.f32 v3, v6;
	v6 =	vshll.u32 v2, $0x10  }
0x3bd: {  	v2 =	vand.u32 $0xFFFF0000, v2;
	[tilespmem:s12+$0x13B90] =	vst v7;
	v4 =	vmul.f32 v6, v4  }
0x3be: {  	[tilespmem:s12+$0x13BD0] =	vst v3;
	v2 =	vmul.f32 v2, v5;
	v3 =	vshll.u32 v1, $0x10  }
0x3bf: {  	v1 =	vand.u32 $0xFFFF0000, v1;
	[tilespmem:s12+$0x13BA0] =	vst v4;
	v3 =	vmul.f32 v3, v11  }
0x3c0: {  	[tilespmem:s12+$0x13BE0] =	vst v2;
	v1 =	vmul.f32 v1, v9  }
0x3c1: {  	[tilespmem:s12+$0x13BB0] =	vst v3  }
0x3c2: {  	[tilespmem:s12+$0x13BF0] =	vst v1  }
0x3c3: {  	[spmem:s2] =	stream.indirect.scatter.add.f32 [tilespmem:s19], [sflag:$0xB], $0x80, s31, s29, $0xb8;
	[tilespmem:$0x1DB80] =	vst v63  }
0x3c4: {  	_ =	swait.ge [sflag:s3], $0x2800  }
0x3c5: {  	[sflag:s3] =	ssyncset.done $0x0  }
0x3c6: {  	[sflag:s3] =	ssyncadd.s32 $0xFFFFD800  }
0x3c7: {  	_ =	swait.ge [sflag:s20], $0x2800  }
0x3c8: {  	[sflag:s20] =	ssyncset.done $0x0  }
0x3c9: {  	[sflag:s20] =	ssyncadd.s32 $0xFFFFD800  }
0x3ca: {  	_ =	swait.ge [sflag:s30], $0x2800  }
0x3cb: {  	[sflag:s30] =	ssyncset.done $0x0  }
0x3cc: {  	[sflag:s30] =	ssyncadd.s32 $0xFFFFD800  }
0x3cd: {  	_ =	swait.ge [sflag:s10], $0x50  }
0x3ce: {  	[sflag:s10] =	ssyncset.done $0x0  }
0x3cf: {  	[sflag:s10] =	ssyncadd.s32 $0xFFFFFFB0  }
0x3d0: {  	_ =	swait.ge [sflag:s11], $0x50  }
0x3d1: {  	s31 =	sld [smem:$0x7F3]  }
0x3d2: {  	[sflag:s11] =	ssyncset.done $0x0  }
0x3d3: {  	s0 =	simm.s32 $0x0;
	s16 =	simm.s32 $0x18B80;
	[sflag:s11] =	ssyncadd.s32 $0xFFFFFFB0  }
0x3d4: {  	[tilespmem:s16], [sflag:$0x3] =	stream.linear.gather [hbm4b:s31+s0], $0x2800, $0x38;
	[tilespmem:$0x1DB80] =	vst v63  }
0x3d5: {  	s12 =	simm.s32 $0x0  }
0x3d6: {  	[tilespmem:s19], [sflag:$0x1] =	stream.indirect.gather [hbm4b:s1+s29], $0x80, s23, s29, $0xb8;
	[tilespmem:$0x1DB80] =	vst v63  }
0x3d7: {  	v5 =	vld [tilespmem:s12+$0x1B380]  }
0x3d8: {  	v3 =	vld [tilespmem:s12+$0x1B390]  }
0x3d9: {  	v2 =	vld [tilespmem:s12+$0x1B3A0]  }
0x3da: {  	v1 =	vld [tilespmem:s12+$0x1B3B0]  }
0x3db: {  	v9 =	vld [tilespmem:s12+$0x16380]  }
0x3dc: {  	v8 =	vld [tilespmem:s12+$0x163C0]  }
0x3dd: {  	v7 =	vld [tilespmem:s12+$0x16390]  }
0x3de: {  	v6 =	vld [tilespmem:s12+$0x163D0]  }
0x3df: {  	v4 =	vld [tilespmem:s12+$0x163A0];
	v11 =	vshll.u32 v5, $0x10  }
0x3e0: {  	s16 =	simm.s32 $0x200;
	v10 =	vand.u32 $0xFFFF0000, v5;
	v5 =	vld [tilespmem:s12+$0x163E0];
	v9 =	vmul.f32 v11, v9  }
.LBB2_36:
0x3e1: {  	p1 =	sne.s32 s16, $0x9E00;
	v8 =	vmul.f32 v10, v8;
	v10 =	vshll.u32 v3, $0x10;
	v11 =	vld [tilespmem:s12+$0x163B0]  }
0x3e2: {  	s0 =	sshra.s32 s16, $0x2;
	v3 =	vand.u32 $0xFFFF0000, v3;
	[tilespmem:s12+$0x16380] =	vst v9;
	v7 =	vmul.f32 v10, v7;
	v9 =	vld [tilespmem:s12+$0x163F0]  }
0x3e3: {  	v10 =	vld [tilespmem:s0+$0x1B380];
	[tilespmem:s12+$0x163C0] =	vst v8;
	v6 =	vmul.f32 v3, v6;
	v8 =	vshll.u32 v2, $0x10  }
0x3e4: {  	v3 =	vld [tilespmem:s0+$0x1B390];
	[tilespmem:s12+$0x16390] =	vst v7;
	v7 =	vand.u32 $0xFFFF0000, v2;
	v4 =	vmul.f32 v8, v4  }
0x3e5: {  	v2 =	vld [tilespmem:s0+$0x1B3A0];
	[tilespmem:s12+$0x163D0] =	vst v6;
	v5 =	vmul.f32 v7, v5;
	v6 =	vshll.u32 v1, $0x10  }
0x3e6: {  	[tilespmem:s12+$0x163A0] =	vst v4;
	v4 =	vand.u32 $0xFFFF0000, v1;
	v1 =	vld [tilespmem:s0+$0x1B3B0];
	v6 =	vmul.f32 v6, v11  }
0x3e7: {  	v11 =	vld [tilespmem:s0+$0x16380];
	[tilespmem:s12+$0x163E0] =	vst v5;
	v4 =	vmul.f32 v4, v9  }
.Ltmp17:
0x3e8: {  	v8 =	vld [tilespmem:s0+$0x163C0];
	[tilespmem:s12+$0x163B0] =	vst v6;
	(pc) =	sbr.rel @p1 .LBB2_36-.Ltmp17, $4  }
0x3e9: {  	v7 =	vld [tilespmem:s0+$0x16390];
	[tilespmem:s12+$0x163F0] =	vst v4;
	s12 =	smov.u32 s0  }
0x3ea: {  	v6 =	vld [tilespmem:s12+$0x163D0]  }
0x3eb: {  	v5 =	vshll.u32 v10, $0x10;
	v4 =	vld [tilespmem:s12+$0x163A0]  }
0x3ec: {  	s16 =	sadd.s32 $0x200, s16;
	v10 =	vand.u32 $0xFFFF0000, v10;
	v9 =	vmul.f32 v5, v11;
	v5 =	vld [tilespmem:s12+$0x163E0]  }
0x3ed: {  	v11 =	vld [tilespmem:s12+$0x163B0];
	v8 =	vmul.f32 v10, v8;
	v10 =	vshll.u32 v3, $0x10  }
0x3ee: {  	v3 =	vand.u32 $0xFFFF0000, v3;
	[tilespmem:s12+$0x16380] =	vst v9;
	v7 =	vmul.f32 v10, v7;
	v9 =	vld [tilespmem:s12+$0x163F0]  }
0x3ef: {  	[tilespmem:s12+$0x163C0] =	vst v8;
	v3 =	vmul.f32 v3, v6;
	v6 =	vshll.u32 v2, $0x10  }
0x3f0: {  	v2 =	vand.u32 $0xFFFF0000, v2;
	[tilespmem:s12+$0x16390] =	vst v7;
	v4 =	vmul.f32 v6, v4  }
0x3f1: {  	[tilespmem:s12+$0x163D0] =	vst v3;
	v2 =	vmul.f32 v2, v5;
	v3 =	vshll.u32 v1, $0x10  }
0x3f2: {  	v1 =	vand.u32 $0xFFFF0000, v1;
	[tilespmem:s12+$0x163A0] =	vst v4;
	v3 =	vmul.f32 v3, v11  }
0x3f3: {  	[tilespmem:s12+$0x163E0] =	vst v2;
	v1 =	vmul.f32 v1, v9  }
0x3f4: {  	[tilespmem:s12+$0x163B0] =	vst v3  }
0x3f5: {  	[tilespmem:s12+$0x163F0] =	vst v1  }
0x3f6: {  	[spmem:s2] =	stream.indirect.scatter.add.f32 [tilespmem:s8], [sflag:$0xC], $0x80, s28, s29, $0xb8;
	[tilespmem:$0x1DB80] =	vst v63  }
0x3f7: {  	_ =	swait.ge [sflag:s4], $0x2800  }
0x3f8: {  	[sflag:s4] =	ssyncset.done $0x0  }
0x3f9: {  	[sflag:s4] =	ssyncadd.s32 $0xFFFFD800  }
0x3fa: {  	_ =	swait.ge [sflag:s9], $0x2800  }
0x3fb: {  	[sflag:s9] =	ssyncset.done $0x0  }
0x3fc: {  	s12 =	simm.s32 $0x0;
	[sflag:s9] =	ssyncadd.s32 $0xFFFFD800  }
0x3fd: {  	v5 =	vld [tilespmem:s12+$0x18B80]  }
0x3fe: {  	v3 =	vld [tilespmem:s12+$0x18B90]  }
0x3ff: {  	v2 =	vld [tilespmem:s12+$0x18BA0]  }
0x400: {  	v1 =	vld [tilespmem:s12+$0x18BB0]  }
0x401: {  	v9 =	vld [tilespmem:s12+$0x13B80]  }
0x402: {  	v8 =	vld [tilespmem:s12+$0x13BC0]  }
0x403: {  	v7 =	vld [tilespmem:s12+$0x13B90]  }
0x404: {  	v6 =	vld [tilespmem:s12+$0x13BD0]  }
0x405: {  	v4 =	vld [tilespmem:s12+$0x13BA0];
	v11 =	vshll.u32 v5, $0x10  }
0x406: {  	s16 =	simm.s32 $0x200;
	v10 =	vand.u32 $0xFFFF0000, v5;
	v5 =	vld [tilespmem:s12+$0x13BE0];
	v9 =	vmul.f32 v11, v9  }
.LBB2_38:
0x407: {  	p1 =	sne.s32 s16, $0x9E00;
	v8 =	vmul.f32 v10, v8;
	v10 =	vshll.u32 v3, $0x10;
	v11 =	vld [tilespmem:s12+$0x13BB0]  }
0x408: {  	s0 =	sshra.s32 s16, $0x2;
	v3 =	vand.u32 $0xFFFF0000, v3;
	[tilespmem:s12+$0x13B80] =	vst v9;
	v7 =	vmul.f32 v10, v7;
	v9 =	vld [tilespmem:s12+$0x13BF0]  }
0x409: {  	v10 =	vld [tilespmem:s0+$0x18B80];
	[tilespmem:s12+$0x13BC0] =	vst v8;
	v6 =	vmul.f32 v3, v6;
	v8 =	vshll.u32 v2, $0x10  }
0x40a: {  	v3 =	vld [tilespmem:s0+$0x18B90];
	[tilespmem:s12+$0x13B90] =	vst v7;
	v7 =	vand.u32 $0xFFFF0000, v2;
	v4 =	vmul.f32 v8, v4  }
0x40b: {  	v2 =	vld [tilespmem:s0+$0x18BA0];
	[tilespmem:s12+$0x13BD0] =	vst v6;
	v5 =	vmul.f32 v7, v5;
	v6 =	vshll.u32 v1, $0x10  }
0x40c: {  	[tilespmem:s12+$0x13BA0] =	vst v4;
	v4 =	vand.u32 $0xFFFF0000, v1;
	v1 =	vld [tilespmem:s0+$0x18BB0];
	v6 =	vmul.f32 v6, v11  }
0x40d: {  	v11 =	vld [tilespmem:s0+$0x13B80];
	[tilespmem:s12+$0x13BE0] =	vst v5;
	v4 =	vmul.f32 v4, v9  }
.Ltmp18:
0x40e: {  	v8 =	vld [tilespmem:s0+$0x13BC0];
	[tilespmem:s12+$0x13BB0] =	vst v6;
	(pc) =	sbr.rel @p1 .LBB2_38-.Ltmp18, $4  }
0x40f: {  	v7 =	vld [tilespmem:s0+$0x13B90];
	[tilespmem:s12+$0x13BF0] =	vst v4;
	s12 =	smov.u32 s0  }
0x410: {  	v6 =	vld [tilespmem:s12+$0x13BD0]  }
0x411: {  	v5 =	vshll.u32 v10, $0x10;
	v4 =	vld [tilespmem:s12+$0x13BA0]  }
0x412: {  	s16 =	sadd.s32 $0x200, s16;
	v10 =	vand.u32 $0xFFFF0000, v10;
	v9 =	vmul.f32 v5, v11;
	v5 =	vld [tilespmem:s12+$0x13BE0]  }
0x413: {  	v11 =	vld [tilespmem:s12+$0x13BB0];
	v8 =	vmul.f32 v10, v8;
	v61 =	vshll.u32 v3, $0x10  }
0x414: {  	v3 =	vand.u32 $0xFFFF0000, v3;
	v62 =	vld [tilespmem:s12+$0x13BF0];
	[tilespmem:s12+$0x13B80] =	vst v9;
	v7 =	vmul.f32 v61, v7  }
0x415: {  	v63 =	vshll.u32 v2, $0x10;
	[tilespmem:s12+$0x13BC0] =	vst v8;
	v3 =	vmul.f32 v3, v6  }
0x416: {  	v2 =	vand.u32 $0xFFFF0000, v2;
	[tilespmem:s12+$0x13B90] =	vst v7;
	v4 =	vmul.f32 v63, v4  }
0x417: {  	[tilespmem:s12+$0x13BD0] =	vst v3;
	v2 =	vmul.f32 v2, v5;
	v3 =	vshll.u32 v1, $0x10  }
0x418: {  	v1 =	vand.u32 $0xFFFF0000, v1;
	[tilespmem:s12+$0x13BA0] =	vst v4;
	v3 =	vmul.f32 v3, v11  }
0x419: {  	v1 =	vmul.f32 v1, v62;
	[tilespmem:s12+$0x13BE0] =	vst v2  }
0x41a: {  	[tilespmem:s12+$0x13BB0] =	vst v3  }
0x41b: {  	[tilespmem:s12+$0x13BF0] =	vst v1  }
0x41c: {  	[spmem:s2] =	stream.indirect.scatter.add.f32 [tilespmem:s19], [sflag:$0xB], $0x80, s24, s29, $0xb8;
	[tilespmem:$0x1DB80] =	vst v63  }
0x41d: {  	_ =	swait.ge [sflag:s30], $0x2800  }
0x41e: {  	[sflag:s30] =	ssyncset.done $0x0  }
0x41f: {  	[sflag:s30] =	ssyncadd.s32 $0xFFFFD800  }
0x420: {  	_ =	swait.ge [sflag:s15], $0x2800  }
0x421: {  	[sflag:s15] =	ssyncset.done $0x0  }
0x422: {  	s0 =	stileid.u32;
	[sflag:s15] =	ssyncadd.s32 $0xFFFFD800  }
0x423: {  	s0 =	sshll.u32 s0, $0x6;
	[bflag:$0x0] =	sbarrier.arrive $0xFFFF  }
0x424: {  	s31 =	sshrl.u32 s17, $0x3;
	s0 =	sor.u32 $0x1C0D, s0;
	s16 =	rddreg [dreg:$0xe]  }
0x425: {  	[hbm:s16], [sflag:s0] =	dma.local [spmem:s31], $0x2700  }
0x426: {  	_ =	swait.ge [sflag:s21], $0x2700  }
0x427: {  	s16 =	sld [smem:$0x7F4]  }
0x428: {  	[sflag:s21] =	ssyncset.done $0x0  }
0x429: {  	s12 =	sshrl.u32 @!p0 s18, $0x3;
	[sflag:s21] =	ssyncadd.s32 $0xFFFFD900  }
0x42a: {  	[hbm:s16], [sflag:s0] =	dma.local @!p0 [spmem:s12], $0x100  }
0x42b: {  	s0 =	simm.s32 @!p0 $0xD  }
0x42c: {  	_ =	swait.ge @!p0 [sflag:s0], $0x100  }
0x42d: {  	s31 =	sld [smem:$0x7F5]  }
0x42e: {  	s22 =	rddreg [dreg:$0x4]  }
0x42f: {  	s16 =	sadd.s32 $0x1, s22  }
0x430: {  	p1 =	sne.s32 s16, s31  }
.Ltmp19:
0x431: {  	_ = 	snop;
	(pc) =	sbr.rel @p1 .LBB2_1-.Ltmp19, $3  }
0x432: {  	_ =	sdelay $0x1  }
0x433: {  	[sflag:s0] =	ssyncset.done @!p0 $0x0  }
0x434: {  	[sflag:s0] =	ssyncadd.s32 @!p0 $0xFFFFFF00  }
0x435: {  	_ =	sfence.sel $0x180000  }
0x436: {  	[bflag:$0x0] =	sbarrier.arrive $0xFFFF  }
0x437: {  	_ =	strace $0x90000047  }
0x438: {  	s0 =	stileid.u32;
	[bflag:$0x2] =	sbarrier.arrive $0xFFFF  }
0x439: {  	p0 =	sne.s32 s0, $0x0;
	s0 =	rddreg [dreg:$0x3]  }
0x43a: {  	s0 =	sadd.s32 @!p0 $0x100000, s0  }
0x43b: {  	[sflag:s0] =	ssyncadd.tile.s32 @!p0 $0x1;
	_ =	shalt  }
.Lfunc_end2:
_tile_overlayer_lowered:
.L_overlay_start_2:
0x43c: {  	(tag) =	ssettag $0x2  }
0x43d: {  	s0 =	rddreg [dreg:$0x0];
	s2 =	stileid.u32  }
0x43e: {  	s1 =	rddreg [dreg:$0x1];
	p0 =	sne.s32 s2, $0x0  }
0x43f: {  	s3 =	rddreg [dreg:$0x2];
	[bflag:$0x3] =	sbarrier.arrive $0xFFFF;
	s2 =	simm.s32 @!p0 $0x1C0D  }
0x440: {  	[timem:s3], [sflag:s2] =	dma.local @!p0 [hbm:s0], s1  }
0x441: {  	s0 =	simm.s32 @!p0 $0xD  }
0x442: {  	_ =	swait.ge @!p0 [sflag:s0], s1  }
0x443: {  	s1 =	ssub.s32 @!p0 $0x0, s1;
	[sflag:s0] =	ssyncset.done @!p0 $0x0  }
0x444: {  	[sflag:s0] =	ssyncadd.s32 @!p0 s1  }
0x445: {  	[bflag:$0x3] =	sbarrier.arrive $0xFFFF  }
0x446: {  	_ =	shalt  }

</sc_bundles>
